<compile_context>
chip_gen: v7x
topology: tpu7x:2x2x1
jax: 0.10.2.dev20260603
libtpu: 0.0.44.dev20260713+nightly
codegen_flags: <defaults>
</compile_context>

<pallas_src>
import functools

import jax
import jax.numpy as jnp
import numpy as np
from jax.experimental import pallas as pl
from jax.experimental.pallas import tpu as pltpu
from jax.experimental.pallas import tpu_sc as plsc

N_TREES = 800
DEPTH = 6
NODES = 127
H = 128
T = 80
NB = N_TREES // T
NCK = 2
BPC = NB // NCK
ROWS_REAL = T * NODES
ROWS_PB = 10240
RPC = BPC * ROWS_PB
LBASE = tuple(T * ((1 << l) - 1) for l in range(DEPTH + 1))
_EOFF = tuple(T * ((1 << d) - 2) for d in range(DEPTH + 1))
_GOFF = tuple(N_TREES * ((1 << d) - 2) for d in range(DEPTH + 1))

_bperm = np.zeros((ROWS_PB,), dtype=np.int64)
for _l in range(DEPTH + 1):
    _n = 1 << _l
    _t = np.arange(T, dtype=np.int64)
    _j = np.arange(_n, dtype=np.int64)
    _rows = LBASE[_l] + _t[:, None] * _n + _j[None, :]
    _bperm[_rows.reshape(-1)] = (_t[:, None] * NODES + (_n - 1)
                                 + _j[None, :]).reshape(-1)
_PERM = ((np.arange(NB, dtype=np.int64)[:, None] * (T * NODES)
          + _bperm[None, :]).reshape(-1)).astype(np.int32)


def _gather_sc(emb, idx):
    B = idx.shape[0]
    NW = 32
    bpw = B // NW
    CH = max(c for c in range(8, 321, 8) if bpw % c == 0)
    NCH = bpw // CH

    mesh = plsc.VectorSubcoreMesh(core_axis_name="c", subcore_axis_name="s")

    @functools.partial(
        pl.kernel, mesh=mesh,
        out_type=jax.ShapeDtypeStruct((B, H), jnp.float32),
        scratch_types=[
            pltpu.VMEM((bpw,), jnp.int32),
            pltpu.VMEM((CH, H), jnp.float32),
            pltpu.VMEM((CH, H), jnp.float32),
            pltpu.SemaphoreType.DMA,
            pltpu.SemaphoreType.DMA,
        ],
    )
    def gk(emb_hbm, idx_hbm, out_hbm, idx_v, buf0, buf1, gsem, osem):
        w = jax.lax.axis_index("s") * 2 + jax.lax.axis_index("c")
        base = w * bpw
        pltpu.sync_copy(idx_hbm.at[pl.ds(base, bpw)], idx_v)
        bufs = (buf0, buf1)
        cp = pltpu.async_copy(emb_hbm.at[idx_v.at[pl.ds(0, CH)]], bufs[0], gsem)
        ocp = None
        for i in range(NCH):
            cp.wait()
            if ocp is not None:
                ocp.wait()
            if i + 1 < NCH:
                cp = pltpu.async_copy(
                    emb_hbm.at[idx_v.at[pl.ds((i + 1) * CH, CH)]],
                    bufs[(i + 1) % 2], gsem)
            ocp = pltpu.async_copy(bufs[i % 2],
                                   out_hbm.at[pl.ds(base + i * CH, CH)], osem)
        ocp.wait()

    return gk(emb, idx)


def _sig(x):
    return 1.0 / (1.0 + jnp.exp(-x))


def _mm(a, w):
    return jax.lax.dot_general(a, w, (((1,), (1,)), ((), ())),
                               preferred_element_type=jnp.float32)


def _make_body(c, has_prev):
    def body(*refs):
        x_ref = refs[0]
        (wzx, wzs, wzb, whx, whr, whb, wr, ur, urb, wfx, wfa, wfb) = refs[1:13]
        mu_hbm, md_hbm, h_ref = refs[-6:-3]
        mu_s, md_s, sems = refs[-3:]
        i = pl.program_id(0)
        copies = []

        def _emit(scratch, hbm, m2d, d, sem_idx):
            n = T << d
            scratch[pl.ds(_EOFF[d], n), :] = m2d
            cp = pltpu.make_async_copy(
                scratch.at[pl.ds(_EOFF[d], n)],
                hbm.at[pl.ds(_GOFF[d] + (c * BPC) * n + i * n, n)],
                sems.at[sem_idx])
            cp.start()
            copies.append(cp)

        xs = []
        for l in range(DEPTH + 1):
            n = 1 << l
            xs.append(x_ref[0, LBASE[l]:LBASE[l] + T * n, :])
        WZX, WZS, WZB = wzx[...], wzs[...], wzb[...]
        WHX, WHR, WHB = whx[...], whr[...], whb[...]
        WR, UR, URB = wr[...], ur[...], urb[...]

        s = jnp.zeros((T << DEPTH, H), jnp.float32)
        rm = jnp.zeros((T << DEPTH, H), jnp.float32)
        for d in range(DEPTH, 0, -1):
            n = T << d
            half = T << (d - 1)
            xu = xs[d]
            z = _sig(_mm(xu, WZX) + _mm(s, WZS) + WZB)
            mt = jnp.tanh(_mm(xu, WHX) + _mm(rm, WHR) + WHB)
            m = (1.0 - z) * s + z * mt
            rv = _mm(xs[d - 1], WR)
            rvv = jnp.concatenate([rv, rv], axis=1).reshape(n, H)
            r = _sig(rvv + _mm(m, UR) + URB)
            _emit(mu_s, mu_hbm, m, d, d - 1)
            m3 = m.reshape(half, 2 * H)
            mr3 = (m * r).reshape(half, 2 * H)
            s = m3[:, :H] + m3[:, H:]
            rm = mr3[:, :H] + mr3[:, H:]
        root_accum = s

        s = jnp.zeros((T, H), jnp.float32)
        rm = jnp.zeros((T, H), jnp.float32)
        for d in range(1, DEPTH + 1):
            pn = T << (d - 1)
            n = T << d
            xu = xs[d - 1]
            z = _sig(_mm(xu, WZX) + _mm(s, WZS) + WZB)
            mt = jnp.tanh(_mm(xu, WHX) + _mm(rm, WHR) + WHB)
            m = (1.0 - z) * s + z * mt
            mur = _mm(m, UR)
            mrep = jnp.concatenate([m, m], axis=1).reshape(n, H)
            murr = jnp.concatenate([mur, mur], axis=1).reshape(n, H)
            r = _sig(_mm(xs[d], WR) + murr + URB)
            _emit(md_s, md_hbm, mrep, d, 6 + d - 1)
            s = mrep
            rm = mrep * r

        hh = jnp.maximum(_mm(xs[0], wfx[...]) + _mm(root_accum, wfa[...])
                         + wfb[...], 0.0)
        h_ref[...] = hh.reshape(1, T, H)
        for cp in copies:
            cp.wait()

    return body


def _tree_call(c, x3, mu_prev, md_prev, *weights):
    wspec = pl.BlockSpec((H, H), lambda i: (0, 0))
    bspec = pl.BlockSpec((1, H), lambda i: (0, 0))
    in_specs = [pl.BlockSpec((1, ROWS_PB, H), lambda i: (i, 0, 0)),
                wspec, wspec, bspec, wspec, wspec, bspec,
                wspec, wspec, bspec, wspec, wspec, bspec]
    E1 = N_TREES * (NODES - 1)
    out_specs = [pl.BlockSpec(memory_space=pl.ANY),
                 pl.BlockSpec(memory_space=pl.ANY),
                 pl.BlockSpec((1, T, H), lambda i: (i, 0, 0))]
    out_shape = [jax.ShapeDtypeStruct((E1, H), jnp.float32),
                 jax.ShapeDtypeStruct((E1, H), jnp.float32),
                 jax.ShapeDtypeStruct((BPC, T, H), jnp.float32)]
    args = [x3, *weights]
    has_prev = mu_prev is not None
    io_aliases = {}
    if has_prev:
        in_specs = in_specs + [pl.BlockSpec(memory_space=pl.ANY),
                               pl.BlockSpec(memory_space=pl.ANY)]
        args = args + [mu_prev, md_prev]
        io_aliases = {13: 0, 14: 1}
    return pl.pallas_call(
        _make_body(c, has_prev),
        grid=(BPC,),
        in_specs=in_specs,
        out_specs=out_specs,
        out_shape=out_shape,
        input_output_aliases=io_aliases,
        scratch_shapes=[pltpu.VMEM((T * (NODES - 1), H), jnp.float32),
                        pltpu.VMEM((T * (NODES - 1), H), jnp.float32),
                        pltpu.SemaphoreType.DMA((12,))],
        compiler_params=pltpu.CompilerParams(
            dimension_semantics=("arbitrary",)),
    )(*args)


def kernel(wid, child, parent, level_ptr, root_ids, emb, Wz_w, Wz_b, Wh_w,
           Wh_b, Wr_w, Ur_w, Ur_b, Wf_w, Wf_b):
    del child, parent, level_ptr, root_ids
    wid_pad = jnp.take(wid.astype(jnp.int32), jnp.asarray(_PERM), axis=0)
    weights = (Wz_w[:, :H], Wz_w[:, H:], Wz_b.reshape(1, H),
               Wh_w[:, :H], Wh_w[:, H:], Wh_b.reshape(1, H),
               Wr_w, Ur_w, Ur_b.reshape(1, H),
               Wf_w[:, :H], Wf_w[:, H:], Wf_b.reshape(1, H))
    xs = [_gather_sc(emb, jax.lax.slice_in_dim(wid_pad, ck * RPC, (ck + 1) * RPC))
          for ck in range(NCK)]
    mu = md = None
    hs = []
    for ck in range(NCK):
        mu, md, h_c = _tree_call(ck, xs[ck].reshape(BPC, ROWS_PB, H),
                                 mu, md, *weights)
        hs.append(h_c)
    h = jnp.concatenate(hs, axis=0).reshape(N_TREES, H)
    return (mu, md, h)

# --- scband reference (transcript-rebuilt; emitter-appended) ---
"""Pipeline reference for scband-dgljtnnencoder-10144712753478 (READ-ONLY COPY).

The authoritative reference and input builder live on the scoring server;
editing this copy changes nothing except your own understanding.
"""

import jax, jax.numpy as jnp
import numpy as np

N_TREES = 800
DEPTH = 6
NODES_PER_TREE = (1 << (DEPTH + 1)) - 1  # 127
N = N_TREES * NODES_PER_TREE  # 101600
VOCAB = 780
H = 128


def _build_forest():
    # complete binary trees; node k (k>0 local) has parent (k-1)//2
    k = np.arange(1, NODES_PER_TREE)
    depth = np.floor(np.log2(k + 1)).astype(np.int64)
    parent_local = (k - 1) // 2
    child_list, parent_list, ptr = [], [], [0]
    offs = (np.arange(N_TREES) * NODES_PER_TREE)[:, None]
    for d in range(1, DEPTH + 1):
        mask = depth == d
        ck = k[mask]
        pk = parent_local[mask]
        child_list.append((offs + ck[None, :]).reshape(-1))
        parent_list.append((offs + pk[None, :]).reshape(-1))
        ptr.append(ptr[-1] + ck.size * N_TREES)
    return (np.concatenate(child_list).astype(np.int64),
            np.concatenate(parent_list).astype(np.int64),
            np.array(ptr, dtype=np.int64))


def setup_inputs(seed: int = 0):
    key = jax.random.key(seed)
    ks = jax.random.split(key, 8)
    child, parent, level_ptr = _build_forest()
    wid = jax.random.randint(ks[0], (N,), 0, VOCAB)
    emb = jax.random.normal(ks[1], (VOCAB, H), dtype=jnp.float32) * 0.1
    Wz_w = jax.random.normal(ks[2], (H, 2 * H), dtype=jnp.float32) * 0.05
    Wz_b = jnp.zeros((H,), dtype=jnp.float32)
    Wh_w = jax.random.normal(ks[3], (H, 2 * H), dtype=jnp.float32) * 0.05
    Wh_b = jnp.zeros((H,), dtype=jnp.float32)
    Wr_w = jax.random.normal(ks[4], (H, H), dtype=jnp.float32) * 0.05
    Ur_w = jax.random.normal(ks[5], (H, H), dtype=jnp.float32) * 0.05
    Ur_b = jnp.zeros((H,), dtype=jnp.float32)
    Wf_w = jax.random.normal(ks[6], (H, 2 * H), dtype=jnp.float32) * 0.05
    Wf_b = jnp.zeros((H,), dtype=jnp.float32)
    root_ids = jnp.arange(N_TREES, dtype=jnp.int32) * NODES_PER_TREE
    return {"wid": wid, "child": jnp.asarray(child), "parent": jnp.asarray(parent),
            "level_ptr": level_ptr, "root_ids": root_ids, "emb": emb,
            "Wz_w": Wz_w, "Wz_b": Wz_b, "Wh_w": Wh_w, "Wh_b": Wh_b,
            "Wr_w": Wr_w, "Ur_w": Ur_w, "Ur_b": Ur_b, "Wf_w": Wf_w, "Wf_b": Wf_b}


def _msg(x_u, s_u, rm_u, x_v, Wz_w, Wz_b, Wh_w, Wh_b, Wr_w, Ur_w, Ur_b):
    z = jax.nn.sigmoid(jnp.concatenate([x_u, s_u], axis=1) @ Wz_w.T + Wz_b)
    m_tilde = jnp.tanh(jnp.concatenate([x_u, rm_u], axis=1) @ Wh_w.T + Wh_b)
    m = (1.0 - z) * s_u + z * m_tilde
    r = jax.nn.sigmoid(x_v @ Wr_w.T + m @ Ur_w.T + Ur_b)
    return m, r


def reference(wid, child, parent, level_ptr, root_ids, emb, Wz_w, Wz_b, Wh_w, Wh_b, Wr_w, Ur_w, Ur_b, Wf_w, Wf_b):
    x = jnp.take(emb, wid, axis=0)
    E1 = child.shape[0]
    level_sizes = [(1 << d) * N_TREES for d in range(1, DEPTH + 1)]
    # --- bottom-up pass (leaves -> roots), GRU-style tree messages ---
    s = jnp.zeros((N, H), dtype=x.dtype)
    rm = jnp.zeros((N, H), dtype=x.dtype)
    m_up = jnp.zeros((E1, H), dtype=x.dtype)
    for d in range(DEPTH, 0, -1):
        a = level_ptr[d - 1]
        sz = level_sizes[d - 1]
        u = jax.lax.dynamic_slice_in_dim(child, a, sz)
        v = jax.lax.dynamic_slice_in_dim(parent, a, sz)
        m, r = _msg(x[u], s[u], rm[u], x[v], Wz_w, Wz_b, Wh_w, Wh_b, Wr_w, Ur_w, Ur_b)
        m_up = jax.lax.dynamic_update_slice_in_dim(m_up, m, a, axis=0)
        s = s.at[v].add(m)
        rm = rm.at[v].add(m * r)
    # --- top-down pass (roots -> leaves), state reset as in DGL code ---
    s = jnp.zeros((N, H), dtype=x.dtype)
    rm = jnp.zeros((N, H), dtype=x.dtype)
    m_down = jnp.zeros((E1, H), dtype=x.dtype)
    for d in range(1, DEPTH + 1):
        a = level_ptr[d - 1]
        sz = level_sizes[d - 1]
        u = jax.lax.dynamic_slice_in_dim(parent, a, sz)
        v = jax.lax.dynamic_slice_in_dim(child, a, sz)
        m, r = _msg(x[u], s[u], rm[u], x[v], Wz_w, Wz_b, Wh_w, Wh_b, Wr_w, Ur_w, Ur_b)
        m_down = jax.lax.dynamic_update_slice_in_dim(m_down, m, a, axis=0)
        s = s.at[v].add(m)
        rm = rm.at[v].add(m * r)
    # --- final root readout: sum of incoming (bottom-up) messages at roots ---
    a = level_ptr[0]
    sz = level_sizes[0]
    p_e = jax.lax.dynamic_slice_in_dim(parent, a, sz)
    m_e = jax.lax.dynamic_slice_in_dim(m_up, a, sz)
    accum = jnp.zeros((N, H), dtype=x.dtype).at[p_e].add(m_e)
    root_accum = jnp.take(accum, root_ids, axis=0)
    x_root = jnp.take(x, root_ids, axis=0)
    h = jax.nn.relu(jnp.concatenate([x_root, root_accum], axis=1) @ Wf_w.T + Wf_b)
    return (m_up, m_down, h)

if __name__ == "__main__":
    import jax
    _d = setup_inputs()
    print(jax.jit(kernel)(*tuple(_d.values())))

</pallas_src>

<mosaic_0001>
#map = affine_map<(d0, d1) -> (0, 0)>
#map1 = affine_map<(d0, d1) -> (0)>
module attributes {stable_mosaic.version = 14 : i64} {
  func.func @gk(%arg0: i32, %arg1: i32, %arg2: memref<780x128xf32, #tpu.memory_space<hbm>>, %arg3: memref<51200xi32, #tpu.memory_space<hbm>>, %arg4: memref<51200x128xf32, #tpu.memory_space<hbm>>, %arg5: memref<1600xi32, #tpu.memory_space<vmem>>, %arg6: memref<320x128xf32, #tpu.memory_space<vmem>>, %arg7: memref<320x128xf32, #tpu.memory_space<vmem>>, %arg8: memref<!tpu.dma_semaphore, #tpu.memory_space<semaphore_mem>>, %arg9: memref<!tpu.dma_semaphore, #tpu.memory_space<semaphore_mem>>) attributes {dimension_semantics = [#tpu.dimension_semantics<core_parallel>, #tpu.dimension_semantics<subcore_parallel>], iteration_bounds = array<i64: 2, 16>, scalar_prefetch = 0 : i64, scratch_operands = 5 : i64, tpu.core_type = #tpu.core_type<sc_vector_subcore>, window_params = [{transform_indices = #map}, {transform_indices = #map1}, {transform_indices = #map}]} {
    %mul3A = arith.constant 2 : i32
    %mul3A_0 = arith.muli %arg1, %mul3A : i32
    %add3A = arith.addi %mul3A_0, %arg0 : i32
    %mul3A_1 = arith.constant 1600 : i32
    %mul3A_2 = arith.muli %add3A, %mul3A_1 : i32
    "tpu.region"() ({
      %run_scoped3A = tpu.sem_alloc : memref<!tpu.dma_semaphore, #tpu.memory_space<semaphore_mem>>
      %dma_start3A_101 = tpu.memref_slice %arg3[%mul3A_2] : memref<51200xi32, #tpu.memory_space<hbm>> -> memref<1600xi32, #tpu.memory_space<hbm>>
      %dma_start3A_102 = tpu.memref_slice %arg3[%mul3A_2] : memref<51200xi32, #tpu.memory_space<hbm>> -> memref<1600xi32, #tpu.memory_space<hbm>>
      tpu.enqueue_dma source(%dma_start3A_102 : memref<1600xi32, #tpu.memory_space<hbm>>) target(%arg5 : memref<1600xi32, #tpu.memory_space<vmem>>) target_semaphore(%run_scoped3A : memref<!tpu.dma_semaphore, #tpu.memory_space<semaphore_mem>>)
      %dma_wait3A_103 = tpu.memref_slice %arg3[%mul3A_2] : memref<51200xi32, #tpu.memory_space<hbm>> -> memref<1600xi32, #tpu.memory_space<hbm>>
      %dma_wait3A_104 = tpu.memref_slice %arg3[%mul3A_2] : memref<51200xi32, #tpu.memory_space<hbm>> -> memref<1600xi32, #tpu.memory_space<hbm>>
      tpu.wait_dma2 semaphore(%run_scoped3A : memref<!tpu.dma_semaphore, #tpu.memory_space<semaphore_mem>>) src(%dma_wait3A_104 : memref<1600xi32, #tpu.memory_space<hbm>>) dst(%arg5 : memref<1600xi32, #tpu.memory_space<vmem>>)
      tpu.yield
    }) : () -> ()
    %dma_start3A = arith.constant 0 : i32
    %dma_start3A_3 = tpu.memref_slice %arg5[%dma_start3A] : memref<1600xi32, #tpu.memory_space<vmem>> -> memref<320xi32, #tpu.memory_space<vmem>>
    %dma_start3A_4 = arith.constant 0 : i32
    %dma_start3A_5 = arith.constant 0 : i32
    %dma_start3A_6 = tpu.memref_slice %arg2[%dma_start3A_4, %dma_start3A_5] : memref<780x128xf32, #tpu.memory_space<hbm>> -> memref<780x128xf32, #tpu.memory_space<hbm>>
    tpu.enqueue_indirect_dma source(%dma_start3A_6 : memref<780x128xf32, #tpu.memory_space<hbm>>) target(%arg6 : memref<320x128xf32, #tpu.memory_space<vmem>>) offsets(%dma_start3A_3 : memref<320xi32, #tpu.memory_space<vmem>>) semaphore(%arg8 : memref<!tpu.dma_semaphore, #tpu.memory_space<semaphore_mem>>)
    %dma_wait3A = arith.constant 0 : i32
    %dma_wait3A_7 = tpu.memref_slice %arg5[%dma_wait3A] : memref<1600xi32, #tpu.memory_space<vmem>> -> memref<320xi32, #tpu.memory_space<vmem>>
    %dma_wait3A_8 = arith.constant 0 : i32
    %dma_wait3A_9 = arith.constant 0 : i32
    %dma_wait3A_10 = tpu.memref_slice %arg2[%dma_wait3A_8, %dma_wait3A_9] : memref<780x128xf32, #tpu.memory_space<hbm>> -> memref<780x128xf32, #tpu.memory_space<hbm>>
    tpu.wait_indirect_dma semaphore(%arg8 : memref<!tpu.dma_semaphore, #tpu.memory_space<semaphore_mem>>) src(%dma_wait3A_10 : memref<780x128xf32, #tpu.memory_space<hbm>>) dst(%arg6 : memref<320x128xf32, #tpu.memory_space<vmem>>)
    %dma_start3A_11 = arith.constant 320 : i32
    %dma_start3A_12 = tpu.memref_slice %arg5[%dma_start3A_11] : memref<1600xi32, #tpu.memory_space<vmem>> -> memref<320xi32, #tpu.memory_space<vmem>>
    %dma_start3A_13 = arith.constant 0 : i32
    %dma_start3A_14 = arith.constant 0 : i32
    %dma_start3A_15 = tpu.memref_slice %arg2[%dma_start3A_13, %dma_start3A_14] : memref<780x128xf32, #tpu.memory_space<hbm>> -> memref<780x128xf32, #tpu.memory_space<hbm>>
    tpu.enqueue_indirect_dma source(%dma_start3A_15 : memref<780x128xf32, #tpu.memory_space<hbm>>) target(%arg7 : memref<320x128xf32, #tpu.memory_space<vmem>>) offsets(%dma_start3A_12 : memref<320xi32, #tpu.memory_space<vmem>>) semaphore(%arg8 : memref<!tpu.dma_semaphore, #tpu.memory_space<semaphore_mem>>)
    %add3A_16 = arith.constant 0 : i32
    %add3A_17 = arith.addi %mul3A_2, %add3A_16 : i32
    %dma_start3A_18 = arith.constant 0 : i32
    %dma_start3A_19 = tpu.memref_slice %arg4[%add3A_17, %dma_start3A_18] : memref<51200x128xf32, #tpu.memory_space<hbm>> -> memref<320x128xf32, #tpu.memory_space<hbm>>
    %dma_start3A_20 = arith.constant 0 : i32
    %dma_start3A_21 = tpu.memref_slice %arg4[%add3A_17, %dma_start3A_20] : memref<51200x128xf32, #tpu.memory_space<hbm>> -> memref<320x128xf32, #tpu.memory_space<hbm>>
    tpu.enqueue_dma source(%arg6 : memref<320x128xf32, #tpu.memory_space<vmem>>) target(%dma_start3A_21 : memref<320x128xf32, #tpu.memory_space<hbm>>) target_semaphore(%arg9 : memref<!tpu.dma_semaphore, #tpu.memory_space<semaphore_mem>>)
    %dma_wait3A_22 = arith.constant 320 : i32
    %dma_wait3A_23 = tpu.memref_slice %arg5[%dma_wait3A_22] : memref<1600xi32, #tpu.memory_space<vmem>> -> memref<320xi32, #tpu.memory_space<vmem>>
    %dma_wait3A_24 = arith.constant 0 : i32
    %dma_wait3A_25 = arith.constant 0 : i32
    %dma_wait3A_26 = tpu.memref_slice %arg2[%dma_wait3A_24, %dma_wait3A_25] : memref<780x128xf32, #tpu.memory_space<hbm>> -> memref<780x128xf32, #tpu.memory_space<hbm>>
    tpu.wait_indirect_dma semaphore(%arg8 : memref<!tpu.dma_semaphore, #tpu.memory_space<semaphore_mem>>) src(%dma_wait3A_26 : memref<780x128xf32, #tpu.memory_space<hbm>>) dst(%arg7 : memref<320x128xf32, #tpu.memory_space<vmem>>)
    %dma_wait3A_27 = arith.constant 0 : i32
    %dma_wait3A_28 = tpu.memref_slice %arg4[%add3A_17, %dma_wait3A_27] : memref<51200x128xf32, #tpu.memory_space<hbm>> -> memref<320x128xf32, #tpu.memory_space<hbm>>
    %dma_wait3A_29 = arith.constant 0 : i32
    %dma_wait3A_30 = tpu.memref_slice %arg4[%add3A_17, %dma_wait3A_29] : memref<51200x128xf32, #tpu.memory_space<hbm>> -> memref<320x128xf32, #tpu.memory_space<hbm>>
    tpu.wait_dma2 semaphore(%arg9 : memref<!tpu.dma_semaphore, #tpu.memory_space<semaphore_mem>>) src(%arg6 : memref<320x128xf32, #tpu.memory_space<vmem>>) dst(%dma_wait3A_30 : memref<320x128xf32, #tpu.memory_space<hbm>>)
    %dma_start3A_31 = arith.constant 640 : i32
    %dma_start3A_32 = tpu.memref_slice %arg5[%dma_start3A_31] : memref<1600xi32, #tpu.memory_space<vmem>> -> memref<320xi32, #tpu.memory_space<vmem>>
    %dma_start3A_33 = arith.constant 0 : i32
    %dma_start3A_34 = arith.constant 0 : i32
    %dma_start3A_35 = tpu.memref_slice %arg2[%dma_start3A_33, %dma_start3A_34] : memref<780x128xf32, #tpu.memory_space<hbm>> -> memref<780x128xf32, #tpu.memory_space<hbm>>
    tpu.enqueue_indirect_dma source(%dma_start3A_35 : memref<780x128xf32, #tpu.memory_space<hbm>>) target(%arg6 : memref<320x128xf32, #tpu.memory_space<vmem>>) offsets(%dma_start3A_32 : memref<320xi32, #tpu.memory_space<vmem>>) semaphore(%arg8 : memref<!tpu.dma_semaphore, #tpu.memory_space<semaphore_mem>>)
    %add3A_36 = arith.constant 320 : i32
    %add3A_37 = arith.addi %mul3A_2, %add3A_36 : i32
    %dma_start3A_38 = arith.constant 0 : i32
    %dma_start3A_39 = tpu.memref_slice %arg4[%add3A_37, %dma_start3A_38] : memref<51200x128xf32, #tpu.memory_space<hbm>> -> memref<320x128xf32, #tpu.memory_space<hbm>>
    %dma_start3A_40 = arith.constant 0 : i32
    %dma_start3A_41 = tpu.memref_slice %arg4[%add3A_37, %dma_start3A_40] : memref<51200x128xf32, #tpu.memory_space<hbm>> -> memref<320x128xf32, #tpu.memory_space<hbm>>
    tpu.enqueue_dma source(%arg7 : memref<320x128xf32, #tpu.memory_space<vmem>>) target(%dma_start3A_41 : memref<320x128xf32, #tpu.memory_space<hbm>>) target_semaphore(%arg9 : memref<!tpu.dma_semaphore, #tpu.memory_space<semaphore_mem>>)
    %dma_wait3A_42 = arith.constant 640 : i32
    %dma_wait3A_43 = tpu.memref_slice %arg5[%dma_wait3A_42] : memref<1600xi32, #tpu.memory_space<vmem>> -> memref<320xi32, #tpu.memory_space<vmem>>
    %dma_wait3A_44 = arith.constant 0 : i32
    %dma_wait3A_45 = arith.constant 0 : i32
    %dma_wait3A_46 = tpu.memref_slice %arg2[%dma_wait3A_44, %dma_wait3A_45] : memref<780x128xf32, #tpu.memory_space<hbm>> -> memref<780x128xf32, #tpu.memory_space<hbm>>
    tpu.wait_indirect_dma semaphore(%arg8 : memref<!tpu.dma_semaphore, #tpu.memory_space<semaphore_mem>>) src(%dma_wait3A_46 : memref<780x128xf32, #tpu.memory_space<hbm>>) dst(%arg6 : memref<320x128xf32, #tpu.memory_space<vmem>>)
    %dma_wait3A_47 = arith.constant 0 : i32
    %dma_wait3A_48 = tpu.memref_slice %arg4[%add3A_37, %dma_wait3A_47] : memref<51200x128xf32, #tpu.memory_space<hbm>> -> memref<320x128xf32, #tpu.memory_space<hbm>>
    %dma_wait3A_49 = arith.constant 0 : i32
    %dma_wait3A_50 = tpu.memref_slice %arg4[%add3A_37, %dma_wait3A_49] : memref<51200x128xf32, #tpu.memory_space<hbm>> -> memref<320x128xf32, #tpu.memory_space<hbm>>
    tpu.wait_dma2 semaphore(%arg9 : memref<!tpu.dma_semaphore, #tpu.memory_space<semaphore_mem>>) src(%arg7 : memref<320x128xf32, #tpu.memory_space<vmem>>) dst(%dma_wait3A_50 : memref<320x128xf32, #tpu.memory_space<hbm>>)
    %dma_start3A_51 = arith.constant 960 : i32
    %dma_start3A_52 = tpu.memref_slice %arg5[%dma_start3A_51] : memref<1600xi32, #tpu.memory_space<vmem>> -> memref<320xi32, #tpu.memory_space<vmem>>
    %dma_start3A_53 = arith.constant 0 : i32
    %dma_start3A_54 = arith.constant 0 : i32
    %dma_start3A_55 = tpu.memref_slice %arg2[%dma_start3A_53, %dma_start3A_54] : memref<780x128xf32, #tpu.memory_space<hbm>> -> memref<780x128xf32, #tpu.memory_space<hbm>>
    tpu.enqueue_indirect_dma source(%dma_start3A_55 : memref<780x128xf32, #tpu.memory_space<hbm>>) target(%arg7 : memref<320x128xf32, #tpu.memory_space<vmem>>) offsets(%dma_start3A_52 : memref<320xi32, #tpu.memory_space<vmem>>) semaphore(%arg8 : memref<!tpu.dma_semaphore, #tpu.memory_space<semaphore_mem>>)
    %add3A_56 = arith.constant 640 : i32
    %add3A_57 = arith.addi %mul3A_2, %add3A_56 : i32
    %dma_start3A_58 = arith.constant 0 : i32
    %dma_start3A_59 = tpu.memref_slice %arg4[%add3A_57, %dma_start3A_58] : memref<51200x128xf32, #tpu.memory_space<hbm>> -> memref<320x128xf32, #tpu.memory_space<hbm>>
    %dma_start3A_60 = arith.constant 0 : i32
    %dma_start3A_61 = tpu.memref_slice %arg4[%add3A_57, %dma_start3A_60] : memref<51200x128xf32, #tpu.memory_space<hbm>> -> memref<320x128xf32, #tpu.memory_space<hbm>>
    tpu.enqueue_dma source(%arg6 : memref<320x128xf32, #tpu.memory_space<vmem>>) target(%dma_start3A_61 : memref<320x128xf32, #tpu.memory_space<hbm>>) target_semaphore(%arg9 : memref<!tpu.dma_semaphore, #tpu.memory_space<semaphore_mem>>)
    %dma_wait3A_62 = arith.constant 960 : i32
    %dma_wait3A_63 = tpu.memref_slice %arg5[%dma_wait3A_62] : memref<1600xi32, #tpu.memory_space<vmem>> -> memref<320xi32, #tpu.memory_space<vmem>>
    %dma_wait3A_64 = arith.constant 0 : i32
    %dma_wait3A_65 = arith.constant 0 : i32
    %dma_wait3A_66 = tpu.memref_slice %arg2[%dma_wait3A_64, %dma_wait3A_65] : memref<780x128xf32, #tpu.memory_space<hbm>> -> memref<780x128xf32, #tpu.memory_space<hbm>>
    tpu.wait_indirect_dma semaphore(%arg8 : memref<!tpu.dma_semaphore, #tpu.memory_space<semaphore_mem>>) src(%dma_wait3A_66 : memref<780x128xf32, #tpu.memory_space<hbm>>) dst(%arg7 : memref<320x128xf32, #tpu.memory_space<vmem>>)
    %dma_wait3A_67 = arith.constant 0 : i32
    %dma_wait3A_68 = tpu.memref_slice %arg4[%add3A_57, %dma_wait3A_67] : memref<51200x128xf32, #tpu.memory_space<hbm>> -> memref<320x128xf32, #tpu.memory_space<hbm>>
    %dma_wait3A_69 = arith.constant 0 : i32
    %dma_wait3A_70 = tpu.memref_slice %arg4[%add3A_57, %dma_wait3A_69] : memref<51200x128xf32, #tpu.memory_space<hbm>> -> memref<320x128xf32, #tpu.memory_space<hbm>>
    tpu.wait_dma2 semaphore(%arg9 : memref<!tpu.dma_semaphore, #tpu.memory_space<semaphore_mem>>) src(%arg6 : memref<320x128xf32, #tpu.memory_space<vmem>>) dst(%dma_wait3A_70 : memref<320x128xf32, #tpu.memory_space<hbm>>)
    %dma_start3A_71 = arith.constant 1280 : i32
    %dma_start3A_72 = tpu.memref_slice %arg5[%dma_start3A_71] : memref<1600xi32, #tpu.memory_space<vmem>> -> memref<320xi32, #tpu.memory_space<vmem>>
    %dma_start3A_73 = arith.constant 0 : i32
    %dma_start3A_74 = arith.constant 0 : i32
    %dma_start3A_75 = tpu.memref_slice %arg2[%dma_start3A_73, %dma_start3A_74] : memref<780x128xf32, #tpu.memory_space<hbm>> -> memref<780x128xf32, #tpu.memory_space<hbm>>
    tpu.enqueue_indirect_dma source(%dma_start3A_75 : memref<780x128xf32, #tpu.memory_space<hbm>>) target(%arg6 : memref<320x128xf32, #tpu.memory_space<vmem>>) offsets(%dma_start3A_72 : memref<320xi32, #tpu.memory_space<vmem>>) semaphore(%arg8 : memref<!tpu.dma_semaphore, #tpu.memory_space<semaphore_mem>>)
    %add3A_76 = arith.constant 960 : i32
    %add3A_77 = arith.addi %mul3A_2, %add3A_76 : i32
    %dma_start3A_78 = arith.constant 0 : i32
    %dma_start3A_79 = tpu.memref_slice %arg4[%add3A_77, %dma_start3A_78] : memref<51200x128xf32, #tpu.memory_space<hbm>> -> memref<320x128xf32, #tpu.memory_space<hbm>>
    %dma_start3A_80 = arith.constant 0 : i32
    %dma_start3A_81 = tpu.memref_slice %arg4[%add3A_77, %dma_start3A_80] : memref<51200x128xf32, #tpu.memory_space<hbm>> -> memref<320x128xf32, #tpu.memory_space<hbm>>
    tpu.enqueue_dma source(%arg7 : memref<320x128xf32, #tpu.memory_space<vmem>>) target(%dma_start3A_81 : memref<320x128xf32, #tpu.memory_space<hbm>>) target_semaphore(%arg9 : memref<!tpu.dma_semaphore, #tpu.memory_space<semaphore_mem>>)
    %dma_wait3A_82 = arith.constant 1280 : i32
    %dma_wait3A_83 = tpu.memref_slice %arg5[%dma_wait3A_82] : memref<1600xi32, #tpu.memory_space<vmem>> -> memref<320xi32, #tpu.memory_space<vmem>>
    %dma_wait3A_84 = arith.constant 0 : i32
    %dma_wait3A_85 = arith.constant 0 : i32
    %dma_wait3A_86 = tpu.memref_slice %arg2[%dma_wait3A_84, %dma_wait3A_85] : memref<780x128xf32, #tpu.memory_space<hbm>> -> memref<780x128xf32, #tpu.memory_space<hbm>>
    tpu.wait_indirect_dma semaphore(%arg8 : memref<!tpu.dma_semaphore, #tpu.memory_space<semaphore_mem>>) src(%dma_wait3A_86 : memref<780x128xf32, #tpu.memory_space<hbm>>) dst(%arg6 : memref<320x128xf32, #tpu.memory_space<vmem>>)
    %dma_wait3A_87 = arith.constant 0 : i32
    %dma_wait3A_88 = tpu.memref_slice %arg4[%add3A_77, %dma_wait3A_87] : memref<51200x128xf32, #tpu.memory_space<hbm>> -> memref<320x128xf32, #tpu.memory_space<hbm>>
    %dma_wait3A_89 = arith.constant 0 : i32
    %dma_wait3A_90 = tpu.memref_slice %arg4[%add3A_77, %dma_wait3A_89] : memref<51200x128xf32, #tpu.memory_space<hbm>> -> memref<320x128xf32, #tpu.memory_space<hbm>>
    tpu.wait_dma2 semaphore(%arg9 : memref<!tpu.dma_semaphore, #tpu.memory_space<semaphore_mem>>) src(%arg7 : memref<320x128xf32, #tpu.memory_space<vmem>>) dst(%dma_wait3A_90 : memref<320x128xf32, #tpu.memory_space<hbm>>)
    %add3A_91 = arith.constant 1280 : i32
    %add3A_92 = arith.addi %mul3A_2, %add3A_91 : i32
    %dma_start3A_93 = arith.constant 0 : i32
    %dma_start3A_94 = tpu.memref_slice %arg4[%add3A_92, %dma_start3A_93] : memref<51200x128xf32, #tpu.memory_space<hbm>> -> memref<320x128xf32, #tpu.memory_space<hbm>>
    %dma_start3A_95 = arith.constant 0 : i32
    %dma_start3A_96 = tpu.memref_slice %arg4[%add3A_92, %dma_start3A_95] : memref<51200x128xf32, #tpu.memory_space<hbm>> -> memref<320x128xf32, #tpu.memory_space<hbm>>
    tpu.enqueue_dma source(%arg6 : memref<320x128xf32, #tpu.memory_space<vmem>>) target(%dma_start3A_96 : memref<320x128xf32, #tpu.memory_space<hbm>>) target_semaphore(%arg9 : memref<!tpu.dma_semaphore, #tpu.memory_space<semaphore_mem>>)
    %dma_wait3A_97 = arith.constant 0 : i32
    %dma_wait3A_98 = tpu.memref_slice %arg4[%add3A_92, %dma_wait3A_97] : memref<51200x128xf32, #tpu.memory_space<hbm>> -> memref<320x128xf32, #tpu.memory_space<hbm>>
    %dma_wait3A_99 = arith.constant 0 : i32
    %dma_wait3A_100 = tpu.memref_slice %arg4[%add3A_92, %dma_wait3A_99] : memref<51200x128xf32, #tpu.memory_space<hbm>> -> memref<320x128xf32, #tpu.memory_space<hbm>>
    tpu.wait_dma2 semaphore(%arg9 : memref<!tpu.dma_semaphore, #tpu.memory_space<semaphore_mem>>) src(%arg6 : memref<320x128xf32, #tpu.memory_space<vmem>>) dst(%dma_wait3A_100 : memref<320x128xf32, #tpu.memory_space<hbm>>)
    return
  }
}

#map = affine_map<(d0, d1) -> (0, 0)>
#map1 = affine_map<(d0, d1) -> (0)>
module attributes {stable_mosaic.version = 14 : i64} {
  func.func @gk(%arg0: i32, %arg1: i32, %arg2: memref<780x128xf32, #tpu.memory_space<hbm>>, %arg3: memref<51200xi32, #tpu.memory_space<hbm>>, %arg4: memref<51200x128xf32, #tpu.memory_space<hbm>>, %arg5: memref<1600xi32, #tpu.memory_space<vmem>>, %arg6: memref<320x128xf32, #tpu.memory_space<vmem>>, %arg7: memref<320x128xf32, #tpu.memory_space<vmem>>, %arg8: memref<!tpu.dma_semaphore, #tpu.memory_space<semaphore_mem>>, %arg9: memref<!tpu.dma_semaphore, #tpu.memory_space<semaphore_mem>>) attributes {dimension_semantics = [#tpu.dimension_semantics<core_parallel>, #tpu.dimension_semantics<subcore_parallel>], iteration_bounds = array<i64: 2, 16>, scalar_prefetch = 0 : i64, scratch_operands = 5 : i64, tpu.core_type = #tpu.core_type<sc_vector_subcore>, window_params = [{transform_indices = #map}, {transform_indices = #map1}, {transform_indices = #map}]} {
    %mul3A = arith.constant 2 : i32
    %mul3A_0 = arith.muli %arg1, %mul3A : i32
    %add3A = arith.addi %mul3A_0, %arg0 : i32
    %mul3A_1 = arith.constant 1600 : i32
    %mul3A_2 = arith.muli %add3A, %mul3A_1 : i32
    "tpu.region"() ({
      %run_scoped3A = tpu.sem_alloc : memref<!tpu.dma_semaphore, #tpu.memory_space<semaphore_mem>>
      %dma_start3A_101 = tpu.memref_slice %arg3[%mul3A_2] : memref<51200xi32, #tpu.memory_space<hbm>> -> memref<1600xi32, #tpu.memory_space<hbm>>
      %dma_start3A_102 = tpu.memref_slice %arg3[%mul3A_2] : memref<51200xi32, #tpu.memory_space<hbm>> -> memref<1600xi32, #tpu.memory_space<hbm>>
      tpu.enqueue_dma source(%dma_start3A_102 : memref<1600xi32, #tpu.memory_space<hbm>>) target(%arg5 : memref<1600xi32, #tpu.memory_space<vmem>>) target_semaphore(%run_scoped3A : memref<!tpu.dma_semaphore, #tpu.memory_space<semaphore_mem>>)
      %dma_wait3A_103 = tpu.memref_slice %arg3[%mul3A_2] : memref<51200xi32, #tpu.memory_space<hbm>> -> memref<1600xi32, #tpu.memory_space<hbm>>
      %dma_wait3A_104 = tpu.memref_slice %arg3[%mul3A_2] : memref<51200xi32, #tpu.memory_space<hbm>> -> memref<1600xi32, #tpu.memory_space<hbm>>
      tpu.wait_dma2 semaphore(%run_scoped3A : memref<!tpu.dma_semaphore, #tpu.memory_space<semaphore_mem>>) src(%dma_wait3A_104 : memref<1600xi32, #tpu.memory_space<hbm>>) dst(%arg5 : memref<1600xi32, #tpu.memory_space<vmem>>)
      tpu.yield
    }) : () -> ()
    %dma_start3A = arith.constant 0 : i32
    %dma_start3A_3 = tpu.memref_slice %arg5[%dma_start3A] : memref<1600xi32, #tpu.memory_space<vmem>> -> memref<320xi32, #tpu.memory_space<vmem>>
    %dma_start3A_4 = arith.constant 0 : i32
    %dma_start3A_5 = arith.constant 0 : i32
    %dma_start3A_6 = tpu.memref_slice %arg2[%dma_start3A_4, %dma_start3A_5] : memref<780x128xf32, #tpu.memory_space<hbm>> -> memref<780x128xf32, #tpu.memory_space<hbm>>
    tpu.enqueue_indirect_dma source(%dma_start3A_6 : memref<780x128xf32, #tpu.memory_space<hbm>>) target(%arg6 : memref<320x128xf32, #tpu.memory_space<vmem>>) offsets(%dma_start3A_3 : memref<320xi32, #tpu.memory_space<vmem>>) semaphore(%arg8 : memref<!tpu.dma_semaphore, #tpu.memory_space<semaphore_mem>>)
    %dma_wait3A = arith.constant 0 : i32
    %dma_wait3A_7 = tpu.memref_slice %arg5[%dma_wait3A] : memref<1600xi32, #tpu.memory_space<vmem>> -> memref<320xi32, #tpu.memory_space<vmem>>
    %dma_wait3A_8 = arith.constant 0 : i32
    %dma_wait3A_9 = arith.constant 0 : i32
    %dma_wait3A_10 = tpu.memref_slice %arg2[%dma_wait3A_8, %dma_wait3A_9] : memref<780x128xf32, #tpu.memory_space<hbm>> -> memref<780x128xf32, #tpu.memory_space<hbm>>
    tpu.wait_indirect_dma semaphore(%arg8 : memref<!tpu.dma_semaphore, #tpu.memory_space<semaphore_mem>>) src(%dma_wait3A_10 : memref<780x128xf32, #tpu.memory_space<hbm>>) dst(%arg6 : memref<320x128xf32, #tpu.memory_space<vmem>>)
    %dma_start3A_11 = arith.constant 320 : i32
    %dma_start3A_12 = tpu.memref_slice %arg5[%dma_start3A_11] : memref<1600xi32, #tpu.memory_space<vmem>> -> memref<320xi32, #tpu.memory_space<vmem>>
    %dma_start3A_13 = arith.constant 0 : i32
    %dma_start3A_14 = arith.constant 0 : i32
    %dma_start3A_15 = tpu.memref_slice %arg2[%dma_start3A_13, %dma_start3A_14] : memref<780x128xf32, #tpu.memory_space<hbm>> -> memref<780x128xf32, #tpu.memory_space<hbm>>
    tpu.enqueue_indirect_dma source(%dma_start3A_15 : memref<780x128xf32, #tpu.memory_space<hbm>>) target(%arg7 : memref<320x128xf32, #tpu.memory_space<vmem>>) offsets(%dma_start3A_12 : memref<320xi32, #tpu.memory_space<vmem>>) semaphore(%arg8 : memref<!tpu.dma_semaphore, #tpu.memory_space<semaphore_mem>>)
    %add3A_16 = arith.constant 0 : i32
    %add3A_17 = arith.addi %mul3A_2, %add3A_16 : i32
    %dma_start3A_18 = arith.constant 0 : i32
    %dma_start3A_19 = tpu.memref_slice %arg4[%add3A_17, %dma_start3A_18] : memref<51200x128xf32, #tpu.memory_space<hbm>> -> memref<320x128xf32, #tpu.memory_space<hbm>>
    %dma_start3A_20 = arith.constant 0 : i32
    %dma_start3A_21 = tpu.memref_slice %arg4[%add3A_17, %dma_start3A_20] : memref<51200x128xf32, #tpu.memory_space<hbm>> -> memref<320x128xf32, #tpu.memory_space<hbm>>
    tpu.enqueue_dma source(%arg6 : memref<320x128xf32, #tpu.memory_space<vmem>>) target(%dma_start3A_21 : memref<320x128xf32, #tpu.memory_space<hbm>>) target_semaphore(%arg9 : memref<!tpu.dma_semaphore, #tpu.memory_space<semaphore_mem>>)
    %dma_wait3A_22 = arith.constant 320 : i32
    %dma_wait3A_23 = tpu.memref_slice %arg5[%dma_wait3A_22] : memref<1600xi32, #tpu.memory_space<vmem>> -> memref<320xi32, #tpu.memory_space<vmem>>
    %dma_wait3A_24 = arith.constant 0 : i32
    %dma_wait3A_25 = arith.constant 0 : i32
    %dma_wait3A_26 = tpu.memref_slice %arg2[%dma_wait3A_24, %dma_wait3A_25] : memref<780x128xf32, #tpu.memory_space<hbm>> -> memref<780x128xf32, #tpu.memory_space<hbm>>
    tpu.wait_indirect_dma semaphore(%arg8 : memref<!tpu.dma_semaphore, #tpu.memory_space<semaphore_mem>>) src(%dma_wait3A_26 : memref<780x128xf32, #tpu.memory_space<hbm>>) dst(%arg7 : memref<320x128xf32, #tpu.memory_space<vmem>>)
    %dma_wait3A_27 = arith.constant 0 : i32
    %dma_wait3A_28 = tpu.memref_slice %arg4[%add3A_17, %dma_wait3A_27] : memref<51200x128xf32, #tpu.memory_space<hbm>> -> memref<320x128xf32, #tpu.memory_space<hbm>>
    %dma_wait3A_29 = arith.constant 0 : i32
    %dma_wait3A_30 = tpu.memref_slice %arg4[%add3A_17, %dma_wait3A_29] : memref<51200x128xf32, #tpu.memory_space<hbm>> -> memref<320x128xf32, #tpu.memory_space<hbm>>
    tpu.wait_dma2 semaphore(%arg9 : memref<!tpu.dma_semaphore, #tpu.memory_space<semaphore_mem>>) src(%arg6 : memref<320x128xf32, #tpu.memory_space<vmem>>) dst(%dma_wait3A_30 : memref<320x128xf32, #tpu.memory_space<hbm>>)
    %dma_start3A_31 = arith.constant 640 : i32
    %dma_start3A_32 = tpu.memref_slice %arg5[%dma_start3A_31] : memref<1600xi32, #tpu.memory_space<vmem>> -> memref<320xi32, #tpu.memory_space<vmem>>
    %dma_start3A_33 = arith.constant 0 : i32
    %dma_start3A_34 = arith.constant 0 : i32
    %dma_start3A_35 = tpu.memref_slice %arg2[%dma_start3A_33, %dma_start3A_34] : memref<780x128xf32, #tpu.memory_space<hbm>> -> memref<780x128xf32, #tpu.memory_space<hbm>>
    tpu.enqueue_indirect_dma source(%dma_start3A_35 : memref<780x128xf32, #tpu.memory_space<hbm>>) target(%arg6 : memref<320x128xf32, #tpu.memory_space<vmem>>) offsets(%dma_start3A_32 : memref<320xi32, #tpu.memory_space<vmem>>) semaphore(%arg8 : memref<!tpu.dma_semaphore, #tpu.memory_space<semaphore_mem>>)
    %add3A_36 = arith.constant 320 : i32
    %add3A_37 = arith.addi %mul3A_2, %add3A_36 : i32
    %dma_start3A_38 = arith.constant 0 : i32
    %dma_start3A_39 = tpu.memref_slice %arg4[%add3A_37, %dma_start3A_38] : memref<51200x128xf32, #tpu.memory_space<hbm>> -> memref<320x128xf32, #tpu.memory_space<hbm>>
    %dma_start3A_40 = arith.constant 0 : i32
    %dma_start3A_41 = tpu.memref_slice %arg4[%add3A_37, %dma_start3A_40] : memref<51200x128xf32, #tpu.memory_space<hbm>> -> memref<320x128xf32, #tpu.memory_space<hbm>>
    tpu.enqueue_dma source(%arg7 : memref<320x128xf32, #tpu.memory_space<vmem>>) target(%dma_start3A_41 : memref<320x128xf32, #tpu.memory_space<hbm>>) target_semaphore(%arg9 : memref<!tpu.dma_semaphore, #tpu.memory_space<semaphore_mem>>)
    %dma_wait3A_42 = arith.constant 640 : i32
    %dma_wait3A_43 = tpu.memref_slice %arg5[%dma_wait3A_42] : memref<1600xi32, #tpu.memory_space<vmem>> -> memref<320xi32, #tpu.memory_space<vmem>>
    %dma_wait3A_44 = arith.constant 0 : i32
    %dma_wait3A_45 = arith.constant 0 : i32
    %dma_wait3A_46 = tpu.memref_slice %arg2[%dma_wait3A_44, %dma_wait3A_45] : memref<780x128xf32, #tpu.memory_space<hbm>> -> memref<780x128xf32, #tpu.memory_space<hbm>>
    tpu.wait_indirect_dma semaphore(%arg8 : memref<!tpu.dma_semaphore, #tpu.memory_space<semaphore_mem>>) src(%dma_wait3A_46 : memref<780x128xf32, #tpu.memory_space<hbm>>) dst(%arg6 : memref<320x128xf32, #tpu.memory_space<vmem>>)
    %dma_wait3A_47 = arith.constant 0 : i32
    %dma_wait3A_48 = tpu.memref_slice %arg4[%add3A_37, %dma_wait3A_47] : memref<51200x128xf32, #tpu.memory_space<hbm>> -> memref<320x128xf32, #tpu.memory_space<hbm>>
    %dma_wait3A_49 = arith.constant 0 : i32
    %dma_wait3A_50 = tpu.memref_slice %arg4[%add3A_37, %dma_wait3A_49] : memref<51200x128xf32, #tpu.memory_space<hbm>> -> memref<320x128xf32, #tpu.memory_space<hbm>>
    tpu.wait_dma2 semaphore(%arg9 : memref<!tpu.dma_semaphore, #tpu.memory_space<semaphore_mem>>) src(%arg7 : memref<320x128xf32, #tpu.memory_space<vmem>>) dst(%dma_wait3A_50 : memref<320x128xf32, #tpu.memory_space<hbm>>)
    %dma_start3A_51 = arith.constant 960 : i32
    %dma_start3A_52 = tpu.memref_slice %arg5[%dma_start3A_51] : memref<1600xi32, #tpu.memory_space<vmem>> -> memref<320xi32, #tpu.memory_space<vmem>>
    %dma_start3A_53 = arith.constant 0 : i32
    %dma_start3A_54 = arith.constant 0 : i32
    %dma_start3A_55 = tpu.memref_slice %arg2[%dma_start3A_53, %dma_start3A_54] : memref<780x128xf32, #tpu.memory_space<hbm>> -> memref<780x128xf32, #tpu.memory_space<hbm>>
    tpu.enqueue_indirect_dma source(%dma_start3A_55 : memref<780x128xf32, #tpu.memory_space<hbm>>) target(%arg7 : memref<320x128xf32, #tpu.memory_space<vmem>>) offsets(%dma_start3A_52 : memref<320xi32, #tpu.memory_space<vmem>>) semaphore(%arg8 : memref<!tpu.dma_semaphore, #tpu.memory_space<semaphore_mem>>)
    %add3A_56 = arith.constant 640 : i32
    %add3A_57 = arith.addi %mul3A_2, %add3A_56 : i32
    %dma_start3A_58 = arith.constant 0 : i32
    %dma_start3A_59 = tpu.memref_slice %arg4[%add3A_57, %dma_start3A_58] : memref<51200x128xf32, #tpu.memory_space<hbm>> -> memref<320x128xf32, #tpu.memory_space<hbm>>
    %dma_start3A_60 = arith.constant 0 : i32
    %dma_start3A_61 = tpu.memref_slice %arg4[%add3A_57, %dma_start3A_60] : memref<51200x128xf32, #tpu.memory_space<hbm>> -> memref<320x128xf32, #tpu.memory_space<hbm>>
    tpu.enqueue_dma source(%arg6 : memref<320x128xf32, #tpu.memory_space<vmem>>) target(%dma_start3A_61 : memref<320x128xf32, #tpu.memory_space<hbm>>) target_semaphore(%arg9 : memref<!tpu.dma_semaphore, #tpu.memory_space<semaphore_mem>>)
    %dma_wait3A_62 = arith.constant 960 : i32
    %dma_wait3A_63 = tpu.memref_slice %arg5[%dma_wait3A_62] : memref<1600xi32, #tpu.memory_space<vmem>> -> memref<320xi32, #tpu.memory_space<vmem>>
    %dma_wait3A_64 = arith.constant 0 : i32
    %dma_wait3A_65 = arith.constant 0 : i32
    %dma_wait3A_66 = tpu.memref_slice %arg2[%dma_wait3A_64, %dma_wait3A_65] : memref<780x128xf32, #tpu.memory_space<hbm>> -> memref<780x128xf32, #tpu.memory_space<hbm>>
    tpu.wait_indirect_dma semaphore(%arg8 : memref<!tpu.dma_semaphore, #tpu.memory_space<semaphore_mem>>) src(%dma_wait3A_66 : memref<780x128xf32, #tpu.memory_space<hbm>>) dst(%arg7 : memref<320x128xf32, #tpu.memory_space<vmem>>)
    %dma_wait3A_67 = arith.constant 0 : i32
    %dma_wait3A_68 = tpu.memref_slice %arg4[%add3A_57, %dma_wait3A_67] : memref<51200x128xf32, #tpu.memory_space<hbm>> -> memref<320x128xf32, #tpu.memory_space<hbm>>
    %dma_wait3A_69 = arith.constant 0 : i32
    %dma_wait3A_70 = tpu.memref_slice %arg4[%add3A_57, %dma_wait3A_69] : memref<51200x128xf32, #tpu.memory_space<hbm>> -> memref<320x128xf32, #tpu.memory_space<hbm>>
    tpu.wait_dma2 semaphore(%arg9 : memref<!tpu.dma_semaphore, #tpu.memory_space<semaphore_mem>>) src(%arg6 : memref<320x128xf32, #tpu.memory_space<vmem>>) dst(%dma_wait3A_70 : memref<320x128xf32, #tpu.memory_space<hbm>>)
    %dma_start3A_71 = arith.constant 1280 : i32
    %dma_start3A_72 = tpu.memref_slice %arg5[%dma_start3A_71] : memref<1600xi32, #tpu.memory_space<vmem>> -> memref<320xi32, #tpu.memory_space<vmem>>
    %dma_start3A_73 = arith.constant 0 : i32
    %dma_start3A_74 = arith.constant 0 : i32
    %dma_start3A_75 = tpu.memref_slice %arg2[%dma_start3A_73, %dma_start3A_74] : memref<780x128xf32, #tpu.memory_space<hbm>> -> memref<780x128xf32, #tpu.memory_space<hbm>>
    tpu.enqueue_indirect_dma source(%dma_start3A_75 : memref<780x128xf32, #tpu.memory_space<hbm>>) target(%arg6 : memref<320x128xf32, #tpu.memory_space<vmem>>) offsets(%dma_start3A_72 : memref<320xi32, #tpu.memory_space<vmem>>) semaphore(%arg8 : memref<!tpu.dma_semaphore, #tpu.memory_space<semaphore_mem>>)
    %add3A_76 = arith.constant 960 : i32
    %add3A_77 = arith.addi %mul3A_2, %add3A_76 : i32
    %dma_start3A_78 = arith.constant 0 : i32
    %dma_start3A_79 = tpu.memref_slice %arg4[%add3A_77, %dma_start3A_78] : memref<51200x128xf32, #tpu.memory_space<hbm>> -> memref<320x128xf32, #tpu.memory_space<hbm>>
    %dma_start3A_80 = arith.constant 0 : i32
    %dma_start3A_81 = tpu.memref_slice %arg4[%add3A_77, %dma_start3A_80] : memref<51200x128xf32, #tpu.memory_space<hbm>> -> memref<320x128xf32, #tpu.memory_space<hbm>>
    tpu.enqueue_dma source(%arg7 : memref<320x128xf32, #tpu.memory_space<vmem>>) target(%dma_start3A_81 : memref<320x128xf32, #tpu.memory_space<hbm>>) target_semaphore(%arg9 : memref<!tpu.dma_semaphore, #tpu.memory_space<semaphore_mem>>)
    %dma_wait3A_82 = arith.constant 1280 : i32
    %dma_wait3A_83 = tpu.memref_slice %arg5[%dma_wait3A_82] : memref<1600xi32, #tpu.memory_space<vmem>> -> memref<320xi32, #tpu.memory_space<vmem>>
    %dma_wait3A_84 = arith.constant 0 : i32
    %dma_wait3A_85 = arith.constant 0 : i32
    %dma_wait3A_86 = tpu.memref_slice %arg2[%dma_wait3A_84, %dma_wait3A_85] : memref<780x128xf32, #tpu.memory_space<hbm>> -> memref<780x128xf32, #tpu.memory_space<hbm>>
    tpu.wait_indirect_dma semaphore(%arg8 : memref<!tpu.dma_semaphore, #tpu.memory_space<semaphore_mem>>) src(%dma_wait3A_86 : memref<780x128xf32, #tpu.memory_space<hbm>>) dst(%arg6 : memref<320x128xf32, #tpu.memory_space<vmem>>)
    %dma_wait3A_87 = arith.constant 0 : i32
    %dma_wait3A_88 = tpu.memref_slice %arg4[%add3A_77, %dma_wait3A_87] : memref<51200x128xf32, #tpu.memory_space<hbm>> -> memref<320x128xf32, #tpu.memory_space<hbm>>
    %dma_wait3A_89 = arith.constant 0 : i32
    %dma_wait3A_90 = tpu.memref_slice %arg4[%add3A_77, %dma_wait3A_89] : memref<51200x128xf32, #tpu.memory_space<hbm>> -> memref<320x128xf32, #tpu.memory_space<hbm>>
    tpu.wait_dma2 semaphore(%arg9 : memref<!tpu.dma_semaphore, #tpu.memory_space<semaphore_mem>>) src(%arg7 : memref<320x128xf32, #tpu.memory_space<vmem>>) dst(%dma_wait3A_90 : memref<320x128xf32, #tpu.memory_space<hbm>>)
    %add3A_91 = arith.constant 1280 : i32
    %add3A_92 = arith.addi %mul3A_2, %add3A_91 : i32
    %dma_start3A_93 = arith.constant 0 : i32
    %dma_start3A_94 = tpu.memref_slice %arg4[%add3A_92, %dma_start3A_93] : memref<51200x128xf32, #tpu.memory_space<hbm>> -> memref<320x128xf32, #tpu.memory_space<hbm>>
    %dma_start3A_95 = arith.constant 0 : i32
    %dma_start3A_96 = tpu.memref_slice %arg4[%add3A_92, %dma_start3A_95] : memref<51200x128xf32, #tpu.memory_space<hbm>> -> memref<320x128xf32, #tpu.memory_space<hbm>>
    tpu.enqueue_dma source(%arg6 : memref<320x128xf32, #tpu.memory_space<vmem>>) target(%dma_start3A_96 : memref<320x128xf32, #tpu.memory_space<hbm>>) target_semaphore(%arg9 : memref<!tpu.dma_semaphore, #tpu.memory_space<semaphore_mem>>)
    %dma_wait3A_97 = arith.constant 0 : i32
    %dma_wait3A_98 = tpu.memref_slice %arg4[%add3A_92, %dma_wait3A_97] : memref<51200x128xf32, #tpu.memory_space<hbm>> -> memref<320x128xf32, #tpu.memory_space<hbm>>
    %dma_wait3A_99 = arith.constant 0 : i32
    %dma_wait3A_100 = tpu.memref_slice %arg4[%add3A_92, %dma_wait3A_99] : memref<51200x128xf32, #tpu.memory_space<hbm>> -> memref<320x128xf32, #tpu.memory_space<hbm>>
    tpu.wait_dma2 semaphore(%arg9 : memref<!tpu.dma_semaphore, #tpu.memory_space<semaphore_mem>>) src(%arg6 : memref<320x128xf32, #tpu.memory_space<vmem>>) dst(%dma_wait3A_100 : memref<320x128xf32, #tpu.memory_space<hbm>>)
    return
  }
}

module attributes {stable_mosaic.version = 14 : i64} {
  func.func @body(%arg0: i32, %arg1: memref<1x10240x128xf32, #tpu.memory_space<vmem>>, %arg2: memref<128x128xf32, #tpu.memory_space<vmem>>, %arg3: memref<128x128xf32, #tpu.memory_space<vmem>>, %arg4: memref<1x128xf32, #tpu.memory_space<vmem>>, %arg5: memref<128x128xf32, #tpu.memory_space<vmem>>, %arg6: memref<128x128xf32, #tpu.memory_space<vmem>>, %arg7: memref<1x128xf32, #tpu.memory_space<vmem>>, %arg8: memref<128x128xf32, #tpu.memory_space<vmem>>, %arg9: memref<128x128xf32, #tpu.memory_space<vmem>>, %arg10: memref<1x128xf32, #tpu.memory_space<vmem>>, %arg11: memref<128x128xf32, #tpu.memory_space<vmem>>, %arg12: memref<128x128xf32, #tpu.memory_space<vmem>>, %arg13: memref<1x128xf32, #tpu.memory_space<vmem>>, %arg14: memref<100800x128xf32, #tpu.memory_space<any>>, %arg15: memref<100800x128xf32, #tpu.memory_space<any>>, %arg16: memref<1x80x128xf32, #tpu.memory_space<vmem>>, %arg17: memref<10080x128xf32, #tpu.memory_space<vmem>>, %arg18: memref<10080x128xf32, #tpu.memory_space<vmem>>, %arg19: memref<12x!tpu.dma_semaphore, #tpu.memory_space<semaphore_mem>>) attributes {dimension_semantics = [#tpu.dimension_semantics<arbitrary>], iteration_bounds = array<i64: 5>, scalar_prefetch = 0 : i64, scratch_operands = 3 : i64, tpu.core_type = #tpu.core_type<tc>, window_params = [{transform_indices = @transform_0, window_bounds = array<i64: 1, 10240, 128>}, {pipeline_mode = #tpu.pipeline_mode<synchronous>, transform_indices = @transform_1, window_bounds = array<i64: 128, 128>}, {pipeline_mode = #tpu.pipeline_mode<synchronous>, transform_indices = @transform_2, window_bounds = array<i64: 128, 128>}, {pipeline_mode = #tpu.pipeline_mode<synchronous>, transform_indices = @transform_3, window_bounds = array<i64: 1, 128>}, {pipeline_mode = #tpu.pipeline_mode<synchronous>, transform_indices = @transform_4, window_bounds = array<i64: 128, 128>}, {pipeline_mode = #tpu.pipeline_mode<synchronous>, transform_indices = @transform_5, window_bounds = array<i64: 128, 128>}, {pipeline_mode = #tpu.pipeline_mode<synchronous>, transform_indices = @transform_6, window_bounds = array<i64: 1, 128>}, {pipeline_mode = #tpu.pipeline_mode<synchronous>, transform_indices = @transform_7, window_bounds = array<i64: 128, 128>}, {pipeline_mode = #tpu.pipeline_mode<synchronous>, transform_indices = @transform_8, window_bounds = array<i64: 128, 128>}, {pipeline_mode = #tpu.pipeline_mode<synchronous>, transform_indices = @transform_9, window_bounds = array<i64: 1, 128>}, {pipeline_mode = #tpu.pipeline_mode<synchronous>, transform_indices = @transform_10, window_bounds = array<i64: 128, 128>}, {pipeline_mode = #tpu.pipeline_mode<synchronous>, transform_indices = @transform_11, window_bounds = array<i64: 128, 128>}, {pipeline_mode = #tpu.pipeline_mode<synchronous>, transform_indices = @transform_12, window_bounds = array<i64: 1, 128>}, {}, {}, {transform_indices = @transform_15, window_bounds = array<i64: 1, 80, 128>}]} {
    %get3A = arith.constant 0 : index
    %get3A_0 = arith.constant 0 : index
    %get3A_1 = arith.constant 0 : index
    %get3A_2 = vector.load %arg1[%get3A, %get3A_0, %get3A_1] : memref<1x10240x128xf32, #tpu.memory_space<vmem>>, vector<1x80x128xf32>
    %get3A_3 = vector.shape_cast %get3A_2 : vector<1x80x128xf32> to vector<80x128xf32>
    %get3A_4 = arith.constant 0 : index
    %get3A_5 = arith.constant 80 : index
    %get3A_6 = arith.constant 0 : index
    %get3A_7 = vector.load %arg1[%get3A_4, %get3A_5, %get3A_6] : memref<1x10240x128xf32, #tpu.memory_space<vmem>>, vector<1x160x128xf32>
    %get3A_8 = vector.shape_cast %get3A_7 : vector<1x160x128xf32> to vector<160x128xf32>
    %get3A_9 = arith.constant 0 : index
    %get3A_10 = arith.constant 240 : index
    %get3A_11 = arith.constant 0 : index
    %get3A_12 = vector.load %arg1[%get3A_9, %get3A_10, %get3A_11] : memref<1x10240x128xf32, #tpu.memory_space<vmem>>, vector<1x320x128xf32>
    %get3A_13 = vector.shape_cast %get3A_12 : vector<1x320x128xf32> to vector<320x128xf32>
    %get3A_14 = arith.constant 0 : index
    %get3A_15 = arith.constant 560 : index
    %get3A_16 = arith.constant 0 : index
    %get3A_17 = vector.load %arg1[%get3A_14, %get3A_15, %get3A_16] : memref<1x10240x128xf32, #tpu.memory_space<vmem>>, vector<1x640x128xf32>
    %get3A_18 = vector.shape_cast %get3A_17 : vector<1x640x128xf32> to vector<640x128xf32>
    %get3A_19 = arith.constant 0 : index
    %get3A_20 = arith.constant 1200 : index
    %get3A_21 = arith.constant 0 : index
    %get3A_22 = vector.load %arg1[%get3A_19, %get3A_20, %get3A_21] : memref<1x10240x128xf32, #tpu.memory_space<vmem>>, vector<1x1280x128xf32>
    %get3A_23 = vector.shape_cast %get3A_22 : vector<1x1280x128xf32> to vector<1280x128xf32>
    %get3A_24 = arith.constant 0 : index
    %get3A_25 = arith.constant 2480 : index
    %get3A_26 = arith.constant 0 : index
    %get3A_27 = vector.load %arg1[%get3A_24, %get3A_25, %get3A_26] : memref<1x10240x128xf32, #tpu.memory_space<vmem>>, vector<1x2560x128xf32>
    %get3A_28 = vector.shape_cast %get3A_27 : vector<1x2560x128xf32> to vector<2560x128xf32>
    %get3A_29 = arith.constant 0 : index
    %get3A_30 = arith.constant 5040 : index
    %get3A_31 = arith.constant 0 : index
    %get3A_32 = vector.load %arg1[%get3A_29, %get3A_30, %get3A_31] : memref<1x10240x128xf32, #tpu.memory_space<vmem>>, vector<1x5120x128xf32>
    %get3A_33 = vector.shape_cast %get3A_32 : vector<1x5120x128xf32> to vector<5120x128xf32>
    %get3A_34 = arith.constant 0 : index
    %get3A_35 = arith.constant 0 : index
    %get3A_36 = vector.load %arg2[%get3A_34, %get3A_35] : memref<128x128xf32, #tpu.memory_space<vmem>>, vector<128x128xf32>
    %get3A_37 = arith.constant 0 : index
    %get3A_38 = arith.constant 0 : index
    %get3A_39 = vector.load %arg3[%get3A_37, %get3A_38] : memref<128x128xf32, #tpu.memory_space<vmem>>, vector<128x128xf32>
    %get3A_40 = arith.constant 0 : index
    %get3A_41 = arith.constant 0 : index
    %get3A_42 = vector.load %arg4[%get3A_40, %get3A_41] : memref<1x128xf32, #tpu.memory_space<vmem>>, vector<1x128xf32>
    %get3A_43 = arith.constant 0 : index
    %get3A_44 = arith.constant 0 : index
    %get3A_45 = vector.load %arg5[%get3A_43, %get3A_44] : memref<128x128xf32, #tpu.memory_space<vmem>>, vector<128x128xf32>
    %get3A_46 = arith.constant 0 : index
    %get3A_47 = arith.constant 0 : index
    %get3A_48 = vector.load %arg6[%get3A_46, %get3A_47] : memref<128x128xf32, #tpu.memory_space<vmem>>, vector<128x128xf32>
    %get3A_49 = arith.constant 0 : index
    %get3A_50 = arith.constant 0 : index
    %get3A_51 = vector.load %arg7[%get3A_49, %get3A_50] : memref<1x128xf32, #tpu.memory_space<vmem>>, vector<1x128xf32>
    %get3A_52 = arith.constant 0 : index
    %get3A_53 = arith.constant 0 : index
    %get3A_54 = vector.load %arg8[%get3A_52, %get3A_53] : memref<128x128xf32, #tpu.memory_space<vmem>>, vector<128x128xf32>
    %get3A_55 = arith.constant 0 : index
    %get3A_56 = arith.constant 0 : index
    %get3A_57 = vector.load %arg9[%get3A_55, %get3A_56] : memref<128x128xf32, #tpu.memory_space<vmem>>, vector<128x128xf32>
    %get3A_58 = arith.constant 0 : index
    %get3A_59 = arith.constant 0 : index
    %get3A_60 = vector.load %arg10[%get3A_58, %get3A_59] : memref<1x128xf32, #tpu.memory_space<vmem>>, vector<1x128xf32>
    %broadcast_in_dim3A = arith.constant 0.000000e+00 : f32
    %broadcast_in_dim3A_61 = vector.broadcast %broadcast_in_dim3A : f32 to vector<5120x128xf32>
    %broadcast_in_dim3A_62 = arith.constant 0.000000e+00 : f32
    %broadcast_in_dim3A_63 = vector.broadcast %broadcast_in_dim3A_62 : f32 to vector<5120x128xf32>
    %dot_general3A = arith.constant dense<0.000000e+00> : vector<5120x128xf32>
    %dot_general3A_64 = tpu.matmul %get3A_33, %get3A_36, %dot_general3A {dimension_numbers = #tpu.dot_dimension_numbers<[1], [1], [0], [0], [0, 0, 1, 0], [], []>, transpose_lhs_hint = false} : vector<5120x128xf32>, vector<128x128xf32>, vector<5120x128xf32> -> vector<5120x128xf32>
    %dot_general3A_65 = arith.constant dense<0.000000e+00> : vector<5120x128xf32>
    %dot_general3A_66 = tpu.matmul %broadcast_in_dim3A_61, %get3A_39, %dot_general3A_65 {dimension_numbers = #tpu.dot_dimension_numbers<[1], [1], [0], [0], [0, 0, 1, 0], [], []>, transpose_lhs_hint = false} : vector<5120x128xf32>, vector<128x128xf32>, vector<5120x128xf32> -> vector<5120x128xf32>
    %add3A = arith.addf %dot_general3A_64, %dot_general3A_66 : vector<5120x128xf32>
    %add3A_67 = vector.broadcast %get3A_42 : vector<1x128xf32> to vector<5120x128xf32>
    %add3A_68 = arith.addf %add3A, %add3A_67 : vector<5120x128xf32>
    %neg3A = arith.constant 0.000000e+00 : f32
    %neg3A_69 = vector.broadcast %neg3A : f32 to vector<5120x128xf32>
    %neg3A_70 = arith.subf %neg3A_69, %add3A_68 : vector<5120x128xf32>
    %exp3A = math.exp %neg3A_70 : vector<5120x128xf32>
    %add3A_71 = arith.constant 1.000000e+00 : f32
    %add3A_72 = vector.broadcast %add3A_71 : f32 to vector<5120x128xf32>
    %add3A_73 = arith.addf %add3A_72, %exp3A : vector<5120x128xf32>
    %div3A = arith.constant 1.000000e+00 : f32
    %div3A_74 = vector.broadcast %div3A : f32 to vector<5120x128xf32>
    %div3A_75 = arith.divf %div3A_74, %add3A_73 : vector<5120x128xf32>
    %dot_general3A_76 = arith.constant dense<0.000000e+00> : vector<5120x128xf32>
    %dot_general3A_77 = tpu.matmul %get3A_33, %get3A_45, %dot_general3A_76 {dimension_numbers = #tpu.dot_dimension_numbers<[1], [1], [0], [0], [0, 0, 1, 0], [], []>, transpose_lhs_hint = false} : vector<5120x128xf32>, vector<128x128xf32>, vector<5120x128xf32> -> vector<5120x128xf32>
    %dot_general3A_78 = arith.constant dense<0.000000e+00> : vector<5120x128xf32>
    %dot_general3A_79 = tpu.matmul %broadcast_in_dim3A_63, %get3A_48, %dot_general3A_78 {dimension_numbers = #tpu.dot_dimension_numbers<[1], [1], [0], [0], [0, 0, 1, 0], [], []>, transpose_lhs_hint = false} : vector<5120x128xf32>, vector<128x128xf32>, vector<5120x128xf32> -> vector<5120x128xf32>
    %add3A_80 = arith.addf %dot_general3A_77, %dot_general3A_79 : vector<5120x128xf32>
    %add3A_81 = vector.broadcast %get3A_51 : vector<1x128xf32> to vector<5120x128xf32>
    %add3A_82 = arith.addf %add3A_80, %add3A_81 : vector<5120x128xf32>
    %tanh3A = math.tanh %add3A_82 : vector<5120x128xf32>
    %sub3A = arith.constant 1.000000e+00 : f32
    %sub3A_83 = vector.broadcast %sub3A : f32 to vector<5120x128xf32>
    %sub3A_84 = arith.subf %sub3A_83, %div3A_75 : vector<5120x128xf32>
    %mul3A = arith.mulf %sub3A_84, %broadcast_in_dim3A_61 : vector<5120x128xf32>
    %mul3A_85 = arith.mulf %div3A_75, %tanh3A : vector<5120x128xf32>
    %add3A_86 = arith.addf %mul3A, %mul3A_85 : vector<5120x128xf32>
    %dot_general3A_87 = arith.constant dense<0.000000e+00> : vector<2560x128xf32>
    %dot_general3A_88 = tpu.matmul %get3A_28, %get3A_54, %dot_general3A_87 {dimension_numbers = #tpu.dot_dimension_numbers<[1], [1], [0], [0], [0, 0, 1, 0], [], []>, transpose_lhs_hint = false} : vector<2560x128xf32>, vector<128x128xf32>, vector<2560x128xf32> -> vector<2560x128xf32>
    %concatenate3A = tpu.concatenate %dot_general3A_88, %dot_general3A_88 in 1 : vector<2560x128xf32>, vector<2560x128xf32> -> vector<2560x256xf32>
    %reshape3A = vector.shape_cast %concatenate3A : vector<2560x256xf32> to vector<5120x128xf32>
    %dot_general3A_89 = arith.constant dense<0.000000e+00> : vector<5120x128xf32>
    %dot_general3A_90 = tpu.matmul %add3A_86, %get3A_57, %dot_general3A_89 {dimension_numbers = #tpu.dot_dimension_numbers<[1], [1], [0], [0], [0, 0, 1, 0], [], []>, transpose_lhs_hint = false} : vector<5120x128xf32>, vector<128x128xf32>, vector<5120x128xf32> -> vector<5120x128xf32>
    %add3A_91 = arith.addf %reshape3A, %dot_general3A_90 : vector<5120x128xf32>
    %add3A_92 = vector.broadcast %get3A_60 : vector<1x128xf32> to vector<5120x128xf32>
    %add3A_93 = arith.addf %add3A_91, %add3A_92 : vector<5120x128xf32>
    %neg3A_94 = arith.constant 0.000000e+00 : f32
    %neg3A_95 = vector.broadcast %neg3A_94 : f32 to vector<5120x128xf32>
    %neg3A_96 = arith.subf %neg3A_95, %add3A_93 : vector<5120x128xf32>
    %exp3A_97 = math.exp %neg3A_96 : vector<5120x128xf32>
    %add3A_98 = arith.constant 1.000000e+00 : f32
    %add3A_99 = vector.broadcast %add3A_98 : f32 to vector<5120x128xf32>
    %add3A_100 = arith.addf %add3A_99, %exp3A_97 : vector<5120x128xf32>
    %div3A_101 = arith.constant 1.000000e+00 : f32
    %div3A_102 = vector.broadcast %div3A_101 : f32 to vector<5120x128xf32>
    %div3A_103 = arith.divf %div3A_102, %add3A_100 : vector<5120x128xf32>
    %swap3A = arith.constant 4960 : index
    %swap3A_104 = arith.constant 0 : index
    %swap3A_105 = vector.load %arg17[%swap3A, %swap3A_104] : memref<10080x128xf32, #tpu.memory_space<vmem>>, vector<5120x128xf32>
    tpu.vector_store %arg17[%swap3A, %swap3A_104], %add3A_86 {strides = array<i32>} : memref<10080x128xf32, #tpu.memory_space<vmem>>, vector<5120x128xf32>,
    %mul3A_106 = arith.constant 5120 : i32
    %mul3A_107 = arith.muli %arg0, %mul3A_106 : i32
    %add3A_108 = arith.constant 49600 : i32
    %add3A_109 = arith.addi %add3A_108, %mul3A_107 : i32
    %dma_start3A = arith.constant 5 : i32
    %dma_start3A_110 = tpu.memref_slice %arg19[%dma_start3A] : memref<12x!tpu.dma_semaphore, #tpu.memory_space<semaphore_mem>> -> memref<1x!tpu.dma_semaphore, #tpu.memory_space<semaphore_mem>>
    %dma_start3A_111 = tpu.memref_squeeze %dma_start3A_110 : memref<1x!tpu.dma_semaphore, #tpu.memory_space<semaphore_mem>> -> memref<!tpu.dma_semaphore, #tpu.memory_space<semaphore_mem>>
    %dma_start3A_112 = arith.constant 0 : i32
    %dma_start3A_113 = tpu.memref_slice %arg14[%add3A_109, %dma_start3A_112] : memref<100800x128xf32, #tpu.memory_space<any>> -> memref<5120x128xf32, #tpu.memory_space<any>>
    %dma_start3A_114 = arith.constant 4960 : i32
    %dma_start3A_115 = arith.constant 0 : i32
    %dma_start3A_116 = tpu.memref_slice %arg17[%dma_start3A_114, %dma_start3A_115] : memref<10080x128xf32, #tpu.memory_space<vmem>> -> memref<5120x128xf32, #tpu.memory_space<vmem>>
    tpu.enqueue_dma source(%dma_start3A_116 : memref<5120x128xf32, #tpu.memory_space<vmem>>) target(%dma_start3A_113 : memref<5120x128xf32, #tpu.memory_space<any>>) target_semaphore(%dma_start3A_111 : memref<!tpu.dma_semaphore, #tpu.memory_space<semaphore_mem>>)
    %reshape3A_117 = vector.shape_cast %add3A_86 : vector<5120x128xf32> to vector<2560x256xf32>
    %mul3A_118 = arith.mulf %add3A_86, %div3A_103 : vector<5120x128xf32>
    %reshape3A_119 = vector.shape_cast %mul3A_118 : vector<5120x128xf32> to vector<2560x256xf32>
    %slice3A = vector.extract_strided_slice %reshape3A_117 {offsets = [0, 0], sizes = [2560, 128], strides = [1, 1]} : vector<2560x256xf32> to vector<2560x128xf32>
    %slice3A_120 = vector.extract_strided_slice %reshape3A_117 {offsets = [0, 128], sizes = [2560, 128], strides = [1, 1]} : vector<2560x256xf32> to vector<2560x128xf32>
    %add3A_121 = arith.addf %slice3A, %slice3A_120 : vector<2560x128xf32>
    %slice3A_122 = vector.extract_strided_slice %reshape3A_119 {offsets = [0, 0], sizes = [2560, 128], strides = [1, 1]} : vector<2560x256xf32> to vector<2560x128xf32>
    %slice3A_123 = vector.extract_strided_slice %reshape3A_119 {offsets = [0, 128], sizes = [2560, 128], strides = [1, 1]} : vector<2560x256xf32> to vector<2560x128xf32>
    %add3A_124 = arith.addf %slice3A_122, %slice3A_123 : vector<2560x128xf32>
    %dot_general3A_125 = arith.constant dense<0.000000e+00> : vector<2560x128xf32>
    %dot_general3A_126 = tpu.matmul %get3A_28, %get3A_36, %dot_general3A_125 {dimension_numbers = #tpu.dot_dimension_numbers<[1], [1], [0], [0], [0, 0, 1, 0], [], []>, transpose_lhs_hint = false} : vector<2560x128xf32>, vector<128x128xf32>, vector<2560x128xf32> -> vector<2560x128xf32>
    %dot_general3A_127 = arith.constant dense<0.000000e+00> : vector<2560x128xf32>
    %dot_general3A_128 = tpu.matmul %add3A_121, %get3A_39, %dot_general3A_127 {dimension_numbers = #tpu.dot_dimension_numbers<[1], [1], [0], [0], [0, 0, 1, 0], [], []>, transpose_lhs_hint = false} : vector<2560x128xf32>, vector<128x128xf32>, vector<2560x128xf32> -> vector<2560x128xf32>
    %add3A_129 = arith.addf %dot_general3A_126, %dot_general3A_128 : vector<2560x128xf32>
    %add3A_130 = vector.broadcast %get3A_42 : vector<1x128xf32> to vector<2560x128xf32>
    %add3A_131 = arith.addf %add3A_129, %add3A_130 : vector<2560x128xf32>
    %neg3A_132 = arith.constant 0.000000e+00 : f32
    %neg3A_133 = vector.broadcast %neg3A_132 : f32 to vector<2560x128xf32>
    %neg3A_134 = arith.subf %neg3A_133, %add3A_131 : vector<2560x128xf32>
    %exp3A_135 = math.exp %neg3A_134 : vector<2560x128xf32>
    %add3A_136 = arith.constant 1.000000e+00 : f32
    %add3A_137 = vector.broadcast %add3A_136 : f32 to vector<2560x128xf32>
    %add3A_138 = arith.addf %add3A_137, %exp3A_135 : vector<2560x128xf32>
    %div3A_139 = arith.constant 1.000000e+00 : f32
    %div3A_140 = vector.broadcast %div3A_139 : f32 to vector<2560x128xf32>
    %div3A_141 = arith.divf %div3A_140, %add3A_138 : vector<2560x128xf32>
    %dot_general3A_142 = arith.constant dense<0.000000e+00> : vector<2560x128xf32>
    %dot_general3A_143 = tpu.matmul %get3A_28, %get3A_45, %dot_general3A_142 {dimension_numbers = #tpu.dot_dimension_numbers<[1], [1], [0], [0], [0, 0, 1, 0], [], []>, transpose_lhs_hint = false} : vector<2560x128xf32>, vector<128x128xf32>, vector<2560x128xf32> -> vector<2560x128xf32>
    %dot_general3A_144 = arith.constant dense<0.000000e+00> : vector<2560x128xf32>
    %dot_general3A_145 = tpu.matmul %add3A_124, %get3A_48, %dot_general3A_144 {dimension_numbers = #tpu.dot_dimension_numbers<[1], [1], [0], [0], [0, 0, 1, 0], [], []>, transpose_lhs_hint = false} : vector<2560x128xf32>, vector<128x128xf32>, vector<2560x128xf32> -> vector<2560x128xf32>
    %add3A_146 = arith.addf %dot_general3A_143, %dot_general3A_145 : vector<2560x128xf32>
    %add3A_147 = vector.broadcast %get3A_51 : vector<1x128xf32> to vector<2560x128xf32>
    %add3A_148 = arith.addf %add3A_146, %add3A_147 : vector<2560x128xf32>
    %tanh3A_149 = math.tanh %add3A_148 : vector<2560x128xf32>
    %sub3A_150 = arith.constant 1.000000e+00 : f32
    %sub3A_151 = vector.broadcast %sub3A_150 : f32 to vector<2560x128xf32>
    %sub3A_152 = arith.subf %sub3A_151, %div3A_141 : vector<2560x128xf32>
    %mul3A_153 = arith.mulf %sub3A_152, %add3A_121 : vector<2560x128xf32>
    %mul3A_154 = arith.mulf %div3A_141, %tanh3A_149 : vector<2560x128xf32>
    %add3A_155 = arith.addf %mul3A_153, %mul3A_154 : vector<2560x128xf32>
    %dot_general3A_156 = arith.constant dense<0.000000e+00> : vector<1280x128xf32>
    %dot_general3A_157 = tpu.matmul %get3A_23, %get3A_54, %dot_general3A_156 {dimension_numbers = #tpu.dot_dimension_numbers<[1], [1], [0], [0], [0, 0, 1, 0], [], []>, transpose_lhs_hint = false} : vector<1280x128xf32>, vector<128x128xf32>, vector<1280x128xf32> -> vector<1280x128xf32>
    %concatenate3A_158 = tpu.concatenate %dot_general3A_157, %dot_general3A_157 in 1 : vector<1280x128xf32>, vector<1280x128xf32> -> vector<1280x256xf32>
    %reshape3A_159 = vector.shape_cast %concatenate3A_158 : vector<1280x256xf32> to vector<2560x128xf32>
    %dot_general3A_160 = arith.constant dense<0.000000e+00> : vector<2560x128xf32>
    %dot_general3A_161 = tpu.matmul %add3A_155, %get3A_57, %dot_general3A_160 {dimension_numbers = #tpu.dot_dimension_numbers<[1], [1], [0], [0], [0, 0, 1, 0], [], []>, transpose_lhs_hint = false} : vector<2560x128xf32>, vector<128x128xf32>, vector<2560x128xf32> -> vector<2560x128xf32>
    %add3A_162 = arith.addf %reshape3A_159, %dot_general3A_161 : vector<2560x128xf32>
    %add3A_163 = vector.broadcast %get3A_60 : vector<1x128xf32> to vector<2560x128xf32>
    %add3A_164 = arith.addf %add3A_162, %add3A_163 : vector<2560x128xf32>
    %neg3A_165 = arith.constant 0.000000e+00 : f32
    %neg3A_166 = vector.broadcast %neg3A_165 : f32 to vector<2560x128xf32>
    %neg3A_167 = arith.subf %neg3A_166, %add3A_164 : vector<2560x128xf32>
    %exp3A_168 = math.exp %neg3A_167 : vector<2560x128xf32>
    %add3A_169 = arith.constant 1.000000e+00 : f32
    %add3A_170 = vector.broadcast %add3A_169 : f32 to vector<2560x128xf32>
    %add3A_171 = arith.addf %add3A_170, %exp3A_168 : vector<2560x128xf32>
    %div3A_172 = arith.constant 1.000000e+00 : f32
    %div3A_173 = vector.broadcast %div3A_172 : f32 to vector<2560x128xf32>
    %div3A_174 = arith.divf %div3A_173, %add3A_171 : vector<2560x128xf32>
    %swap3A_175 = arith.constant 2400 : index
    %swap3A_176 = arith.constant 0 : index
    %swap3A_177 = vector.load %arg17[%swap3A_175, %swap3A_176] : memref<10080x128xf32, #tpu.memory_space<vmem>>, vector<2560x128xf32>
    tpu.vector_store %arg17[%swap3A_175, %swap3A_176], %add3A_155 {strides = array<i32>} : memref<10080x128xf32, #tpu.memory_space<vmem>>, vector<2560x128xf32>,
    %mul3A_178 = arith.constant 2560 : i32
    %mul3A_179 = arith.muli %arg0, %mul3A_178 : i32
    %add3A_180 = arith.constant 24000 : i32
    %add3A_181 = arith.addi %add3A_180, %mul3A_179 : i32
    %dma_start3A_182 = arith.constant 4 : i32
    %dma_start3A_183 = tpu.memref_slice %arg19[%dma_start3A_182] : memref<12x!tpu.dma_semaphore, #tpu.memory_space<semaphore_mem>> -> memref<1x!tpu.dma_semaphore, #tpu.memory_space<semaphore_mem>>
    %dma_start3A_184 = tpu.memref_squeeze %dma_start3A_183 : memref<1x!tpu.dma_semaphore, #tpu.memory_space<semaphore_mem>> -> memref<!tpu.dma_semaphore, #tpu.memory_space<semaphore_mem>>
    %dma_start3A_185 = arith.constant 0 : i32
    %dma_start3A_186 = tpu.memref_slice %arg14[%add3A_181, %dma_start3A_185] : memref<100800x128xf32, #tpu.memory_space<any>> -> memref<2560x128xf32, #tpu.memory_space<any>>
    %dma_start3A_187 = arith.constant 2400 : i32
    %dma_start3A_188 = arith.constant 0 : i32
    %dma_start3A_189 = tpu.memref_slice %arg17[%dma_start3A_187, %dma_start3A_188] : memref<10080x128xf32, #tpu.memory_space<vmem>> -> memref<2560x128xf32, #tpu.memory_space<vmem>>
    tpu.enqueue_dma source(%dma_start3A_189 : memref<2560x128xf32, #tpu.memory_space<vmem>>) target(%dma_start3A_186 : memref<2560x128xf32, #tpu.memory_space<any>>) target_semaphore(%dma_start3A_184 : memref<!tpu.dma_semaphore, #tpu.memory_space<semaphore_mem>>)
    %reshape3A_190 = vector.shape_cast %add3A_155 : vector<2560x128xf32> to vector<1280x256xf32>
    %mul3A_191 = arith.mulf %add3A_155, %div3A_174 : vector<2560x128xf32>
    %reshape3A_192 = vector.shape_cast %mul3A_191 : vector<2560x128xf32> to vector<1280x256xf32>
    %slice3A_193 = vector.extract_strided_slice %reshape3A_190 {offsets = [0, 0], sizes = [1280, 128], strides = [1, 1]} : vector<1280x256xf32> to vector<1280x128xf32>
    %slice3A_194 = vector.extract_strided_slice %reshape3A_190 {offsets = [0, 128], sizes = [1280, 128], strides = [1, 1]} : vector<1280x256xf32> to vector<1280x128xf32>
    %add3A_195 = arith.addf %slice3A_193, %slice3A_194 : vector<1280x128xf32>
    %slice3A_196 = vector.extract_strided_slice %reshape3A_192 {offsets = [0, 0], sizes = [1280, 128], strides = [1, 1]} : vector<1280x256xf32> to vector<1280x128xf32>
    %slice3A_197 = vector.extract_strided_slice %reshape3A_192 {offsets = [0, 128], sizes = [1280, 128], strides = [1, 1]} : vector<1280x256xf32> to vector<1280x128xf32>
    %add3A_198 = arith.addf %slice3A_196, %slice3A_197 : vector<1280x128xf32>
    %dot_general3A_199 = arith.constant dense<0.000000e+00> : vector<1280x128xf32>
    %dot_general3A_200 = tpu.matmul %get3A_23, %get3A_36, %dot_general3A_199 {dimension_numbers = #tpu.dot_dimension_numbers<[1], [1], [0], [0], [0, 0, 1, 0], [], []>, transpose_lhs_hint = false} : vector<1280x128xf32>, vector<128x128xf32>, vector<1280x128xf32> -> vector<1280x128xf32>
    %dot_general3A_201 = arith.constant dense<0.000000e+00> : vector<1280x128xf32>
    %dot_general3A_202 = tpu.matmul %add3A_195, %get3A_39, %dot_general3A_201 {dimension_numbers = #tpu.dot_dimension_numbers<[1], [1], [0], [0], [0, 0, 1, 0], [], []>, transpose_lhs_hint = false} : vector<1280x128xf32>, vector<128x128xf32>, vector<1280x128xf32> -> vector<1280x128xf32>
    %add3A_203 = arith.addf %dot_general3A_200, %dot_general3A_202 : vector<1280x128xf32>
    %add3A_204 = vector.broadcast %get3A_42 : vector<1x128xf32> to vector<1280x128xf32>
    %add3A_205 = arith.addf %add3A_203, %add3A_204 : vector<1280x128xf32>
    %neg3A_206 = arith.constant 0.000000e+00 : f32
    %neg3A_207 = vector.broadcast %neg3A_206 : f32 to vector<1280x128xf32>
    %neg3A_208 = arith.subf %neg3A_207, %add3A_205 : vector<1280x128xf32>
    %exp3A_209 = math.exp %neg3A_208 : vector<1280x128xf32>
    %add3A_210 = arith.constant 1.000000e+00 : f32
    %add3A_211 = vector.broadcast %add3A_210 : f32 to vector<1280x128xf32>
    %add3A_212 = arith.addf %add3A_211, %exp3A_209 : vector<1280x128xf32>
    %div3A_213 = arith.constant 1.000000e+00 : f32
    %div3A_214 = vector.broadcast %div3A_213 : f32 to vector<1280x128xf32>
    %div3A_215 = arith.divf %div3A_214, %add3A_212 : vector<1280x128xf32>
    %dot_general3A_216 = arith.constant dense<0.000000e+00> : vector<1280x128xf32>
    %dot_general3A_217 = tpu.matmul %get3A_23, %get3A_45, %dot_general3A_216 {dimension_numbers = #tpu.dot_dimension_numbers<[1], [1], [0], [0], [0, 0, 1, 0], [], []>, transpose_lhs_hint = false} : vector<1280x128xf32>, vector<128x128xf32>, vector<1280x128xf32> -> vector<1280x128xf32>
    %dot_general3A_218 = arith.constant dense<0.000000e+00> : vector<1280x128xf32>
    %dot_general3A_219 = tpu.matmul %add3A_198, %get3A_48, %dot_general3A_218 {dimension_numbers = #tpu.dot_dimension_numbers<[1], [1], [0], [0], [0, 0, 1, 0], [], []>, transpose_lhs_hint = false} : vector<1280x128xf32>, vector<128x128xf32>, vector<1280x128xf32> -> vector<1280x128xf32>
    %add3A_220 = arith.addf %dot_general3A_217, %dot_general3A_219 : vector<1280x128xf32>
    %add3A_221 = vector.broadcast %get3A_51 : vector<1x128xf32> to vector<1280x128xf32>
    %add3A_222 = arith.addf %add3A_220, %add3A_221 : vector<1280x128xf32>
    %tanh3A_223 = math.tanh %add3A_222 : vector<1280x128xf32>
    %sub3A_224 = arith.constant 1.000000e+00 : f32
    %sub3A_225 = vector.broadcast %sub3A_224 : f32 to vector<1280x128xf32>
    %sub3A_226 = arith.subf %sub3A_225, %div3A_215 : vector<1280x128xf32>
    %mul3A_227 = arith.mulf %sub3A_226, %add3A_195 : vector<1280x128xf32>
    %mul3A_228 = arith.mulf %div3A_215, %tanh3A_223 : vector<1280x128xf32>
    %add3A_229 = arith.addf %mul3A_227, %mul3A_228 : vector<1280x128xf32>
    %dot_general3A_230 = arith.constant dense<0.000000e+00> : vector<640x128xf32>
    %dot_general3A_231 = tpu.matmul %get3A_18, %get3A_54, %dot_general3A_230 {dimension_numbers = #tpu.dot_dimension_numbers<[1], [1], [0], [0], [0, 0, 1, 0], [], []>, transpose_lhs_hint = false} : vector<640x128xf32>, vector<128x128xf32>, vector<640x128xf32> -> vector<640x128xf32>
    %concatenate3A_232 = tpu.concatenate %dot_general3A_231, %dot_general3A_231 in 1 : vector<640x128xf32>, vector<640x128xf32> -> vector<640x256xf32>
    %reshape3A_233 = vector.shape_cast %concatenate3A_232 : vector<640x256xf32> to vector<1280x128xf32>
    %dot_general3A_234 = arith.constant dense<0.000000e+00> : vector<1280x128xf32>
    %dot_general3A_235 = tpu.matmul %add3A_229, %get3A_57, %dot_general3A_234 {dimension_numbers = #tpu.dot_dimension_numbers<[1], [1], [0], [0], [0, 0, 1, 0], [], []>, transpose_lhs_hint = false} : vector<1280x128xf32>, vector<128x128xf32>, vector<1280x128xf32> -> vector<1280x128xf32>
    %add3A_236 = arith.addf %reshape3A_233, %dot_general3A_235 : vector<1280x128xf32>
    %add3A_237 = vector.broadcast %get3A_60 : vector<1x128xf32> to vector<1280x128xf32>
    %add3A_238 = arith.addf %add3A_236, %add3A_237 : vector<1280x128xf32>
    %neg3A_239 = arith.constant 0.000000e+00 : f32
    %neg3A_240 = vector.broadcast %neg3A_239 : f32 to vector<1280x128xf32>
    %neg3A_241 = arith.subf %neg3A_240, %add3A_238 : vector<1280x128xf32>
    %exp3A_242 = math.exp %neg3A_241 : vector<1280x128xf32>
    %add3A_243 = arith.constant 1.000000e+00 : f32
    %add3A_244 = vector.broadcast %add3A_243 : f32 to vector<1280x128xf32>
    %add3A_245 = arith.addf %add3A_244, %exp3A_242 : vector<1280x128xf32>
    %div3A_246 = arith.constant 1.000000e+00 : f32
    %div3A_247 = vector.broadcast %div3A_246 : f32 to vector<1280x128xf32>
    %div3A_248 = arith.divf %div3A_247, %add3A_245 : vector<1280x128xf32>
    %swap3A_249 = arith.constant 1120 : index
    %swap3A_250 = arith.constant 0 : index
    %swap3A_251 = vector.load %arg17[%swap3A_249, %swap3A_250] : memref<10080x128xf32, #tpu.memory_space<vmem>>, vector<1280x128xf32>
    tpu.vector_store %arg17[%swap3A_249, %swap3A_250], %add3A_229 {strides = array<i32>} : memref<10080x128xf32, #tpu.memory_space<vmem>>, vector<1280x128xf32>,
    %mul3A_252 = arith.constant 1280 : i32
    %mul3A_253 = arith.muli %arg0, %mul3A_252 : i32
    %add3A_254 = arith.constant 11200 : i32
    %add3A_255 = arith.addi %add3A_254, %mul3A_253 : i32
    %dma_start3A_256 = arith.constant 3 : i32
    %dma_start3A_257 = tpu.memref_slice %arg19[%dma_start3A_256] : memref<12x!tpu.dma_semaphore, #tpu.memory_space<semaphore_mem>> -> memref<1x!tpu.dma_semaphore, #tpu.memory_space<semaphore_mem>>
    %dma_start3A_258 = tpu.memref_squeeze %dma_start3A_257 : memref<1x!tpu.dma_semaphore, #tpu.memory_space<semaphore_mem>> -> memref<!tpu.dma_semaphore, #tpu.memory_space<semaphore_mem>>
    %dma_start3A_259 = arith.constant 0 : i32
    %dma_start3A_260 = tpu.memref_slice %arg14[%add3A_255, %dma_start3A_259] : memref<100800x128xf32, #tpu.memory_space<any>> -> memref<1280x128xf32, #tpu.memory_space<any>>
    %dma_start3A_261 = arith.constant 1120 : i32
    %dma_start3A_262 = arith.constant 0 : i32
    %dma_start3A_263 = tpu.memref_slice %arg17[%dma_start3A_261, %dma_start3A_262] : memref<10080x128xf32, #tpu.memory_space<vmem>> -> memref<1280x128xf32, #tpu.memory_space<vmem>>
    tpu.enqueue_dma source(%dma_start3A_263 : memref<1280x128xf32, #tpu.memory_space<vmem>>) target(%dma_start3A_260 : memref<1280x128xf32, #tpu.memory_space<any>>) target_semaphore(%dma_start3A_258 : memref<!tpu.dma_semaphore, #tpu.memory_space<semaphore_mem>>)
    %reshape3A_264 = vector.shape_cast %add3A_229 : vector<1280x128xf32> to vector<640x256xf32>
    %mul3A_265 = arith.mulf %add3A_229, %div3A_248 : vector<1280x128xf32>
    %reshape3A_266 = vector.shape_cast %mul3A_265 : vector<1280x128xf32> to vector<640x256xf32>
    %slice3A_267 = vector.extract_strided_slice %reshape3A_264 {offsets = [0, 0], sizes = [640, 128], strides = [1, 1]} : vector<640x256xf32> to vector<640x128xf32>
    %slice3A_268 = vector.extract_strided_slice %reshape3A_264 {offsets = [0, 128], sizes = [640, 128], strides = [1, 1]} : vector<640x256xf32> to vector<640x128xf32>
    %add3A_269 = arith.addf %slice3A_267, %slice3A_268 : vector<640x128xf32>
    %slice3A_270 = vector.extract_strided_slice %reshape3A_266 {offsets = [0, 0], sizes = [640, 128], strides = [1, 1]} : vector<640x256xf32> to vector<640x128xf32>
    %slice3A_271 = vector.extract_strided_slice %reshape3A_266 {offsets = [0, 128], sizes = [640, 128], strides = [1, 1]} : vector<640x256xf32> to vector<640x128xf32>
    %add3A_272 = arith.addf %slice3A_270, %slice3A_271 : vector<640x128xf32>
    %dot_general3A_273 = arith.constant dense<0.000000e+00> : vector<640x128xf32>
    %dot_general3A_274 = tpu.matmul %get3A_18, %get3A_36, %dot_general3A_273 {dimension_numbers = #tpu.dot_dimension_numbers<[1], [1], [0], [0], [0, 0, 1, 0], [], []>, transpose_lhs_hint = false} : vector<640x128xf32>, vector<128x128xf32>, vector<640x128xf32> -> vector<640x128xf32>
    %dot_general3A_275 = arith.constant dense<0.000000e+00> : vector<640x128xf32>
    %dot_general3A_276 = tpu.matmul %add3A_269, %get3A_39, %dot_general3A_275 {dimension_numbers = #tpu.dot_dimension_numbers<[1], [1], [0], [0], [0, 0, 1, 0], [], []>, transpose_lhs_hint = false} : vector<640x128xf32>, vector<128x128xf32>, vector<640x128xf32> -> vector<640x128xf32>
    %add3A_277 = arith.addf %dot_general3A_274, %dot_general3A_276 : vector<640x128xf32>
    %add3A_278 = vector.broadcast %get3A_42 : vector<1x128xf32> to vector<640x128xf32>
    %add3A_279 = arith.addf %add3A_277, %add3A_278 : vector<640x128xf32>
    %neg3A_280 = arith.constant 0.000000e+00 : f32
    %neg3A_281 = vector.broadcast %neg3A_280 : f32 to vector<640x128xf32>
    %neg3A_282 = arith.subf %neg3A_281, %add3A_279 : vector<640x128xf32>
    %exp3A_283 = math.exp %neg3A_282 : vector<640x128xf32>
    %add3A_284 = arith.constant 1.000000e+00 : f32
    %add3A_285 = vector.broadcast %add3A_284 : f32 to vector<640x128xf32>
    %add3A_286 = arith.addf %add3A_285, %exp3A_283 : vector<640x128xf32>
    %div3A_287 = arith.constant 1.000000e+00 : f32
    %div3A_288 = vector.broadcast %div3A_287 : f32 to vector<640x128xf32>
    %div3A_289 = arith.divf %div3A_288, %add3A_286 : vector<640x128xf32>
    %dot_general3A_290 = arith.constant dense<0.000000e+00> : vector<640x128xf32>
    %dot_general3A_291 = tpu.matmul %get3A_18, %get3A_45, %dot_general3A_290 {dimension_numbers = #tpu.dot_dimension_numbers<[1], [1], [0], [0], [0, 0, 1, 0], [], []>, transpose_lhs_hint = false} : vector<640x128xf32>, vector<128x128xf32>, vector<640x128xf32> -> vector<640x128xf32>
    %dot_general3A_292 = arith.constant dense<0.000000e+00> : vector<640x128xf32>
    %dot_general3A_293 = tpu.matmul %add3A_272, %get3A_48, %dot_general3A_292 {dimension_numbers = #tpu.dot_dimension_numbers<[1], [1], [0], [0], [0, 0, 1, 0], [], []>, transpose_lhs_hint = false} : vector<640x128xf32>, vector<128x128xf32>, vector<640x128xf32> -> vector<640x128xf32>
    %add3A_294 = arith.addf %dot_general3A_291, %dot_general3A_293 : vector<640x128xf32>
    %add3A_295 = vector.broadcast %get3A_51 : vector<1x128xf32> to vector<640x128xf32>
    %add3A_296 = arith.addf %add3A_294, %add3A_295 : vector<640x128xf32>
    %tanh3A_297 = math.tanh %add3A_296 : vector<640x128xf32>
    %sub3A_298 = arith.constant 1.000000e+00 : f32
    %sub3A_299 = vector.broadcast %sub3A_298 : f32 to vector<640x128xf32>
    %sub3A_300 = arith.subf %sub3A_299, %div3A_289 : vector<640x128xf32>
    %mul3A_301 = arith.mulf %sub3A_300, %add3A_269 : vector<640x128xf32>
    %mul3A_302 = arith.mulf %div3A_289, %tanh3A_297 : vector<640x128xf32>
    %add3A_303 = arith.addf %mul3A_301, %mul3A_302 : vector<640x128xf32>
    %dot_general3A_304 = arith.constant dense<0.000000e+00> : vector<320x128xf32>
    %dot_general3A_305 = tpu.matmul %get3A_13, %get3A_54, %dot_general3A_304 {dimension_numbers = #tpu.dot_dimension_numbers<[1], [1], [0], [0], [0, 0, 1, 0], [], []>, transpose_lhs_hint = false} : vector<320x128xf32>, vector<128x128xf32>, vector<320x128xf32> -> vector<320x128xf32>
    %concatenate3A_306 = tpu.concatenate %dot_general3A_305, %dot_general3A_305 in 1 : vector<320x128xf32>, vector<320x128xf32> -> vector<320x256xf32>
    %reshape3A_307 = vector.shape_cast %concatenate3A_306 : vector<320x256xf32> to vector<640x128xf32>
    %dot_general3A_308 = arith.constant dense<0.000000e+00> : vector<640x128xf32>
    %dot_general3A_309 = tpu.matmul %add3A_303, %get3A_57, %dot_general3A_308 {dimension_numbers = #tpu.dot_dimension_numbers<[1], [1], [0], [0], [0, 0, 1, 0], [], []>, transpose_lhs_hint = false} : vector<640x128xf32>, vector<128x128xf32>, vector<640x128xf32> -> vector<640x128xf32>
    %add3A_310 = arith.addf %reshape3A_307, %dot_general3A_309 : vector<640x128xf32>
    %add3A_311 = vector.broadcast %get3A_60 : vector<1x128xf32> to vector<640x128xf32>
    %add3A_312 = arith.addf %add3A_310, %add3A_311 : vector<640x128xf32>
    %neg3A_313 = arith.constant 0.000000e+00 : f32
    %neg3A_314 = vector.broadcast %neg3A_313 : f32 to vector<640x128xf32>
    %neg3A_315 = arith.subf %neg3A_314, %add3A_312 : vector<640x128xf32>
    %exp3A_316 = math.exp %neg3A_315 : vector<640x128xf32>
    %add3A_317 = arith.constant 1.000000e+00 : f32
    %add3A_318 = vector.broadcast %add3A_317 : f32 to vector<640x128xf32>
    %add3A_319 = arith.addf %add3A_318, %exp3A_316 : vector<640x128xf32>
    %div3A_320 = arith.constant 1.000000e+00 : f32
    %div3A_321 = vector.broadcast %div3A_320 : f32 to vector<640x128xf32>
    %div3A_322 = arith.divf %div3A_321, %add3A_319 : vector<640x128xf32>
    %swap3A_323 = arith.constant 480 : index
    %swap3A_324 = arith.constant 0 : index
    %swap3A_325 = vector.load %arg17[%swap3A_323, %swap3A_324] : memref<10080x128xf32, #tpu.memory_space<vmem>>, vector<640x128xf32>
    tpu.vector_store %arg17[%swap3A_323, %swap3A_324], %add3A_303 {strides = array<i32>} : memref<10080x128xf32, #tpu.memory_space<vmem>>, vector<640x128xf32>,
    %mul3A_326 = arith.constant 640 : i32
    %mul3A_327 = arith.muli %arg0, %mul3A_326 : i32
    %add3A_328 = arith.constant 4800 : i32
    %add3A_329 = arith.addi %add3A_328, %mul3A_327 : i32
    %dma_start3A_330 = arith.constant 2 : i32
    %dma_start3A_331 = tpu.memref_slice %arg19[%dma_start3A_330] : memref<12x!tpu.dma_semaphore, #tpu.memory_space<semaphore_mem>> -> memref<1x!tpu.dma_semaphore, #tpu.memory_space<semaphore_mem>>
    %dma_start3A_332 = tpu.memref_squeeze %dma_start3A_331 : memref<1x!tpu.dma_semaphore, #tpu.memory_space<semaphore_mem>> -> memref<!tpu.dma_semaphore, #tpu.memory_space<semaphore_mem>>
    %dma_start3A_333 = arith.constant 0 : i32
    %dma_start3A_334 = tpu.memref_slice %arg14[%add3A_329, %dma_start3A_333] : memref<100800x128xf32, #tpu.memory_space<any>> -> memref<640x128xf32, #tpu.memory_space<any>>
    %dma_start3A_335 = arith.constant 480 : i32
    %dma_start3A_336 = arith.constant 0 : i32
    %dma_start3A_337 = tpu.memref_slice %arg17[%dma_start3A_335, %dma_start3A_336] : memref<10080x128xf32, #tpu.memory_space<vmem>> -> memref<640x128xf32, #tpu.memory_space<vmem>>
    tpu.enqueue_dma source(%dma_start3A_337 : memref<640x128xf32, #tpu.memory_space<vmem>>) target(%dma_start3A_334 : memref<640x128xf32, #tpu.memory_space<any>>) target_semaphore(%dma_start3A_332 : memref<!tpu.dma_semaphore, #tpu.memory_space<semaphore_mem>>)
    %reshape3A_338 = vector.shape_cast %add3A_303 : vector<640x128xf32> to vector<320x256xf32>
    %mul3A_339 = arith.mulf %add3A_303, %div3A_322 : vector<640x128xf32>
    %reshape3A_340 = vector.shape_cast %mul3A_339 : vector<640x128xf32> to vector<320x256xf32>
    %slice3A_341 = vector.extract_strided_slice %reshape3A_338 {offsets = [0, 0], sizes = [320, 128], strides = [1, 1]} : vector<320x256xf32> to vector<320x128xf32>
    %slice3A_342 = vector.extract_strided_slice %reshape3A_338 {offsets = [0, 128], sizes = [320, 128], strides = [1, 1]} : vector<320x256xf32> to vector<320x128xf32>
    %add3A_343 = arith.addf %slice3A_341, %slice3A_342 : vector<320x128xf32>
    %slice3A_344 = vector.extract_strided_slice %reshape3A_340 {offsets = [0, 0], sizes = [320, 128], strides = [1, 1]} : vector<320x256xf32> to vector<320x128xf32>
    %slice3A_345 = vector.extract_strided_slice %reshape3A_340 {offsets = [0, 128], sizes = [320, 128], strides = [1, 1]} : vector<320x256xf32> to vector<320x128xf32>
    %add3A_346 = arith.addf %slice3A_344, %slice3A_345 : vector<320x128xf32>
    %dot_general3A_347 = arith.constant dense<0.000000e+00> : vector<320x128xf32>
    %dot_general3A_348 = tpu.matmul %get3A_13, %get3A_36, %dot_general3A_347 {dimension_numbers = #tpu.dot_dimension_numbers<[1], [1], [0], [0], [0, 0, 1, 0], [], []>, transpose_lhs_hint = false} : vector<320x128xf32>, vector<128x128xf32>, vector<320x128xf32> -> vector<320x128xf32>
    %dot_general3A_349 = arith.constant dense<0.000000e+00> : vector<320x128xf32>
    %dot_general3A_350 = tpu.matmul %add3A_343, %get3A_39, %dot_general3A_349 {dimension_numbers = #tpu.dot_dimension_numbers<[1], [1], [0], [0], [0, 0, 1, 0], [], []>, transpose_lhs_hint = false} : vector<320x128xf32>, vector<128x128xf32>, vector<320x128xf32> -> vector<320x128xf32>
    %add3A_351 = arith.addf %dot_general3A_348, %dot_general3A_350 : vector<320x128xf32>
    %add3A_352 = vector.broadcast %get3A_42 : vector<1x128xf32> to vector<320x128xf32>
    %add3A_353 = arith.addf %add3A_351, %add3A_352 : vector<320x128xf32>
    %neg3A_354 = arith.constant 0.000000e+00 : f32
    %neg3A_355 = vector.broadcast %neg3A_354 : f32 to vector<320x128xf32>
    %neg3A_356 = arith.subf %neg3A_355, %add3A_353 : vector<320x128xf32>
    %exp3A_357 = math.exp %neg3A_356 : vector<320x128xf32>
    %add3A_358 = arith.constant 1.000000e+00 : f32
    %add3A_359 = vector.broadcast %add3A_358 : f32 to vector<320x128xf32>
    %add3A_360 = arith.addf %add3A_359, %exp3A_357 : vector<320x128xf32>
    %div3A_361 = arith.constant 1.000000e+00 : f32
    %div3A_362 = vector.broadcast %div3A_361 : f32 to vector<320x128xf32>
    %div3A_363 = arith.divf %div3A_362, %add3A_360 : vector<320x128xf32>
    %dot_general3A_364 = arith.constant dense<0.000000e+00> : vector<320x128xf32>
    %dot_general3A_365 = tpu.matmul %get3A_13, %get3A_45, %dot_general3A_364 {dimension_numbers = #tpu.dot_dimension_numbers<[1], [1], [0], [0], [0, 0, 1, 0], [], []>, transpose_lhs_hint = false} : vector<320x128xf32>, vector<128x128xf32>, vector<320x128xf32> -> vector<320x128xf32>
    %dot_general3A_366 = arith.constant dense<0.000000e+00> : vector<320x128xf32>
    %dot_general3A_367 = tpu.matmul %add3A_346, %get3A_48, %dot_general3A_366 {dimension_numbers = #tpu.dot_dimension_numbers<[1], [1], [0], [0], [0, 0, 1, 0], [], []>, transpose_lhs_hint = false} : vector<320x128xf32>, vector<128x128xf32>, vector<320x128xf32> -> vector<320x128xf32>
    %add3A_368 = arith.addf %dot_general3A_365, %dot_general3A_367 : vector<320x128xf32>
    %add3A_369 = vector.broadcast %get3A_51 : vector<1x128xf32> to vector<320x128xf32>
    %add3A_370 = arith.addf %add3A_368, %add3A_369 : vector<320x128xf32>
    %tanh3A_371 = math.tanh %add3A_370 : vector<320x128xf32>
    %sub3A_372 = arith.constant 1.000000e+00 : f32
    %sub3A_373 = vector.broadcast %sub3A_372 : f32 to vector<320x128xf32>
    %sub3A_374 = arith.subf %sub3A_373, %div3A_363 : vector<320x128xf32>
    %mul3A_375 = arith.mulf %sub3A_374, %add3A_343 : vector<320x128xf32>
    %mul3A_376 = arith.mulf %div3A_363, %tanh3A_371 : vector<320x128xf32>
    %add3A_377 = arith.addf %mul3A_375, %mul3A_376 : vector<320x128xf32>
    %dot_general3A_378 = arith.constant dense<0.000000e+00> : vector<160x128xf32>
    %dot_general3A_379 = tpu.matmul %get3A_8, %get3A_54, %dot_general3A_378 {dimension_numbers = #tpu.dot_dimension_numbers<[1], [1], [0], [0], [0, 0, 1, 0], [], []>, transpose_lhs_hint = false} : vector<160x128xf32>, vector<128x128xf32>, vector<160x128xf32> -> vector<160x128xf32>
    %concatenate3A_380 = tpu.concatenate %dot_general3A_379, %dot_general3A_379 in 1 : vector<160x128xf32>, vector<160x128xf32> -> vector<160x256xf32>
    %reshape3A_381 = vector.shape_cast %concatenate3A_380 : vector<160x256xf32> to vector<320x128xf32>
    %dot_general3A_382 = arith.constant dense<0.000000e+00> : vector<320x128xf32>
    %dot_general3A_383 = tpu.matmul %add3A_377, %get3A_57, %dot_general3A_382 {dimension_numbers = #tpu.dot_dimension_numbers<[1], [1], [0], [0], [0, 0, 1, 0], [], []>, transpose_lhs_hint = false} : vector<320x128xf32>, vector<128x128xf32>, vector<320x128xf32> -> vector<320x128xf32>
    %add3A_384 = arith.addf %reshape3A_381, %dot_general3A_383 : vector<320x128xf32>
    %add3A_385 = vector.broadcast %get3A_60 : vector<1x128xf32> to vector<320x128xf32>
    %add3A_386 = arith.addf %add3A_384, %add3A_385 : vector<320x128xf32>
    %neg3A_387 = arith.constant 0.000000e+00 : f32
    %neg3A_388 = vector.broadcast %neg3A_387 : f32 to vector<320x128xf32>
    %neg3A_389 = arith.subf %neg3A_388, %add3A_386 : vector<320x128xf32>
    %exp3A_390 = math.exp %neg3A_389 : vector<320x128xf32>
    %add3A_391 = arith.constant 1.000000e+00 : f32
    %add3A_392 = vector.broadcast %add3A_391 : f32 to vector<320x128xf32>
    %add3A_393 = arith.addf %add3A_392, %exp3A_390 : vector<320x128xf32>
    %div3A_394 = arith.constant 1.000000e+00 : f32
    %div3A_395 = vector.broadcast %div3A_394 : f32 to vector<320x128xf32>
    %div3A_396 = arith.divf %div3A_395, %add3A_393 : vector<320x128xf32>
    %swap3A_397 = arith.constant 160 : index
    %swap3A_398 = arith.constant 0 : index
    %swap3A_399 = vector.load %arg17[%swap3A_397, %swap3A_398] : memref<10080x128xf32, #tpu.memory_space<vmem>>, vector<320x128xf32>
    tpu.vector_store %arg17[%swap3A_397, %swap3A_398], %add3A_377 {strides = array<i32>} : memref<10080x128xf32, #tpu.memory_space<vmem>>, vector<320x128xf32>,
    %mul3A_400 = arith.constant 320 : i32
    %mul3A_401 = arith.muli %arg0, %mul3A_400 : i32
    %add3A_402 = arith.constant 1600 : i32
    %add3A_403 = arith.addi %add3A_402, %mul3A_401 : i32
    %dma_start3A_404 = arith.constant 1 : i32
    %dma_start3A_405 = tpu.memref_slice %arg19[%dma_start3A_404] : memref<12x!tpu.dma_semaphore, #tpu.memory_space<semaphore_mem>> -> memref<1x!tpu.dma_semaphore, #tpu.memory_space<semaphore_mem>>
    %dma_start3A_406 = tpu.memref_squeeze %dma_start3A_405 : memref<1x!tpu.dma_semaphore, #tpu.memory_space<semaphore_mem>> -> memref<!tpu.dma_semaphore, #tpu.memory_space<semaphore_mem>>
    %dma_start3A_407 = arith.constant 0 : i32
    %dma_start3A_408 = tpu.memref_slice %arg14[%add3A_403, %dma_start3A_407] : memref<100800x128xf32, #tpu.memory_space<any>> -> memref<320x128xf32, #tpu.memory_space<any>>
    %dma_start3A_409 = arith.constant 160 : i32
    %dma_start3A_410 = arith.constant 0 : i32
    %dma_start3A_411 = tpu.memref_slice %arg17[%dma_start3A_409, %dma_start3A_410] : memref<10080x128xf32, #tpu.memory_space<vmem>> -> memref<320x128xf32, #tpu.memory_space<vmem>>
    tpu.enqueue_dma source(%dma_start3A_411 : memref<320x128xf32, #tpu.memory_space<vmem>>) target(%dma_start3A_408 : memref<320x128xf32, #tpu.memory_space<any>>) target_semaphore(%dma_start3A_406 : memref<!tpu.dma_semaphore, #tpu.memory_space<semaphore_mem>>)
    %reshape3A_412 = vector.shape_cast %add3A_377 : vector<320x128xf32> to vector<160x256xf32>
    %mul3A_413 = arith.mulf %add3A_377, %div3A_396 : vector<320x128xf32>
    %reshape3A_414 = vector.shape_cast %mul3A_413 : vector<320x128xf32> to vector<160x256xf32>
    %slice3A_415 = vector.extract_strided_slice %reshape3A_412 {offsets = [0, 0], sizes = [160, 128], strides = [1, 1]} : vector<160x256xf32> to vector<160x128xf32>
    %slice3A_416 = vector.extract_strided_slice %reshape3A_412 {offsets = [0, 128], sizes = [160, 128], strides = [1, 1]} : vector<160x256xf32> to vector<160x128xf32>
    %add3A_417 = arith.addf %slice3A_415, %slice3A_416 : vector<160x128xf32>
    %slice3A_418 = vector.extract_strided_slice %reshape3A_414 {offsets = [0, 0], sizes = [160, 128], strides = [1, 1]} : vector<160x256xf32> to vector<160x128xf32>
    %slice3A_419 = vector.extract_strided_slice %reshape3A_414 {offsets = [0, 128], sizes = [160, 128], strides = [1, 1]} : vector<160x256xf32> to vector<160x128xf32>
    %add3A_420 = arith.addf %slice3A_418, %slice3A_419 : vector<160x128xf32>
    %dot_general3A_421 = arith.constant dense<0.000000e+00> : vector<160x128xf32>
    %dot_general3A_422 = tpu.matmul %get3A_8, %get3A_36, %dot_general3A_421 {dimension_numbers = #tpu.dot_dimension_numbers<[1], [1], [0], [0], [0, 0, 1, 0], [], []>, transpose_lhs_hint = false} : vector<160x128xf32>, vector<128x128xf32>, vector<160x128xf32> -> vector<160x128xf32>
    %dot_general3A_423 = arith.constant dense<0.000000e+00> : vector<160x128xf32>
    %dot_general3A_424 = tpu.matmul %add3A_417, %get3A_39, %dot_general3A_423 {dimension_numbers = #tpu.dot_dimension_numbers<[1], [1], [0], [0], [0, 0, 1, 0], [], []>, transpose_lhs_hint = false} : vector<160x128xf32>, vector<128x128xf32>, vector<160x128xf32> -> vector<160x128xf32>
    %add3A_425 = arith.addf %dot_general3A_422, %dot_general3A_424 : vector<160x128xf32>
    %add3A_426 = vector.broadcast %get3A_42 : vector<1x128xf32> to vector<160x128xf32>
    %add3A_427 = arith.addf %add3A_425, %add3A_426 : vector<160x128xf32>
    %neg3A_428 = arith.constant 0.000000e+00 : f32
    %neg3A_429 = vector.broadcast %neg3A_428 : f32 to vector<160x128xf32>
    %neg3A_430 = arith.subf %neg3A_429, %add3A_427 : vector<160x128xf32>
    %exp3A_431 = math.exp %neg3A_430 : vector<160x128xf32>
    %add3A_432 = arith.constant 1.000000e+00 : f32
    %add3A_433 = vector.broadcast %add3A_432 : f32 to vector<160x128xf32>
    %add3A_434 = arith.addf %add3A_433, %exp3A_431 : vector<160x128xf32>
    %div3A_435 = arith.constant 1.000000e+00 : f32
    %div3A_436 = vector.broadcast %div3A_435 : f32 to vector<160x128xf32>
    %div3A_437 = arith.divf %div3A_436, %add3A_434 : vector<160x128xf32>
    %dot_general3A_438 = arith.constant dense<0.000000e+00> : vector<160x128xf32>
    %dot_general3A_439 = tpu.matmul %get3A_8, %get3A_45, %dot_general3A_438 {dimension_numbers = #tpu.dot_dimension_numbers<[1], [1], [0], [0], [0, 0, 1, 0], [], []>, transpose_lhs_hint = false} : vector<160x128xf32>, vector<128x128xf32>, vector<160x128xf32> -> vector<160x128xf32>
    %dot_general3A_440 = arith.constant dense<0.000000e+00> : vector<160x128xf32>
    %dot_general3A_441 = tpu.matmul %add3A_420, %get3A_48, %dot_general3A_440 {dimension_numbers = #tpu.dot_dimension_numbers<[1], [1], [0], [0], [0, 0, 1, 0], [], []>, transpose_lhs_hint = false} : vector<160x128xf32>, vector<128x128xf32>, vector<160x128xf32> -> vector<160x128xf32>
    %add3A_442 = arith.addf %dot_general3A_439, %dot_general3A_441 : vector<160x128xf32>
    %add3A_443 = vector.broadcast %get3A_51 : vector<1x128xf32> to vector<160x128xf32>
    %add3A_444 = arith.addf %add3A_442, %add3A_443 : vector<160x128xf32>
    %tanh3A_445 = math.tanh %add3A_444 : vector<160x128xf32>
    %sub3A_446 = arith.constant 1.000000e+00 : f32
    %sub3A_447 = vector.broadcast %sub3A_446 : f32 to vector<160x128xf32>
    %sub3A_448 = arith.subf %sub3A_447, %div3A_437 : vector<160x128xf32>
    %mul3A_449 = arith.mulf %sub3A_448, %add3A_417 : vector<160x128xf32>
    %mul3A_450 = arith.mulf %div3A_437, %tanh3A_445 : vector<160x128xf32>
    %add3A_451 = arith.addf %mul3A_449, %mul3A_450 : vector<160x128xf32>
    %swap3A_452 = arith.constant 0 : index
    %swap3A_453 = arith.constant 0 : index
    %swap3A_454 = vector.load %arg17[%swap3A_452, %swap3A_453] : memref<10080x128xf32, #tpu.memory_space<vmem>>, vector<160x128xf32>
    tpu.vector_store %arg17[%swap3A_452, %swap3A_453], %add3A_451 {strides = array<i32>} : memref<10080x128xf32, #tpu.memory_space<vmem>>, vector<160x128xf32>,
    %mul3A_455 = arith.constant 160 : i32
    %mul3A_456 = arith.muli %arg0, %mul3A_455 : i32
    %add3A_457 = arith.constant 0 : i32
    %add3A_458 = arith.addi %add3A_457, %mul3A_456 : i32
    %dma_start3A_459 = arith.constant 0 : i32
    %dma_start3A_460 = tpu.memref_slice %arg19[%dma_start3A_459] : memref<12x!tpu.dma_semaphore, #tpu.memory_space<semaphore_mem>> -> memref<1x!tpu.dma_semaphore, #tpu.memory_space<semaphore_mem>>
    %dma_start3A_461 = tpu.memref_squeeze %dma_start3A_460 : memref<1x!tpu.dma_semaphore, #tpu.memory_space<semaphore_mem>> -> memref<!tpu.dma_semaphore, #tpu.memory_space<semaphore_mem>>
    %dma_start3A_462 = arith.constant 0 : i32
    %dma_start3A_463 = tpu.memref_slice %arg14[%add3A_458, %dma_start3A_462] : memref<100800x128xf32, #tpu.memory_space<any>> -> memref<160x128xf32, #tpu.memory_space<any>>
    %dma_start3A_464 = arith.constant 0 : i32
    %dma_start3A_465 = arith.constant 0 : i32
    %dma_start3A_466 = tpu.memref_slice %arg17[%dma_start3A_464, %dma_start3A_465] : memref<10080x128xf32, #tpu.memory_space<vmem>> -> memref<160x128xf32, #tpu.memory_space<vmem>>
    tpu.enqueue_dma source(%dma_start3A_466 : memref<160x128xf32, #tpu.memory_space<vmem>>) target(%dma_start3A_463 : memref<160x128xf32, #tpu.memory_space<any>>) target_semaphore(%dma_start3A_461 : memref<!tpu.dma_semaphore, #tpu.memory_space<semaphore_mem>>)
    %reshape3A_467 = vector.shape_cast %add3A_451 : vector<160x128xf32> to vector<80x256xf32>
    %slice3A_468 = vector.extract_strided_slice %reshape3A_467 {offsets = [0, 0], sizes = [80, 128], strides = [1, 1]} : vector<80x256xf32> to vector<80x128xf32>
    %slice3A_469 = vector.extract_strided_slice %reshape3A_467 {offsets = [0, 128], sizes = [80, 128], strides = [1, 1]} : vector<80x256xf32> to vector<80x128xf32>
    %add3A_470 = arith.addf %slice3A_468, %slice3A_469 : vector<80x128xf32>
    %broadcast_in_dim3A_471 = arith.constant 0.000000e+00 : f32
    %broadcast_in_dim3A_472 = vector.broadcast %broadcast_in_dim3A_471 : f32 to vector<80x128xf32>
    %broadcast_in_dim3A_473 = arith.constant 0.000000e+00 : f32
    %broadcast_in_dim3A_474 = vector.broadcast %broadcast_in_dim3A_473 : f32 to vector<80x128xf32>
    %dot_general3A_475 = arith.constant dense<0.000000e+00> : vector<80x128xf32>
    %dot_general3A_476 = tpu.matmul %get3A_3, %get3A_36, %dot_general3A_475 {dimension_numbers = #tpu.dot_dimension_numbers<[1], [1], [0], [0], [0, 0, 1, 0], [], []>, transpose_lhs_hint = false} : vector<80x128xf32>, vector<128x128xf32>, vector<80x128xf32> -> vector<80x128xf32>
    %dot_general3A_477 = arith.constant dense<0.000000e+00> : vector<80x128xf32>
    %dot_general3A_478 = tpu.matmul %broadcast_in_dim3A_472, %get3A_39, %dot_general3A_477 {dimension_numbers = #tpu.dot_dimension_numbers<[1], [1], [0], [0], [0, 0, 1, 0], [], []>, transpose_lhs_hint = false} : vector<80x128xf32>, vector<128x128xf32>, vector<80x128xf32> -> vector<80x128xf32>
    %add3A_479 = arith.addf %dot_general3A_476, %dot_general3A_478 : vector<80x128xf32>
    %add3A_480 = vector.broadcast %get3A_42 : vector<1x128xf32> to vector<80x128xf32>
    %add3A_481 = arith.addf %add3A_479, %add3A_480 : vector<80x128xf32>
    %neg3A_482 = arith.constant 0.000000e+00 : f32
    %neg3A_483 = vector.broadcast %neg3A_482 : f32 to vector<80x128xf32>
    %neg3A_484 = arith.subf %neg3A_483, %add3A_481 : vector<80x128xf32>
    %exp3A_485 = math.exp %neg3A_484 : vector<80x128xf32>
    %add3A_486 = arith.constant 1.000000e+00 : f32
    %add3A_487 = vector.broadcast %add3A_486 : f32 to vector<80x128xf32>
    %add3A_488 = arith.addf %add3A_487, %exp3A_485 : vector<80x128xf32>
    %div3A_489 = arith.constant 1.000000e+00 : f32
    %div3A_490 = vector.broadcast %div3A_489 : f32 to vector<80x128xf32>
    %div3A_491 = arith.divf %div3A_490, %add3A_488 : vector<80x128xf32>
    %dot_general3A_492 = arith.constant dense<0.000000e+00> : vector<80x128xf32>
    %dot_general3A_493 = tpu.matmul %get3A_3, %get3A_45, %dot_general3A_492 {dimension_numbers = #tpu.dot_dimension_numbers<[1], [1], [0], [0], [0, 0, 1, 0], [], []>, transpose_lhs_hint = false} : vector<80x128xf32>, vector<128x128xf32>, vector<80x128xf32> -> vector<80x128xf32>
    %dot_general3A_494 = arith.constant dense<0.000000e+00> : vector<80x128xf32>
    %dot_general3A_495 = tpu.matmul %broadcast_in_dim3A_474, %get3A_48, %dot_general3A_494 {dimension_numbers = #tpu.dot_dimension_numbers<[1], [1], [0], [0], [0, 0, 1, 0], [], []>, transpose_lhs_hint = false} : vector<80x128xf32>, vector<128x128xf32>, vector<80x128xf32> -> vector<80x128xf32>
    %add3A_496 = arith.addf %dot_general3A_493, %dot_general3A_495 : vector<80x128xf32>
    %add3A_497 = vector.broadcast %get3A_51 : vector<1x128xf32> to vector<80x128xf32>
    %add3A_498 = arith.addf %add3A_496, %add3A_497 : vector<80x128xf32>
    %tanh3A_499 = math.tanh %add3A_498 : vector<80x128xf32>
    %sub3A_500 = arith.constant 1.000000e+00 : f32
    %sub3A_501 = vector.broadcast %sub3A_500 : f32 to vector<80x128xf32>
    %sub3A_502 = arith.subf %sub3A_501, %div3A_491 : vector<80x128xf32>
    %mul3A_503 = arith.mulf %sub3A_502, %broadcast_in_dim3A_472 : vector<80x128xf32>
    %mul3A_504 = arith.mulf %div3A_491, %tanh3A_499 : vector<80x128xf32>
    %add3A_505 = arith.addf %mul3A_503, %mul3A_504 : vector<80x128xf32>
    %dot_general3A_506 = arith.constant dense<0.000000e+00> : vector<80x128xf32>
    %dot_general3A_507 = tpu.matmul %add3A_505, %get3A_57, %dot_general3A_506 {dimension_numbers = #tpu.dot_dimension_numbers<[1], [1], [0], [0], [0, 0, 1, 0], [], []>, transpose_lhs_hint = false} : vector<80x128xf32>, vector<128x128xf32>, vector<80x128xf32> -> vector<80x128xf32>
    %concatenate3A_508 = tpu.concatenate %add3A_505, %add3A_505 in 1 : vector<80x128xf32>, vector<80x128xf32> -> vector<80x256xf32>
    %reshape3A_509 = vector.shape_cast %concatenate3A_508 : vector<80x256xf32> to vector<160x128xf32>
    %concatenate3A_510 = tpu.concatenate %dot_general3A_507, %dot_general3A_507 in 1 : vector<80x128xf32>, vector<80x128xf32> -> vector<80x256xf32>
    %reshape3A_511 = vector.shape_cast %concatenate3A_510 : vector<80x256xf32> to vector<160x128xf32>
    %dot_general3A_512 = arith.constant dense<0.000000e+00> : vector<160x128xf32>
    %dot_general3A_513 = tpu.matmul %get3A_8, %get3A_54, %dot_general3A_512 {dimension_numbers = #tpu.dot_dimension_numbers<[1], [1], [0], [0], [0, 0, 1, 0], [], []>, transpose_lhs_hint = false} : vector<160x128xf32>, vector<128x128xf32>, vector<160x128xf32> -> vector<160x128xf32>
    %add3A_514 = arith.addf %dot_general3A_513, %reshape3A_511 : vector<160x128xf32>
    %add3A_515 = vector.broadcast %get3A_60 : vector<1x128xf32> to vector<160x128xf32>
    %add3A_516 = arith.addf %add3A_514, %add3A_515 : vector<160x128xf32>
    %neg3A_517 = arith.constant 0.000000e+00 : f32
    %neg3A_518 = vector.broadcast %neg3A_517 : f32 to vector<160x128xf32>
    %neg3A_519 = arith.subf %neg3A_518, %add3A_516 : vector<160x128xf32>
    %exp3A_520 = math.exp %neg3A_519 : vector<160x128xf32>
    %add3A_521 = arith.constant 1.000000e+00 : f32
    %add3A_522 = vector.broadcast %add3A_521 : f32 to vector<160x128xf32>
    %add3A_523 = arith.addf %add3A_522, %exp3A_520 : vector<160x128xf32>
    %div3A_524 = arith.constant 1.000000e+00 : f32
    %div3A_525 = vector.broadcast %div3A_524 : f32 to vector<160x128xf32>
    %div3A_526 = arith.divf %div3A_525, %add3A_523 : vector<160x128xf32>
    %swap3A_527 = arith.constant 0 : index
    %swap3A_528 = arith.constant 0 : index
    %swap3A_529 = vector.load %arg18[%swap3A_527, %swap3A_528] : memref<10080x128xf32, #tpu.memory_space<vmem>>, vector<160x128xf32>
    tpu.vector_store %arg18[%swap3A_527, %swap3A_528], %reshape3A_509 {strides = array<i32>} : memref<10080x128xf32, #tpu.memory_space<vmem>>, vector<160x128xf32>,
    %mul3A_530 = arith.constant 160 : i32
    %mul3A_531 = arith.muli %arg0, %mul3A_530 : i32
    %add3A_532 = arith.constant 0 : i32
    %add3A_533 = arith.addi %add3A_532, %mul3A_531 : i32
    %dma_start3A_534 = arith.constant 6 : i32
    %dma_start3A_535 = tpu.memref_slice %arg19[%dma_start3A_534] : memref<12x!tpu.dma_semaphore, #tpu.memory_space<semaphore_mem>> -> memref<1x!tpu.dma_semaphore, #tpu.memory_space<semaphore_mem>>
    %dma_start3A_536 = tpu.memref_squeeze %dma_start3A_535 : memref<1x!tpu.dma_semaphore, #tpu.memory_space<semaphore_mem>> -> memref<!tpu.dma_semaphore, #tpu.memory_space<semaphore_mem>>
    %dma_start3A_537 = arith.constant 0 : i32
    %dma_start3A_538 = tpu.memref_slice %arg15[%add3A_533, %dma_start3A_537] : memref<100800x128xf32, #tpu.memory_space<any>> -> memref<160x128xf32, #tpu.memory_space<any>>
    %dma_start3A_539 = arith.constant 0 : i32
    %dma_start3A_540 = arith.constant 0 : i32
    %dma_start3A_541 = tpu.memref_slice %arg18[%dma_start3A_539, %dma_start3A_540] : memref<10080x128xf32, #tpu.memory_space<vmem>> -> memref<160x128xf32, #tpu.memory_space<vmem>>
    tpu.enqueue_dma source(%dma_start3A_541 : memref<160x128xf32, #tpu.memory_space<vmem>>) target(%dma_start3A_538 : memref<160x128xf32, #tpu.memory_space<any>>) target_semaphore(%dma_start3A_536 : memref<!tpu.dma_semaphore, #tpu.memory_space<semaphore_mem>>)
    %mul3A_542 = arith.mulf %reshape3A_509, %div3A_526 : vector<160x128xf32>
    %dot_general3A_543 = arith.constant dense<0.000000e+00> : vector<160x128xf32>
    %dot_general3A_544 = tpu.matmul %get3A_8, %get3A_36, %dot_general3A_543 {dimension_numbers = #tpu.dot_dimension_numbers<[1], [1], [0], [0], [0, 0, 1, 0], [], []>, transpose_lhs_hint = false} : vector<160x128xf32>, vector<128x128xf32>, vector<160x128xf32> -> vector<160x128xf32>
    %dot_general3A_545 = arith.constant dense<0.000000e+00> : vector<160x128xf32>
    %dot_general3A_546 = tpu.matmul %reshape3A_509, %get3A_39, %dot_general3A_545 {dimension_numbers = #tpu.dot_dimension_numbers<[1], [1], [0], [0], [0, 0, 1, 0], [], []>, transpose_lhs_hint = false} : vector<160x128xf32>, vector<128x128xf32>, vector<160x128xf32> -> vector<160x128xf32>
    %add3A_547 = arith.addf %dot_general3A_544, %dot_general3A_546 : vector<160x128xf32>
    %add3A_548 = vector.broadcast %get3A_42 : vector<1x128xf32> to vector<160x128xf32>
    %add3A_549 = arith.addf %add3A_547, %add3A_548 : vector<160x128xf32>
    %neg3A_550 = arith.constant 0.000000e+00 : f32
    %neg3A_551 = vector.broadcast %neg3A_550 : f32 to vector<160x128xf32>
    %neg3A_552 = arith.subf %neg3A_551, %add3A_549 : vector<160x128xf32>
    %exp3A_553 = math.exp %neg3A_552 : vector<160x128xf32>
    %add3A_554 = arith.constant 1.000000e+00 : f32
    %add3A_555 = vector.broadcast %add3A_554 : f32 to vector<160x128xf32>
    %add3A_556 = arith.addf %add3A_555, %exp3A_553 : vector<160x128xf32>
    %div3A_557 = arith.constant 1.000000e+00 : f32
    %div3A_558 = vector.broadcast %div3A_557 : f32 to vector<160x128xf32>
    %div3A_559 = arith.divf %div3A_558, %add3A_556 : vector<160x128xf32>
    %dot_general3A_560 = arith.constant dense<0.000000e+00> : vector<160x128xf32>
    %dot_general3A_561 = tpu.matmul %get3A_8, %get3A_45, %dot_general3A_560 {dimension_numbers = #tpu.dot_dimension_numbers<[1], [1], [0], [0], [0, 0, 1, 0], [], []>, transpose_lhs_hint = false} : vector<160x128xf32>, vector<128x128xf32>, vector<160x128xf32> -> vector<160x128xf32>
    %dot_general3A_562 = arith.constant dense<0.000000e+00> : vector<160x128xf32>
    %dot_general3A_563 = tpu.matmul %mul3A_542, %get3A_48, %dot_general3A_562 {dimension_numbers = #tpu.dot_dimension_numbers<[1], [1], [0], [0], [0, 0, 1, 0], [], []>, transpose_lhs_hint = false} : vector<160x128xf32>, vector<128x128xf32>, vector<160x128xf32> -> vector<160x128xf32>
    %add3A_564 = arith.addf %dot_general3A_561, %dot_general3A_563 : vector<160x128xf32>
    %add3A_565 = vector.broadcast %get3A_51 : vector<1x128xf32> to vector<160x128xf32>
    %add3A_566 = arith.addf %add3A_564, %add3A_565 : vector<160x128xf32>
    %tanh3A_567 = math.tanh %add3A_566 : vector<160x128xf32>
    %sub3A_568 = arith.constant 1.000000e+00 : f32
    %sub3A_569 = vector.broadcast %sub3A_568 : f32 to vector<160x128xf32>
    %sub3A_570 = arith.subf %sub3A_569, %div3A_559 : vector<160x128xf32>
    %mul3A_571 = arith.mulf %sub3A_570, %reshape3A_509 : vector<160x128xf32>
    %mul3A_572 = arith.mulf %div3A_559, %tanh3A_567 : vector<160x128xf32>
    %add3A_573 = arith.addf %mul3A_571, %mul3A_572 : vector<160x128xf32>
    %dot_general3A_574 = arith.constant dense<0.000000e+00> : vector<160x128xf32>
    %dot_general3A_575 = tpu.matmul %add3A_573, %get3A_57, %dot_general3A_574 {dimension_numbers = #tpu.dot_dimension_numbers<[1], [1], [0], [0], [0, 0, 1, 0], [], []>, transpose_lhs_hint = false} : vector<160x128xf32>, vector<128x128xf32>, vector<160x128xf32> -> vector<160x128xf32>
    %concatenate3A_576 = tpu.concatenate %add3A_573, %add3A_573 in 1 : vector<160x128xf32>, vector<160x128xf32> -> vector<160x256xf32>
    %reshape3A_577 = vector.shape_cast %concatenate3A_576 : vector<160x256xf32> to vector<320x128xf32>
    %concatenate3A_578 = tpu.concatenate %dot_general3A_575, %dot_general3A_575 in 1 : vector<160x128xf32>, vector<160x128xf32> -> vector<160x256xf32>
    %reshape3A_579 = vector.shape_cast %concatenate3A_578 : vector<160x256xf32> to vector<320x128xf32>
    %dot_general3A_580 = arith.constant dense<0.000000e+00> : vector<320x128xf32>
    %dot_general3A_581 = tpu.matmul %get3A_13, %get3A_54, %dot_general3A_580 {dimension_numbers = #tpu.dot_dimension_numbers<[1], [1], [0], [0], [0, 0, 1, 0], [], []>, transpose_lhs_hint = false} : vector<320x128xf32>, vector<128x128xf32>, vector<320x128xf32> -> vector<320x128xf32>
    %add3A_582 = arith.addf %dot_general3A_581, %reshape3A_579 : vector<320x128xf32>
    %add3A_583 = vector.broadcast %get3A_60 : vector<1x128xf32> to vector<320x128xf32>
    %add3A_584 = arith.addf %add3A_582, %add3A_583 : vector<320x128xf32>
    %neg3A_585 = arith.constant 0.000000e+00 : f32
    %neg3A_586 = vector.broadcast %neg3A_585 : f32 to vector<320x128xf32>
    %neg3A_587 = arith.subf %neg3A_586, %add3A_584 : vector<320x128xf32>
    %exp3A_588 = math.exp %neg3A_587 : vector<320x128xf32>
    %add3A_589 = arith.constant 1.000000e+00 : f32
    %add3A_590 = vector.broadcast %add3A_589 : f32 to vector<320x128xf32>
    %add3A_591 = arith.addf %add3A_590, %exp3A_588 : vector<320x128xf32>
    %div3A_592 = arith.constant 1.000000e+00 : f32
    %div3A_593 = vector.broadcast %div3A_592 : f32 to vector<320x128xf32>
    %div3A_594 = arith.divf %div3A_593, %add3A_591 : vector<320x128xf32>
    %swap3A_595 = arith.constant 160 : index
    %swap3A_596 = arith.constant 0 : index
    %swap3A_597 = vector.load %arg18[%swap3A_595, %swap3A_596] : memref<10080x128xf32, #tpu.memory_space<vmem>>, vector<320x128xf32>
    tpu.vector_store %arg18[%swap3A_595, %swap3A_596], %reshape3A_577 {strides = array<i32>} : memref<10080x128xf32, #tpu.memory_space<vmem>>, vector<320x128xf32>,
    %mul3A_598 = arith.constant 320 : i32
    %mul3A_599 = arith.muli %arg0, %mul3A_598 : i32
    %add3A_600 = arith.constant 1600 : i32
    %add3A_601 = arith.addi %add3A_600, %mul3A_599 : i32
    %dma_start3A_602 = arith.constant 7 : i32
    %dma_start3A_603 = tpu.memref_slice %arg19[%dma_start3A_602] : memref<12x!tpu.dma_semaphore, #tpu.memory_space<semaphore_mem>> -> memref<1x!tpu.dma_semaphore, #tpu.memory_space<semaphore_mem>>
    %dma_start3A_604 = tpu.memref_squeeze %dma_start3A_603 : memref<1x!tpu.dma_semaphore, #tpu.memory_space<semaphore_mem>> -> memref<!tpu.dma_semaphore, #tpu.memory_space<semaphore_mem>>
    %dma_start3A_605 = arith.constant 0 : i32
    %dma_start3A_606 = tpu.memref_slice %arg15[%add3A_601, %dma_start3A_605] : memref<100800x128xf32, #tpu.memory_space<any>> -> memref<320x128xf32, #tpu.memory_space<any>>
    %dma_start3A_607 = arith.constant 160 : i32
    %dma_start3A_608 = arith.constant 0 : i32
    %dma_start3A_609 = tpu.memref_slice %arg18[%dma_start3A_607, %dma_start3A_608] : memref<10080x128xf32, #tpu.memory_space<vmem>> -> memref<320x128xf32, #tpu.memory_space<vmem>>
    tpu.enqueue_dma source(%dma_start3A_609 : memref<320x128xf32, #tpu.memory_space<vmem>>) target(%dma_start3A_606 : memref<320x128xf32, #tpu.memory_space<any>>) target_semaphore(%dma_start3A_604 : memref<!tpu.dma_semaphore, #tpu.memory_space<semaphore_mem>>)
    %mul3A_610 = arith.mulf %reshape3A_577, %div3A_594 : vector<320x128xf32>
    %dot_general3A_611 = arith.constant dense<0.000000e+00> : vector<320x128xf32>
    %dot_general3A_612 = tpu.matmul %get3A_13, %get3A_36, %dot_general3A_611 {dimension_numbers = #tpu.dot_dimension_numbers<[1], [1], [0], [0], [0, 0, 1, 0], [], []>, transpose_lhs_hint = false} : vector<320x128xf32>, vector<128x128xf32>, vector<320x128xf32> -> vector<320x128xf32>
    %dot_general3A_613 = arith.constant dense<0.000000e+00> : vector<320x128xf32>
    %dot_general3A_614 = tpu.matmul %reshape3A_577, %get3A_39, %dot_general3A_613 {dimension_numbers = #tpu.dot_dimension_numbers<[1], [1], [0], [0], [0, 0, 1, 0], [], []>, transpose_lhs_hint = false} : vector<320x128xf32>, vector<128x128xf32>, vector<320x128xf32> -> vector<320x128xf32>
    %add3A_615 = arith.addf %dot_general3A_612, %dot_general3A_614 : vector<320x128xf32>
    %add3A_616 = vector.broadcast %get3A_42 : vector<1x128xf32> to vector<320x128xf32>
    %add3A_617 = arith.addf %add3A_615, %add3A_616 : vector<320x128xf32>
    %neg3A_618 = arith.constant 0.000000e+00 : f32
    %neg3A_619 = vector.broadcast %neg3A_618 : f32 to vector<320x128xf32>
    %neg3A_620 = arith.subf %neg3A_619, %add3A_617 : vector<320x128xf32>
    %exp3A_621 = math.exp %neg3A_620 : vector<320x128xf32>
    %add3A_622 = arith.constant 1.000000e+00 : f32
    %add3A_623 = vector.broadcast %add3A_622 : f32 to vector<320x128xf32>
    %add3A_624 = arith.addf %add3A_623, %exp3A_621 : vector<320x128xf32>
    %div3A_625 = arith.constant 1.000000e+00 : f32
    %div3A_626 = vector.broadcast %div3A_625 : f32 to vector<320x128xf32>
    %div3A_627 = arith.divf %div3A_626, %add3A_624 : vector<320x128xf32>
    %dot_general3A_628 = arith.constant dense<0.000000e+00> : vector<320x128xf32>
    %dot_general3A_629 = tpu.matmul %get3A_13, %get3A_45, %dot_general3A_628 {dimension_numbers = #tpu.dot_dimension_numbers<[1], [1], [0], [0], [0, 0, 1, 0], [], []>, transpose_lhs_hint = false} : vector<320x128xf32>, vector<128x128xf32>, vector<320x128xf32> -> vector<320x128xf32>
    %dot_general3A_630 = arith.constant dense<0.000000e+00> : vector<320x128xf32>
    %dot_general3A_631 = tpu.matmul %mul3A_610, %get3A_48, %dot_general3A_630 {dimension_numbers = #tpu.dot_dimension_numbers<[1], [1], [0], [0], [0, 0, 1, 0], [], []>, transpose_lhs_hint = false} : vector<320x128xf32>, vector<128x128xf32>, vector<320x128xf32> -> vector<320x128xf32>
    %add3A_632 = arith.addf %dot_general3A_629, %dot_general3A_631 : vector<320x128xf32>
    %add3A_633 = vector.broadcast %get3A_51 : vector<1x128xf32> to vector<320x128xf32>
    %add3A_634 = arith.addf %add3A_632, %add3A_633 : vector<320x128xf32>
    %tanh3A_635 = math.tanh %add3A_634 : vector<320x128xf32>
    %sub3A_636 = arith.constant 1.000000e+00 : f32
    %sub3A_637 = vector.broadcast %sub3A_636 : f32 to vector<320x128xf32>
    %sub3A_638 = arith.subf %sub3A_637, %div3A_627 : vector<320x128xf32>
    %mul3A_639 = arith.mulf %sub3A_638, %reshape3A_577 : vector<320x128xf32>
    %mul3A_640 = arith.mulf %div3A_627, %tanh3A_635 : vector<320x128xf32>
    %add3A_641 = arith.addf %mul3A_639, %mul3A_640 : vector<320x128xf32>
    %dot_general3A_642 = arith.constant dense<0.000000e+00> : vector<320x128xf32>
    %dot_general3A_643 = tpu.matmul %add3A_641, %get3A_57, %dot_general3A_642 {dimension_numbers = #tpu.dot_dimension_numbers<[1], [1], [0], [0], [0, 0, 1, 0], [], []>, transpose_lhs_hint = false} : vector<320x128xf32>, vector<128x128xf32>, vector<320x128xf32> -> vector<320x128xf32>
    %concatenate3A_644 = tpu.concatenate %add3A_641, %add3A_641 in 1 : vector<320x128xf32>, vector<320x128xf32> -> vector<320x256xf32>
    %reshape3A_645 = vector.shape_cast %concatenate3A_644 : vector<320x256xf32> to vector<640x128xf32>
    %concatenate3A_646 = tpu.concatenate %dot_general3A_643, %dot_general3A_643 in 1 : vector<320x128xf32>, vector<320x128xf32> -> vector<320x256xf32>
    %reshape3A_647 = vector.shape_cast %concatenate3A_646 : vector<320x256xf32> to vector<640x128xf32>
    %dot_general3A_648 = arith.constant dense<0.000000e+00> : vector<640x128xf32>
    %dot_general3A_649 = tpu.matmul %get3A_18, %get3A_54, %dot_general3A_648 {dimension_numbers = #tpu.dot_dimension_numbers<[1], [1], [0], [0], [0, 0, 1, 0], [], []>, transpose_lhs_hint = false} : vector<640x128xf32>, vector<128x128xf32>, vector<640x128xf32> -> vector<640x128xf32>
    %add3A_650 = arith.addf %dot_general3A_649, %reshape3A_647 : vector<640x128xf32>
    %add3A_651 = vector.broadcast %get3A_60 : vector<1x128xf32> to vector<640x128xf32>
    %add3A_652 = arith.addf %add3A_650, %add3A_651 : vector<640x128xf32>
    %neg3A_653 = arith.constant 0.000000e+00 : f32
    %neg3A_654 = vector.broadcast %neg3A_653 : f32 to vector<640x128xf32>
    %neg3A_655 = arith.subf %neg3A_654, %add3A_652 : vector<640x128xf32>
    %exp3A_656 = math.exp %neg3A_655 : vector<640x128xf32>
    %add3A_657 = arith.constant 1.000000e+00 : f32
    %add3A_658 = vector.broadcast %add3A_657 : f32 to vector<640x128xf32>
    %add3A_659 = arith.addf %add3A_658, %exp3A_656 : vector<640x128xf32>
    %div3A_660 = arith.constant 1.000000e+00 : f32
    %div3A_661 = vector.broadcast %div3A_660 : f32 to vector<640x128xf32>
    %div3A_662 = arith.divf %div3A_661, %add3A_659 : vector<640x128xf32>
    %swap3A_663 = arith.constant 480 : index
    %swap3A_664 = arith.constant 0 : index
    %swap3A_665 = vector.load %arg18[%swap3A_663, %swap3A_664] : memref<10080x128xf32, #tpu.memory_space<vmem>>, vector<640x128xf32>
    tpu.vector_store %arg18[%swap3A_663, %swap3A_664], %reshape3A_645 {strides = array<i32>} : memref<10080x128xf32, #tpu.memory_space<vmem>>, vector<640x128xf32>,
    %mul3A_666 = arith.constant 640 : i32
    %mul3A_667 = arith.muli %arg0, %mul3A_666 : i32
    %add3A_668 = arith.constant 4800 : i32
    %add3A_669 = arith.addi %add3A_668, %mul3A_667 : i32
    %dma_start3A_670 = arith.constant 8 : i32
    %dma_start3A_671 = tpu.memref_slice %arg19[%dma_start3A_670] : memref<12x!tpu.dma_semaphore, #tpu.memory_space<semaphore_mem>> -> memref<1x!tpu.dma_semaphore, #tpu.memory_space<semaphore_mem>>
    %dma_start3A_672 = tpu.memref_squeeze %dma_start3A_671 : memref<1x!tpu.dma_semaphore, #tpu.memory_space<semaphore_mem>> -> memref<!tpu.dma_semaphore, #tpu.memory_space<semaphore_mem>>
    %dma_start3A_673 = arith.constant 0 : i32
    %dma_start3A_674 = tpu.memref_slice %arg15[%add3A_669, %dma_start3A_673] : memref<100800x128xf32, #tpu.memory_space<any>> -> memref<640x128xf32, #tpu.memory_space<any>>
    %dma_start3A_675 = arith.constant 480 : i32
    %dma_start3A_676 = arith.constant 0 : i32
    %dma_start3A_677 = tpu.memref_slice %arg18[%dma_start3A_675, %dma_start3A_676] : memref<10080x128xf32, #tpu.memory_space<vmem>> -> memref<640x128xf32, #tpu.memory_space<vmem>>
    tpu.enqueue_dma source(%dma_start3A_677 : memref<640x128xf32, #tpu.memory_space<vmem>>) target(%dma_start3A_674 : memref<640x128xf32, #tpu.memory_space<any>>) target_semaphore(%dma_start3A_672 : memref<!tpu.dma_semaphore, #tpu.memory_space<semaphore_mem>>)
    %mul3A_678 = arith.mulf %reshape3A_645, %div3A_662 : vector<640x128xf32>
    %dot_general3A_679 = arith.constant dense<0.000000e+00> : vector<640x128xf32>
    %dot_general3A_680 = tpu.matmul %get3A_18, %get3A_36, %dot_general3A_679 {dimension_numbers = #tpu.dot_dimension_numbers<[1], [1], [0], [0], [0, 0, 1, 0], [], []>, transpose_lhs_hint = false} : vector<640x128xf32>, vector<128x128xf32>, vector<640x128xf32> -> vector<640x128xf32>
    %dot_general3A_681 = arith.constant dense<0.000000e+00> : vector<640x128xf32>
    %dot_general3A_682 = tpu.matmul %reshape3A_645, %get3A_39, %dot_general3A_681 {dimension_numbers = #tpu.dot_dimension_numbers<[1], [1], [0], [0], [0, 0, 1, 0], [], []>, transpose_lhs_hint = false} : vector<640x128xf32>, vector<128x128xf32>, vector<640x128xf32> -> vector<640x128xf32>
    %add3A_683 = arith.addf %dot_general3A_680, %dot_general3A_682 : vector<640x128xf32>
    %add3A_684 = vector.broadcast %get3A_42 : vector<1x128xf32> to vector<640x128xf32>
    %add3A_685 = arith.addf %add3A_683, %add3A_684 : vector<640x128xf32>
    %neg3A_686 = arith.constant 0.000000e+00 : f32
    %neg3A_687 = vector.broadcast %neg3A_686 : f32 to vector<640x128xf32>
    %neg3A_688 = arith.subf %neg3A_687, %add3A_685 : vector<640x128xf32>
    %exp3A_689 = math.exp %neg3A_688 : vector<640x128xf32>
    %add3A_690 = arith.constant 1.000000e+00 : f32
    %add3A_691 = vector.broadcast %add3A_690 : f32 to vector<640x128xf32>
    %add3A_692 = arith.addf %add3A_691, %exp3A_689 : vector<640x128xf32>
    %div3A_693 = arith.constant 1.000000e+00 : f32
    %div3A_694 = vector.broadcast %div3A_693 : f32 to vector<640x128xf32>
    %div3A_695 = arith.divf %div3A_694, %add3A_692 : vector<640x128xf32>
    %dot_general3A_696 = arith.constant dense<0.000000e+00> : vector<640x128xf32>
    %dot_general3A_697 = tpu.matmul %get3A_18, %get3A_45, %dot_general3A_696 {dimension_numbers = #tpu.dot_dimension_numbers<[1], [1], [0], [0], [0, 0, 1, 0], [], []>, transpose_lhs_hint = false} : vector<640x128xf32>, vector<128x128xf32>, vector<640x128xf32> -> vector<640x128xf32>
    %dot_general3A_698 = arith.constant dense<0.000000e+00> : vector<640x128xf32>
    %dot_general3A_699 = tpu.matmul %mul3A_678, %get3A_48, %dot_general3A_698 {dimension_numbers = #tpu.dot_dimension_numbers<[1], [1], [0], [0], [0, 0, 1, 0], [], []>, transpose_lhs_hint = false} : vector<640x128xf32>, vector<128x128xf32>, vector<640x128xf32> -> vector<640x128xf32>
    %add3A_700 = arith.addf %dot_general3A_697, %dot_general3A_699 : vector<640x128xf32>
    %add3A_701 = vector.broadcast %get3A_51 : vector<1x128xf32> to vector<640x128xf32>
    %add3A_702 = arith.addf %add3A_700, %add3A_701 : vector<640x128xf32>
    %tanh3A_703 = math.tanh %add3A_702 : vector<640x128xf32>
    %sub3A_704 = arith.constant 1.000000e+00 : f32
    %sub3A_705 = vector.broadcast %sub3A_704 : f32 to vector<640x128xf32>
    %sub3A_706 = arith.subf %sub3A_705, %div3A_695 : vector<640x128xf32>
    %mul3A_707 = arith.mulf %sub3A_706, %reshape3A_645 : vector<640x128xf32>
    %mul3A_708 = arith.mulf %div3A_695, %tanh3A_703 : vector<640x128xf32>
    %add3A_709 = arith.addf %mul3A_707, %mul3A_708 : vector<640x128xf32>
    %dot_general3A_710 = arith.constant dense<0.000000e+00> : vector<640x128xf32>
    %dot_general3A_711 = tpu.matmul %add3A_709, %get3A_57, %dot_general3A_710 {dimension_numbers = #tpu.dot_dimension_numbers<[1], [1], [0], [0], [0, 0, 1, 0], [], []>, transpose_lhs_hint = false} : vector<640x128xf32>, vector<128x128xf32>, vector<640x128xf32> -> vector<640x128xf32>
    %concatenate3A_712 = tpu.concatenate %add3A_709, %add3A_709 in 1 : vector<640x128xf32>, vector<640x128xf32> -> vector<640x256xf32>
    %reshape3A_713 = vector.shape_cast %concatenate3A_712 : vector<640x256xf32> to vector<1280x128xf32>
    %concatenate3A_714 = tpu.concatenate %dot_general3A_711, %dot_general3A_711 in 1 : vector<640x128xf32>, vector<640x128xf32> -> vector<640x256xf32>
    %reshape3A_715 = vector.shape_cast %concatenate3A_714 : vector<640x256xf32> to vector<1280x128xf32>
    %dot_general3A_716 = arith.constant dense<0.000000e+00> : vector<1280x128xf32>
    %dot_general3A_717 = tpu.matmul %get3A_23, %get3A_54, %dot_general3A_716 {dimension_numbers = #tpu.dot_dimension_numbers<[1], [1], [0], [0], [0, 0, 1, 0], [], []>, transpose_lhs_hint = false} : vector<1280x128xf32>, vector<128x128xf32>, vector<1280x128xf32> -> vector<1280x128xf32>
    %add3A_718 = arith.addf %dot_general3A_717, %reshape3A_715 : vector<1280x128xf32>
    %add3A_719 = vector.broadcast %get3A_60 : vector<1x128xf32> to vector<1280x128xf32>
    %add3A_720 = arith.addf %add3A_718, %add3A_719 : vector<1280x128xf32>
    %neg3A_721 = arith.constant 0.000000e+00 : f32
    %neg3A_722 = vector.broadcast %neg3A_721 : f32 to vector<1280x128xf32>
    %neg3A_723 = arith.subf %neg3A_722, %add3A_720 : vector<1280x128xf32>
    %exp3A_724 = math.exp %neg3A_723 : vector<1280x128xf32>
    %add3A_725 = arith.constant 1.000000e+00 : f32
    %add3A_726 = vector.broadcast %add3A_725 : f32 to vector<1280x128xf32>
    %add3A_727 = arith.addf %add3A_726, %exp3A_724 : vector<1280x128xf32>
    %div3A_728 = arith.constant 1.000000e+00 : f32
    %div3A_729 = vector.broadcast %div3A_728 : f32 to vector<1280x128xf32>
    %div3A_730 = arith.divf %div3A_729, %add3A_727 : vector<1280x128xf32>
    %swap3A_731 = arith.constant 1120 : index
    %swap3A_732 = arith.constant 0 : index
    %swap3A_733 = vector.load %arg18[%swap3A_731, %swap3A_732] : memref<10080x128xf32, #tpu.memory_space<vmem>>, vector<1280x128xf32>
    tpu.vector_store %arg18[%swap3A_731, %swap3A_732], %reshape3A_713 {strides = array<i32>} : memref<10080x128xf32, #tpu.memory_space<vmem>>, vector<1280x128xf32>,
    %mul3A_734 = arith.constant 1280 : i32
    %mul3A_735 = arith.muli %arg0, %mul3A_734 : i32
    %add3A_736 = arith.constant 11200 : i32
    %add3A_737 = arith.addi %add3A_736, %mul3A_735 : i32
    %dma_start3A_738 = arith.constant 9 : i32
    %dma_start3A_739 = tpu.memref_slice %arg19[%dma_start3A_738] : memref<12x!tpu.dma_semaphore, #tpu.memory_space<semaphore_mem>> -> memref<1x!tpu.dma_semaphore, #tpu.memory_space<semaphore_mem>>
    %dma_start3A_740 = tpu.memref_squeeze %dma_start3A_739 : memref<1x!tpu.dma_semaphore, #tpu.memory_space<semaphore_mem>> -> memref<!tpu.dma_semaphore, #tpu.memory_space<semaphore_mem>>
    %dma_start3A_741 = arith.constant 0 : i32
    %dma_start3A_742 = tpu.memref_slice %arg15[%add3A_737, %dma_start3A_741] : memref<100800x128xf32, #tpu.memory_space<any>> -> memref<1280x128xf32, #tpu.memory_space<any>>
    %dma_start3A_743 = arith.constant 1120 : i32
    %dma_start3A_744 = arith.constant 0 : i32
    %dma_start3A_745 = tpu.memref_slice %arg18[%dma_start3A_743, %dma_start3A_744] : memref<10080x128xf32, #tpu.memory_space<vmem>> -> memref<1280x128xf32, #tpu.memory_space<vmem>>
    tpu.enqueue_dma source(%dma_start3A_745 : memref<1280x128xf32, #tpu.memory_space<vmem>>) target(%dma_start3A_742 : memref<1280x128xf32, #tpu.memory_space<any>>) target_semaphore(%dma_start3A_740 : memref<!tpu.dma_semaphore, #tpu.memory_space<semaphore_mem>>)
    %mul3A_746 = arith.mulf %reshape3A_713, %div3A_730 : vector<1280x128xf32>
    %dot_general3A_747 = arith.constant dense<0.000000e+00> : vector<1280x128xf32>
    %dot_general3A_748 = tpu.matmul %get3A_23, %get3A_36, %dot_general3A_747 {dimension_numbers = #tpu.dot_dimension_numbers<[1], [1], [0], [0], [0, 0, 1, 0], [], []>, transpose_lhs_hint = false} : vector<1280x128xf32>, vector<128x128xf32>, vector<1280x128xf32> -> vector<1280x128xf32>
    %dot_general3A_749 = arith.constant dense<0.000000e+00> : vector<1280x128xf32>
    %dot_general3A_750 = tpu.matmul %reshape3A_713, %get3A_39, %dot_general3A_749 {dimension_numbers = #tpu.dot_dimension_numbers<[1], [1], [0], [0], [0, 0, 1, 0], [], []>, transpose_lhs_hint = false} : vector<1280x128xf32>, vector<128x128xf32>, vector<1280x128xf32> -> vector<1280x128xf32>
    %add3A_751 = arith.addf %dot_general3A_748, %dot_general3A_750 : vector<1280x128xf32>
    %add3A_752 = vector.broadcast %get3A_42 : vector<1x128xf32> to vector<1280x128xf32>
    %add3A_753 = arith.addf %add3A_751, %add3A_752 : vector<1280x128xf32>
    %neg3A_754 = arith.constant 0.000000e+00 : f32
    %neg3A_755 = vector.broadcast %neg3A_754 : f32 to vector<1280x128xf32>
    %neg3A_756 = arith.subf %neg3A_755, %add3A_753 : vector<1280x128xf32>
    %exp3A_757 = math.exp %neg3A_756 : vector<1280x128xf32>
    %add3A_758 = arith.constant 1.000000e+00 : f32
    %add3A_759 = vector.broadcast %add3A_758 : f32 to vector<1280x128xf32>
    %add3A_760 = arith.addf %add3A_759, %exp3A_757 : vector<1280x128xf32>
    %div3A_761 = arith.constant 1.000000e+00 : f32
    %div3A_762 = vector.broadcast %div3A_761 : f32 to vector<1280x128xf32>
    %div3A_763 = arith.divf %div3A_762, %add3A_760 : vector<1280x128xf32>
    %dot_general3A_764 = arith.constant dense<0.000000e+00> : vector<1280x128xf32>
    %dot_general3A_765 = tpu.matmul %get3A_23, %get3A_45, %dot_general3A_764 {dimension_numbers = #tpu.dot_dimension_numbers<[1], [1], [0], [0], [0, 0, 1, 0], [], []>, transpose_lhs_hint = false} : vector<1280x128xf32>, vector<128x128xf32>, vector<1280x128xf32> -> vector<1280x128xf32>
    %dot_general3A_766 = arith.constant dense<0.000000e+00> : vector<1280x128xf32>
    %dot_general3A_767 = tpu.matmul %mul3A_746, %get3A_48, %dot_general3A_766 {dimension_numbers = #tpu.dot_dimension_numbers<[1], [1], [0], [0], [0, 0, 1, 0], [], []>, transpose_lhs_hint = false} : vector<1280x128xf32>, vector<128x128xf32>, vector<1280x128xf32> -> vector<1280x128xf32>
    %add3A_768 = arith.addf %dot_general3A_765, %dot_general3A_767 : vector<1280x128xf32>
    %add3A_769 = vector.broadcast %get3A_51 : vector<1x128xf32> to vector<1280x128xf32>
    %add3A_770 = arith.addf %add3A_768, %add3A_769 : vector<1280x128xf32>
    %tanh3A_771 = math.tanh %add3A_770 : vector<1280x128xf32>
    %sub3A_772 = arith.constant 1.000000e+00 : f32
    %sub3A_773 = vector.broadcast %sub3A_772 : f32 to vector<1280x128xf32>
    %sub3A_774 = arith.subf %sub3A_773, %div3A_763 : vector<1280x128xf32>
    %mul3A_775 = arith.mulf %sub3A_774, %reshape3A_713 : vector<1280x128xf32>
    %mul3A_776 = arith.mulf %div3A_763, %tanh3A_771 : vector<1280x128xf32>
    %add3A_777 = arith.addf %mul3A_775, %mul3A_776 : vector<1280x128xf32>
    %dot_general3A_778 = arith.constant dense<0.000000e+00> : vector<1280x128xf32>
    %dot_general3A_779 = tpu.matmul %add3A_777, %get3A_57, %dot_general3A_778 {dimension_numbers = #tpu.dot_dimension_numbers<[1], [1], [0], [0], [0, 0, 1, 0], [], []>, transpose_lhs_hint = false} : vector<1280x128xf32>, vector<128x128xf32>, vector<1280x128xf32> -> vector<1280x128xf32>
    %concatenate3A_780 = tpu.concatenate %add3A_777, %add3A_777 in 1 : vector<1280x128xf32>, vector<1280x128xf32> -> vector<1280x256xf32>
    %reshape3A_781 = vector.shape_cast %concatenate3A_780 : vector<1280x256xf32> to vector<2560x128xf32>
    %concatenate3A_782 = tpu.concatenate %dot_general3A_779, %dot_general3A_779 in 1 : vector<1280x128xf32>, vector<1280x128xf32> -> vector<1280x256xf32>
    %reshape3A_783 = vector.shape_cast %concatenate3A_782 : vector<1280x256xf32> to vector<2560x128xf32>
    %dot_general3A_784 = arith.constant dense<0.000000e+00> : vector<2560x128xf32>
    %dot_general3A_785 = tpu.matmul %get3A_28, %get3A_54, %dot_general3A_784 {dimension_numbers = #tpu.dot_dimension_numbers<[1], [1], [0], [0], [0, 0, 1, 0], [], []>, transpose_lhs_hint = false} : vector<2560x128xf32>, vector<128x128xf32>, vector<2560x128xf32> -> vector<2560x128xf32>
    %add3A_786 = arith.addf %dot_general3A_785, %reshape3A_783 : vector<2560x128xf32>
    %add3A_787 = vector.broadcast %get3A_60 : vector<1x128xf32> to vector<2560x128xf32>
    %add3A_788 = arith.addf %add3A_786, %add3A_787 : vector<2560x128xf32>
    %neg3A_789 = arith.constant 0.000000e+00 : f32
    %neg3A_790 = vector.broadcast %neg3A_789 : f32 to vector<2560x128xf32>
    %neg3A_791 = arith.subf %neg3A_790, %add3A_788 : vector<2560x128xf32>
    %exp3A_792 = math.exp %neg3A_791 : vector<2560x128xf32>
    %add3A_793 = arith.constant 1.000000e+00 : f32
    %add3A_794 = vector.broadcast %add3A_793 : f32 to vector<2560x128xf32>
    %add3A_795 = arith.addf %add3A_794, %exp3A_792 : vector<2560x128xf32>
    %div3A_796 = arith.constant 1.000000e+00 : f32
    %div3A_797 = vector.broadcast %div3A_796 : f32 to vector<2560x128xf32>
    %div3A_798 = arith.divf %div3A_797, %add3A_795 : vector<2560x128xf32>
    %swap3A_799 = arith.constant 2400 : index
    %swap3A_800 = arith.constant 0 : index
    %swap3A_801 = vector.load %arg18[%swap3A_799, %swap3A_800] : memref<10080x128xf32, #tpu.memory_space<vmem>>, vector<2560x128xf32>
    tpu.vector_store %arg18[%swap3A_799, %swap3A_800], %reshape3A_781 {strides = array<i32>} : memref<10080x128xf32, #tpu.memory_space<vmem>>, vector<2560x128xf32>,
    %mul3A_802 = arith.constant 2560 : i32
    %mul3A_803 = arith.muli %arg0, %mul3A_802 : i32
    %add3A_804 = arith.constant 24000 : i32
    %add3A_805 = arith.addi %add3A_804, %mul3A_803 : i32
    %dma_start3A_806 = arith.constant 10 : i32
    %dma_start3A_807 = tpu.memref_slice %arg19[%dma_start3A_806] : memref<12x!tpu.dma_semaphore, #tpu.memory_space<semaphore_mem>> -> memref<1x!tpu.dma_semaphore, #tpu.memory_space<semaphore_mem>>
    %dma_start3A_808 = tpu.memref_squeeze %dma_start3A_807 : memref<1x!tpu.dma_semaphore, #tpu.memory_space<semaphore_mem>> -> memref<!tpu.dma_semaphore, #tpu.memory_space<semaphore_mem>>
    %dma_start3A_809 = arith.constant 0 : i32
    %dma_start3A_810 = tpu.memref_slice %arg15[%add3A_805, %dma_start3A_809] : memref<100800x128xf32, #tpu.memory_space<any>> -> memref<2560x128xf32, #tpu.memory_space<any>>
    %dma_start3A_811 = arith.constant 2400 : i32
    %dma_start3A_812 = arith.constant 0 : i32
    %dma_start3A_813 = tpu.memref_slice %arg18[%dma_start3A_811, %dma_start3A_812] : memref<10080x128xf32, #tpu.memory_space<vmem>> -> memref<2560x128xf32, #tpu.memory_space<vmem>>
    tpu.enqueue_dma source(%dma_start3A_813 : memref<2560x128xf32, #tpu.memory_space<vmem>>) target(%dma_start3A_810 : memref<2560x128xf32, #tpu.memory_space<any>>) target_semaphore(%dma_start3A_808 : memref<!tpu.dma_semaphore, #tpu.memory_space<semaphore_mem>>)
    %mul3A_814 = arith.mulf %reshape3A_781, %div3A_798 : vector<2560x128xf32>
    %dot_general3A_815 = arith.constant dense<0.000000e+00> : vector<2560x128xf32>
    %dot_general3A_816 = tpu.matmul %get3A_28, %get3A_36, %dot_general3A_815 {dimension_numbers = #tpu.dot_dimension_numbers<[1], [1], [0], [0], [0, 0, 1, 0], [], []>, transpose_lhs_hint = false} : vector<2560x128xf32>, vector<128x128xf32>, vector<2560x128xf32> -> vector<2560x128xf32>
    %dot_general3A_817 = arith.constant dense<0.000000e+00> : vector<2560x128xf32>
    %dot_general3A_818 = tpu.matmul %reshape3A_781, %get3A_39, %dot_general3A_817 {dimension_numbers = #tpu.dot_dimension_numbers<[1], [1], [0], [0], [0, 0, 1, 0], [], []>, transpose_lhs_hint = false} : vector<2560x128xf32>, vector<128x128xf32>, vector<2560x128xf32> -> vector<2560x128xf32>
    %add3A_819 = arith.addf %dot_general3A_816, %dot_general3A_818 : vector<2560x128xf32>
    %add3A_820 = vector.broadcast %get3A_42 : vector<1x128xf32> to vector<2560x128xf32>
    %add3A_821 = arith.addf %add3A_819, %add3A_820 : vector<2560x128xf32>
    %neg3A_822 = arith.constant 0.000000e+00 : f32
    %neg3A_823 = vector.broadcast %neg3A_822 : f32 to vector<2560x128xf32>
    %neg3A_824 = arith.subf %neg3A_823, %add3A_821 : vector<2560x128xf32>
    %exp3A_825 = math.exp %neg3A_824 : vector<2560x128xf32>
    %add3A_826 = arith.constant 1.000000e+00 : f32
    %add3A_827 = vector.broadcast %add3A_826 : f32 to vector<2560x128xf32>
    %add3A_828 = arith.addf %add3A_827, %exp3A_825 : vector<2560x128xf32>
    %div3A_829 = arith.constant 1.000000e+00 : f32
    %div3A_830 = vector.broadcast %div3A_829 : f32 to vector<2560x128xf32>
    %div3A_831 = arith.divf %div3A_830, %add3A_828 : vector<2560x128xf32>
    %dot_general3A_832 = arith.constant dense<0.000000e+00> : vector<2560x128xf32>
    %dot_general3A_833 = tpu.matmul %get3A_28, %get3A_45, %dot_general3A_832 {dimension_numbers = #tpu.dot_dimension_numbers<[1], [1], [0], [0], [0, 0, 1, 0], [], []>, transpose_lhs_hint = false} : vector<2560x128xf32>, vector<128x128xf32>, vector<2560x128xf32> -> vector<2560x128xf32>
    %dot_general3A_834 = arith.constant dense<0.000000e+00> : vector<2560x128xf32>
    %dot_general3A_835 = tpu.matmul %mul3A_814, %get3A_48, %dot_general3A_834 {dimension_numbers = #tpu.dot_dimension_numbers<[1], [1], [0], [0], [0, 0, 1, 0], [], []>, transpose_lhs_hint = false} : vector<2560x128xf32>, vector<128x128xf32>, vector<2560x128xf32> -> vector<2560x128xf32>
    %add3A_836 = arith.addf %dot_general3A_833, %dot_general3A_835 : vector<2560x128xf32>
    %add3A_837 = vector.broadcast %get3A_51 : vector<1x128xf32> to vector<2560x128xf32>
    %add3A_838 = arith.addf %add3A_836, %add3A_837 : vector<2560x128xf32>
    %tanh3A_839 = math.tanh %add3A_838 : vector<2560x128xf32>
    %sub3A_840 = arith.constant 1.000000e+00 : f32
    %sub3A_841 = vector.broadcast %sub3A_840 : f32 to vector<2560x128xf32>
    %sub3A_842 = arith.subf %sub3A_841, %div3A_831 : vector<2560x128xf32>
    %mul3A_843 = arith.mulf %sub3A_842, %reshape3A_781 : vector<2560x128xf32>
    %mul3A_844 = arith.mulf %div3A_831, %tanh3A_839 : vector<2560x128xf32>
    %add3A_845 = arith.addf %mul3A_843, %mul3A_844 : vector<2560x128xf32>
    %concatenate3A_846 = tpu.concatenate %add3A_845, %add3A_845 in 1 : vector<2560x128xf32>, vector<2560x128xf32> -> vector<2560x256xf32>
    %reshape3A_847 = vector.shape_cast %concatenate3A_846 : vector<2560x256xf32> to vector<5120x128xf32>
    %swap3A_848 = arith.constant 4960 : index
    %swap3A_849 = arith.constant 0 : index
    %swap3A_850 = vector.load %arg18[%swap3A_848, %swap3A_849] : memref<10080x128xf32, #tpu.memory_space<vmem>>, vector<5120x128xf32>
    tpu.vector_store %arg18[%swap3A_848, %swap3A_849], %reshape3A_847 {strides = array<i32>} : memref<10080x128xf32, #tpu.memory_space<vmem>>, vector<5120x128xf32>,
    %mul3A_851 = arith.constant 5120 : i32
    %mul3A_852 = arith.muli %arg0, %mul3A_851 : i32
    %add3A_853 = arith.constant 49600 : i32
    %add3A_854 = arith.addi %add3A_853, %mul3A_852 : i32
    %dma_start3A_855 = arith.constant 11 : i32
    %dma_start3A_856 = tpu.memref_slice %arg19[%dma_start3A_855] : memref<12x!tpu.dma_semaphore, #tpu.memory_space<semaphore_mem>> -> memref<1x!tpu.dma_semaphore, #tpu.memory_space<semaphore_mem>>
    %dma_start3A_857 = tpu.memref_squeeze %dma_start3A_856 : memref<1x!tpu.dma_semaphore, #tpu.memory_space<semaphore_mem>> -> memref<!tpu.dma_semaphore, #tpu.memory_space<semaphore_mem>>
    %dma_start3A_858 = arith.constant 0 : i32
    %dma_start3A_859 = tpu.memref_slice %arg15[%add3A_854, %dma_start3A_858] : memref<100800x128xf32, #tpu.memory_space<any>> -> memref<5120x128xf32, #tpu.memory_space<any>>
    %dma_start3A_860 = arith.constant 4960 : i32
    %dma_start3A_861 = arith.constant 0 : i32
    %dma_start3A_862 = tpu.memref_slice %arg18[%dma_start3A_860, %dma_start3A_861] : memref<10080x128xf32, #tpu.memory_space<vmem>> -> memref<5120x128xf32, #tpu.memory_space<vmem>>
    tpu.enqueue_dma source(%dma_start3A_862 : memref<5120x128xf32, #tpu.memory_space<vmem>>) target(%dma_start3A_859 : memref<5120x128xf32, #tpu.memory_space<any>>) target_semaphore(%dma_start3A_857 : memref<!tpu.dma_semaphore, #tpu.memory_space<semaphore_mem>>)
    %get3A_863 = arith.constant 0 : index
    %get3A_864 = arith.constant 0 : index
    %get3A_865 = vector.load %arg11[%get3A_863, %get3A_864] : memref<128x128xf32, #tpu.memory_space<vmem>>, vector<128x128xf32>
    %dot_general3A_866 = arith.constant dense<0.000000e+00> : vector<80x128xf32>
    %dot_general3A_867 = tpu.matmul %get3A_3, %get3A_865, %dot_general3A_866 {dimension_numbers = #tpu.dot_dimension_numbers<[1], [1], [0], [0], [0, 0, 1, 0], [], []>, transpose_lhs_hint = false} : vector<80x128xf32>, vector<128x128xf32>, vector<80x128xf32> -> vector<80x128xf32>
    %get3A_868 = arith.constant 0 : index
    %get3A_869 = arith.constant 0 : index
    %get3A_870 = vector.load %arg12[%get3A_868, %get3A_869] : memref<128x128xf32, #tpu.memory_space<vmem>>, vector<128x128xf32>
    %dot_general3A_871 = arith.constant dense<0.000000e+00> : vector<80x128xf32>
    %dot_general3A_872 = tpu.matmul %add3A_470, %get3A_870, %dot_general3A_871 {dimension_numbers = #tpu.dot_dimension_numbers<[1], [1], [0], [0], [0, 0, 1, 0], [], []>, transpose_lhs_hint = false} : vector<80x128xf32>, vector<128x128xf32>, vector<80x128xf32> -> vector<80x128xf32>
    %add3A_873 = arith.addf %dot_general3A_867, %dot_general3A_872 : vector<80x128xf32>
    %get3A_874 = arith.constant 0 : index
    %get3A_875 = arith.constant 0 : index
    %get3A_876 = vector.load %arg13[%get3A_874, %get3A_875] : memref<1x128xf32, #tpu.memory_space<vmem>>, vector<1x128xf32>
    %add3A_877 = vector.broadcast %get3A_876 : vector<1x128xf32> to vector<80x128xf32>
    %add3A_878 = arith.addf %add3A_873, %add3A_877 : vector<80x128xf32>
    %max3A = arith.constant 0.000000e+00 : f32
    %max3A_879 = vector.broadcast %max3A : f32 to vector<80x128xf32>
    %max3A_880 = arith.maximumf %add3A_878, %max3A_879 : vector<80x128xf32>
    %reshape3A_881 = vector.shape_cast %max3A_880 : vector<80x128xf32> to vector<1x80x128xf32>
    %swap3A_882 = arith.constant 0 : index
    %swap3A_883 = arith.constant 0 : index
    %swap3A_884 = arith.constant 0 : index
    %swap3A_885 = vector.load %arg16[%swap3A_882, %swap3A_883, %swap3A_884] : memref<1x80x128xf32, #tpu.memory_space<vmem>>, vector<1x80x128xf32>
    tpu.vector_store %arg16[%swap3A_882, %swap3A_883, %swap3A_884], %reshape3A_881 {strides = array<i32>} : memref<1x80x128xf32, #tpu.memory_space<vmem>>, vector<1x80x128xf32>,
    %dma_wait3A = arith.constant 5 : i32
    %dma_wait3A_886 = tpu.memref_slice %arg19[%dma_wait3A] : memref<12x!tpu.dma_semaphore, #tpu.memory_space<semaphore_mem>> -> memref<1x!tpu.dma_semaphore, #tpu.memory_space<semaphore_mem>>
    %dma_wait3A_887 = tpu.memref_squeeze %dma_wait3A_886 : memref<1x!tpu.dma_semaphore, #tpu.memory_space<semaphore_mem>> -> memref<!tpu.dma_semaphore, #tpu.memory_space<semaphore_mem>>
    %dma_wait3A_888 = arith.constant 0 : i32
    %dma_wait3A_889 = tpu.memref_slice %arg14[%add3A_109, %dma_wait3A_888] : memref<100800x128xf32, #tpu.memory_space<any>> -> memref<5120x128xf32, #tpu.memory_space<any>>
    %dma_wait3A_890 = arith.constant 4960 : i32
    %dma_wait3A_891 = arith.constant 0 : i32
    %dma_wait3A_892 = tpu.memref_slice %arg17[%dma_wait3A_890, %dma_wait3A_891] : memref<10080x128xf32, #tpu.memory_space<vmem>> -> memref<5120x128xf32, #tpu.memory_space<vmem>>
    tpu.wait_dma2 semaphore(%dma_wait3A_887 : memref<!tpu.dma_semaphore, #tpu.memory_space<semaphore_mem>>) src(%dma_wait3A_892 : memref<5120x128xf32, #tpu.memory_space<vmem>>) dst(%dma_wait3A_889 : memref<5120x128xf32, #tpu.memory_space<any>>)
    %dma_wait3A_893 = arith.constant 4 : i32
    %dma_wait3A_894 = tpu.memref_slice %arg19[%dma_wait3A_893] : memref<12x!tpu.dma_semaphore, #tpu.memory_space<semaphore_mem>> -> memref<1x!tpu.dma_semaphore, #tpu.memory_space<semaphore_mem>>
    %dma_wait3A_895 = tpu.memref_squeeze %dma_wait3A_894 : memref<1x!tpu.dma_semaphore, #tpu.memory_space<semaphore_mem>> -> memref<!tpu.dma_semaphore, #tpu.memory_space<semaphore_mem>>
    %dma_wait3A_896 = arith.constant 0 : i32
    %dma_wait3A_897 = tpu.memref_slice %arg14[%add3A_181, %dma_wait3A_896] : memref<100800x128xf32, #tpu.memory_space<any>> -> memref<2560x128xf32, #tpu.memory_space<any>>
    %dma_wait3A_898 = arith.constant 2400 : i32
    %dma_wait3A_899 = arith.constant 0 : i32
    %dma_wait3A_900 = tpu.memref_slice %arg17[%dma_wait3A_898, %dma_wait3A_899] : memref<10080x128xf32, #tpu.memory_space<vmem>> -> memref<2560x128xf32, #tpu.memory_space<vmem>>
    tpu.wait_dma2 semaphore(%dma_wait3A_895 : memref<!tpu.dma_semaphore, #tpu.memory_space<semaphore_mem>>) src(%dma_wait3A_900 : memref<2560x128xf32, #tpu.memory_space<vmem>>) dst(%dma_wait3A_897 : memref<2560x128xf32, #tpu.memory_space<any>>)
    %dma_wait3A_901 = arith.constant 3 : i32
    %dma_wait3A_902 = tpu.memref_slice %arg19[%dma_wait3A_901] : memref<12x!tpu.dma_semaphore, #tpu.memory_space<semaphore_mem>> -> memref<1x!tpu.dma_semaphore, #tpu.memory_space<semaphore_mem>>
    %dma_wait3A_903 = tpu.memref_squeeze %dma_wait3A_902 : memref<1x!tpu.dma_semaphore, #tpu.memory_space<semaphore_mem>> -> memref<!tpu.dma_semaphore, #tpu.memory_space<semaphore_mem>>
    %dma_wait3A_904 = arith.constant 0 : i32
    %dma_wait3A_905 = tpu.memref_slice %arg14[%add3A_255, %dma_wait3A_904] : memref<100800x128xf32, #tpu.memory_space<any>> -> memref<1280x128xf32, #tpu.memory_space<any>>
    %dma_wait3A_906 = arith.constant 1120 : i32
    %dma_wait3A_907 = arith.constant 0 : i32
    %dma_wait3A_908 = tpu.memref_slice %arg17[%dma_wait3A_906, %dma_wait3A_907] : memref<10080x128xf32, #tpu.memory_space<vmem>> -> memref<1280x128xf32, #tpu.memory_space<vmem>>
    tpu.wait_dma2 semaphore(%dma_wait3A_903 : memref<!tpu.dma_semaphore, #tpu.memory_space<semaphore_mem>>) src(%dma_wait3A_908 : memref<1280x128xf32, #tpu.memory_space<vmem>>) dst(%dma_wait3A_905 : memref<1280x128xf32, #tpu.memory_space<any>>)
    %dma_wait3A_909 = arith.constant 2 : i32
    %dma_wait3A_910 = tpu.memref_slice %arg19[%dma_wait3A_909] : memref<12x!tpu.dma_semaphore, #tpu.memory_space<semaphore_mem>> -> memref<1x!tpu.dma_semaphore, #tpu.memory_space<semaphore_mem>>
    %dma_wait3A_911 = tpu.memref_squeeze %dma_wait3A_910 : memref<1x!tpu.dma_semaphore, #tpu.memory_space<semaphore_mem>> -> memref<!tpu.dma_semaphore, #tpu.memory_space<semaphore_mem>>
    %dma_wait3A_912 = arith.constant 0 : i32
    %dma_wait3A_913 = tpu.memref_slice %arg14[%add3A_329, %dma_wait3A_912] : memref<100800x128xf32, #tpu.memory_space<any>> -> memref<640x128xf32, #tpu.memory_space<any>>
    %dma_wait3A_914 = arith.constant 480 : i32
    %dma_wait3A_915 = arith.constant 0 : i32
    %dma_wait3A_916 = tpu.memref_slice %arg17[%dma_wait3A_914, %dma_wait3A_915] : memref<10080x128xf32, #tpu.memory_space<vmem>> -> memref<640x128xf32, #tpu.memory_space<vmem>>
    tpu.wait_dma2 semaphore(%dma_wait3A_911 : memref<!tpu.dma_semaphore, #tpu.memory_space<semaphore_mem>>) src(%dma_wait3A_916 : memref<640x128xf32, #tpu.memory_space<vmem>>) dst(%dma_wait3A_913 : memref<640x128xf32, #tpu.memory_space<any>>)
    %dma_wait3A_917 = arith.constant 1 : i32
    %dma_wait3A_918 = tpu.memref_slice %arg19[%dma_wait3A_917] : memref<12x!tpu.dma_semaphore, #tpu.memory_space<semaphore_mem>> -> memref<1x!tpu.dma_semaphore, #tpu.memory_space<semaphore_mem>>
    %dma_wait3A_919 = tpu.memref_squeeze %dma_wait3A_918 : memref<1x!tpu.dma_semaphore, #tpu.memory_space<semaphore_mem>> -> memref<!tpu.dma_semaphore, #tpu.memory_space<semaphore_mem>>
    %dma_wait3A_920 = arith.constant 0 : i32
    %dma_wait3A_921 = tpu.memref_slice %arg14[%add3A_403, %dma_wait3A_920] : memref<100800x128xf32, #tpu.memory_space<any>> -> memref<320x128xf32, #tpu.memory_space<any>>
    %dma_wait3A_922 = arith.constant 160 : i32
    %dma_wait3A_923 = arith.constant 0 : i32
    %dma_wait3A_924 = tpu.memref_slice %arg17[%dma_wait3A_922, %dma_wait3A_923] : memref<10080x128xf32, #tpu.memory_space<vmem>> -> memref<320x128xf32, #tpu.memory_space<vmem>>
    tpu.wait_dma2 semaphore(%dma_wait3A_919 : memref<!tpu.dma_semaphore, #tpu.memory_space<semaphore_mem>>) src(%dma_wait3A_924 : memref<320x128xf32, #tpu.memory_space<vmem>>) dst(%dma_wait3A_921 : memref<320x128xf32, #tpu.memory_space<any>>)
    %dma_wait3A_925 = arith.constant 0 : i32
    %dma_wait3A_926 = tpu.memref_slice %arg19[%dma_wait3A_925] : memref<12x!tpu.dma_semaphore, #tpu.memory_space<semaphore_mem>> -> memref<1x!tpu.dma_semaphore, #tpu.memory_space<semaphore_mem>>
    %dma_wait3A_927 = tpu.memref_squeeze %dma_wait3A_926 : memref<1x!tpu.dma_semaphore, #tpu.memory_space<semaphore_mem>> -> memref<!tpu.dma_semaphore, #tpu.memory_space<semaphore_mem>>
    %dma_wait3A_928 = arith.constant 0 : i32
    %dma_wait3A_929 = tpu.memref_slice %arg14[%add3A_458, %dma_wait3A_928] : memref<100800x128xf32, #tpu.memory_space<any>> -> memref<160x128xf32, #tpu.memory_space<any>>
    %dma_wait3A_930 = arith.constant 0 : i32
    %dma_wait3A_931 = arith.constant 0 : i32
    %dma_wait3A_932 = tpu.memref_slice %arg17[%dma_wait3A_930, %dma_wait3A_931] : memref<10080x128xf32, #tpu.memory_space<vmem>> -> memref<160x128xf32, #tpu.memory_space<vmem>>
    tpu.wait_dma2 semaphore(%dma_wait3A_927 : memref<!tpu.dma_semaphore, #tpu.memory_space<semaphore_mem>>) src(%dma_wait3A_932 : memref<160x128xf32, #tpu.memory_space<vmem>>) dst(%dma_wait3A_929 : memref<160x128xf32, #tpu.memory_space<any>>)
    %dma_wait3A_933 = arith.constant 6 : i32
    %dma_wait3A_934 = tpu.memref_slice %arg19[%dma_wait3A_933] : memref<12x!tpu.dma_semaphore, #tpu.memory_space<semaphore_mem>> -> memref<1x!tpu.dma_semaphore, #tpu.memory_space<semaphore_mem>>
    %dma_wait3A_935 = tpu.memref_squeeze %dma_wait3A_934 : memref<1x!tpu.dma_semaphore, #tpu.memory_space<semaphore_mem>> -> memref<!tpu.dma_semaphore, #tpu.memory_space<semaphore_mem>>
    %dma_wait3A_936 = arith.constant 0 : i32
    %dma_wait3A_937 = tpu.memref_slice %arg15[%add3A_533, %dma_wait3A_936] : memref<100800x128xf32, #tpu.memory_space<any>> -> memref<160x128xf32, #tpu.memory_space<any>>
    %dma_wait3A_938 = arith.constant 0 : i32
    %dma_wait3A_939 = arith.constant 0 : i32
    %dma_wait3A_940 = tpu.memref_slice %arg18[%dma_wait3A_938, %dma_wait3A_939] : memref<10080x128xf32, #tpu.memory_space<vmem>> -> memref<160x128xf32, #tpu.memory_space<vmem>>
    tpu.wait_dma2 semaphore(%dma_wait3A_935 : memref<!tpu.dma_semaphore, #tpu.memory_space<semaphore_mem>>) src(%dma_wait3A_940 : memref<160x128xf32, #tpu.memory_space<vmem>>) dst(%dma_wait3A_937 : memref<160x128xf32, #tpu.memory_space<any>>)
    %dma_wait3A_941 = arith.constant 7 : i32
    %dma_wait3A_942 = tpu.memref_slice %arg19[%dma_wait3A_941] : memref<12x!tpu.dma_semaphore, #tpu.memory_space<semaphore_mem>> -> memref<1x!tpu.dma_semaphore, #tpu.memory_space<semaphore_mem>>
    %dma_wait3A_943 = tpu.memref_squeeze %dma_wait3A_942 : memref<1x!tpu.dma_semaphore, #tpu.memory_space<semaphore_mem>> -> memref<!tpu.dma_semaphore, #tpu.memory_space<semaphore_mem>>
    %dma_wait3A_944 = arith.constant 0 : i32
    %dma_wait3A_945 = tpu.memref_slice %arg15[%add3A_601, %dma_wait3A_944] : memref<100800x128xf32, #tpu.memory_space<any>> -> memref<320x128xf32, #tpu.memory_space<any>>
    %dma_wait3A_946 = arith.constant 160 : i32
    %dma_wait3A_947 = arith.constant 0 : i32
    %dma_wait3A_948 = tpu.memref_slice %arg18[%dma_wait3A_946, %dma_wait3A_947] : memref<10080x128xf32, #tpu.memory_space<vmem>> -> memref<320x128xf32, #tpu.memory_space<vmem>>
    tpu.wait_dma2 semaphore(%dma_wait3A_943 : memref<!tpu.dma_semaphore, #tpu.memory_space<semaphore_mem>>) src(%dma_wait3A_948 : memref<320x128xf32, #tpu.memory_space<vmem>>) dst(%dma_wait3A_945 : memref<320x128xf32, #tpu.memory_space<any>>)
    %dma_wait3A_949 = arith.constant 8 : i32
    %dma_wait3A_950 = tpu.memref_slice %arg19[%dma_wait3A_949] : memref<12x!tpu.dma_semaphore, #tpu.memory_space<semaphore_mem>> -> memref<1x!tpu.dma_semaphore, #tpu.memory_space<semaphore_mem>>
    %dma_wait3A_951 = tpu.memref_squeeze %dma_wait3A_950 : memref<1x!tpu.dma_semaphore, #tpu.memory_space<semaphore_mem>> -> memref<!tpu.dma_semaphore, #tpu.memory_space<semaphore_mem>>
    %dma_wait3A_952 = arith.constant 0 : i32
    %dma_wait3A_953 = tpu.memref_slice %arg15[%add3A_669, %dma_wait3A_952] : memref<100800x128xf32, #tpu.memory_space<any>> -> memref<640x128xf32, #tpu.memory_space<any>>
    %dma_wait3A_954 = arith.constant 480 : i32
    %dma_wait3A_955 = arith.constant 0 : i32
    %dma_wait3A_956 = tpu.memref_slice %arg18[%dma_wait3A_954, %dma_wait3A_955] : memref<10080x128xf32, #tpu.memory_space<vmem>> -> memref<640x128xf32, #tpu.memory_space<vmem>>
    tpu.wait_dma2 semaphore(%dma_wait3A_951 : memref<!tpu.dma_semaphore, #tpu.memory_space<semaphore_mem>>) src(%dma_wait3A_956 : memref<640x128xf32, #tpu.memory_space<vmem>>) dst(%dma_wait3A_953 : memref<640x128xf32, #tpu.memory_space<any>>)
    %dma_wait3A_957 = arith.constant 9 : i32
    %dma_wait3A_958 = tpu.memref_slice %arg19[%dma_wait3A_957] : memref<12x!tpu.dma_semaphore, #tpu.memory_space<semaphore_mem>> -> memref<1x!tpu.dma_semaphore, #tpu.memory_space<semaphore_mem>>
    %dma_wait3A_959 = tpu.memref_squeeze %dma_wait3A_958 : memref<1x!tpu.dma_semaphore, #tpu.memory_space<semaphore_mem>> -> memref<!tpu.dma_semaphore, #tpu.memory_space<semaphore_mem>>
    %dma_wait3A_960 = arith.constant 0 : i32
    %dma_wait3A_961 = tpu.memref_slice %arg15[%add3A_737, %dma_wait3A_960] : memref<100800x128xf32, #tpu.memory_space<any>> -> memref<1280x128xf32, #tpu.memory_space<any>>
    %dma_wait3A_962 = arith.constant 1120 : i32
    %dma_wait3A_963 = arith.constant 0 : i32
    %dma_wait3A_964 = tpu.memref_slice %arg18[%dma_wait3A_962, %dma_wait3A_963] : memref<10080x128xf32, #tpu.memory_space<vmem>> -> memref<1280x128xf32, #tpu.memory_space<vmem>>
    tpu.wait_dma2 semaphore(%dma_wait3A_959 : memref<!tpu.dma_semaphore, #tpu.memory_space<semaphore_mem>>) src(%dma_wait3A_964 : memref<1280x128xf32, #tpu.memory_space<vmem>>) dst(%dma_wait3A_961 : memref<1280x128xf32, #tpu.memory_space<any>>)
    %dma_wait3A_965 = arith.constant 10 : i32
    %dma_wait3A_966 = tpu.memref_slice %arg19[%dma_wait3A_965] : memref<12x!tpu.dma_semaphore, #tpu.memory_space<semaphore_mem>> -> memref<1x!tpu.dma_semaphore, #tpu.memory_space<semaphore_mem>>
    %dma_wait3A_967 = tpu.memref_squeeze %dma_wait3A_966 : memref<1x!tpu.dma_semaphore, #tpu.memory_space<semaphore_mem>> -> memref<!tpu.dma_semaphore, #tpu.memory_space<semaphore_mem>>
    %dma_wait3A_968 = arith.constant 0 : i32
    %dma_wait3A_969 = tpu.memref_slice %arg15[%add3A_805, %dma_wait3A_968] : memref<100800x128xf32, #tpu.memory_space<any>> -> memref<2560x128xf32, #tpu.memory_space<any>>
    %dma_wait3A_970 = arith.constant 2400 : i32
    %dma_wait3A_971 = arith.constant 0 : i32
    %dma_wait3A_972 = tpu.memref_slice %arg18[%dma_wait3A_970, %dma_wait3A_971] : memref<10080x128xf32, #tpu.memory_space<vmem>> -> memref<2560x128xf32, #tpu.memory_space<vmem>>
    tpu.wait_dma2 semaphore(%dma_wait3A_967 : memref<!tpu.dma_semaphore, #tpu.memory_space<semaphore_mem>>) src(%dma_wait3A_972 : memref<2560x128xf32, #tpu.memory_space<vmem>>) dst(%dma_wait3A_969 : memref<2560x128xf32, #tpu.memory_space<any>>)
    %dma_wait3A_973 = arith.constant 11 : i32
    %dma_wait3A_974 = tpu.memref_slice %arg19[%dma_wait3A_973] : memref<12x!tpu.dma_semaphore, #tpu.memory_space<semaphore_mem>> -> memref<1x!tpu.dma_semaphore, #tpu.memory_space<semaphore_mem>>
    %dma_wait3A_975 = tpu.memref_squeeze %dma_wait3A_974 : memref<1x!tpu.dma_semaphore, #tpu.memory_space<semaphore_mem>> -> memref<!tpu.dma_semaphore, #tpu.memory_space<semaphore_mem>>
    %dma_wait3A_976 = arith.constant 0 : i32
    %dma_wait3A_977 = tpu.memref_slice %arg15[%add3A_854, %dma_wait3A_976] : memref<100800x128xf32, #tpu.memory_space<any>> -> memref<5120x128xf32, #tpu.memory_space<any>>
    %dma_wait3A_978 = arith.constant 4960 : i32
    %dma_wait3A_979 = arith.constant 0 : i32
    %dma_wait3A_980 = tpu.memref_slice %arg18[%dma_wait3A_978, %dma_wait3A_979] : memref<10080x128xf32, #tpu.memory_space<vmem>> -> memref<5120x128xf32, #tpu.memory_space<vmem>>
    tpu.wait_dma2 semaphore(%dma_wait3A_975 : memref<!tpu.dma_semaphore, #tpu.memory_space<semaphore_mem>>) src(%dma_wait3A_980 : memref<5120x128xf32, #tpu.memory_space<vmem>>) dst(%dma_wait3A_977 : memref<5120x128xf32, #tpu.memory_space<any>>)
    return
  }
  func.func @transform_0(%arg0: i32) -> (i32, i32, i32) {
    %c0_i32 = arith.constant 0 : i32
    %c0_i32_0 = arith.constant 0 : i32
    %c0_i32_1 = arith.constant 0 : i32
    return %arg0, %c0_i32, %c0_i32_0 : i32, i32, i32
  }
  func.func @transform_1(%arg0: i32) -> (i32, i32) {
    %c0_i32 = arith.constant 0 : i32
    %c0_i32_0 = arith.constant 0 : i32
    %c0_i32_1 = arith.constant 0 : i32
    return %c0_i32, %c0_i32_0 : i32, i32
  }
  func.func @transform_2(%arg0: i32) -> (i32, i32) {
    %c0_i32 = arith.constant 0 : i32
    %c0_i32_0 = arith.constant 0 : i32
    %c0_i32_1 = arith.constant 0 : i32
    return %c0_i32, %c0_i32_0 : i32, i32
  }
  func.func @transform_3(%arg0: i32) -> (i32, i32) {
    %c0_i32 = arith.constant 0 : i32
    %c0_i32_0 = arith.constant 0 : i32
    %c0_i32_1 = arith.constant 0 : i32
    return %c0_i32, %c0_i32_0 : i32, i32
  }
  func.func @transform_4(%arg0: i32) -> (i32, i32) {
    %c0_i32 = arith.constant 0 : i32
    %c0_i32_0 = arith.constant 0 : i32
    %c0_i32_1 = arith.constant 0 : i32
    return %c0_i32, %c0_i32_0 : i32, i32
  }
  func.func @transform_5(%arg0: i32) -> (i32, i32) {
    %c0_i32 = arith.constant 0 : i32
    %c0_i32_0 = arith.constant 0 : i32
    %c0_i32_1 = arith.constant 0 : i32
    return %c0_i32, %c0_i32_0 : i32, i32
  }
  func.func @transform_6(%arg0: i32) -> (i32, i32) {
    %c0_i32 = arith.constant 0 : i32
    %c0_i32_0 = arith.constant 0 : i32
    %c0_i32_1 = arith.constant 0 : i32
    return %c0_i32, %c0_i32_0 : i32, i32
  }
  func.func @transform_7(%arg0: i32) -> (i32, i32) {
    %c0_i32 = arith.constant 0 : i32
    %c0_i32_0 = arith.constant 0 : i32
    %c0_i32_1 = arith.constant 0 : i32
    return %c0_i32, %c0_i32_0 : i32, i32
  }
  func.func @transform_8(%arg0: i32) -> (i32, i32) {
    %c0_i32 = arith.constant 0 : i32
    %c0_i32_0 = arith.constant 0 : i32
    %c0_i32_1 = arith.constant 0 : i32
    return %c0_i32, %c0_i32_0 : i32, i32
  }
  func.func @transform_9(%arg0: i32) -> (i32, i32) {
    %c0_i32 = arith.constant 0 : i32
    %c0_i32_0 = arith.constant 0 : i32
    %c0_i32_1 = arith.constant 0 : i32
    return %c0_i32, %c0_i32_0 : i32, i32
  }
  func.func @transform_10(%arg0: i32) -> (i32, i32) {
    %c0_i32 = arith.constant 0 : i32
    %c0_i32_0 = arith.constant 0 : i32
    %c0_i32_1 = arith.constant 0 : i32
    return %c0_i32, %c0_i32_0 : i32, i32
  }
  func.func @transform_11(%arg0: i32) -> (i32, i32) {
    %c0_i32 = arith.constant 0 : i32
    %c0_i32_0 = arith.constant 0 : i32
    %c0_i32_1 = arith.constant 0 : i32
    return %c0_i32, %c0_i32_0 : i32, i32
  }
  func.func @transform_12(%arg0: i32) -> (i32, i32) {
    %c0_i32 = arith.constant 0 : i32
    %c0_i32_0 = arith.constant 0 : i32
    %c0_i32_1 = arith.constant 0 : i32
    return %c0_i32, %c0_i32_0 : i32, i32
  }
  func.func @transform_15(%arg0: i32) -> (i32, i32, i32) {
    %c0_i32 = arith.constant 0 : i32
    %c0_i32_0 = arith.constant 0 : i32
    %c0_i32_1 = arith.constant 0 : i32
    return %arg0, %c0_i32, %c0_i32_0 : i32, i32, i32
  }
}

module attributes {stable_mosaic.version = 14 : i64} {
  func.func @body(%arg0: i32, %arg1: memref<1x10240x128xf32, #tpu.memory_space<vmem>>, %arg2: memref<128x128xf32, #tpu.memory_space<vmem>>, %arg3: memref<128x128xf32, #tpu.memory_space<vmem>>, %arg4: memref<1x128xf32, #tpu.memory_space<vmem>>, %arg5: memref<128x128xf32, #tpu.memory_space<vmem>>, %arg6: memref<128x128xf32, #tpu.memory_space<vmem>>, %arg7: memref<1x128xf32, #tpu.memory_space<vmem>>, %arg8: memref<128x128xf32, #tpu.memory_space<vmem>>, %arg9: memref<128x128xf32, #tpu.memory_space<vmem>>, %arg10: memref<1x128xf32, #tpu.memory_space<vmem>>, %arg11: memref<128x128xf32, #tpu.memory_space<vmem>>, %arg12: memref<128x128xf32, #tpu.memory_space<vmem>>, %arg13: memref<1x128xf32, #tpu.memory_space<vmem>>, %arg14: memref<100800x128xf32, #tpu.memory_space<any>>, %arg15: memref<100800x128xf32, #tpu.memory_space<any>>, %arg16: memref<100800x128xf32, #tpu.memory_space<any>>, %arg17: memref<100800x128xf32, #tpu.memory_space<any>>, %arg18: memref<1x80x128xf32, #tpu.memory_space<vmem>>, %arg19: memref<10080x128xf32, #tpu.memory_space<vmem>>, %arg20: memref<10080x128xf32, #tpu.memory_space<vmem>>, %arg21: memref<12x!tpu.dma_semaphore, #tpu.memory_space<semaphore_mem>>) attributes {dimension_semantics = [#tpu.dimension_semantics<arbitrary>], iteration_bounds = array<i64: 5>, scalar_prefetch = 0 : i64, scratch_operands = 3 : i64, tpu.core_type = #tpu.core_type<tc>, window_params = [{transform_indices = @transform_0, window_bounds = array<i64: 1, 10240, 128>}, {pipeline_mode = #tpu.pipeline_mode<synchronous>, transform_indices = @transform_1, window_bounds = array<i64: 128, 128>}, {pipeline_mode = #tpu.pipeline_mode<synchronous>, transform_indices = @transform_2, window_bounds = array<i64: 128, 128>}, {pipeline_mode = #tpu.pipeline_mode<synchronous>, transform_indices = @transform_3, window_bounds = array<i64: 1, 128>}, {pipeline_mode = #tpu.pipeline_mode<synchronous>, transform_indices = @transform_4, window_bounds = array<i64: 128, 128>}, {pipeline_mode = #tpu.pipeline_mode<synchronous>, transform_indices = @transform_5, window_bounds = array<i64: 128, 128>}, {pipeline_mode = #tpu.pipeline_mode<synchronous>, transform_indices = @transform_6, window_bounds = array<i64: 1, 128>}, {pipeline_mode = #tpu.pipeline_mode<synchronous>, transform_indices = @transform_7, window_bounds = array<i64: 128, 128>}, {pipeline_mode = #tpu.pipeline_mode<synchronous>, transform_indices = @transform_8, window_bounds = array<i64: 128, 128>}, {pipeline_mode = #tpu.pipeline_mode<synchronous>, transform_indices = @transform_9, window_bounds = array<i64: 1, 128>}, {pipeline_mode = #tpu.pipeline_mode<synchronous>, transform_indices = @transform_10, window_bounds = array<i64: 128, 128>}, {pipeline_mode = #tpu.pipeline_mode<synchronous>, transform_indices = @transform_11, window_bounds = array<i64: 128, 128>}, {pipeline_mode = #tpu.pipeline_mode<synchronous>, transform_indices = @transform_12, window_bounds = array<i64: 1, 128>}, {}, {}, {}, {}, {transform_indices = @transform_17, window_bounds = array<i64: 1, 80, 128>}]} {
    %get3A = arith.constant 0 : index
    %get3A_0 = arith.constant 0 : index
    %get3A_1 = arith.constant 0 : index
    %get3A_2 = vector.load %arg1[%get3A, %get3A_0, %get3A_1] : memref<1x10240x128xf32, #tpu.memory_space<vmem>>, vector<1x80x128xf32>
    %get3A_3 = vector.shape_cast %get3A_2 : vector<1x80x128xf32> to vector<80x128xf32>
    %get3A_4 = arith.constant 0 : index
    %get3A_5 = arith.constant 80 : index
    %get3A_6 = arith.constant 0 : index
    %get3A_7 = vector.load %arg1[%get3A_4, %get3A_5, %get3A_6] : memref<1x10240x128xf32, #tpu.memory_space<vmem>>, vector<1x160x128xf32>
    %get3A_8 = vector.shape_cast %get3A_7 : vector<1x160x128xf32> to vector<160x128xf32>
    %get3A_9 = arith.constant 0 : index
    %get3A_10 = arith.constant 240 : index
    %get3A_11 = arith.constant 0 : index
    %get3A_12 = vector.load %arg1[%get3A_9, %get3A_10, %get3A_11] : memref<1x10240x128xf32, #tpu.memory_space<vmem>>, vector<1x320x128xf32>
    %get3A_13 = vector.shape_cast %get3A_12 : vector<1x320x128xf32> to vector<320x128xf32>
    %get3A_14 = arith.constant 0 : index
    %get3A_15 = arith.constant 560 : index
    %get3A_16 = arith.constant 0 : index
    %get3A_17 = vector.load %arg1[%get3A_14, %get3A_15, %get3A_16] : memref<1x10240x128xf32, #tpu.memory_space<vmem>>, vector<1x640x128xf32>
    %get3A_18 = vector.shape_cast %get3A_17 : vector<1x640x128xf32> to vector<640x128xf32>
    %get3A_19 = arith.constant 0 : index
    %get3A_20 = arith.constant 1200 : index
    %get3A_21 = arith.constant 0 : index
    %get3A_22 = vector.load %arg1[%get3A_19, %get3A_20, %get3A_21] : memref<1x10240x128xf32, #tpu.memory_space<vmem>>, vector<1x1280x128xf32>
    %get3A_23 = vector.shape_cast %get3A_22 : vector<1x1280x128xf32> to vector<1280x128xf32>
    %get3A_24 = arith.constant 0 : index
    %get3A_25 = arith.constant 2480 : index
    %get3A_26 = arith.constant 0 : index
    %get3A_27 = vector.load %arg1[%get3A_24, %get3A_25, %get3A_26] : memref<1x10240x128xf32, #tpu.memory_space<vmem>>, vector<1x2560x128xf32>
    %get3A_28 = vector.shape_cast %get3A_27 : vector<1x2560x128xf32> to vector<2560x128xf32>
    %get3A_29 = arith.constant 0 : index
    %get3A_30 = arith.constant 5040 : index
    %get3A_31 = arith.constant 0 : index
    %get3A_32 = vector.load %arg1[%get3A_29, %get3A_30, %get3A_31] : memref<1x10240x128xf32, #tpu.memory_space<vmem>>, vector<1x5120x128xf32>
    %get3A_33 = vector.shape_cast %get3A_32 : vector<1x5120x128xf32> to vector<5120x128xf32>
    %get3A_34 = arith.constant 0 : index
    %get3A_35 = arith.constant 0 : index
    %get3A_36 = vector.load %arg2[%get3A_34, %get3A_35] : memref<128x128xf32, #tpu.memory_space<vmem>>, vector<128x128xf32>
    %get3A_37 = arith.constant 0 : index
    %get3A_38 = arith.constant 0 : index
    %get3A_39 = vector.load %arg3[%get3A_37, %get3A_38] : memref<128x128xf32, #tpu.memory_space<vmem>>, vector<128x128xf32>
    %get3A_40 = arith.constant 0 : index
    %get3A_41 = arith.constant 0 : index
    %get3A_42 = vector.load %arg4[%get3A_40, %get3A_41] : memref<1x128xf32, #tpu.memory_space<vmem>>, vector<1x128xf32>
    %get3A_43 = arith.constant 0 : index
    %get3A_44 = arith.constant 0 : index
    %get3A_45 = vector.load %arg5[%get3A_43, %get3A_44] : memref<128x128xf32, #tpu.memory_space<vmem>>, vector<128x128xf32>
    %get3A_46 = arith.constant 0 : index
    %get3A_47 = arith.constant 0 : index
    %get3A_48 = vector.load %arg6[%get3A_46, %get3A_47] : memref<128x128xf32, #tpu.memory_space<vmem>>, vector<128x128xf32>
    %get3A_49 = arith.constant 0 : index
    %get3A_50 = arith.constant 0 : index
    %get3A_51 = vector.load %arg7[%get3A_49, %get3A_50] : memref<1x128xf32, #tpu.memory_space<vmem>>, vector<1x128xf32>
    %get3A_52 = arith.constant 0 : index
    %get3A_53 = arith.constant 0 : index
    %get3A_54 = vector.load %arg8[%get3A_52, %get3A_53] : memref<128x128xf32, #tpu.memory_space<vmem>>, vector<128x128xf32>
    %get3A_55 = arith.constant 0 : index
    %get3A_56 = arith.constant 0 : index
    %get3A_57 = vector.load %arg9[%get3A_55, %get3A_56] : memref<128x128xf32, #tpu.memory_space<vmem>>, vector<128x128xf32>
    %get3A_58 = arith.constant 0 : index
    %get3A_59 = arith.constant 0 : index
    %get3A_60 = vector.load %arg10[%get3A_58, %get3A_59] : memref<1x128xf32, #tpu.memory_space<vmem>>, vector<1x128xf32>
    %broadcast_in_dim3A = arith.constant 0.000000e+00 : f32
    %broadcast_in_dim3A_61 = vector.broadcast %broadcast_in_dim3A : f32 to vector<5120x128xf32>
    %broadcast_in_dim3A_62 = arith.constant 0.000000e+00 : f32
    %broadcast_in_dim3A_63 = vector.broadcast %broadcast_in_dim3A_62 : f32 to vector<5120x128xf32>
    %dot_general3A = arith.constant dense<0.000000e+00> : vector<5120x128xf32>
    %dot_general3A_64 = tpu.matmul %get3A_33, %get3A_36, %dot_general3A {dimension_numbers = #tpu.dot_dimension_numbers<[1], [1], [0], [0], [0, 0, 1, 0], [], []>, transpose_lhs_hint = false} : vector<5120x128xf32>, vector<128x128xf32>, vector<5120x128xf32> -> vector<5120x128xf32>
    %dot_general3A_65 = arith.constant dense<0.000000e+00> : vector<5120x128xf32>
    %dot_general3A_66 = tpu.matmul %broadcast_in_dim3A_61, %get3A_39, %dot_general3A_65 {dimension_numbers = #tpu.dot_dimension_numbers<[1], [1], [0], [0], [0, 0, 1, 0], [], []>, transpose_lhs_hint = false} : vector<5120x128xf32>, vector<128x128xf32>, vector<5120x128xf32> -> vector<5120x128xf32>
    %add3A = arith.addf %dot_general3A_64, %dot_general3A_66 : vector<5120x128xf32>
    %add3A_67 = vector.broadcast %get3A_42 : vector<1x128xf32> to vector<5120x128xf32>
    %add3A_68 = arith.addf %add3A, %add3A_67 : vector<5120x128xf32>
    %neg3A = arith.constant 0.000000e+00 : f32
    %neg3A_69 = vector.broadcast %neg3A : f32 to vector<5120x128xf32>
    %neg3A_70 = arith.subf %neg3A_69, %add3A_68 : vector<5120x128xf32>
    %exp3A = math.exp %neg3A_70 : vector<5120x128xf32>
    %add3A_71 = arith.constant 1.000000e+00 : f32
    %add3A_72 = vector.broadcast %add3A_71 : f32 to vector<5120x128xf32>
    %add3A_73 = arith.addf %add3A_72, %exp3A : vector<5120x128xf32>
    %div3A = arith.constant 1.000000e+00 : f32
    %div3A_74 = vector.broadcast %div3A : f32 to vector<5120x128xf32>
    %div3A_75 = arith.divf %div3A_74, %add3A_73 : vector<5120x128xf32>
    %dot_general3A_76 = arith.constant dense<0.000000e+00> : vector<5120x128xf32>
    %dot_general3A_77 = tpu.matmul %get3A_33, %get3A_45, %dot_general3A_76 {dimension_numbers = #tpu.dot_dimension_numbers<[1], [1], [0], [0], [0, 0, 1, 0], [], []>, transpose_lhs_hint = false} : vector<5120x128xf32>, vector<128x128xf32>, vector<5120x128xf32> -> vector<5120x128xf32>
    %dot_general3A_78 = arith.constant dense<0.000000e+00> : vector<5120x128xf32>
    %dot_general3A_79 = tpu.matmul %broadcast_in_dim3A_63, %get3A_48, %dot_general3A_78 {dimension_numbers = #tpu.dot_dimension_numbers<[1], [1], [0], [0], [0, 0, 1, 0], [], []>, transpose_lhs_hint = false} : vector<5120x128xf32>, vector<128x128xf32>, vector<5120x128xf32> -> vector<5120x128xf32>
    %add3A_80 = arith.addf %dot_general3A_77, %dot_general3A_79 : vector<5120x128xf32>
    %add3A_81 = vector.broadcast %get3A_51 : vector<1x128xf32> to vector<5120x128xf32>
    %add3A_82 = arith.addf %add3A_80, %add3A_81 : vector<5120x128xf32>
    %tanh3A = math.tanh %add3A_82 : vector<5120x128xf32>
    %sub3A = arith.constant 1.000000e+00 : f32
    %sub3A_83 = vector.broadcast %sub3A : f32 to vector<5120x128xf32>
    %sub3A_84 = arith.subf %sub3A_83, %div3A_75 : vector<5120x128xf32>
    %mul3A = arith.mulf %sub3A_84, %broadcast_in_dim3A_61 : vector<5120x128xf32>
    %mul3A_85 = arith.mulf %div3A_75, %tanh3A : vector<5120x128xf32>
    %add3A_86 = arith.addf %mul3A, %mul3A_85 : vector<5120x128xf32>
    %dot_general3A_87 = arith.constant dense<0.000000e+00> : vector<2560x128xf32>
    %dot_general3A_88 = tpu.matmul %get3A_28, %get3A_54, %dot_general3A_87 {dimension_numbers = #tpu.dot_dimension_numbers<[1], [1], [0], [0], [0, 0, 1, 0], [], []>, transpose_lhs_hint = false} : vector<2560x128xf32>, vector<128x128xf32>, vector<2560x128xf32> -> vector<2560x128xf32>
    %concatenate3A = tpu.concatenate %dot_general3A_88, %dot_general3A_88 in 1 : vector<2560x128xf32>, vector<2560x128xf32> -> vector<2560x256xf32>
    %reshape3A = vector.shape_cast %concatenate3A : vector<2560x256xf32> to vector<5120x128xf32>
    %dot_general3A_89 = arith.constant dense<0.000000e+00> : vector<5120x128xf32>
    %dot_general3A_90 = tpu.matmul %add3A_86, %get3A_57, %dot_general3A_89 {dimension_numbers = #tpu.dot_dimension_numbers<[1], [1], [0], [0], [0, 0, 1, 0], [], []>, transpose_lhs_hint = false} : vector<5120x128xf32>, vector<128x128xf32>, vector<5120x128xf32> -> vector<5120x128xf32>
    %add3A_91 = arith.addf %reshape3A, %dot_general3A_90 : vector<5120x128xf32>
    %add3A_92 = vector.broadcast %get3A_60 : vector<1x128xf32> to vector<5120x128xf32>
    %add3A_93 = arith.addf %add3A_91, %add3A_92 : vector<5120x128xf32>
    %neg3A_94 = arith.constant 0.000000e+00 : f32
    %neg3A_95 = vector.broadcast %neg3A_94 : f32 to vector<5120x128xf32>
    %neg3A_96 = arith.subf %neg3A_95, %add3A_93 : vector<5120x128xf32>
    %exp3A_97 = math.exp %neg3A_96 : vector<5120x128xf32>
    %add3A_98 = arith.constant 1.000000e+00 : f32
    %add3A_99 = vector.broadcast %add3A_98 : f32 to vector<5120x128xf32>
    %add3A_100 = arith.addf %add3A_99, %exp3A_97 : vector<5120x128xf32>
    %div3A_101 = arith.constant 1.000000e+00 : f32
    %div3A_102 = vector.broadcast %div3A_101 : f32 to vector<5120x128xf32>
    %div3A_103 = arith.divf %div3A_102, %add3A_100 : vector<5120x128xf32>
    %swap3A = arith.constant 4960 : index
    %swap3A_104 = arith.constant 0 : index
    %swap3A_105 = vector.load %arg19[%swap3A, %swap3A_104] : memref<10080x128xf32, #tpu.memory_space<vmem>>, vector<5120x128xf32>
    tpu.vector_store %arg19[%swap3A, %swap3A_104], %add3A_86 {strides = array<i32>} : memref<10080x128xf32, #tpu.memory_space<vmem>>, vector<5120x128xf32>,
    %mul3A_106 = arith.constant 5120 : i32
    %mul3A_107 = arith.muli %arg0, %mul3A_106 : i32
    %add3A_108 = arith.constant 75200 : i32
    %add3A_109 = arith.addi %add3A_108, %mul3A_107 : i32
    %dma_start3A = arith.constant 5 : i32
    %dma_start3A_110 = tpu.memref_slice %arg21[%dma_start3A] : memref<12x!tpu.dma_semaphore, #tpu.memory_space<semaphore_mem>> -> memref<1x!tpu.dma_semaphore, #tpu.memory_space<semaphore_mem>>
    %dma_start3A_111 = tpu.memref_squeeze %dma_start3A_110 : memref<1x!tpu.dma_semaphore, #tpu.memory_space<semaphore_mem>> -> memref<!tpu.dma_semaphore, #tpu.memory_space<semaphore_mem>>
    %dma_start3A_112 = arith.constant 0 : i32
    %dma_start3A_113 = tpu.memref_slice %arg16[%add3A_109, %dma_start3A_112] : memref<100800x128xf32, #tpu.memory_space<any>> -> memref<5120x128xf32, #tpu.memory_space<any>>
    %dma_start3A_114 = arith.constant 4960 : i32
    %dma_start3A_115 = arith.constant 0 : i32
    %dma_start3A_116 = tpu.memref_slice %arg19[%dma_start3A_114, %dma_start3A_115] : memref<10080x128xf32, #tpu.memory_space<vmem>> -> memref<5120x128xf32, #tpu.memory_space<vmem>>
    tpu.enqueue_dma source(%dma_start3A_116 : memref<5120x128xf32, #tpu.memory_space<vmem>>) target(%dma_start3A_113 : memref<5120x128xf32, #tpu.memory_space<any>>) target_semaphore(%dma_start3A_111 : memref<!tpu.dma_semaphore, #tpu.memory_space<semaphore_mem>>)
    %reshape3A_117 = vector.shape_cast %add3A_86 : vector<5120x128xf32> to vector<2560x256xf32>
    %mul3A_118 = arith.mulf %add3A_86, %div3A_103 : vector<5120x128xf32>
    %reshape3A_119 = vector.shape_cast %mul3A_118 : vector<5120x128xf32> to vector<2560x256xf32>
    %slice3A = vector.extract_strided_slice %reshape3A_117 {offsets = [0, 0], sizes = [2560, 128], strides = [1, 1]} : vector<2560x256xf32> to vector<2560x128xf32>
    %slice3A_120 = vector.extract_strided_slice %reshape3A_117 {offsets = [0, 128], sizes = [2560, 128], strides = [1, 1]} : vector<2560x256xf32> to vector<2560x128xf32>
    %add3A_121 = arith.addf %slice3A, %slice3A_120 : vector<2560x128xf32>
    %slice3A_122 = vector.extract_strided_slice %reshape3A_119 {offsets = [0, 0], sizes = [2560, 128], strides = [1, 1]} : vector<2560x256xf32> to vector<2560x128xf32>
    %slice3A_123 = vector.extract_strided_slice %reshape3A_119 {offsets = [0, 128], sizes = [2560, 128], strides = [1, 1]} : vector<2560x256xf32> to vector<2560x128xf32>
    %add3A_124 = arith.addf %slice3A_122, %slice3A_123 : vector<2560x128xf32>
    %dot_general3A_125 = arith.constant dense<0.000000e+00> : vector<2560x128xf32>
    %dot_general3A_126 = tpu.matmul %get3A_28, %get3A_36, %dot_general3A_125 {dimension_numbers = #tpu.dot_dimension_numbers<[1], [1], [0], [0], [0, 0, 1, 0], [], []>, transpose_lhs_hint = false} : vector<2560x128xf32>, vector<128x128xf32>, vector<2560x128xf32> -> vector<2560x128xf32>
    %dot_general3A_127 = arith.constant dense<0.000000e+00> : vector<2560x128xf32>
    %dot_general3A_128 = tpu.matmul %add3A_121, %get3A_39, %dot_general3A_127 {dimension_numbers = #tpu.dot_dimension_numbers<[1], [1], [0], [0], [0, 0, 1, 0], [], []>, transpose_lhs_hint = false} : vector<2560x128xf32>, vector<128x128xf32>, vector<2560x128xf32> -> vector<2560x128xf32>
    %add3A_129 = arith.addf %dot_general3A_126, %dot_general3A_128 : vector<2560x128xf32>
    %add3A_130 = vector.broadcast %get3A_42 : vector<1x128xf32> to vector<2560x128xf32>
    %add3A_131 = arith.addf %add3A_129, %add3A_130 : vector<2560x128xf32>
    %neg3A_132 = arith.constant 0.000000e+00 : f32
    %neg3A_133 = vector.broadcast %neg3A_132 : f32 to vector<2560x128xf32>
    %neg3A_134 = arith.subf %neg3A_133, %add3A_131 : vector<2560x128xf32>
    %exp3A_135 = math.exp %neg3A_134 : vector<2560x128xf32>
    %add3A_136 = arith.constant 1.000000e+00 : f32
    %add3A_137 = vector.broadcast %add3A_136 : f32 to vector<2560x128xf32>
    %add3A_138 = arith.addf %add3A_137, %exp3A_135 : vector<2560x128xf32>
    %div3A_139 = arith.constant 1.000000e+00 : f32
    %div3A_140 = vector.broadcast %div3A_139 : f32 to vector<2560x128xf32>
    %div3A_141 = arith.divf %div3A_140, %add3A_138 : vector<2560x128xf32>
    %dot_general3A_142 = arith.constant dense<0.000000e+00> : vector<2560x128xf32>
    %dot_general3A_143 = tpu.matmul %get3A_28, %get3A_45, %dot_general3A_142 {dimension_numbers = #tpu.dot_dimension_numbers<[1], [1], [0], [0], [0, 0, 1, 0], [], []>, transpose_lhs_hint = false} : vector<2560x128xf32>, vector<128x128xf32>, vector<2560x128xf32> -> vector<2560x128xf32>
    %dot_general3A_144 = arith.constant dense<0.000000e+00> : vector<2560x128xf32>
    %dot_general3A_145 = tpu.matmul %add3A_124, %get3A_48, %dot_general3A_144 {dimension_numbers = #tpu.dot_dimension_numbers<[1], [1], [0], [0], [0, 0, 1, 0], [], []>, transpose_lhs_hint = false} : vector<2560x128xf32>, vector<128x128xf32>, vector<2560x128xf32> -> vector<2560x128xf32>
    %add3A_146 = arith.addf %dot_general3A_143, %dot_general3A_145 : vector<2560x128xf32>
    %add3A_147 = vector.broadcast %get3A_51 : vector<1x128xf32> to vector<2560x128xf32>
    %add3A_148 = arith.addf %add3A_146, %add3A_147 : vector<2560x128xf32>
    %tanh3A_149 = math.tanh %add3A_148 : vector<2560x128xf32>
    %sub3A_150 = arith.constant 1.000000e+00 : f32
    %sub3A_151 = vector.broadcast %sub3A_150 : f32 to vector<2560x128xf32>
    %sub3A_152 = arith.subf %sub3A_151, %div3A_141 : vector<2560x128xf32>
    %mul3A_153 = arith.mulf %sub3A_152, %add3A_121 : vector<2560x128xf32>
    %mul3A_154 = arith.mulf %div3A_141, %tanh3A_149 : vector<2560x128xf32>
    %add3A_155 = arith.addf %mul3A_153, %mul3A_154 : vector<2560x128xf32>
    %dot_general3A_156 = arith.constant dense<0.000000e+00> : vector<1280x128xf32>
    %dot_general3A_157 = tpu.matmul %get3A_23, %get3A_54, %dot_general3A_156 {dimension_numbers = #tpu.dot_dimension_numbers<[1], [1], [0], [0], [0, 0, 1, 0], [], []>, transpose_lhs_hint = false} : vector<1280x128xf32>, vector<128x128xf32>, vector<1280x128xf32> -> vector<1280x128xf32>
    %concatenate3A_158 = tpu.concatenate %dot_general3A_157, %dot_general3A_157 in 1 : vector<1280x128xf32>, vector<1280x128xf32> -> vector<1280x256xf32>
    %reshape3A_159 = vector.shape_cast %concatenate3A_158 : vector<1280x256xf32> to vector<2560x128xf32>
    %dot_general3A_160 = arith.constant dense<0.000000e+00> : vector<2560x128xf32>
    %dot_general3A_161 = tpu.matmul %add3A_155, %get3A_57, %dot_general3A_160 {dimension_numbers = #tpu.dot_dimension_numbers<[1], [1], [0], [0], [0, 0, 1, 0], [], []>, transpose_lhs_hint = false} : vector<2560x128xf32>, vector<128x128xf32>, vector<2560x128xf32> -> vector<2560x128xf32>
    %add3A_162 = arith.addf %reshape3A_159, %dot_general3A_161 : vector<2560x128xf32>
    %add3A_163 = vector.broadcast %get3A_60 : vector<1x128xf32> to vector<2560x128xf32>
    %add3A_164 = arith.addf %add3A_162, %add3A_163 : vector<2560x128xf32>
    %neg3A_165 = arith.constant 0.000000e+00 : f32
    %neg3A_166 = vector.broadcast %neg3A_165 : f32 to vector<2560x128xf32>
    %neg3A_167 = arith.subf %neg3A_166, %add3A_164 : vector<2560x128xf32>
    %exp3A_168 = math.exp %neg3A_167 : vector<2560x128xf32>
    %add3A_169 = arith.constant 1.000000e+00 : f32
    %add3A_170 = vector.broadcast %add3A_169 : f32 to vector<2560x128xf32>
    %add3A_171 = arith.addf %add3A_170, %exp3A_168 : vector<2560x128xf32>
    %div3A_172 = arith.constant 1.000000e+00 : f32
    %div3A_173 = vector.broadcast %div3A_172 : f32 to vector<2560x128xf32>
    %div3A_174 = arith.divf %div3A_173, %add3A_171 : vector<2560x128xf32>
    %swap3A_175 = arith.constant 2400 : index
    %swap3A_176 = arith.constant 0 : index
    %swap3A_177 = vector.load %arg19[%swap3A_175, %swap3A_176] : memref<10080x128xf32, #tpu.memory_space<vmem>>, vector<2560x128xf32>
    tpu.vector_store %arg19[%swap3A_175, %swap3A_176], %add3A_155 {strides = array<i32>} : memref<10080x128xf32, #tpu.memory_space<vmem>>, vector<2560x128xf32>,
    %mul3A_178 = arith.constant 2560 : i32
    %mul3A_179 = arith.muli %arg0, %mul3A_178 : i32
    %add3A_180 = arith.constant 36800 : i32
    %add3A_181 = arith.addi %add3A_180, %mul3A_179 : i32
    %dma_start3A_182 = arith.constant 4 : i32
    %dma_start3A_183 = tpu.memref_slice %arg21[%dma_start3A_182] : memref<12x!tpu.dma_semaphore, #tpu.memory_space<semaphore_mem>> -> memref<1x!tpu.dma_semaphore, #tpu.memory_space<semaphore_mem>>
    %dma_start3A_184 = tpu.memref_squeeze %dma_start3A_183 : memref<1x!tpu.dma_semaphore, #tpu.memory_space<semaphore_mem>> -> memref<!tpu.dma_semaphore, #tpu.memory_space<semaphore_mem>>
    %dma_start3A_185 = arith.constant 0 : i32
    %dma_start3A_186 = tpu.memref_slice %arg16[%add3A_181, %dma_start3A_185] : memref<100800x128xf32, #tpu.memory_space<any>> -> memref<2560x128xf32, #tpu.memory_space<any>>
    %dma_start3A_187 = arith.constant 2400 : i32
    %dma_start3A_188 = arith.constant 0 : i32
    %dma_start3A_189 = tpu.memref_slice %arg19[%dma_start3A_187, %dma_start3A_188] : memref<10080x128xf32, #tpu.memory_space<vmem>> -> memref<2560x128xf32, #tpu.memory_space<vmem>>
    tpu.enqueue_dma source(%dma_start3A_189 : memref<2560x128xf32, #tpu.memory_space<vmem>>) target(%dma_start3A_186 : memref<2560x128xf32, #tpu.memory_space<any>>) target_semaphore(%dma_start3A_184 : memref<!tpu.dma_semaphore, #tpu.memory_space<semaphore_mem>>)
    %reshape3A_190 = vector.shape_cast %add3A_155 : vector<2560x128xf32> to vector<1280x256xf32>
    %mul3A_191 = arith.mulf %add3A_155, %div3A_174 : vector<2560x128xf32>
    %reshape3A_192 = vector.shape_cast %mul3A_191 : vector<2560x128xf32> to vector<1280x256xf32>
    %slice3A_193 = vector.extract_strided_slice %reshape3A_190 {offsets = [0, 0], sizes = [1280, 128], strides = [1, 1]} : vector<1280x256xf32> to vector<1280x128xf32>
    %slice3A_194 = vector.extract_strided_slice %reshape3A_190 {offsets = [0, 128], sizes = [1280, 128], strides = [1, 1]} : vector<1280x256xf32> to vector<1280x128xf32>
    %add3A_195 = arith.addf %slice3A_193, %slice3A_194 : vector<1280x128xf32>
    %slice3A_196 = vector.extract_strided_slice %reshape3A_192 {offsets = [0, 0], sizes = [1280, 128], strides = [1, 1]} : vector<1280x256xf32> to vector<1280x128xf32>
    %slice3A_197 = vector.extract_strided_slice %reshape3A_192 {offsets = [0, 128], sizes = [1280, 128], strides = [1, 1]} : vector<1280x256xf32> to vector<1280x128xf32>
    %add3A_198 = arith.addf %slice3A_196, %slice3A_197 : vector<1280x128xf32>
    %dot_general3A_199 = arith.constant dense<0.000000e+00> : vector<1280x128xf32>
    %dot_general3A_200 = tpu.matmul %get3A_23, %get3A_36, %dot_general3A_199 {dimension_numbers = #tpu.dot_dimension_numbers<[1], [1], [0], [0], [0, 0, 1, 0], [], []>, transpose_lhs_hint = false} : vector<1280x128xf32>, vector<128x128xf32>, vector<1280x128xf32> -> vector<1280x128xf32>
    %dot_general3A_201 = arith.constant dense<0.000000e+00> : vector<1280x128xf32>
    %dot_general3A_202 = tpu.matmul %add3A_195, %get3A_39, %dot_general3A_201 {dimension_numbers = #tpu.dot_dimension_numbers<[1], [1], [0], [0], [0, 0, 1, 0], [], []>, transpose_lhs_hint = false} : vector<1280x128xf32>, vector<128x128xf32>, vector<1280x128xf32> -> vector<1280x128xf32>
    %add3A_203 = arith.addf %dot_general3A_200, %dot_general3A_202 : vector<1280x128xf32>
    %add3A_204 = vector.broadcast %get3A_42 : vector<1x128xf32> to vector<1280x128xf32>
    %add3A_205 = arith.addf %add3A_203, %add3A_204 : vector<1280x128xf32>
    %neg3A_206 = arith.constant 0.000000e+00 : f32
    %neg3A_207 = vector.broadcast %neg3A_206 : f32 to vector<1280x128xf32>
    %neg3A_208 = arith.subf %neg3A_207, %add3A_205 : vector<1280x128xf32>
    %exp3A_209 = math.exp %neg3A_208 : vector<1280x128xf32>
    %add3A_210 = arith.constant 1.000000e+00 : f32
    %add3A_211 = vector.broadcast %add3A_210 : f32 to vector<1280x128xf32>
    %add3A_212 = arith.addf %add3A_211, %exp3A_209 : vector<1280x128xf32>
    %div3A_213 = arith.constant 1.000000e+00 : f32
    %div3A_214 = vector.broadcast %div3A_213 : f32 to vector<1280x128xf32>
    %div3A_215 = arith.divf %div3A_214, %add3A_212 : vector<1280x128xf32>
    %dot_general3A_216 = arith.constant dense<0.000000e+00> : vector<1280x128xf32>
    %dot_general3A_217 = tpu.matmul %get3A_23, %get3A_45, %dot_general3A_216 {dimension_numbers = #tpu.dot_dimension_numbers<[1], [1], [0], [0], [0, 0, 1, 0], [], []>, transpose_lhs_hint = false} : vector<1280x128xf32>, vector<128x128xf32>, vector<1280x128xf32> -> vector<1280x128xf32>
    %dot_general3A_218 = arith.constant dense<0.000000e+00> : vector<1280x128xf32>
    %dot_general3A_219 = tpu.matmul %add3A_198, %get3A_48, %dot_general3A_218 {dimension_numbers = #tpu.dot_dimension_numbers<[1], [1], [0], [0], [0, 0, 1, 0], [], []>, transpose_lhs_hint = false} : vector<1280x128xf32>, vector<128x128xf32>, vector<1280x128xf32> -> vector<1280x128xf32>
    %add3A_220 = arith.addf %dot_general3A_217, %dot_general3A_219 : vector<1280x128xf32>
    %add3A_221 = vector.broadcast %get3A_51 : vector<1x128xf32> to vector<1280x128xf32>
    %add3A_222 = arith.addf %add3A_220, %add3A_221 : vector<1280x128xf32>
    %tanh3A_223 = math.tanh %add3A_222 : vector<1280x128xf32>
    %sub3A_224 = arith.constant 1.000000e+00 : f32
    %sub3A_225 = vector.broadcast %sub3A_224 : f32 to vector<1280x128xf32>
    %sub3A_226 = arith.subf %sub3A_225, %div3A_215 : vector<1280x128xf32>
    %mul3A_227 = arith.mulf %sub3A_226, %add3A_195 : vector<1280x128xf32>
    %mul3A_228 = arith.mulf %div3A_215, %tanh3A_223 : vector<1280x128xf32>
    %add3A_229 = arith.addf %mul3A_227, %mul3A_228 : vector<1280x128xf32>
    %dot_general3A_230 = arith.constant dense<0.000000e+00> : vector<640x128xf32>
    %dot_general3A_231 = tpu.matmul %get3A_18, %get3A_54, %dot_general3A_230 {dimension_numbers = #tpu.dot_dimension_numbers<[1], [1], [0], [0], [0, 0, 1, 0], [], []>, transpose_lhs_hint = false} : vector<640x128xf32>, vector<128x128xf32>, vector<640x128xf32> -> vector<640x128xf32>
    %concatenate3A_232 = tpu.concatenate %dot_general3A_231, %dot_general3A_231 in 1 : vector<640x128xf32>, vector<640x128xf32> -> vector<640x256xf32>
    %reshape3A_233 = vector.shape_cast %concatenate3A_232 : vector<640x256xf32> to vector<1280x128xf32>
    %dot_general3A_234 = arith.constant dense<0.000000e+00> : vector<1280x128xf32>
    %dot_general3A_235 = tpu.matmul %add3A_229, %get3A_57, %dot_general3A_234 {dimension_numbers = #tpu.dot_dimension_numbers<[1], [1], [0], [0], [0, 0, 1, 0], [], []>, transpose_lhs_hint = false} : vector<1280x128xf32>, vector<128x128xf32>, vector<1280x128xf32> -> vector<1280x128xf32>
    %add3A_236 = arith.addf %reshape3A_233, %dot_general3A_235 : vector<1280x128xf32>
    %add3A_237 = vector.broadcast %get3A_60 : vector<1x128xf32> to vector<1280x128xf32>
    %add3A_238 = arith.addf %add3A_236, %add3A_237 : vector<1280x128xf32>
    %neg3A_239 = arith.constant 0.000000e+00 : f32
    %neg3A_240 = vector.broadcast %neg3A_239 : f32 to vector<1280x128xf32>
    %neg3A_241 = arith.subf %neg3A_240, %add3A_238 : vector<1280x128xf32>
    %exp3A_242 = math.exp %neg3A_241 : vector<1280x128xf32>
    %add3A_243 = arith.constant 1.000000e+00 : f32
    %add3A_244 = vector.broadcast %add3A_243 : f32 to vector<1280x128xf32>
    %add3A_245 = arith.addf %add3A_244, %exp3A_242 : vector<1280x128xf32>
    %div3A_246 = arith.constant 1.000000e+00 : f32
    %div3A_247 = vector.broadcast %div3A_246 : f32 to vector<1280x128xf32>
    %div3A_248 = arith.divf %div3A_247, %add3A_245 : vector<1280x128xf32>
    %swap3A_249 = arith.constant 1120 : index
    %swap3A_250 = arith.constant 0 : index
    %swap3A_251 = vector.load %arg19[%swap3A_249, %swap3A_250] : memref<10080x128xf32, #tpu.memory_space<vmem>>, vector<1280x128xf32>
    tpu.vector_store %arg19[%swap3A_249, %swap3A_250], %add3A_229 {strides = array<i32>} : memref<10080x128xf32, #tpu.memory_space<vmem>>, vector<1280x128xf32>,
    %mul3A_252 = arith.constant 1280 : i32
    %mul3A_253 = arith.muli %arg0, %mul3A_252 : i32
    %add3A_254 = arith.constant 17600 : i32
    %add3A_255 = arith.addi %add3A_254, %mul3A_253 : i32
    %dma_start3A_256 = arith.constant 3 : i32
    %dma_start3A_257 = tpu.memref_slice %arg21[%dma_start3A_256] : memref<12x!tpu.dma_semaphore, #tpu.memory_space<semaphore_mem>> -> memref<1x!tpu.dma_semaphore, #tpu.memory_space<semaphore_mem>>
    %dma_start3A_258 = tpu.memref_squeeze %dma_start3A_257 : memref<1x!tpu.dma_semaphore, #tpu.memory_space<semaphore_mem>> -> memref<!tpu.dma_semaphore, #tpu.memory_space<semaphore_mem>>
    %dma_start3A_259 = arith.constant 0 : i32
    %dma_start3A_260 = tpu.memref_slice %arg16[%add3A_255, %dma_start3A_259] : memref<100800x128xf32, #tpu.memory_space<any>> -> memref<1280x128xf32, #tpu.memory_space<any>>
    %dma_start3A_261 = arith.constant 1120 : i32
    %dma_start3A_262 = arith.constant 0 : i32
    %dma_start3A_263 = tpu.memref_slice %arg19[%dma_start3A_261, %dma_start3A_262] : memref<10080x128xf32, #tpu.memory_space<vmem>> -> memref<1280x128xf32, #tpu.memory_space<vmem>>
    tpu.enqueue_dma source(%dma_start3A_263 : memref<1280x128xf32, #tpu.memory_space<vmem>>) target(%dma_start3A_260 : memref<1280x128xf32, #tpu.memory_space<any>>) target_semaphore(%dma_start3A_258 : memref<!tpu.dma_semaphore, #tpu.memory_space<semaphore_mem>>)
    %reshape3A_264 = vector.shape_cast %add3A_229 : vector<1280x128xf32> to vector<640x256xf32>
    %mul3A_265 = arith.mulf %add3A_229, %div3A_248 : vector<1280x128xf32>
    %reshape3A_266 = vector.shape_cast %mul3A_265 : vector<1280x128xf32> to vector<640x256xf32>
    %slice3A_267 = vector.extract_strided_slice %reshape3A_264 {offsets = [0, 0], sizes = [640, 128], strides = [1, 1]} : vector<640x256xf32> to vector<640x128xf32>
    %slice3A_268 = vector.extract_strided_slice %reshape3A_264 {offsets = [0, 128], sizes = [640, 128], strides = [1, 1]} : vector<640x256xf32> to vector<640x128xf32>
    %add3A_269 = arith.addf %slice3A_267, %slice3A_268 : vector<640x128xf32>
    %slice3A_270 = vector.extract_strided_slice %reshape3A_266 {offsets = [0, 0], sizes = [640, 128], strides = [1, 1]} : vector<640x256xf32> to vector<640x128xf32>
    %slice3A_271 = vector.extract_strided_slice %reshape3A_266 {offsets = [0, 128], sizes = [640, 128], strides = [1, 1]} : vector<640x256xf32> to vector<640x128xf32>
    %add3A_272 = arith.addf %slice3A_270, %slice3A_271 : vector<640x128xf32>
    %dot_general3A_273 = arith.constant dense<0.000000e+00> : vector<640x128xf32>
    %dot_general3A_274 = tpu.matmul %get3A_18, %get3A_36, %dot_general3A_273 {dimension_numbers = #tpu.dot_dimension_numbers<[1], [1], [0], [0], [0, 0, 1, 0], [], []>, transpose_lhs_hint = false} : vector<640x128xf32>, vector<128x128xf32>, vector<640x128xf32> -> vector<640x128xf32>
    %dot_general3A_275 = arith.constant dense<0.000000e+00> : vector<640x128xf32>
    %dot_general3A_276 = tpu.matmul %add3A_269, %get3A_39, %dot_general3A_275 {dimension_numbers = #tpu.dot_dimension_numbers<[1], [1], [0], [0], [0, 0, 1, 0], [], []>, transpose_lhs_hint = false} : vector<640x128xf32>, vector<128x128xf32>, vector<640x128xf32> -> vector<640x128xf32>
    %add3A_277 = arith.addf %dot_general3A_274, %dot_general3A_276 : vector<640x128xf32>
    %add3A_278 = vector.broadcast %get3A_42 : vector<1x128xf32> to vector<640x128xf32>
    %add3A_279 = arith.addf %add3A_277, %add3A_278 : vector<640x128xf32>
    %neg3A_280 = arith.constant 0.000000e+00 : f32
    %neg3A_281 = vector.broadcast %neg3A_280 : f32 to vector<640x128xf32>
    %neg3A_282 = arith.subf %neg3A_281, %add3A_279 : vector<640x128xf32>
    %exp3A_283 = math.exp %neg3A_282 : vector<640x128xf32>
    %add3A_284 = arith.constant 1.000000e+00 : f32
    %add3A_285 = vector.broadcast %add3A_284 : f32 to vector<640x128xf32>
    %add3A_286 = arith.addf %add3A_285, %exp3A_283 : vector<640x128xf32>
    %div3A_287 = arith.constant 1.000000e+00 : f32
    %div3A_288 = vector.broadcast %div3A_287 : f32 to vector<640x128xf32>
    %div3A_289 = arith.divf %div3A_288, %add3A_286 : vector<640x128xf32>
    %dot_general3A_290 = arith.constant dense<0.000000e+00> : vector<640x128xf32>
    %dot_general3A_291 = tpu.matmul %get3A_18, %get3A_45, %dot_general3A_290 {dimension_numbers = #tpu.dot_dimension_numbers<[1], [1], [0], [0], [0, 0, 1, 0], [], []>, transpose_lhs_hint = false} : vector<640x128xf32>, vector<128x128xf32>, vector<640x128xf32> -> vector<640x128xf32>
    %dot_general3A_292 = arith.constant dense<0.000000e+00> : vector<640x128xf32>
    %dot_general3A_293 = tpu.matmul %add3A_272, %get3A_48, %dot_general3A_292 {dimension_numbers = #tpu.dot_dimension_numbers<[1], [1], [0], [0], [0, 0, 1, 0], [], []>, transpose_lhs_hint = false} : vector<640x128xf32>, vector<128x128xf32>, vector<640x128xf32> -> vector<640x128xf32>
    %add3A_294 = arith.addf %dot_general3A_291, %dot_general3A_293 : vector<640x128xf32>
    %add3A_295 = vector.broadcast %get3A_51 : vector<1x128xf32> to vector<640x128xf32>
    %add3A_296 = arith.addf %add3A_294, %add3A_295 : vector<640x128xf32>
    %tanh3A_297 = math.tanh %add3A_296 : vector<640x128xf32>
    %sub3A_298 = arith.constant 1.000000e+00 : f32
    %sub3A_299 = vector.broadcast %sub3A_298 : f32 to vector<640x128xf32>
    %sub3A_300 = arith.subf %sub3A_299, %div3A_289 : vector<640x128xf32>
    %mul3A_301 = arith.mulf %sub3A_300, %add3A_269 : vector<640x128xf32>
    %mul3A_302 = arith.mulf %div3A_289, %tanh3A_297 : vector<640x128xf32>
    %add3A_303 = arith.addf %mul3A_301, %mul3A_302 : vector<640x128xf32>
    %dot_general3A_304 = arith.constant dense<0.000000e+00> : vector<320x128xf32>
    %dot_general3A_305 = tpu.matmul %get3A_13, %get3A_54, %dot_general3A_304 {dimension_numbers = #tpu.dot_dimension_numbers<[1], [1], [0], [0], [0, 0, 1, 0], [], []>, transpose_lhs_hint = false} : vector<320x128xf32>, vector<128x128xf32>, vector<320x128xf32> -> vector<320x128xf32>
    %concatenate3A_306 = tpu.concatenate %dot_general3A_305, %dot_general3A_305 in 1 : vector<320x128xf32>, vector<320x128xf32> -> vector<320x256xf32>
    %reshape3A_307 = vector.shape_cast %concatenate3A_306 : vector<320x256xf32> to vector<640x128xf32>
    %dot_general3A_308 = arith.constant dense<0.000000e+00> : vector<640x128xf32>
    %dot_general3A_309 = tpu.matmul %add3A_303, %get3A_57, %dot_general3A_308 {dimension_numbers = #tpu.dot_dimension_numbers<[1], [1], [0], [0], [0, 0, 1, 0], [], []>, transpose_lhs_hint = false} : vector<640x128xf32>, vector<128x128xf32>, vector<640x128xf32> -> vector<640x128xf32>
    %add3A_310 = arith.addf %reshape3A_307, %dot_general3A_309 : vector<640x128xf32>
    %add3A_311 = vector.broadcast %get3A_60 : vector<1x128xf32> to vector<640x128xf32>
    %add3A_312 = arith.addf %add3A_310, %add3A_311 : vector<640x128xf32>
    %neg3A_313 = arith.constant 0.000000e+00 : f32
    %neg3A_314 = vector.broadcast %neg3A_313 : f32 to vector<640x128xf32>
    %neg3A_315 = arith.subf %neg3A_314, %add3A_312 : vector<640x128xf32>
    %exp3A_316 = math.exp %neg3A_315 : vector<640x128xf32>
    %add3A_317 = arith.constant 1.000000e+00 : f32
    %add3A_318 = vector.broadcast %add3A_317 : f32 to vector<640x128xf32>
    %add3A_319 = arith.addf %add3A_318, %exp3A_316 : vector<640x128xf32>
    %div3A_320 = arith.constant 1.000000e+00 : f32
    %div3A_321 = vector.broadcast %div3A_320 : f32 to vector<640x128xf32>
    %div3A_322 = arith.divf %div3A_321, %add3A_319 : vector<640x128xf32>
    %swap3A_323 = arith.constant 480 : index
    %swap3A_324 = arith.constant 0 : index
    %swap3A_325 = vector.load %arg19[%swap3A_323, %swap3A_324] : memref<10080x128xf32, #tpu.memory_space<vmem>>, vector<640x128xf32>
    tpu.vector_store %arg19[%swap3A_323, %swap3A_324], %add3A_303 {strides = array<i32>} : memref<10080x128xf32, #tpu.memory_space<vmem>>, vector<640x128xf32>,
    %mul3A_326 = arith.constant 640 : i32
    %mul3A_327 = arith.muli %arg0, %mul3A_326 : i32
    %add3A_328 = arith.constant 8000 : i32
    %add3A_329 = arith.addi %add3A_328, %mul3A_327 : i32
    %dma_start3A_330 = arith.constant 2 : i32
    %dma_start3A_331 = tpu.memref_slice %arg21[%dma_start3A_330] : memref<12x!tpu.dma_semaphore, #tpu.memory_space<semaphore_mem>> -> memref<1x!tpu.dma_semaphore, #tpu.memory_space<semaphore_mem>>
    %dma_start3A_332 = tpu.memref_squeeze %dma_start3A_331 : memref<1x!tpu.dma_semaphore, #tpu.memory_space<semaphore_mem>> -> memref<!tpu.dma_semaphore, #tpu.memory_space<semaphore_mem>>
    %dma_start3A_333 = arith.constant 0 : i32
    %dma_start3A_334 = tpu.memref_slice %arg16[%add3A_329, %dma_start3A_333] : memref<100800x128xf32, #tpu.memory_space<any>> -> memref<640x128xf32, #tpu.memory_space<any>>
    %dma_start3A_335 = arith.constant 480 : i32
    %dma_start3A_336 = arith.constant 0 : i32
    %dma_start3A_337 = tpu.memref_slice %arg19[%dma_start3A_335, %dma_start3A_336] : memref<10080x128xf32, #tpu.memory_space<vmem>> -> memref<640x128xf32, #tpu.memory_space<vmem>>
    tpu.enqueue_dma source(%dma_start3A_337 : memref<640x128xf32, #tpu.memory_space<vmem>>) target(%dma_start3A_334 : memref<640x128xf32, #tpu.memory_space<any>>) target_semaphore(%dma_start3A_332 : memref<!tpu.dma_semaphore, #tpu.memory_space<semaphore_mem>>)
    %reshape3A_338 = vector.shape_cast %add3A_303 : vector<640x128xf32> to vector<320x256xf32>
    %mul3A_339 = arith.mulf %add3A_303, %div3A_322 : vector<640x128xf32>
    %reshape3A_340 = vector.shape_cast %mul3A_339 : vector<640x128xf32> to vector<320x256xf32>
    %slice3A_341 = vector.extract_strided_slice %reshape3A_338 {offsets = [0, 0], sizes = [320, 128], strides = [1, 1]} : vector<320x256xf32> to vector<320x128xf32>
    %slice3A_342 = vector.extract_strided_slice %reshape3A_338 {offsets = [0, 128], sizes = [320, 128], strides = [1, 1]} : vector<320x256xf32> to vector<320x128xf32>
    %add3A_343 = arith.addf %slice3A_341, %slice3A_342 : vector<320x128xf32>
    %slice3A_344 = vector.extract_strided_slice %reshape3A_340 {offsets = [0, 0], sizes = [320, 128], strides = [1, 1]} : vector<320x256xf32> to vector<320x128xf32>
    %slice3A_345 = vector.extract_strided_slice %reshape3A_340 {offsets = [0, 128], sizes = [320, 128], strides = [1, 1]} : vector<320x256xf32> to vector<320x128xf32>
    %add3A_346 = arith.addf %slice3A_344, %slice3A_345 : vector<320x128xf32>
    %dot_general3A_347 = arith.constant dense<0.000000e+00> : vector<320x128xf32>
    %dot_general3A_348 = tpu.matmul %get3A_13, %get3A_36, %dot_general3A_347 {dimension_numbers = #tpu.dot_dimension_numbers<[1], [1], [0], [0], [0, 0, 1, 0], [], []>, transpose_lhs_hint = false} : vector<320x128xf32>, vector<128x128xf32>, vector<320x128xf32> -> vector<320x128xf32>
    %dot_general3A_349 = arith.constant dense<0.000000e+00> : vector<320x128xf32>
    %dot_general3A_350 = tpu.matmul %add3A_343, %get3A_39, %dot_general3A_349 {dimension_numbers = #tpu.dot_dimension_numbers<[1], [1], [0], [0], [0, 0, 1, 0], [], []>, transpose_lhs_hint = false} : vector<320x128xf32>, vector<128x128xf32>, vector<320x128xf32> -> vector<320x128xf32>
    %add3A_351 = arith.addf %dot_general3A_348, %dot_general3A_350 : vector<320x128xf32>
    %add3A_352 = vector.broadcast %get3A_42 : vector<1x128xf32> to vector<320x128xf32>
    %add3A_353 = arith.addf %add3A_351, %add3A_352 : vector<320x128xf32>
    %neg3A_354 = arith.constant 0.000000e+00 : f32
    %neg3A_355 = vector.broadcast %neg3A_354 : f32 to vector<320x128xf32>
    %neg3A_356 = arith.subf %neg3A_355, %add3A_353 : vector<320x128xf32>
    %exp3A_357 = math.exp %neg3A_356 : vector<320x128xf32>
    %add3A_358 = arith.constant 1.000000e+00 : f32
    %add3A_359 = vector.broadcast %add3A_358 : f32 to vector<320x128xf32>
    %add3A_360 = arith.addf %add3A_359, %exp3A_357 : vector<320x128xf32>
    %div3A_361 = arith.constant 1.000000e+00 : f32
    %div3A_362 = vector.broadcast %div3A_361 : f32 to vector<320x128xf32>
    %div3A_363 = arith.divf %div3A_362, %add3A_360 : vector<320x128xf32>
    %dot_general3A_364 = arith.constant dense<0.000000e+00> : vector<320x128xf32>
    %dot_general3A_365 = tpu.matmul %get3A_13, %get3A_45, %dot_general3A_364 {dimension_numbers = #tpu.dot_dimension_numbers<[1], [1], [0], [0], [0, 0, 1, 0], [], []>, transpose_lhs_hint = false} : vector<320x128xf32>, vector<128x128xf32>, vector<320x128xf32> -> vector<320x128xf32>
    %dot_general3A_366 = arith.constant dense<0.000000e+00> : vector<320x128xf32>
    %dot_general3A_367 = tpu.matmul %add3A_346, %get3A_48, %dot_general3A_366 {dimension_numbers = #tpu.dot_dimension_numbers<[1], [1], [0], [0], [0, 0, 1, 0], [], []>, transpose_lhs_hint = false} : vector<320x128xf32>, vector<128x128xf32>, vector<320x128xf32> -> vector<320x128xf32>
    %add3A_368 = arith.addf %dot_general3A_365, %dot_general3A_367 : vector<320x128xf32>
    %add3A_369 = vector.broadcast %get3A_51 : vector<1x128xf32> to vector<320x128xf32>
    %add3A_370 = arith.addf %add3A_368, %add3A_369 : vector<320x128xf32>
    %tanh3A_371 = math.tanh %add3A_370 : vector<320x128xf32>
    %sub3A_372 = arith.constant 1.000000e+00 : f32
    %sub3A_373 = vector.broadcast %sub3A_372 : f32 to vector<320x128xf32>
    %sub3A_374 = arith.subf %sub3A_373, %div3A_363 : vector<320x128xf32>
    %mul3A_375 = arith.mulf %sub3A_374, %add3A_343 : vector<320x128xf32>
    %mul3A_376 = arith.mulf %div3A_363, %tanh3A_371 : vector<320x128xf32>
    %add3A_377 = arith.addf %mul3A_375, %mul3A_376 : vector<320x128xf32>
    %dot_general3A_378 = arith.constant dense<0.000000e+00> : vector<160x128xf32>
    %dot_general3A_379 = tpu.matmul %get3A_8, %get3A_54, %dot_general3A_378 {dimension_numbers = #tpu.dot_dimension_numbers<[1], [1], [0], [0], [0, 0, 1, 0], [], []>, transpose_lhs_hint = false} : vector<160x128xf32>, vector<128x128xf32>, vector<160x128xf32> -> vector<160x128xf32>
    %concatenate3A_380 = tpu.concatenate %dot_general3A_379, %dot_general3A_379 in 1 : vector<160x128xf32>, vector<160x128xf32> -> vector<160x256xf32>
    %reshape3A_381 = vector.shape_cast %concatenate3A_380 : vector<160x256xf32> to vector<320x128xf32>
    %dot_general3A_382 = arith.constant dense<0.000000e+00> : vector<320x128xf32>
    %dot_general3A_383 = tpu.matmul %add3A_377, %get3A_57, %dot_general3A_382 {dimension_numbers = #tpu.dot_dimension_numbers<[1], [1], [0], [0], [0, 0, 1, 0], [], []>, transpose_lhs_hint = false} : vector<320x128xf32>, vector<128x128xf32>, vector<320x128xf32> -> vector<320x128xf32>
    %add3A_384 = arith.addf %reshape3A_381, %dot_general3A_383 : vector<320x128xf32>
    %add3A_385 = vector.broadcast %get3A_60 : vector<1x128xf32> to vector<320x128xf32>
    %add3A_386 = arith.addf %add3A_384, %add3A_385 : vector<320x128xf32>
    %neg3A_387 = arith.constant 0.000000e+00 : f32
    %neg3A_388 = vector.broadcast %neg3A_387 : f32 to vector<320x128xf32>
    %neg3A_389 = arith.subf %neg3A_388, %add3A_386 : vector<320x128xf32>
    %exp3A_390 = math.exp %neg3A_389 : vector<320x128xf32>
    %add3A_391 = arith.constant 1.000000e+00 : f32
    %add3A_392 = vector.broadcast %add3A_391 : f32 to vector<320x128xf32>
    %add3A_393 = arith.addf %add3A_392, %exp3A_390 : vector<320x128xf32>
    %div3A_394 = arith.constant 1.000000e+00 : f32
    %div3A_395 = vector.broadcast %div3A_394 : f32 to vector<320x128xf32>
    %div3A_396 = arith.divf %div3A_395, %add3A_393 : vector<320x128xf32>
    %swap3A_397 = arith.constant 160 : index
    %swap3A_398 = arith.constant 0 : index
    %swap3A_399 = vector.load %arg19[%swap3A_397, %swap3A_398] : memref<10080x128xf32, #tpu.memory_space<vmem>>, vector<320x128xf32>
    tpu.vector_store %arg19[%swap3A_397, %swap3A_398], %add3A_377 {strides = array<i32>} : memref<10080x128xf32, #tpu.memory_space<vmem>>, vector<320x128xf32>,
    %mul3A_400 = arith.constant 320 : i32
    %mul3A_401 = arith.muli %arg0, %mul3A_400 : i32
    %add3A_402 = arith.constant 3200 : i32
    %add3A_403 = arith.addi %add3A_402, %mul3A_401 : i32
    %dma_start3A_404 = arith.constant 1 : i32
    %dma_start3A_405 = tpu.memref_slice %arg21[%dma_start3A_404] : memref<12x!tpu.dma_semaphore, #tpu.memory_space<semaphore_mem>> -> memref<1x!tpu.dma_semaphore, #tpu.memory_space<semaphore_mem>>
    %dma_start3A_406 = tpu.memref_squeeze %dma_start3A_405 : memref<1x!tpu.dma_semaphore, #tpu.memory_space<semaphore_mem>> -> memref<!tpu.dma_semaphore, #tpu.memory_space<semaphore_mem>>
    %dma_start3A_407 = arith.constant 0 : i32
    %dma_start3A_408 = tpu.memref_slice %arg16[%add3A_403, %dma_start3A_407] : memref<100800x128xf32, #tpu.memory_space<any>> -> memref<320x128xf32, #tpu.memory_space<any>>
    %dma_start3A_409 = arith.constant 160 : i32
    %dma_start3A_410 = arith.constant 0 : i32
    %dma_start3A_411 = tpu.memref_slice %arg19[%dma_start3A_409, %dma_start3A_410] : memref<10080x128xf32, #tpu.memory_space<vmem>> -> memref<320x128xf32, #tpu.memory_space<vmem>>
    tpu.enqueue_dma source(%dma_start3A_411 : memref<320x128xf32, #tpu.memory_space<vmem>>) target(%dma_start3A_408 : memref<320x128xf32, #tpu.memory_space<any>>) target_semaphore(%dma_start3A_406 : memref<!tpu.dma_semaphore, #tpu.memory_space<semaphore_mem>>)
    %reshape3A_412 = vector.shape_cast %add3A_377 : vector<320x128xf32> to vector<160x256xf32>
    %mul3A_413 = arith.mulf %add3A_377, %div3A_396 : vector<320x128xf32>
    %reshape3A_414 = vector.shape_cast %mul3A_413 : vector<320x128xf32> to vector<160x256xf32>
    %slice3A_415 = vector.extract_strided_slice %reshape3A_412 {offsets = [0, 0], sizes = [160, 128], strides = [1, 1]} : vector<160x256xf32> to vector<160x128xf32>
    %slice3A_416 = vector.extract_strided_slice %reshape3A_412 {offsets = [0, 128], sizes = [160, 128], strides = [1, 1]} : vector<160x256xf32> to vector<160x128xf32>
    %add3A_417 = arith.addf %slice3A_415, %slice3A_416 : vector<160x128xf32>
    %slice3A_418 = vector.extract_strided_slice %reshape3A_414 {offsets = [0, 0], sizes = [160, 128], strides = [1, 1]} : vector<160x256xf32> to vector<160x128xf32>
    %slice3A_419 = vector.extract_strided_slice %reshape3A_414 {offsets = [0, 128], sizes = [160, 128], strides = [1, 1]} : vector<160x256xf32> to vector<160x128xf32>
    %add3A_420 = arith.addf %slice3A_418, %slice3A_419 : vector<160x128xf32>
    %dot_general3A_421 = arith.constant dense<0.000000e+00> : vector<160x128xf32>
    %dot_general3A_422 = tpu.matmul %get3A_8, %get3A_36, %dot_general3A_421 {dimension_numbers = #tpu.dot_dimension_numbers<[1], [1], [0], [0], [0, 0, 1, 0], [], []>, transpose_lhs_hint = false} : vector<160x128xf32>, vector<128x128xf32>, vector<160x128xf32> -> vector<160x128xf32>
    %dot_general3A_423 = arith.constant dense<0.000000e+00> : vector<160x128xf32>
    %dot_general3A_424 = tpu.matmul %add3A_417, %get3A_39, %dot_general3A_423 {dimension_numbers = #tpu.dot_dimension_numbers<[1], [1], [0], [0], [0, 0, 1, 0], [], []>, transpose_lhs_hint = false} : vector<160x128xf32>, vector<128x128xf32>, vector<160x128xf32> -> vector<160x128xf32>
    %add3A_425 = arith.addf %dot_general3A_422, %dot_general3A_424 : vector<160x128xf32>
    %add3A_426 = vector.broadcast %get3A_42 : vector<1x128xf32> to vector<160x128xf32>
    %add3A_427 = arith.addf %add3A_425, %add3A_426 : vector<160x128xf32>
    %neg3A_428 = arith.constant 0.000000e+00 : f32
    %neg3A_429 = vector.broadcast %neg3A_428 : f32 to vector<160x128xf32>
    %neg3A_430 = arith.subf %neg3A_429, %add3A_427 : vector<160x128xf32>
    %exp3A_431 = math.exp %neg3A_430 : vector<160x128xf32>
    %add3A_432 = arith.constant 1.000000e+00 : f32
    %add3A_433 = vector.broadcast %add3A_432 : f32 to vector<160x128xf32>
    %add3A_434 = arith.addf %add3A_433, %exp3A_431 : vector<160x128xf32>
    %div3A_435 = arith.constant 1.000000e+00 : f32
    %div3A_436 = vector.broadcast %div3A_435 : f32 to vector<160x128xf32>
    %div3A_437 = arith.divf %div3A_436, %add3A_434 : vector<160x128xf32>
    %dot_general3A_438 = arith.constant dense<0.000000e+00> : vector<160x128xf32>
    %dot_general3A_439 = tpu.matmul %get3A_8, %get3A_45, %dot_general3A_438 {dimension_numbers = #tpu.dot_dimension_numbers<[1], [1], [0], [0], [0, 0, 1, 0], [], []>, transpose_lhs_hint = false} : vector<160x128xf32>, vector<128x128xf32>, vector<160x128xf32> -> vector<160x128xf32>
    %dot_general3A_440 = arith.constant dense<0.000000e+00> : vector<160x128xf32>
    %dot_general3A_441 = tpu.matmul %add3A_420, %get3A_48, %dot_general3A_440 {dimension_numbers = #tpu.dot_dimension_numbers<[1], [1], [0], [0], [0, 0, 1, 0], [], []>, transpose_lhs_hint = false} : vector<160x128xf32>, vector<128x128xf32>, vector<160x128xf32> -> vector<160x128xf32>
    %add3A_442 = arith.addf %dot_general3A_439, %dot_general3A_441 : vector<160x128xf32>
    %add3A_443 = vector.broadcast %get3A_51 : vector<1x128xf32> to vector<160x128xf32>
    %add3A_444 = arith.addf %add3A_442, %add3A_443 : vector<160x128xf32>
    %tanh3A_445 = math.tanh %add3A_444 : vector<160x128xf32>
    %sub3A_446 = arith.constant 1.000000e+00 : f32
    %sub3A_447 = vector.broadcast %sub3A_446 : f32 to vector<160x128xf32>
    %sub3A_448 = arith.subf %sub3A_447, %div3A_437 : vector<160x128xf32>
    %mul3A_449 = arith.mulf %sub3A_448, %add3A_417 : vector<160x128xf32>
    %mul3A_450 = arith.mulf %div3A_437, %tanh3A_445 : vector<160x128xf32>
    %add3A_451 = arith.addf %mul3A_449, %mul3A_450 : vector<160x128xf32>
    %swap3A_452 = arith.constant 0 : index
    %swap3A_453 = arith.constant 0 : index
    %swap3A_454 = vector.load %arg19[%swap3A_452, %swap3A_453] : memref<10080x128xf32, #tpu.memory_space<vmem>>, vector<160x128xf32>
    tpu.vector_store %arg19[%swap3A_452, %swap3A_453], %add3A_451 {strides = array<i32>} : memref<10080x128xf32, #tpu.memory_space<vmem>>, vector<160x128xf32>,
    %mul3A_455 = arith.constant 160 : i32
    %mul3A_456 = arith.muli %arg0, %mul3A_455 : i32
    %add3A_457 = arith.constant 800 : i32
    %add3A_458 = arith.addi %add3A_457, %mul3A_456 : i32
    %dma_start3A_459 = arith.constant 0 : i32
    %dma_start3A_460 = tpu.memref_slice %arg21[%dma_start3A_459] : memref<12x!tpu.dma_semaphore, #tpu.memory_space<semaphore_mem>> -> memref<1x!tpu.dma_semaphore, #tpu.memory_space<semaphore_mem>>
    %dma_start3A_461 = tpu.memref_squeeze %dma_start3A_460 : memref<1x!tpu.dma_semaphore, #tpu.memory_space<semaphore_mem>> -> memref<!tpu.dma_semaphore, #tpu.memory_space<semaphore_mem>>
    %dma_start3A_462 = arith.constant 0 : i32
    %dma_start3A_463 = tpu.memref_slice %arg16[%add3A_458, %dma_start3A_462] : memref<100800x128xf32, #tpu.memory_space<any>> -> memref<160x128xf32, #tpu.memory_space<any>>
    %dma_start3A_464 = arith.constant 0 : i32
    %dma_start3A_465 = arith.constant 0 : i32
    %dma_start3A_466 = tpu.memref_slice %arg19[%dma_start3A_464, %dma_start3A_465] : memref<10080x128xf32, #tpu.memory_space<vmem>> -> memref<160x128xf32, #tpu.memory_space<vmem>>
    tpu.enqueue_dma source(%dma_start3A_466 : memref<160x128xf32, #tpu.memory_space<vmem>>) target(%dma_start3A_463 : memref<160x128xf32, #tpu.memory_space<any>>) target_semaphore(%dma_start3A_461 : memref<!tpu.dma_semaphore, #tpu.memory_space<semaphore_mem>>)
    %reshape3A_467 = vector.shape_cast %add3A_451 : vector<160x128xf32> to vector<80x256xf32>
    %slice3A_468 = vector.extract_strided_slice %reshape3A_467 {offsets = [0, 0], sizes = [80, 128], strides = [1, 1]} : vector<80x256xf32> to vector<80x128xf32>
    %slice3A_469 = vector.extract_strided_slice %reshape3A_467 {offsets = [0, 128], sizes = [80, 128], strides = [1, 1]} : vector<80x256xf32> to vector<80x128xf32>
    %add3A_470 = arith.addf %slice3A_468, %slice3A_469 : vector<80x128xf32>
    %broadcast_in_dim3A_471 = arith.constant 0.000000e+00 : f32
    %broadcast_in_dim3A_472 = vector.broadcast %broadcast_in_dim3A_471 : f32 to vector<80x128xf32>
    %broadcast_in_dim3A_473 = arith.constant 0.000000e+00 : f32
    %broadcast_in_dim3A_474 = vector.broadcast %broadcast_in_dim3A_473 : f32 to vector<80x128xf32>
    %dot_general3A_475 = arith.constant dense<0.000000e+00> : vector<80x128xf32>
    %dot_general3A_476 = tpu.matmul %get3A_3, %get3A_36, %dot_general3A_475 {dimension_numbers = #tpu.dot_dimension_numbers<[1], [1], [0], [0], [0, 0, 1, 0], [], []>, transpose_lhs_hint = false} : vector<80x128xf32>, vector<128x128xf32>, vector<80x128xf32> -> vector<80x128xf32>
    %dot_general3A_477 = arith.constant dense<0.000000e+00> : vector<80x128xf32>
    %dot_general3A_478 = tpu.matmul %broadcast_in_dim3A_472, %get3A_39, %dot_general3A_477 {dimension_numbers = #tpu.dot_dimension_numbers<[1], [1], [0], [0], [0, 0, 1, 0], [], []>, transpose_lhs_hint = false} : vector<80x128xf32>, vector<128x128xf32>, vector<80x128xf32> -> vector<80x128xf32>
    %add3A_479 = arith.addf %dot_general3A_476, %dot_general3A_478 : vector<80x128xf32>
    %add3A_480 = vector.broadcast %get3A_42 : vector<1x128xf32> to vector<80x128xf32>
    %add3A_481 = arith.addf %add3A_479, %add3A_480 : vector<80x128xf32>
    %neg3A_482 = arith.constant 0.000000e+00 : f32
    %neg3A_483 = vector.broadcast %neg3A_482 : f32 to vector<80x128xf32>
    %neg3A_484 = arith.subf %neg3A_483, %add3A_481 : vector<80x128xf32>
    %exp3A_485 = math.exp %neg3A_484 : vector<80x128xf32>
    %add3A_486 = arith.constant 1.000000e+00 : f32
    %add3A_487 = vector.broadcast %add3A_486 : f32 to vector<80x128xf32>
    %add3A_488 = arith.addf %add3A_487, %exp3A_485 : vector<80x128xf32>
    %div3A_489 = arith.constant 1.000000e+00 : f32
    %div3A_490 = vector.broadcast %div3A_489 : f32 to vector<80x128xf32>
    %div3A_491 = arith.divf %div3A_490, %add3A_488 : vector<80x128xf32>
    %dot_general3A_492 = arith.constant dense<0.000000e+00> : vector<80x128xf32>
    %dot_general3A_493 = tpu.matmul %get3A_3, %get3A_45, %dot_general3A_492 {dimension_numbers = #tpu.dot_dimension_numbers<[1], [1], [0], [0], [0, 0, 1, 0], [], []>, transpose_lhs_hint = false} : vector<80x128xf32>, vector<128x128xf32>, vector<80x128xf32> -> vector<80x128xf32>
    %dot_general3A_494 = arith.constant dense<0.000000e+00> : vector<80x128xf32>
    %dot_general3A_495 = tpu.matmul %broadcast_in_dim3A_474, %get3A_48, %dot_general3A_494 {dimension_numbers = #tpu.dot_dimension_numbers<[1], [1], [0], [0], [0, 0, 1, 0], [], []>, transpose_lhs_hint = false} : vector<80x128xf32>, vector<128x128xf32>, vector<80x128xf32> -> vector<80x128xf32>
    %add3A_496 = arith.addf %dot_general3A_493, %dot_general3A_495 : vector<80x128xf32>
    %add3A_497 = vector.broadcast %get3A_51 : vector<1x128xf32> to vector<80x128xf32>
    %add3A_498 = arith.addf %add3A_496, %add3A_497 : vector<80x128xf32>
    %tanh3A_499 = math.tanh %add3A_498 : vector<80x128xf32>
    %sub3A_500 = arith.constant 1.000000e+00 : f32
    %sub3A_501 = vector.broadcast %sub3A_500 : f32 to vector<80x128xf32>
    %sub3A_502 = arith.subf %sub3A_501, %div3A_491 : vector<80x128xf32>
    %mul3A_503 = arith.mulf %sub3A_502, %broadcast_in_dim3A_472 : vector<80x128xf32>
    %mul3A_504 = arith.mulf %div3A_491, %tanh3A_499 : vector<80x128xf32>
    %add3A_505 = arith.addf %mul3A_503, %mul3A_504 : vector<80x128xf32>
    %dot_general3A_506 = arith.constant dense<0.000000e+00> : vector<80x128xf32>
    %dot_general3A_507 = tpu.matmul %add3A_505, %get3A_57, %dot_general3A_506 {dimension_numbers = #tpu.dot_dimension_numbers<[1], [1], [0], [0], [0, 0, 1, 0], [], []>, transpose_lhs_hint = false} : vector<80x128xf32>, vector<128x128xf32>, vector<80x128xf32> -> vector<80x128xf32>
    %concatenate3A_508 = tpu.concatenate %add3A_505, %add3A_505 in 1 : vector<80x128xf32>, vector<80x128xf32> -> vector<80x256xf32>
    %reshape3A_509 = vector.shape_cast %concatenate3A_508 : vector<80x256xf32> to vector<160x128xf32>
    %concatenate3A_510 = tpu.concatenate %dot_general3A_507, %dot_general3A_507 in 1 : vector<80x128xf32>, vector<80x128xf32> -> vector<80x256xf32>
    %reshape3A_511 = vector.shape_cast %concatenate3A_510 : vector<80x256xf32> to vector<160x128xf32>
    %dot_general3A_512 = arith.constant dense<0.000000e+00> : vector<160x128xf32>
    %dot_general3A_513 = tpu.matmul %get3A_8, %get3A_54, %dot_general3A_512 {dimension_numbers = #tpu.dot_dimension_numbers<[1], [1], [0], [0], [0, 0, 1, 0], [], []>, transpose_lhs_hint = false} : vector<160x128xf32>, vector<128x128xf32>, vector<160x128xf32> -> vector<160x128xf32>
    %add3A_514 = arith.addf %dot_general3A_513, %reshape3A_511 : vector<160x128xf32>
    %add3A_515 = vector.broadcast %get3A_60 : vector<1x128xf32> to vector<160x128xf32>
    %add3A_516 = arith.addf %add3A_514, %add3A_515 : vector<160x128xf32>
    %neg3A_517 = arith.constant 0.000000e+00 : f32
    %neg3A_518 = vector.broadcast %neg3A_517 : f32 to vector<160x128xf32>
    %neg3A_519 = arith.subf %neg3A_518, %add3A_516 : vector<160x128xf32>
    %exp3A_520 = math.exp %neg3A_519 : vector<160x128xf32>
    %add3A_521 = arith.constant 1.000000e+00 : f32
    %add3A_522 = vector.broadcast %add3A_521 : f32 to vector<160x128xf32>
    %add3A_523 = arith.addf %add3A_522, %exp3A_520 : vector<160x128xf32>
    %div3A_524 = arith.constant 1.000000e+00 : f32
    %div3A_525 = vector.broadcast %div3A_524 : f32 to vector<160x128xf32>
    %div3A_526 = arith.divf %div3A_525, %add3A_523 : vector<160x128xf32>
    %swap3A_527 = arith.constant 0 : index
    %swap3A_528 = arith.constant 0 : index
    %swap3A_529 = vector.load %arg20[%swap3A_527, %swap3A_528] : memref<10080x128xf32, #tpu.memory_space<vmem>>, vector<160x128xf32>
    tpu.vector_store %arg20[%swap3A_527, %swap3A_528], %reshape3A_509 {strides = array<i32>} : memref<10080x128xf32, #tpu.memory_space<vmem>>, vector<160x128xf32>,
    %mul3A_530 = arith.constant 160 : i32
    %mul3A_531 = arith.muli %arg0, %mul3A_530 : i32
    %add3A_532 = arith.constant 800 : i32
    %add3A_533 = arith.addi %add3A_532, %mul3A_531 : i32
    %dma_start3A_534 = arith.constant 6 : i32
    %dma_start3A_535 = tpu.memref_slice %arg21[%dma_start3A_534] : memref<12x!tpu.dma_semaphore, #tpu.memory_space<semaphore_mem>> -> memref<1x!tpu.dma_semaphore, #tpu.memory_space<semaphore_mem>>
    %dma_start3A_536 = tpu.memref_squeeze %dma_start3A_535 : memref<1x!tpu.dma_semaphore, #tpu.memory_space<semaphore_mem>> -> memref<!tpu.dma_semaphore, #tpu.memory_space<semaphore_mem>>
    %dma_start3A_537 = arith.constant 0 : i32
    %dma_start3A_538 = tpu.memref_slice %arg17[%add3A_533, %dma_start3A_537] : memref<100800x128xf32, #tpu.memory_space<any>> -> memref<160x128xf32, #tpu.memory_space<any>>
    %dma_start3A_539 = arith.constant 0 : i32
    %dma_start3A_540 = arith.constant 0 : i32
    %dma_start3A_541 = tpu.memref_slice %arg20[%dma_start3A_539, %dma_start3A_540] : memref<10080x128xf32, #tpu.memory_space<vmem>> -> memref<160x128xf32, #tpu.memory_space<vmem>>
    tpu.enqueue_dma source(%dma_start3A_541 : memref<160x128xf32, #tpu.memory_space<vmem>>) target(%dma_start3A_538 : memref<160x128xf32, #tpu.memory_space<any>>) target_semaphore(%dma_start3A_536 : memref<!tpu.dma_semaphore, #tpu.memory_space<semaphore_mem>>)
    %mul3A_542 = arith.mulf %reshape3A_509, %div3A_526 : vector<160x128xf32>
    %dot_general3A_543 = arith.constant dense<0.000000e+00> : vector<160x128xf32>
    %dot_general3A_544 = tpu.matmul %get3A_8, %get3A_36, %dot_general3A_543 {dimension_numbers = #tpu.dot_dimension_numbers<[1], [1], [0], [0], [0, 0, 1, 0], [], []>, transpose_lhs_hint = false} : vector<160x128xf32>, vector<128x128xf32>, vector<160x128xf32> -> vector<160x128xf32>
    %dot_general3A_545 = arith.constant dense<0.000000e+00> : vector<160x128xf32>
    %dot_general3A_546 = tpu.matmul %reshape3A_509, %get3A_39, %dot_general3A_545 {dimension_numbers = #tpu.dot_dimension_numbers<[1], [1], [0], [0], [0, 0, 1, 0], [], []>, transpose_lhs_hint = false} : vector<160x128xf32>, vector<128x128xf32>, vector<160x128xf32> -> vector<160x128xf32>
    %add3A_547 = arith.addf %dot_general3A_544, %dot_general3A_546 : vector<160x128xf32>
    %add3A_548 = vector.broadcast %get3A_42 : vector<1x128xf32> to vector<160x128xf32>
    %add3A_549 = arith.addf %add3A_547, %add3A_548 : vector<160x128xf32>
    %neg3A_550 = arith.constant 0.000000e+00 : f32
    %neg3A_551 = vector.broadcast %neg3A_550 : f32 to vector<160x128xf32>
    %neg3A_552 = arith.subf %neg3A_551, %add3A_549 : vector<160x128xf32>
    %exp3A_553 = math.exp %neg3A_552 : vector<160x128xf32>
    %add3A_554 = arith.constant 1.000000e+00 : f32
    %add3A_555 = vector.broadcast %add3A_554 : f32 to vector<160x128xf32>
    %add3A_556 = arith.addf %add3A_555, %exp3A_553 : vector<160x128xf32>
    %div3A_557 = arith.constant 1.000000e+00 : f32
    %div3A_558 = vector.broadcast %div3A_557 : f32 to vector<160x128xf32>
    %div3A_559 = arith.divf %div3A_558, %add3A_556 : vector<160x128xf32>
    %dot_general3A_560 = arith.constant dense<0.000000e+00> : vector<160x128xf32>
    %dot_general3A_561 = tpu.matmul %get3A_8, %get3A_45, %dot_general3A_560 {dimension_numbers = #tpu.dot_dimension_numbers<[1], [1], [0], [0], [0, 0, 1, 0], [], []>, transpose_lhs_hint = false} : vector<160x128xf32>, vector<128x128xf32>, vector<160x128xf32> -> vector<160x128xf32>
    %dot_general3A_562 = arith.constant dense<0.000000e+00> : vector<160x128xf32>
    %dot_general3A_563 = tpu.matmul %mul3A_542, %get3A_48, %dot_general3A_562 {dimension_numbers = #tpu.dot_dimension_numbers<[1], [1], [0], [0], [0, 0, 1, 0], [], []>, transpose_lhs_hint = false} : vector<160x128xf32>, vector<128x128xf32>, vector<160x128xf32> -> vector<160x128xf32>
    %add3A_564 = arith.addf %dot_general3A_561, %dot_general3A_563 : vector<160x128xf32>
    %add3A_565 = vector.broadcast %get3A_51 : vector<1x128xf32> to vector<160x128xf32>
    %add3A_566 = arith.addf %add3A_564, %add3A_565 : vector<160x128xf32>
    %tanh3A_567 = math.tanh %add3A_566 : vector<160x128xf32>
    %sub3A_568 = arith.constant 1.000000e+00 : f32
    %sub3A_569 = vector.broadcast %sub3A_568 : f32 to vector<160x128xf32>
    %sub3A_570 = arith.subf %sub3A_569, %div3A_559 : vector<160x128xf32>
    %mul3A_571 = arith.mulf %sub3A_570, %reshape3A_509 : vector<160x128xf32>
    %mul3A_572 = arith.mulf %div3A_559, %tanh3A_567 : vector<160x128xf32>
    %add3A_573 = arith.addf %mul3A_571, %mul3A_572 : vector<160x128xf32>
    %dot_general3A_574 = arith.constant dense<0.000000e+00> : vector<160x128xf32>
    %dot_general3A_575 = tpu.matmul %add3A_573, %get3A_57, %dot_general3A_574 {dimension_numbers = #tpu.dot_dimension_numbers<[1], [1], [0], [0], [0, 0, 1, 0], [], []>, transpose_lhs_hint = false} : vector<160x128xf32>, vector<128x128xf32>, vector<160x128xf32> -> vector<160x128xf32>
    %concatenate3A_576 = tpu.concatenate %add3A_573, %add3A_573 in 1 : vector<160x128xf32>, vector<160x128xf32> -> vector<160x256xf32>
    %reshape3A_577 = vector.shape_cast %concatenate3A_576 : vector<160x256xf32> to vector<320x128xf32>
    %concatenate3A_578 = tpu.concatenate %dot_general3A_575, %dot_general3A_575 in 1 : vector<160x128xf32>, vector<160x128xf32> -> vector<160x256xf32>
    %reshape3A_579 = vector.shape_cast %concatenate3A_578 : vector<160x256xf32> to vector<320x128xf32>
    %dot_general3A_580 = arith.constant dense<0.000000e+00> : vector<320x128xf32>
    %dot_general3A_581 = tpu.matmul %get3A_13, %get3A_54, %dot_general3A_580 {dimension_numbers = #tpu.dot_dimension_numbers<[1], [1], [0], [0], [0, 0, 1, 0], [], []>, transpose_lhs_hint = false} : vector<320x128xf32>, vector<128x128xf32>, vector<320x128xf32> -> vector<320x128xf32>
    %add3A_582 = arith.addf %dot_general3A_581, %reshape3A_579 : vector<320x128xf32>
    %add3A_583 = vector.broadcast %get3A_60 : vector<1x128xf32> to vector<320x128xf32>
    %add3A_584 = arith.addf %add3A_582, %add3A_583 : vector<320x128xf32>
    %neg3A_585 = arith.constant 0.000000e+00 : f32
    %neg3A_586 = vector.broadcast %neg3A_585 : f32 to vector<320x128xf32>
    %neg3A_587 = arith.subf %neg3A_586, %add3A_584 : vector<320x128xf32>
    %exp3A_588 = math.exp %neg3A_587 : vector<320x128xf32>
    %add3A_589 = arith.constant 1.000000e+00 : f32
    %add3A_590 = vector.broadcast %add3A_589 : f32 to vector<320x128xf32>
    %add3A_591 = arith.addf %add3A_590, %exp3A_588 : vector<320x128xf32>
    %div3A_592 = arith.constant 1.000000e+00 : f32
    %div3A_593 = vector.broadcast %div3A_592 : f32 to vector<320x128xf32>
    %div3A_594 = arith.divf %div3A_593, %add3A_591 : vector<320x128xf32>
    %swap3A_595 = arith.constant 160 : index
    %swap3A_596 = arith.constant 0 : index
    %swap3A_597 = vector.load %arg20[%swap3A_595, %swap3A_596] : memref<10080x128xf32, #tpu.memory_space<vmem>>, vector<320x128xf32>
    tpu.vector_store %arg20[%swap3A_595, %swap3A_596], %reshape3A_577 {strides = array<i32>} : memref<10080x128xf32, #tpu.memory_space<vmem>>, vector<320x128xf32>,
    %mul3A_598 = arith.constant 320 : i32
    %mul3A_599 = arith.muli %arg0, %mul3A_598 : i32
    %add3A_600 = arith.constant 3200 : i32
    %add3A_601 = arith.addi %add3A_600, %mul3A_599 : i32
    %dma_start3A_602 = arith.constant 7 : i32
    %dma_start3A_603 = tpu.memref_slice %arg21[%dma_start3A_602] : memref<12x!tpu.dma_semaphore, #tpu.memory_space<semaphore_mem>> -> memref<1x!tpu.dma_semaphore, #tpu.memory_space<semaphore_mem>>
    %dma_start3A_604 = tpu.memref_squeeze %dma_start3A_603 : memref<1x!tpu.dma_semaphore, #tpu.memory_space<semaphore_mem>> -> memref<!tpu.dma_semaphore, #tpu.memory_space<semaphore_mem>>
    %dma_start3A_605 = arith.constant 0 : i32
    %dma_start3A_606 = tpu.memref_slice %arg17[%add3A_601, %dma_start3A_605] : memref<100800x128xf32, #tpu.memory_space<any>> -> memref<320x128xf32, #tpu.memory_space<any>>
    %dma_start3A_607 = arith.constant 160 : i32
    %dma_start3A_608 = arith.constant 0 : i32
    %dma_start3A_609 = tpu.memref_slice %arg20[%dma_start3A_607, %dma_start3A_608] : memref<10080x128xf32, #tpu.memory_space<vmem>> -> memref<320x128xf32, #tpu.memory_space<vmem>>
    tpu.enqueue_dma source(%dma_start3A_609 : memref<320x128xf32, #tpu.memory_space<vmem>>) target(%dma_start3A_606 : memref<320x128xf32, #tpu.memory_space<any>>) target_semaphore(%dma_start3A_604 : memref<!tpu.dma_semaphore, #tpu.memory_space<semaphore_mem>>)
    %mul3A_610 = arith.mulf %reshape3A_577, %div3A_594 : vector<320x128xf32>
    %dot_general3A_611 = arith.constant dense<0.000000e+00> : vector<320x128xf32>
    %dot_general3A_612 = tpu.matmul %get3A_13, %get3A_36, %dot_general3A_611 {dimension_numbers = #tpu.dot_dimension_numbers<[1], [1], [0], [0], [0, 0, 1, 0], [], []>, transpose_lhs_hint = false} : vector<320x128xf32>, vector<128x128xf32>, vector<320x128xf32> -> vector<320x128xf32>
    %dot_general3A_613 = arith.constant dense<0.000000e+00> : vector<320x128xf32>
    %dot_general3A_614 = tpu.matmul %reshape3A_577, %get3A_39, %dot_general3A_613 {dimension_numbers = #tpu.dot_dimension_numbers<[1], [1], [0], [0], [0, 0, 1, 0], [], []>, transpose_lhs_hint = false} : vector<320x128xf32>, vector<128x128xf32>, vector<320x128xf32> -> vector<320x128xf32>
    %add3A_615 = arith.addf %dot_general3A_612, %dot_general3A_614 : vector<320x128xf32>
    %add3A_616 = vector.broadcast %get3A_42 : vector<1x128xf32> to vector<320x128xf32>
    %add3A_617 = arith.addf %add3A_615, %add3A_616 : vector<320x128xf32>
    %neg3A_618 = arith.constant 0.000000e+00 : f32
    %neg3A_619 = vector.broadcast %neg3A_618 : f32 to vector<320x128xf32>
    %neg3A_620 = arith.subf %neg3A_619, %add3A_617 : vector<320x128xf32>
    %exp3A_621 = math.exp %neg3A_620 : vector<320x128xf32>
    %add3A_622 = arith.constant 1.000000e+00 : f32
    %add3A_623 = vector.broadcast %add3A_622 : f32 to vector<320x128xf32>
    %add3A_624 = arith.addf %add3A_623, %exp3A_621 : vector<320x128xf32>
    %div3A_625 = arith.constant 1.000000e+00 : f32
    %div3A_626 = vector.broadcast %div3A_625 : f32 to vector<320x128xf32>
    %div3A_627 = arith.divf %div3A_626, %add3A_624 : vector<320x128xf32>
    %dot_general3A_628 = arith.constant dense<0.000000e+00> : vector<320x128xf32>
    %dot_general3A_629 = tpu.matmul %get3A_13, %get3A_45, %dot_general3A_628 {dimension_numbers = #tpu.dot_dimension_numbers<[1], [1], [0], [0], [0, 0, 1, 0], [], []>, transpose_lhs_hint = false} : vector<320x128xf32>, vector<128x128xf32>, vector<320x128xf32> -> vector<320x128xf32>
    %dot_general3A_630 = arith.constant dense<0.000000e+00> : vector<320x128xf32>
    %dot_general3A_631 = tpu.matmul %mul3A_610, %get3A_48, %dot_general3A_630 {dimension_numbers = #tpu.dot_dimension_numbers<[1], [1], [0], [0], [0, 0, 1, 0], [], []>, transpose_lhs_hint = false} : vector<320x128xf32>, vector<128x128xf32>, vector<320x128xf32> -> vector<320x128xf32>
    %add3A_632 = arith.addf %dot_general3A_629, %dot_general3A_631 : vector<320x128xf32>
    %add3A_633 = vector.broadcast %get3A_51 : vector<1x128xf32> to vector<320x128xf32>
    %add3A_634 = arith.addf %add3A_632, %add3A_633 : vector<320x128xf32>
    %tanh3A_635 = math.tanh %add3A_634 : vector<320x128xf32>
    %sub3A_636 = arith.constant 1.000000e+00 : f32
    %sub3A_637 = vector.broadcast %sub3A_636 : f32 to vector<320x128xf32>
    %sub3A_638 = arith.subf %sub3A_637, %div3A_627 : vector<320x128xf32>
    %mul3A_639 = arith.mulf %sub3A_638, %reshape3A_577 : vector<320x128xf32>
    %mul3A_640 = arith.mulf %div3A_627, %tanh3A_635 : vector<320x128xf32>
    %add3A_641 = arith.addf %mul3A_639, %mul3A_640 : vector<320x128xf32>
    %dot_general3A_642 = arith.constant dense<0.000000e+00> : vector<320x128xf32>
    %dot_general3A_643 = tpu.matmul %add3A_641, %get3A_57, %dot_general3A_642 {dimension_numbers = #tpu.dot_dimension_numbers<[1], [1], [0], [0], [0, 0, 1, 0], [], []>, transpose_lhs_hint = false} : vector<320x128xf32>, vector<128x128xf32>, vector<320x128xf32> -> vector<320x128xf32>
    %concatenate3A_644 = tpu.concatenate %add3A_641, %add3A_641 in 1 : vector<320x128xf32>, vector<320x128xf32> -> vector<320x256xf32>
    %reshape3A_645 = vector.shape_cast %concatenate3A_644 : vector<320x256xf32> to vector<640x128xf32>
    %concatenate3A_646 = tpu.concatenate %dot_general3A_643, %dot_general3A_643 in 1 : vector<320x128xf32>, vector<320x128xf32> -> vector<320x256xf32>
    %reshape3A_647 = vector.shape_cast %concatenate3A_646 : vector<320x256xf32> to vector<640x128xf32>
    %dot_general3A_648 = arith.constant dense<0.000000e+00> : vector<640x128xf32>
    %dot_general3A_649 = tpu.matmul %get3A_18, %get3A_54, %dot_general3A_648 {dimension_numbers = #tpu.dot_dimension_numbers<[1], [1], [0], [0], [0, 0, 1, 0], [], []>, transpose_lhs_hint = false} : vector<640x128xf32>, vector<128x128xf32>, vector<640x128xf32> -> vector<640x128xf32>
    %add3A_650 = arith.addf %dot_general3A_649, %reshape3A_647 : vector<640x128xf32>
    %add3A_651 = vector.broadcast %get3A_60 : vector<1x128xf32> to vector<640x128xf32>
    %add3A_652 = arith.addf %add3A_650, %add3A_651 : vector<640x128xf32>
    %neg3A_653 = arith.constant 0.000000e+00 : f32
    %neg3A_654 = vector.broadcast %neg3A_653 : f32 to vector<640x128xf32>
    %neg3A_655 = arith.subf %neg3A_654, %add3A_652 : vector<640x128xf32>
    %exp3A_656 = math.exp %neg3A_655 : vector<640x128xf32>
    %add3A_657 = arith.constant 1.000000e+00 : f32
    %add3A_658 = vector.broadcast %add3A_657 : f32 to vector<640x128xf32>
    %add3A_659 = arith.addf %add3A_658, %exp3A_656 : vector<640x128xf32>
    %div3A_660 = arith.constant 1.000000e+00 : f32
    %div3A_661 = vector.broadcast %div3A_660 : f32 to vector<640x128xf32>
    %div3A_662 = arith.divf %div3A_661, %add3A_659 : vector<640x128xf32>
    %swap3A_663 = arith.constant 480 : index
    %swap3A_664 = arith.constant 0 : index
    %swap3A_665 = vector.load %arg20[%swap3A_663, %swap3A_664] : memref<10080x128xf32, #tpu.memory_space<vmem>>, vector<640x128xf32>
    tpu.vector_store %arg20[%swap3A_663, %swap3A_664], %reshape3A_645 {strides = array<i32>} : memref<10080x128xf32, #tpu.memory_space<vmem>>, vector<640x128xf32>,
    %mul3A_666 = arith.constant 640 : i32
    %mul3A_667 = arith.muli %arg0, %mul3A_666 : i32
    %add3A_668 = arith.constant 8000 : i32
    %add3A_669 = arith.addi %add3A_668, %mul3A_667 : i32
    %dma_start3A_670 = arith.constant 8 : i32
    %dma_start3A_671 = tpu.memref_slice %arg21[%dma_start3A_670] : memref<12x!tpu.dma_semaphore, #tpu.memory_space<semaphore_mem>> -> memref<1x!tpu.dma_semaphore, #tpu.memory_space<semaphore_mem>>
    %dma_start3A_672 = tpu.memref_squeeze %dma_start3A_671 : memref<1x!tpu.dma_semaphore, #tpu.memory_space<semaphore_mem>> -> memref<!tpu.dma_semaphore, #tpu.memory_space<semaphore_mem>>
    %dma_start3A_673 = arith.constant 0 : i32
    %dma_start3A_674 = tpu.memref_slice %arg17[%add3A_669, %dma_start3A_673] : memref<100800x128xf32, #tpu.memory_space<any>> -> memref<640x128xf32, #tpu.memory_space<any>>
    %dma_start3A_675 = arith.constant 480 : i32
    %dma_start3A_676 = arith.constant 0 : i32
    %dma_start3A_677 = tpu.memref_slice %arg20[%dma_start3A_675, %dma_start3A_676] : memref<10080x128xf32, #tpu.memory_space<vmem>> -> memref<640x128xf32, #tpu.memory_space<vmem>>
    tpu.enqueue_dma source(%dma_start3A_677 : memref<640x128xf32, #tpu.memory_space<vmem>>) target(%dma_start3A_674 : memref<640x128xf32, #tpu.memory_space<any>>) target_semaphore(%dma_start3A_672 : memref<!tpu.dma_semaphore, #tpu.memory_space<semaphore_mem>>)
    %mul3A_678 = arith.mulf %reshape3A_645, %div3A_662 : vector<640x128xf32>
    %dot_general3A_679 = arith.constant dense<0.000000e+00> : vector<640x128xf32>
    %dot_general3A_680 = tpu.matmul %get3A_18, %get3A_36, %dot_general3A_679 {dimension_numbers = #tpu.dot_dimension_numbers<[1], [1], [0], [0], [0, 0, 1, 0], [], []>, transpose_lhs_hint = false} : vector<640x128xf32>, vector<128x128xf32>, vector<640x128xf32> -> vector<640x128xf32>
    %dot_general3A_681 = arith.constant dense<0.000000e+00> : vector<640x128xf32>
    %dot_general3A_682 = tpu.matmul %reshape3A_645, %get3A_39, %dot_general3A_681 {dimension_numbers = #tpu.dot_dimension_numbers<[1], [1], [0], [0], [0, 0, 1, 0], [], []>, transpose_lhs_hint = false} : vector<640x128xf32>, vector<128x128xf32>, vector<640x128xf32> -> vector<640x128xf32>
    %add3A_683 = arith.addf %dot_general3A_680, %dot_general3A_682 : vector<640x128xf32>
    %add3A_684 = vector.broadcast %get3A_42 : vector<1x128xf32> to vector<640x128xf32>
    %add3A_685 = arith.addf %add3A_683, %add3A_684 : vector<640x128xf32>
    %neg3A_686 = arith.constant 0.000000e+00 : f32
    %neg3A_687 = vector.broadcast %neg3A_686 : f32 to vector<640x128xf32>
    %neg3A_688 = arith.subf %neg3A_687, %add3A_685 : vector<640x128xf32>
    %exp3A_689 = math.exp %neg3A_688 : vector<640x128xf32>
    %add3A_690 = arith.constant 1.000000e+00 : f32
    %add3A_691 = vector.broadcast %add3A_690 : f32 to vector<640x128xf32>
    %add3A_692 = arith.addf %add3A_691, %exp3A_689 : vector<640x128xf32>
    %div3A_693 = arith.constant 1.000000e+00 : f32
    %div3A_694 = vector.broadcast %div3A_693 : f32 to vector<640x128xf32>
    %div3A_695 = arith.divf %div3A_694, %add3A_692 : vector<640x128xf32>
    %dot_general3A_696 = arith.constant dense<0.000000e+00> : vector<640x128xf32>
    %dot_general3A_697 = tpu.matmul %get3A_18, %get3A_45, %dot_general3A_696 {dimension_numbers = #tpu.dot_dimension_numbers<[1], [1], [0], [0], [0, 0, 1, 0], [], []>, transpose_lhs_hint = false} : vector<640x128xf32>, vector<128x128xf32>, vector<640x128xf32> -> vector<640x128xf32>
    %dot_general3A_698 = arith.constant dense<0.000000e+00> : vector<640x128xf32>
    %dot_general3A_699 = tpu.matmul %mul3A_678, %get3A_48, %dot_general3A_698 {dimension_numbers = #tpu.dot_dimension_numbers<[1], [1], [0], [0], [0, 0, 1, 0], [], []>, transpose_lhs_hint = false} : vector<640x128xf32>, vector<128x128xf32>, vector<640x128xf32> -> vector<640x128xf32>
    %add3A_700 = arith.addf %dot_general3A_697, %dot_general3A_699 : vector<640x128xf32>
    %add3A_701 = vector.broadcast %get3A_51 : vector<1x128xf32> to vector<640x128xf32>
    %add3A_702 = arith.addf %add3A_700, %add3A_701 : vector<640x128xf32>
    %tanh3A_703 = math.tanh %add3A_702 : vector<640x128xf32>
    %sub3A_704 = arith.constant 1.000000e+00 : f32
    %sub3A_705 = vector.broadcast %sub3A_704 : f32 to vector<640x128xf32>
    %sub3A_706 = arith.subf %sub3A_705, %div3A_695 : vector<640x128xf32>
    %mul3A_707 = arith.mulf %sub3A_706, %reshape3A_645 : vector<640x128xf32>
    %mul3A_708 = arith.mulf %div3A_695, %tanh3A_703 : vector<640x128xf32>
    %add3A_709 = arith.addf %mul3A_707, %mul3A_708 : vector<640x128xf32>
    %dot_general3A_710 = arith.constant dense<0.000000e+00> : vector<640x128xf32>
    %dot_general3A_711 = tpu.matmul %add3A_709, %get3A_57, %dot_general3A_710 {dimension_numbers = #tpu.dot_dimension_numbers<[1], [1], [0], [0], [0, 0, 1, 0], [], []>, transpose_lhs_hint = false} : vector<640x128xf32>, vector<128x128xf32>, vector<640x128xf32> -> vector<640x128xf32>
    %concatenate3A_712 = tpu.concatenate %add3A_709, %add3A_709 in 1 : vector<640x128xf32>, vector<640x128xf32> -> vector<640x256xf32>
    %reshape3A_713 = vector.shape_cast %concatenate3A_712 : vector<640x256xf32> to vector<1280x128xf32>
    %concatenate3A_714 = tpu.concatenate %dot_general3A_711, %dot_general3A_711 in 1 : vector<640x128xf32>, vector<640x128xf32> -> vector<640x256xf32>
    %reshape3A_715 = vector.shape_cast %concatenate3A_714 : vector<640x256xf32> to vector<1280x128xf32>
    %dot_general3A_716 = arith.constant dense<0.000000e+00> : vector<1280x128xf32>
    %dot_general3A_717 = tpu.matmul %get3A_23, %get3A_54, %dot_general3A_716 {dimension_numbers = #tpu.dot_dimension_numbers<[1], [1], [0], [0], [0, 0, 1, 0], [], []>, transpose_lhs_hint = false} : vector<1280x128xf32>, vector<128x128xf32>, vector<1280x128xf32> -> vector<1280x128xf32>
    %add3A_718 = arith.addf %dot_general3A_717, %reshape3A_715 : vector<1280x128xf32>
    %add3A_719 = vector.broadcast %get3A_60 : vector<1x128xf32> to vector<1280x128xf32>
    %add3A_720 = arith.addf %add3A_718, %add3A_719 : vector<1280x128xf32>
    %neg3A_721 = arith.constant 0.000000e+00 : f32
    %neg3A_722 = vector.broadcast %neg3A_721 : f32 to vector<1280x128xf32>
    %neg3A_723 = arith.subf %neg3A_722, %add3A_720 : vector<1280x128xf32>
    %exp3A_724 = math.exp %neg3A_723 : vector<1280x128xf32>
    %add3A_725 = arith.constant 1.000000e+00 : f32
    %add3A_726 = vector.broadcast %add3A_725 : f32 to vector<1280x128xf32>
    %add3A_727 = arith.addf %add3A_726, %exp3A_724 : vector<1280x128xf32>
    %div3A_728 = arith.constant 1.000000e+00 : f32
    %div3A_729 = vector.broadcast %div3A_728 : f32 to vector<1280x128xf32>
    %div3A_730 = arith.divf %div3A_729, %add3A_727 : vector<1280x128xf32>
    %swap3A_731 = arith.constant 1120 : index
    %swap3A_732 = arith.constant 0 : index
    %swap3A_733 = vector.load %arg20[%swap3A_731, %swap3A_732] : memref<10080x128xf32, #tpu.memory_space<vmem>>, vector<1280x128xf32>
    tpu.vector_store %arg20[%swap3A_731, %swap3A_732], %reshape3A_713 {strides = array<i32>} : memref<10080x128xf32, #tpu.memory_space<vmem>>, vector<1280x128xf32>,
    %mul3A_734 = arith.constant 1280 : i32
    %mul3A_735 = arith.muli %arg0, %mul3A_734 : i32
    %add3A_736 = arith.constant 17600 : i32
    %add3A_737 = arith.addi %add3A_736, %mul3A_735 : i32
    %dma_start3A_738 = arith.constant 9 : i32
    %dma_start3A_739 = tpu.memref_slice %arg21[%dma_start3A_738] : memref<12x!tpu.dma_semaphore, #tpu.memory_space<semaphore_mem>> -> memref<1x!tpu.dma_semaphore, #tpu.memory_space<semaphore_mem>>
    %dma_start3A_740 = tpu.memref_squeeze %dma_start3A_739 : memref<1x!tpu.dma_semaphore, #tpu.memory_space<semaphore_mem>> -> memref<!tpu.dma_semaphore, #tpu.memory_space<semaphore_mem>>
    %dma_start3A_741 = arith.constant 0 : i32
    %dma_start3A_742 = tpu.memref_slice %arg17[%add3A_737, %dma_start3A_741] : memref<100800x128xf32, #tpu.memory_space<any>> -> memref<1280x128xf32, #tpu.memory_space<any>>
    %dma_start3A_743 = arith.constant 1120 : i32
    %dma_start3A_744 = arith.constant 0 : i32
    %dma_start3A_745 = tpu.memref_slice %arg20[%dma_start3A_743, %dma_start3A_744] : memref<10080x128xf32, #tpu.memory_space<vmem>> -> memref<1280x128xf32, #tpu.memory_space<vmem>>
    tpu.enqueue_dma source(%dma_start3A_745 : memref<1280x128xf32, #tpu.memory_space<vmem>>) target(%dma_start3A_742 : memref<1280x128xf32, #tpu.memory_space<any>>) target_semaphore(%dma_start3A_740 : memref<!tpu.dma_semaphore, #tpu.memory_space<semaphore_mem>>)
    %mul3A_746 = arith.mulf %reshape3A_713, %div3A_730 : vector<1280x128xf32>
    %dot_general3A_747 = arith.constant dense<0.000000e+00> : vector<1280x128xf32>
    %dot_general3A_748 = tpu.matmul %get3A_23, %get3A_36, %dot_general3A_747 {dimension_numbers = #tpu.dot_dimension_numbers<[1], [1], [0], [0], [0, 0, 1, 0], [], []>, transpose_lhs_hint = false} : vector<1280x128xf32>, vector<128x128xf32>, vector<1280x128xf32> -> vector<1280x128xf32>
    %dot_general3A_749 = arith.constant dense<0.000000e+00> : vector<1280x128xf32>
    %dot_general3A_750 = tpu.matmul %reshape3A_713, %get3A_39, %dot_general3A_749 {dimension_numbers = #tpu.dot_dimension_numbers<[1], [1], [0], [0], [0, 0, 1, 0], [], []>, transpose_lhs_hint = false} : vector<1280x128xf32>, vector<128x128xf32>, vector<1280x128xf32> -> vector<1280x128xf32>
    %add3A_751 = arith.addf %dot_general3A_748, %dot_general3A_750 : vector<1280x128xf32>
    %add3A_752 = vector.broadcast %get3A_42 : vector<1x128xf32> to vector<1280x128xf32>
    %add3A_753 = arith.addf %add3A_751, %add3A_752 : vector<1280x128xf32>
    %neg3A_754 = arith.constant 0.000000e+00 : f32
    %neg3A_755 = vector.broadcast %neg3A_754 : f32 to vector<1280x128xf32>
    %neg3A_756 = arith.subf %neg3A_755, %add3A_753 : vector<1280x128xf32>
    %exp3A_757 = math.exp %neg3A_756 : vector<1280x128xf32>
    %add3A_758 = arith.constant 1.000000e+00 : f32
    %add3A_759 = vector.broadcast %add3A_758 : f32 to vector<1280x128xf32>
    %add3A_760 = arith.addf %add3A_759, %exp3A_757 : vector<1280x128xf32>
    %div3A_761 = arith.constant 1.000000e+00 : f32
    %div3A_762 = vector.broadcast %div3A_761 : f32 to vector<1280x128xf32>
    %div3A_763 = arith.divf %div3A_762, %add3A_760 : vector<1280x128xf32>
    %dot_general3A_764 = arith.constant dense<0.000000e+00> : vector<1280x128xf32>
    %dot_general3A_765 = tpu.matmul %get3A_23, %get3A_45, %dot_general3A_764 {dimension_numbers = #tpu.dot_dimension_numbers<[1], [1], [0], [0], [0, 0, 1, 0], [], []>, transpose_lhs_hint = false} : vector<1280x128xf32>, vector<128x128xf32>, vector<1280x128xf32> -> vector<1280x128xf32>
    %dot_general3A_766 = arith.constant dense<0.000000e+00> : vector<1280x128xf32>
    %dot_general3A_767 = tpu.matmul %mul3A_746, %get3A_48, %dot_general3A_766 {dimension_numbers = #tpu.dot_dimension_numbers<[1], [1], [0], [0], [0, 0, 1, 0], [], []>, transpose_lhs_hint = false} : vector<1280x128xf32>, vector<128x128xf32>, vector<1280x128xf32> -> vector<1280x128xf32>
    %add3A_768 = arith.addf %dot_general3A_765, %dot_general3A_767 : vector<1280x128xf32>
    %add3A_769 = vector.broadcast %get3A_51 : vector<1x128xf32> to vector<1280x128xf32>
    %add3A_770 = arith.addf %add3A_768, %add3A_769 : vector<1280x128xf32>
    %tanh3A_771 = math.tanh %add3A_770 : vector<1280x128xf32>
    %sub3A_772 = arith.constant 1.000000e+00 : f32
    %sub3A_773 = vector.broadcast %sub3A_772 : f32 to vector<1280x128xf32>
    %sub3A_774 = arith.subf %sub3A_773, %div3A_763 : vector<1280x128xf32>
    %mul3A_775 = arith.mulf %sub3A_774, %reshape3A_713 : vector<1280x128xf32>
    %mul3A_776 = arith.mulf %div3A_763, %tanh3A_771 : vector<1280x128xf32>
    %add3A_777 = arith.addf %mul3A_775, %mul3A_776 : vector<1280x128xf32>
    %dot_general3A_778 = arith.constant dense<0.000000e+00> : vector<1280x128xf32>
    %dot_general3A_779 = tpu.matmul %add3A_777, %get3A_57, %dot_general3A_778 {dimension_numbers = #tpu.dot_dimension_numbers<[1], [1], [0], [0], [0, 0, 1, 0], [], []>, transpose_lhs_hint = false} : vector<1280x128xf32>, vector<128x128xf32>, vector<1280x128xf32> -> vector<1280x128xf32>
    %concatenate3A_780 = tpu.concatenate %add3A_777, %add3A_777 in 1 : vector<1280x128xf32>, vector<1280x128xf32> -> vector<1280x256xf32>
    %reshape3A_781 = vector.shape_cast %concatenate3A_780 : vector<1280x256xf32> to vector<2560x128xf32>
    %concatenate3A_782 = tpu.concatenate %dot_general3A_779, %dot_general3A_779 in 1 : vector<1280x128xf32>, vector<1280x128xf32> -> vector<1280x256xf32>
    %reshape3A_783 = vector.shape_cast %concatenate3A_782 : vector<1280x256xf32> to vector<2560x128xf32>
    %dot_general3A_784 = arith.constant dense<0.000000e+00> : vector<2560x128xf32>
    %dot_general3A_785 = tpu.matmul %get3A_28, %get3A_54, %dot_general3A_784 {dimension_numbers = #tpu.dot_dimension_numbers<[1], [1], [0], [0], [0, 0, 1, 0], [], []>, transpose_lhs_hint = false} : vector<2560x128xf32>, vector<128x128xf32>, vector<2560x128xf32> -> vector<2560x128xf32>
    %add3A_786 = arith.addf %dot_general3A_785, %reshape3A_783 : vector<2560x128xf32>
    %add3A_787 = vector.broadcast %get3A_60 : vector<1x128xf32> to vector<2560x128xf32>
    %add3A_788 = arith.addf %add3A_786, %add3A_787 : vector<2560x128xf32>
    %neg3A_789 = arith.constant 0.000000e+00 : f32
    %neg3A_790 = vector.broadcast %neg3A_789 : f32 to vector<2560x128xf32>
    %neg3A_791 = arith.subf %neg3A_790, %add3A_788 : vector<2560x128xf32>
    %exp3A_792 = math.exp %neg3A_791 : vector<2560x128xf32>
    %add3A_793 = arith.constant 1.000000e+00 : f32
    %add3A_794 = vector.broadcast %add3A_793 : f32 to vector<2560x128xf32>
    %add3A_795 = arith.addf %add3A_794, %exp3A_792 : vector<2560x128xf32>
    %div3A_796 = arith.constant 1.000000e+00 : f32
    %div3A_797 = vector.broadcast %div3A_796 : f32 to vector<2560x128xf32>
    %div3A_798 = arith.divf %div3A_797, %add3A_795 : vector<2560x128xf32>
    %swap3A_799 = arith.constant 2400 : index
    %swap3A_800 = arith.constant 0 : index
    %swap3A_801 = vector.load %arg20[%swap3A_799, %swap3A_800] : memref<10080x128xf32, #tpu.memory_space<vmem>>, vector<2560x128xf32>
    tpu.vector_store %arg20[%swap3A_799, %swap3A_800], %reshape3A_781 {strides = array<i32>} : memref<10080x128xf32, #tpu.memory_space<vmem>>, vector<2560x128xf32>,
    %mul3A_802 = arith.constant 2560 : i32
    %mul3A_803 = arith.muli %arg0, %mul3A_802 : i32
    %add3A_804 = arith.constant 36800 : i32
    %add3A_805 = arith.addi %add3A_804, %mul3A_803 : i32
    %dma_start3A_806 = arith.constant 10 : i32
    %dma_start3A_807 = tpu.memref_slice %arg21[%dma_start3A_806] : memref<12x!tpu.dma_semaphore, #tpu.memory_space<semaphore_mem>> -> memref<1x!tpu.dma_semaphore, #tpu.memory_space<semaphore_mem>>
    %dma_start3A_808 = tpu.memref_squeeze %dma_start3A_807 : memref<1x!tpu.dma_semaphore, #tpu.memory_space<semaphore_mem>> -> memref<!tpu.dma_semaphore, #tpu.memory_space<semaphore_mem>>
    %dma_start3A_809 = arith.constant 0 : i32
    %dma_start3A_810 = tpu.memref_slice %arg17[%add3A_805, %dma_start3A_809] : memref<100800x128xf32, #tpu.memory_space<any>> -> memref<2560x128xf32, #tpu.memory_space<any>>
    %dma_start3A_811 = arith.constant 2400 : i32
    %dma_start3A_812 = arith.constant 0 : i32
    %dma_start3A_813 = tpu.memref_slice %arg20[%dma_start3A_811, %dma_start3A_812] : memref<10080x128xf32, #tpu.memory_space<vmem>> -> memref<2560x128xf32, #tpu.memory_space<vmem>>
    tpu.enqueue_dma source(%dma_start3A_813 : memref<2560x128xf32, #tpu.memory_space<vmem>>) target(%dma_start3A_810 : memref<2560x128xf32, #tpu.memory_space<any>>) target_semaphore(%dma_start3A_808 : memref<!tpu.dma_semaphore, #tpu.memory_space<semaphore_mem>>)
    %mul3A_814 = arith.mulf %reshape3A_781, %div3A_798 : vector<2560x128xf32>
    %dot_general3A_815 = arith.constant dense<0.000000e+00> : vector<2560x128xf32>
    %dot_general3A_816 = tpu.matmul %get3A_28, %get3A_36, %dot_general3A_815 {dimension_numbers = #tpu.dot_dimension_numbers<[1], [1], [0], [0], [0, 0, 1, 0], [], []>, transpose_lhs_hint = false} : vector<2560x128xf32>, vector<128x128xf32>, vector<2560x128xf32> -> vector<2560x128xf32>
    %dot_general3A_817 = arith.constant dense<0.000000e+00> : vector<2560x128xf32>
    %dot_general3A_818 = tpu.matmul %reshape3A_781, %get3A_39, %dot_general3A_817 {dimension_numbers = #tpu.dot_dimension_numbers<[1], [1], [0], [0], [0, 0, 1, 0], [], []>, transpose_lhs_hint = false} : vector<2560x128xf32>, vector<128x128xf32>, vector<2560x128xf32> -> vector<2560x128xf32>
    %add3A_819 = arith.addf %dot_general3A_816, %dot_general3A_818 : vector<2560x128xf32>
    %add3A_820 = vector.broadcast %get3A_42 : vector<1x128xf32> to vector<2560x128xf32>
    %add3A_821 = arith.addf %add3A_819, %add3A_820 : vector<2560x128xf32>
    %neg3A_822 = arith.constant 0.000000e+00 : f32
    %neg3A_823 = vector.broadcast %neg3A_822 : f32 to vector<2560x128xf32>
    %neg3A_824 = arith.subf %neg3A_823, %add3A_821 : vector<2560x128xf32>
    %exp3A_825 = math.exp %neg3A_824 : vector<2560x128xf32>
    %add3A_826 = arith.constant 1.000000e+00 : f32
    %add3A_827 = vector.broadcast %add3A_826 : f32 to vector<2560x128xf32>
    %add3A_828 = arith.addf %add3A_827, %exp3A_825 : vector<2560x128xf32>
    %div3A_829 = arith.constant 1.000000e+00 : f32
    %div3A_830 = vector.broadcast %div3A_829 : f32 to vector<2560x128xf32>
    %div3A_831 = arith.divf %div3A_830, %add3A_828 : vector<2560x128xf32>
    %dot_general3A_832 = arith.constant dense<0.000000e+00> : vector<2560x128xf32>
    %dot_general3A_833 = tpu.matmul %get3A_28, %get3A_45, %dot_general3A_832 {dimension_numbers = #tpu.dot_dimension_numbers<[1], [1], [0], [0], [0, 0, 1, 0], [], []>, transpose_lhs_hint = false} : vector<2560x128xf32>, vector<128x128xf32>, vector<2560x128xf32> -> vector<2560x128xf32>
    %dot_general3A_834 = arith.constant dense<0.000000e+00> : vector<2560x128xf32>
    %dot_general3A_835 = tpu.matmul %mul3A_814, %get3A_48, %dot_general3A_834 {dimension_numbers = #tpu.dot_dimension_numbers<[1], [1], [0], [0], [0, 0, 1, 0], [], []>, transpose_lhs_hint = false} : vector<2560x128xf32>, vector<128x128xf32>, vector<2560x128xf32> -> vector<2560x128xf32>
    %add3A_836 = arith.addf %dot_general3A_833, %dot_general3A_835 : vector<2560x128xf32>
    %add3A_837 = vector.broadcast %get3A_51 : vector<1x128xf32> to vector<2560x128xf32>
    %add3A_838 = arith.addf %add3A_836, %add3A_837 : vector<2560x128xf32>
    %tanh3A_839 = math.tanh %add3A_838 : vector<2560x128xf32>
    %sub3A_840 = arith.constant 1.000000e+00 : f32
    %sub3A_841 = vector.broadcast %sub3A_840 : f32 to vector<2560x128xf32>
    %sub3A_842 = arith.subf %sub3A_841, %div3A_831 : vector<2560x128xf32>
    %mul3A_843 = arith.mulf %sub3A_842, %reshape3A_781 : vector<2560x128xf32>
    %mul3A_844 = arith.mulf %div3A_831, %tanh3A_839 : vector<2560x128xf32>
    %add3A_845 = arith.addf %mul3A_843, %mul3A_844 : vector<2560x128xf32>
    %concatenate3A_846 = tpu.concatenate %add3A_845, %add3A_845 in 1 : vector<2560x128xf32>, vector<2560x128xf32> -> vector<2560x256xf32>
    %reshape3A_847 = vector.shape_cast %concatenate3A_846 : vector<2560x256xf32> to vector<5120x128xf32>
    %swap3A_848 = arith.constant 4960 : index
    %swap3A_849 = arith.constant 0 : index
    %swap3A_850 = vector.load %arg20[%swap3A_848, %swap3A_849] : memref<10080x128xf32, #tpu.memory_space<vmem>>, vector<5120x128xf32>
    tpu.vector_store %arg20[%swap3A_848, %swap3A_849], %reshape3A_847 {strides = array<i32>} : memref<10080x128xf32, #tpu.memory_space<vmem>>, vector<5120x128xf32>,
    %mul3A_851 = arith.constant 5120 : i32
    %mul3A_852 = arith.muli %arg0, %mul3A_851 : i32
    %add3A_853 = arith.constant 75200 : i32
    %add3A_854 = arith.addi %add3A_853, %mul3A_852 : i32
    %dma_start3A_855 = arith.constant 11 : i32
    %dma_start3A_856 = tpu.memref_slice %arg21[%dma_start3A_855] : memref<12x!tpu.dma_semaphore, #tpu.memory_space<semaphore_mem>> -> memref<1x!tpu.dma_semaphore, #tpu.memory_space<semaphore_mem>>
    %dma_start3A_857 = tpu.memref_squeeze %dma_start3A_856 : memref<1x!tpu.dma_semaphore, #tpu.memory_space<semaphore_mem>> -> memref<!tpu.dma_semaphore, #tpu.memory_space<semaphore_mem>>
    %dma_start3A_858 = arith.constant 0 : i32
    %dma_start3A_859 = tpu.memref_slice %arg17[%add3A_854, %dma_start3A_858] : memref<100800x128xf32, #tpu.memory_space<any>> -> memref<5120x128xf32, #tpu.memory_space<any>>
    %dma_start3A_860 = arith.constant 4960 : i32
    %dma_start3A_861 = arith.constant 0 : i32
    %dma_start3A_862 = tpu.memref_slice %arg20[%dma_start3A_860, %dma_start3A_861] : memref<10080x128xf32, #tpu.memory_space<vmem>> -> memref<5120x128xf32, #tpu.memory_space<vmem>>
    tpu.enqueue_dma source(%dma_start3A_862 : memref<5120x128xf32, #tpu.memory_space<vmem>>) target(%dma_start3A_859 : memref<5120x128xf32, #tpu.memory_space<any>>) target_semaphore(%dma_start3A_857 : memref<!tpu.dma_semaphore, #tpu.memory_space<semaphore_mem>>)
    %get3A_863 = arith.constant 0 : index
    %get3A_864 = arith.constant 0 : index
    %get3A_865 = vector.load %arg11[%get3A_863, %get3A_864] : memref<128x128xf32, #tpu.memory_space<vmem>>, vector<128x128xf32>
    %dot_general3A_866 = arith.constant dense<0.000000e+00> : vector<80x128xf32>
    %dot_general3A_867 = tpu.matmul %get3A_3, %get3A_865, %dot_general3A_866 {dimension_numbers = #tpu.dot_dimension_numbers<[1], [1], [0], [0], [0, 0, 1, 0], [], []>, transpose_lhs_hint = false} : vector<80x128xf32>, vector<128x128xf32>, vector<80x128xf32> -> vector<80x128xf32>
    %get3A_868 = arith.constant 0 : index
    %get3A_869 = arith.constant 0 : index
    %get3A_870 = vector.load %arg12[%get3A_868, %get3A_869] : memref<128x128xf32, #tpu.memory_space<vmem>>, vector<128x128xf32>
    %dot_general3A_871 = arith.constant dense<0.000000e+00> : vector<80x128xf32>
    %dot_general3A_872 = tpu.matmul %add3A_470, %get3A_870, %dot_general3A_871 {dimension_numbers = #tpu.dot_dimension_numbers<[1], [1], [0], [0], [0, 0, 1, 0], [], []>, transpose_lhs_hint = false} : vector<80x128xf32>, vector<128x128xf32>, vector<80x128xf32> -> vector<80x128xf32>
    %add3A_873 = arith.addf %dot_general3A_867, %dot_general3A_872 : vector<80x128xf32>
    %get3A_874 = arith.constant 0 : index
    %get3A_875 = arith.constant 0 : index
    %get3A_876 = vector.load %arg13[%get3A_874, %get3A_875] : memref<1x128xf32, #tpu.memory_space<vmem>>, vector<1x128xf32>
    %add3A_877 = vector.broadcast %get3A_876 : vector<1x128xf32> to vector<80x128xf32>
    %add3A_878 = arith.addf %add3A_873, %add3A_877 : vector<80x128xf32>
    %max3A = arith.constant 0.000000e+00 : f32
    %max3A_879 = vector.broadcast %max3A : f32 to vector<80x128xf32>
    %max3A_880 = arith.maximumf %add3A_878, %max3A_879 : vector<80x128xf32>
    %reshape3A_881 = vector.shape_cast %max3A_880 : vector<80x128xf32> to vector<1x80x128xf32>
    %swap3A_882 = arith.constant 0 : index
    %swap3A_883 = arith.constant 0 : index
    %swap3A_884 = arith.constant 0 : index
    %swap3A_885 = vector.load %arg18[%swap3A_882, %swap3A_883, %swap3A_884] : memref<1x80x128xf32, #tpu.memory_space<vmem>>, vector<1x80x128xf32>
    tpu.vector_store %arg18[%swap3A_882, %swap3A_883, %swap3A_884], %reshape3A_881 {strides = array<i32>} : memref<1x80x128xf32, #tpu.memory_space<vmem>>, vector<1x80x128xf32>,
    %dma_wait3A = arith.constant 5 : i32
    %dma_wait3A_886 = tpu.memref_slice %arg21[%dma_wait3A] : memref<12x!tpu.dma_semaphore, #tpu.memory_space<semaphore_mem>> -> memref<1x!tpu.dma_semaphore, #tpu.memory_space<semaphore_mem>>
    %dma_wait3A_887 = tpu.memref_squeeze %dma_wait3A_886 : memref<1x!tpu.dma_semaphore, #tpu.memory_space<semaphore_mem>> -> memref<!tpu.dma_semaphore, #tpu.memory_space<semaphore_mem>>
    %dma_wait3A_888 = arith.constant 0 : i32
    %dma_wait3A_889 = tpu.memref_slice %arg16[%add3A_109, %dma_wait3A_888] : memref<100800x128xf32, #tpu.memory_space<any>> -> memref<5120x128xf32, #tpu.memory_space<any>>
    %dma_wait3A_890 = arith.constant 4960 : i32
    %dma_wait3A_891 = arith.constant 0 : i32
    %dma_wait3A_892 = tpu.memref_slice %arg19[%dma_wait3A_890, %dma_wait3A_891] : memref<10080x128xf32, #tpu.memory_space<vmem>> -> memref<5120x128xf32, #tpu.memory_space<vmem>>
    tpu.wait_dma2 semaphore(%dma_wait3A_887 : memref<!tpu.dma_semaphore, #tpu.memory_space<semaphore_mem>>) src(%dma_wait3A_892 : memref<5120x128xf32, #tpu.memory_space<vmem>>) dst(%dma_wait3A_889 : memref<5120x128xf32, #tpu.memory_space<any>>)
    %dma_wait3A_893 = arith.constant 4 : i32
    %dma_wait3A_894 = tpu.memref_slice %arg21[%dma_wait3A_893] : memref<12x!tpu.dma_semaphore, #tpu.memory_space<semaphore_mem>> -> memref<1x!tpu.dma_semaphore, #tpu.memory_space<semaphore_mem>>
    %dma_wait3A_895 = tpu.memref_squeeze %dma_wait3A_894 : memref<1x!tpu.dma_semaphore, #tpu.memory_space<semaphore_mem>> -> memref<!tpu.dma_semaphore, #tpu.memory_space<semaphore_mem>>
    %dma_wait3A_896 = arith.constant 0 : i32
    %dma_wait3A_897 = tpu.memref_slice %arg16[%add3A_181, %dma_wait3A_896] : memref<100800x128xf32, #tpu.memory_space<any>> -> memref<2560x128xf32, #tpu.memory_space<any>>
    %dma_wait3A_898 = arith.constant 2400 : i32
    %dma_wait3A_899 = arith.constant 0 : i32
    %dma_wait3A_900 = tpu.memref_slice %arg19[%dma_wait3A_898, %dma_wait3A_899] : memref<10080x128xf32, #tpu.memory_space<vmem>> -> memref<2560x128xf32, #tpu.memory_space<vmem>>
    tpu.wait_dma2 semaphore(%dma_wait3A_895 : memref<!tpu.dma_semaphore, #tpu.memory_space<semaphore_mem>>) src(%dma_wait3A_900 : memref<2560x128xf32, #tpu.memory_space<vmem>>) dst(%dma_wait3A_897 : memref<2560x128xf32, #tpu.memory_space<any>>)
    %dma_wait3A_901 = arith.constant 3 : i32
    %dma_wait3A_902 = tpu.memref_slice %arg21[%dma_wait3A_901] : memref<12x!tpu.dma_semaphore, #tpu.memory_space<semaphore_mem>> -> memref<1x!tpu.dma_semaphore, #tpu.memory_space<semaphore_mem>>
    %dma_wait3A_903 = tpu.memref_squeeze %dma_wait3A_902 : memref<1x!tpu.dma_semaphore, #tpu.memory_space<semaphore_mem>> -> memref<!tpu.dma_semaphore, #tpu.memory_space<semaphore_mem>>
    %dma_wait3A_904 = arith.constant 0 : i32
    %dma_wait3A_905 = tpu.memref_slice %arg16[%add3A_255, %dma_wait3A_904] : memref<100800x128xf32, #tpu.memory_space<any>> -> memref<1280x128xf32, #tpu.memory_space<any>>
    %dma_wait3A_906 = arith.constant 1120 : i32
    %dma_wait3A_907 = arith.constant 0 : i32
    %dma_wait3A_908 = tpu.memref_slice %arg19[%dma_wait3A_906, %dma_wait3A_907] : memref<10080x128xf32, #tpu.memory_space<vmem>> -> memref<1280x128xf32, #tpu.memory_space<vmem>>
    tpu.wait_dma2 semaphore(%dma_wait3A_903 : memref<!tpu.dma_semaphore, #tpu.memory_space<semaphore_mem>>) src(%dma_wait3A_908 : memref<1280x128xf32, #tpu.memory_space<vmem>>) dst(%dma_wait3A_905 : memref<1280x128xf32, #tpu.memory_space<any>>)
    %dma_wait3A_909 = arith.constant 2 : i32
    %dma_wait3A_910 = tpu.memref_slice %arg21[%dma_wait3A_909] : memref<12x!tpu.dma_semaphore, #tpu.memory_space<semaphore_mem>> -> memref<1x!tpu.dma_semaphore, #tpu.memory_space<semaphore_mem>>
    %dma_wait3A_911 = tpu.memref_squeeze %dma_wait3A_910 : memref<1x!tpu.dma_semaphore, #tpu.memory_space<semaphore_mem>> -> memref<!tpu.dma_semaphore, #tpu.memory_space<semaphore_mem>>
    %dma_wait3A_912 = arith.constant 0 : i32
    %dma_wait3A_913 = tpu.memref_slice %arg16[%add3A_329, %dma_wait3A_912] : memref<100800x128xf32, #tpu.memory_space<any>> -> memref<640x128xf32, #tpu.memory_space<any>>
    %dma_wait3A_914 = arith.constant 480 : i32
    %dma_wait3A_915 = arith.constant 0 : i32
    %dma_wait3A_916 = tpu.memref_slice %arg19[%dma_wait3A_914, %dma_wait3A_915] : memref<10080x128xf32, #tpu.memory_space<vmem>> -> memref<640x128xf32, #tpu.memory_space<vmem>>
    tpu.wait_dma2 semaphore(%dma_wait3A_911 : memref<!tpu.dma_semaphore, #tpu.memory_space<semaphore_mem>>) src(%dma_wait3A_916 : memref<640x128xf32, #tpu.memory_space<vmem>>) dst(%dma_wait3A_913 : memref<640x128xf32, #tpu.memory_space<any>>)
    %dma_wait3A_917 = arith.constant 1 : i32
    %dma_wait3A_918 = tpu.memref_slice %arg21[%dma_wait3A_917] : memref<12x!tpu.dma_semaphore, #tpu.memory_space<semaphore_mem>> -> memref<1x!tpu.dma_semaphore, #tpu.memory_space<semaphore_mem>>
    %dma_wait3A_919 = tpu.memref_squeeze %dma_wait3A_918 : memref<1x!tpu.dma_semaphore, #tpu.memory_space<semaphore_mem>> -> memref<!tpu.dma_semaphore, #tpu.memory_space<semaphore_mem>>
    %dma_wait3A_920 = arith.constant 0 : i32
    %dma_wait3A_921 = tpu.memref_slice %arg16[%add3A_403, %dma_wait3A_920] : memref<100800x128xf32, #tpu.memory_space<any>> -> memref<320x128xf32, #tpu.memory_space<any>>
    %dma_wait3A_922 = arith.constant 160 : i32
    %dma_wait3A_923 = arith.constant 0 : i32
    %dma_wait3A_924 = tpu.memref_slice %arg19[%dma_wait3A_922, %dma_wait3A_923] : memref<10080x128xf32, #tpu.memory_space<vmem>> -> memref<320x128xf32, #tpu.memory_space<vmem>>
    tpu.wait_dma2 semaphore(%dma_wait3A_919 : memref<!tpu.dma_semaphore, #tpu.memory_space<semaphore_mem>>) src(%dma_wait3A_924 : memref<320x128xf32, #tpu.memory_space<vmem>>) dst(%dma_wait3A_921 : memref<320x128xf32, #tpu.memory_space<any>>)
    %dma_wait3A_925 = arith.constant 0 : i32
    %dma_wait3A_926 = tpu.memref_slice %arg21[%dma_wait3A_925] : memref<12x!tpu.dma_semaphore, #tpu.memory_space<semaphore_mem>> -> memref<1x!tpu.dma_semaphore, #tpu.memory_space<semaphore_mem>>
    %dma_wait3A_927 = tpu.memref_squeeze %dma_wait3A_926 : memref<1x!tpu.dma_semaphore, #tpu.memory_space<semaphore_mem>> -> memref<!tpu.dma_semaphore, #tpu.memory_space<semaphore_mem>>
    %dma_wait3A_928 = arith.constant 0 : i32
    %dma_wait3A_929 = tpu.memref_slice %arg16[%add3A_458, %dma_wait3A_928] : memref<100800x128xf32, #tpu.memory_space<any>> -> memref<160x128xf32, #tpu.memory_space<any>>
    %dma_wait3A_930 = arith.constant 0 : i32
    %dma_wait3A_931 = arith.constant 0 : i32
    %dma_wait3A_932 = tpu.memref_slice %arg19[%dma_wait3A_930, %dma_wait3A_931] : memref<10080x128xf32, #tpu.memory_space<vmem>> -> memref<160x128xf32, #tpu.memory_space<vmem>>
    tpu.wait_dma2 semaphore(%dma_wait3A_927 : memref<!tpu.dma_semaphore, #tpu.memory_space<semaphore_mem>>) src(%dma_wait3A_932 : memref<160x128xf32, #tpu.memory_space<vmem>>) dst(%dma_wait3A_929 : memref<160x128xf32, #tpu.memory_space<any>>)
    %dma_wait3A_933 = arith.constant 6 : i32
    %dma_wait3A_934 = tpu.memref_slice %arg21[%dma_wait3A_933] : memref<12x!tpu.dma_semaphore, #tpu.memory_space<semaphore_mem>> -> memref<1x!tpu.dma_semaphore, #tpu.memory_space<semaphore_mem>>
    %dma_wait3A_935 = tpu.memref_squeeze %dma_wait3A_934 : memref<1x!tpu.dma_semaphore, #tpu.memory_space<semaphore_mem>> -> memref<!tpu.dma_semaphore, #tpu.memory_space<semaphore_mem>>
    %dma_wait3A_936 = arith.constant 0 : i32
    %dma_wait3A_937 = tpu.memref_slice %arg17[%add3A_533, %dma_wait3A_936] : memref<100800x128xf32, #tpu.memory_space<any>> -> memref<160x128xf32, #tpu.memory_space<any>>
    %dma_wait3A_938 = arith.constant 0 : i32
    %dma_wait3A_939 = arith.constant 0 : i32
    %dma_wait3A_940 = tpu.memref_slice %arg20[%dma_wait3A_938, %dma_wait3A_939] : memref<10080x128xf32, #tpu.memory_space<vmem>> -> memref<160x128xf32, #tpu.memory_space<vmem>>
    tpu.wait_dma2 semaphore(%dma_wait3A_935 : memref<!tpu.dma_semaphore, #tpu.memory_space<semaphore_mem>>) src(%dma_wait3A_940 : memref<160x128xf32, #tpu.memory_space<vmem>>) dst(%dma_wait3A_937 : memref<160x128xf32, #tpu.memory_space<any>>)
    %dma_wait3A_941 = arith.constant 7 : i32
    %dma_wait3A_942 = tpu.memref_slice %arg21[%dma_wait3A_941] : memref<12x!tpu.dma_semaphore, #tpu.memory_space<semaphore_mem>> -> memref<1x!tpu.dma_semaphore, #tpu.memory_space<semaphore_mem>>
    %dma_wait3A_943 = tpu.memref_squeeze %dma_wait3A_942 : memref<1x!tpu.dma_semaphore, #tpu.memory_space<semaphore_mem>> -> memref<!tpu.dma_semaphore, #tpu.memory_space<semaphore_mem>>
    %dma_wait3A_944 = arith.constant 0 : i32
    %dma_wait3A_945 = tpu.memref_slice %arg17[%add3A_601, %dma_wait3A_944] : memref<100800x128xf32, #tpu.memory_space<any>> -> memref<320x128xf32, #tpu.memory_space<any>>
    %dma_wait3A_946 = arith.constant 160 : i32
    %dma_wait3A_947 = arith.constant 0 : i32
    %dma_wait3A_948 = tpu.memref_slice %arg20[%dma_wait3A_946, %dma_wait3A_947] : memref<10080x128xf32, #tpu.memory_space<vmem>> -> memref<320x128xf32, #tpu.memory_space<vmem>>
    tpu.wait_dma2 semaphore(%dma_wait3A_943 : memref<!tpu.dma_semaphore, #tpu.memory_space<semaphore_mem>>) src(%dma_wait3A_948 : memref<320x128xf32, #tpu.memory_space<vmem>>) dst(%dma_wait3A_945 : memref<320x128xf32, #tpu.memory_space<any>>)
    %dma_wait3A_949 = arith.constant 8 : i32
    %dma_wait3A_950 = tpu.memref_slice %arg21[%dma_wait3A_949] : memref<12x!tpu.dma_semaphore, #tpu.memory_space<semaphore_mem>> -> memref<1x!tpu.dma_semaphore, #tpu.memory_space<semaphore_mem>>
    %dma_wait3A_951 = tpu.memref_squeeze %dma_wait3A_950 : memref<1x!tpu.dma_semaphore, #tpu.memory_space<semaphore_mem>> -> memref<!tpu.dma_semaphore, #tpu.memory_space<semaphore_mem>>
    %dma_wait3A_952 = arith.constant 0 : i32
    %dma_wait3A_953 = tpu.memref_slice %arg17[%add3A_669, %dma_wait3A_952] : memref<100800x128xf32, #tpu.memory_space<any>> -> memref<640x128xf32, #tpu.memory_space<any>>
    %dma_wait3A_954 = arith.constant 480 : i32
    %dma_wait3A_955 = arith.constant 0 : i32
    %dma_wait3A_956 = tpu.memref_slice %arg20[%dma_wait3A_954, %dma_wait3A_955] : memref<10080x128xf32, #tpu.memory_space<vmem>> -> memref<640x128xf32, #tpu.memory_space<vmem>>
    tpu.wait_dma2 semaphore(%dma_wait3A_951 : memref<!tpu.dma_semaphore, #tpu.memory_space<semaphore_mem>>) src(%dma_wait3A_956 : memref<640x128xf32, #tpu.memory_space<vmem>>) dst(%dma_wait3A_953 : memref<640x128xf32, #tpu.memory_space<any>>)
    %dma_wait3A_957 = arith.constant 9 : i32
    %dma_wait3A_958 = tpu.memref_slice %arg21[%dma_wait3A_957] : memref<12x!tpu.dma_semaphore, #tpu.memory_space<semaphore_mem>> -> memref<1x!tpu.dma_semaphore, #tpu.memory_space<semaphore_mem>>
    %dma_wait3A_959 = tpu.memref_squeeze %dma_wait3A_958 : memref<1x!tpu.dma_semaphore, #tpu.memory_space<semaphore_mem>> -> memref<!tpu.dma_semaphore, #tpu.memory_space<semaphore_mem>>
    %dma_wait3A_960 = arith.constant 0 : i32
    %dma_wait3A_961 = tpu.memref_slice %arg17[%add3A_737, %dma_wait3A_960] : memref<100800x128xf32, #tpu.memory_space<any>> -> memref<1280x128xf32, #tpu.memory_space<any>>
    %dma_wait3A_962 = arith.constant 1120 : i32
    %dma_wait3A_963 = arith.constant 0 : i32
    %dma_wait3A_964 = tpu.memref_slice %arg20[%dma_wait3A_962, %dma_wait3A_963] : memref<10080x128xf32, #tpu.memory_space<vmem>> -> memref<1280x128xf32, #tpu.memory_space<vmem>>
    tpu.wait_dma2 semaphore(%dma_wait3A_959 : memref<!tpu.dma_semaphore, #tpu.memory_space<semaphore_mem>>) src(%dma_wait3A_964 : memref<1280x128xf32, #tpu.memory_space<vmem>>) dst(%dma_wait3A_961 : memref<1280x128xf32, #tpu.memory_space<any>>)
    %dma_wait3A_965 = arith.constant 10 : i32
    %dma_wait3A_966 = tpu.memref_slice %arg21[%dma_wait3A_965] : memref<12x!tpu.dma_semaphore, #tpu.memory_space<semaphore_mem>> -> memref<1x!tpu.dma_semaphore, #tpu.memory_space<semaphore_mem>>
    %dma_wait3A_967 = tpu.memref_squeeze %dma_wait3A_966 : memref<1x!tpu.dma_semaphore, #tpu.memory_space<semaphore_mem>> -> memref<!tpu.dma_semaphore, #tpu.memory_space<semaphore_mem>>
    %dma_wait3A_968 = arith.constant 0 : i32
    %dma_wait3A_969 = tpu.memref_slice %arg17[%add3A_805, %dma_wait3A_968] : memref<100800x128xf32, #tpu.memory_space<any>> -> memref<2560x128xf32, #tpu.memory_space<any>>
    %dma_wait3A_970 = arith.constant 2400 : i32
    %dma_wait3A_971 = arith.constant 0 : i32
    %dma_wait3A_972 = tpu.memref_slice %arg20[%dma_wait3A_970, %dma_wait3A_971] : memref<10080x128xf32, #tpu.memory_space<vmem>> -> memref<2560x128xf32, #tpu.memory_space<vmem>>
    tpu.wait_dma2 semaphore(%dma_wait3A_967 : memref<!tpu.dma_semaphore, #tpu.memory_space<semaphore_mem>>) src(%dma_wait3A_972 : memref<2560x128xf32, #tpu.memory_space<vmem>>) dst(%dma_wait3A_969 : memref<2560x128xf32, #tpu.memory_space<any>>)
    %dma_wait3A_973 = arith.constant 11 : i32
    %dma_wait3A_974 = tpu.memref_slice %arg21[%dma_wait3A_973] : memref<12x!tpu.dma_semaphore, #tpu.memory_space<semaphore_mem>> -> memref<1x!tpu.dma_semaphore, #tpu.memory_space<semaphore_mem>>
    %dma_wait3A_975 = tpu.memref_squeeze %dma_wait3A_974 : memref<1x!tpu.dma_semaphore, #tpu.memory_space<semaphore_mem>> -> memref<!tpu.dma_semaphore, #tpu.memory_space<semaphore_mem>>
    %dma_wait3A_976 = arith.constant 0 : i32
    %dma_wait3A_977 = tpu.memref_slice %arg17[%add3A_854, %dma_wait3A_976] : memref<100800x128xf32, #tpu.memory_space<any>> -> memref<5120x128xf32, #tpu.memory_space<any>>
    %dma_wait3A_978 = arith.constant 4960 : i32
    %dma_wait3A_979 = arith.constant 0 : i32
    %dma_wait3A_980 = tpu.memref_slice %arg20[%dma_wait3A_978, %dma_wait3A_979] : memref<10080x128xf32, #tpu.memory_space<vmem>> -> memref<5120x128xf32, #tpu.memory_space<vmem>>
    tpu.wait_dma2 semaphore(%dma_wait3A_975 : memref<!tpu.dma_semaphore, #tpu.memory_space<semaphore_mem>>) src(%dma_wait3A_980 : memref<5120x128xf32, #tpu.memory_space<vmem>>) dst(%dma_wait3A_977 : memref<5120x128xf32, #tpu.memory_space<any>>)
    return
  }
  func.func @transform_0(%arg0: i32) -> (i32, i32, i32) {
    %c0_i32 = arith.constant 0 : i32
    %c0_i32_0 = arith.constant 0 : i32
    %c0_i32_1 = arith.constant 0 : i32
    return %arg0, %c0_i32, %c0_i32_0 : i32, i32, i32
  }
  func.func @transform_1(%arg0: i32) -> (i32, i32) {
    %c0_i32 = arith.constant 0 : i32
    %c0_i32_0 = arith.constant 0 : i32
    %c0_i32_1 = arith.constant 0 : i32
    return %c0_i32, %c0_i32_0 : i32, i32
  }
  func.func @transform_2(%arg0: i32) -> (i32, i32) {
    %c0_i32 = arith.constant 0 : i32
    %c0_i32_0 = arith.constant 0 : i32
    %c0_i32_1 = arith.constant 0 : i32
    return %c0_i32, %c0_i32_0 : i32, i32
  }
  func.func @transform_3(%arg0: i32) -> (i32, i32) {
    %c0_i32 = arith.constant 0 : i32
    %c0_i32_0 = arith.constant 0 : i32
    %c0_i32_1 = arith.constant 0 : i32
    return %c0_i32, %c0_i32_0 : i32, i32
  }
  func.func @transform_4(%arg0: i32) -> (i32, i32) {
    %c0_i32 = arith.constant 0 : i32
    %c0_i32_0 = arith.constant 0 : i32
    %c0_i32_1 = arith.constant 0 : i32
    return %c0_i32, %c0_i32_0 : i32, i32
  }
  func.func @transform_5(%arg0: i32) -> (i32, i32) {
    %c0_i32 = arith.constant 0 : i32
    %c0_i32_0 = arith.constant 0 : i32
    %c0_i32_1 = arith.constant 0 : i32
    return %c0_i32, %c0_i32_0 : i32, i32
  }
  func.func @transform_6(%arg0: i32) -> (i32, i32) {
    %c0_i32 = arith.constant 0 : i32
    %c0_i32_0 = arith.constant 0 : i32
    %c0_i32_1 = arith.constant 0 : i32
    return %c0_i32, %c0_i32_0 : i32, i32
  }
  func.func @transform_7(%arg0: i32) -> (i32, i32) {
    %c0_i32 = arith.constant 0 : i32
    %c0_i32_0 = arith.constant 0 : i32
    %c0_i32_1 = arith.constant 0 : i32
    return %c0_i32, %c0_i32_0 : i32, i32
  }
  func.func @transform_8(%arg0: i32) -> (i32, i32) {
    %c0_i32 = arith.constant 0 : i32
    %c0_i32_0 = arith.constant 0 : i32
    %c0_i32_1 = arith.constant 0 : i32
    return %c0_i32, %c0_i32_0 : i32, i32
  }
  func.func @transform_9(%arg0: i32) -> (i32, i32) {
    %c0_i32 = arith.constant 0 : i32
    %c0_i32_0 = arith.constant 0 : i32
    %c0_i32_1 = arith.constant 0 : i32
    return %c0_i32, %c0_i32_0 : i32, i32
  }
  func.func @transform_10(%arg0: i32) -> (i32, i32) {
    %c0_i32 = arith.constant 0 : i32
    %c0_i32_0 = arith.constant 0 : i32
    %c0_i32_1 = arith.constant 0 : i32
    return %c0_i32, %c0_i32_0 : i32, i32
  }
  func.func @transform_11(%arg0: i32) -> (i32, i32) {
    %c0_i32 = arith.constant 0 : i32
    %c0_i32_0 = arith.constant 0 : i32
    %c0_i32_1 = arith.constant 0 : i32
    return %c0_i32, %c0_i32_0 : i32, i32
  }
  func.func @transform_12(%arg0: i32) -> (i32, i32) {
    %c0_i32 = arith.constant 0 : i32
    %c0_i32_0 = arith.constant 0 : i32
    %c0_i32_1 = arith.constant 0 : i32
    return %c0_i32, %c0_i32_0 : i32, i32
  }
  func.func @transform_17(%arg0: i32) -> (i32, i32, i32) {
    %c0_i32 = arith.constant 0 : i32
    %c0_i32_0 = arith.constant 0 : i32
    %c0_i32_1 = arith.constant 0 : i32
    return %arg0, %c0_i32, %c0_i32_0 : i32, i32, i32
  }
}

</mosaic_0001>

<sc_bundles>
// kernel: gather_offload_async_start
scs
__scs_entry_jumppad:
0x0: {  	(pc) =	sbr.rel $0x88, $3  }
0x1: {  	(tag) =	ssettag $0x0;
	lr =	simm.s32 $0x1  }
0x2: {  	[smem:$0x3F96] =	sst lr;
	_ =	strace $0xD0000000  }
0x3: {  	_ = 	snop  }
0x4: {  	_ = 	snop  }
0x5: {  	_ = 	snop  }
0x6: {  	_ = 	snop  }
0x7: {  	_ = 	snop  }
__scs_overlays_trampoline_lowered:
0x8: {  	[smem:$0x3FA5] =	sst s0  }
0x9: {  	[smem:$0x3FA6] =	sst s1  }
0xa: {  	[smem:$0x3FA7] =	sst s2  }
0xb: {  	[smem:$0x3FA8] =	sst s3  }
0xc: {  	[smem:$0x3FA9] =	sst s4  }
0xd: {  	[smem:$0x3FAA] =	sst s5  }
0xe: {  	[smem:$0x3FAB] =	sst s6  }
0xf: {  	[smem:$0x3FAC] =	sst s7  }
0x10: {  	[smem:$0x3FAD] =	sst s8  }
0x11: {  	[smem:$0x3FAE] =	sst s9;
	s0 =	simm.s32 @!p0 $0x0  }
0x12: {  	s1 =	sld [smem:$0x3F94];
	s0 =	simm.s32 @p0 $0x1  }
0x13: {  	[smem:$0x3FAF] =	sst s0;
	s0 =	simm.s32 @!p1 $0x0  }
0x14: {  	s2 =	sld [smem:$0x3F93];
	s0 =	simm.s32 @p1 $0x1  }
0x15: {  	[smem:$0x3FB0] =	sst s0;
	s0 =	simm.s32 @!p2 $0x0  }
0x16: {  	s3 =	sld [smem:$0x3FDB];
	s0 =	simm.s32 @p2 $0x1  }
0x17: {  	s4 =	simm.s32 $0x1BF5;
	[smem:$0x3FB2] =	sst s0  }
0x18: {  	s0 =	sld [smem:$0x3F95];
	_ =	swait.ge [sflag:s4], $0x0  }
0x19: {  	s7 =	sld [smem:$0x3F96]  }
0x1a: {  	s8 =	sadd.s32 $0xFFFFE003, lr  }
0x1b: {  	s9 =	sadd.s32 $0xFFFFFEF7, lr;
	s5 =	simm.s32 $0xFFFFFFFF;
	p2 =	slt.u32 s8, $0xFFFFF086  }
0x1c: {  	p1 =	slt.u32 s9, $0xF7A;
	s5 =	simm.s32 @!p2 $0x0  }
0x1d: {  	s5 =	simm.s32 @p1 $0x1;
	p0 =	seq.s32 s7, s2  }
0x1e: {  	s7 =	smul.u32 @!p0 $0xF7A, s2;
	p2 =	seq.s32 @!p0 s5, $0x0  }
0x1f: {  	s9 =	smul.u32 $0xF7A, s1;
	s8 =	simm.s32 @!p0 $0x1BF5;
	p2 =	por !p2, p0  }
0x20: {  	[sflag:s8] =	ssyncset.s32 @!p0 $0xFFFFF086;
	s6 =	sadd.s32 @!p0 s3, s7;
	s7 =	simm.s32 @!p0 $0x108  }
0x21: {  	s3 =	sadd.s32 s3, s9;
	s6 =	sadd.s32 @!p0 $0x88, s6;
	s7 =	simm.s32 @p2 $0x1082  }
0x22: {  	[simem:s7], [sflag:s8] =	dma.local @!p0 [hbm:s6], $0xF7A  }
0x23: {  	s9 =	sor.u32 $0xD0000000, s2;
	s6 =	simm.s32 $0x108;
	_ =	swait.ge @!p0 [sflag:s8], $0x0  }
0x24: {  	s3 =	sadd.s32 $0x88, s3;
	s6 =	simm.s32 @!p1 $0x1082;
	[sflag:s4] =	ssyncset.s32 $0xFFFFF086  }
0x25: {  	[simem:s6], [sflag:s4] =	dma.local [hbm:s3], $0xF7A  }
0x26: {  	[smem:$0x3F96] =	sst s1;
	(tag) =	ssettag s2;
	_ =	strace s9  }
0x27: {  	s1 =	sld [smem:$0x3FA6]  }
0x28: {  	s2 =	sld [smem:$0x3FA7]  }
0x29: {  	s4 =	sld [smem:$0x3FA9]  }
0x2a: {  	p0 =	seq.s32 s5, $0x0;
	s5 =	sld [smem:$0x3FAA]  }
0x2b: {  	s6 =	sld [smem:$0x3FAB]  }
0x2c: {  	s7 =	sld [smem:$0x3FAC]  }
0x2d: {  	s3 =	simm.s32 $0x108;
	s8 =	sld [smem:$0x3FAD]  }
0x2e: {  	s3 =	simm.s32 @!p0 $0x1082;
	s9 =	sld [smem:$0x3FAE]  }
0x2f: {  	lr =	sadd.s32 s0, s3;
	s0 =	sld [smem:$0x3FA5]  }
0x30: {  	s3 =	sld [smem:$0x3FA8]  }
0x31: {  	[smem:$0x3FB1] =	sst s10  }
0x32: {  	s10 =	sld [smem:$0x3FAF];
	_ =	sdelay $0x3  }
0x33: {  	p0 =	seq.s32 s10, $0x1;
	s10 =	sld [smem:$0x3FB1];
	_ =	sdelay $0x3  }
0x34: {  	[smem:$0x3FB1] =	sst s10  }
0x35: {  	s10 =	sld [smem:$0x3FB0];
	_ =	sdelay $0x3  }
0x36: {  	p1 =	seq.s32 s10, $0x1;
	s10 =	sld [smem:$0x3FB1];
	_ =	sdelay $0x3  }
0x37: {  	[smem:$0x3FB1] =	sst s10  }
0x38: {  	s10 =	sld [smem:$0x3FB2]  }
0x39: {  	_ = 	snop;
	(pc) =	sbr.ind lr, $3  }
0x3a: {  	_ = 	snop  }
0x3b: {  	_ = 	snop  }
0x3c: {  	p2 =	seq.s32 s10, $0x1;
	s10 =	sld [smem:$0x3FB1]  }
0x3d: {  	_ =	shalt  }
0x3e: {  	_ =	shalt  }
0x3f: {  	_ =	shalt  }
0x40: {  	_ =	shalt  }
0x41: {  	_ =	shalt  }
0x42: {  	_ =	shalt  }
0x43: {  	_ =	shalt  }
0x44: {  	_ =	shalt  }
0x45: {  	_ =	shalt  }
0x46: {  	_ =	shalt  }
0x47: {  	_ =	shalt  }
0x48: {  	_ =	shalt  }
0x49: {  	_ =	shalt  }
0x4a: {  	_ =	shalt  }
0x4b: {  	_ =	shalt  }
0x4c: {  	_ =	shalt  }
0x4d: {  	_ =	shalt  }
0x4e: {  	_ =	shalt  }
0x4f: {  	_ =	shalt  }
0x50: {  	_ =	shalt  }
0x51: {  	_ =	shalt  }
0x52: {  	_ =	shalt  }
0x53: {  	_ =	shalt  }
0x54: {  	_ =	shalt  }
0x55: {  	_ =	shalt  }
0x56: {  	_ =	shalt  }
0x57: {  	_ =	shalt  }
0x58: {  	_ =	shalt  }
0x59: {  	_ =	shalt  }
0x5a: {  	_ =	shalt  }
0x5b: {  	_ =	shalt  }
0x5c: {  	_ =	shalt  }
0x5d: {  	_ =	shalt  }
0x5e: {  	_ =	shalt  }
0x5f: {  	_ =	shalt  }
0x60: {  	_ =	shalt  }
0x61: {  	_ =	shalt  }
0x62: {  	_ =	shalt  }
0x63: {  	_ =	shalt  }
0x64: {  	_ =	shalt  }
0x65: {  	_ =	shalt  }
0x66: {  	_ =	shalt  }
0x67: {  	_ =	shalt  }
0x68: {  	_ =	shalt  }
0x69: {  	_ =	shalt  }
0x6a: {  	_ =	shalt  }
0x6b: {  	_ =	shalt  }
0x6c: {  	_ =	shalt  }
0x6d: {  	_ =	shalt  }
0x6e: {  	_ =	shalt  }
0x6f: {  	_ =	shalt  }
0x70: {  	_ =	shalt  }
0x71: {  	_ =	shalt  }
0x72: {  	_ =	shalt  }
0x73: {  	_ =	shalt  }
0x74: {  	_ =	shalt  }
0x75: {  	_ =	shalt  }
0x76: {  	_ =	shalt  }
0x77: {  	_ =	shalt  }
0x78: {  	_ =	shalt  }
0x79: {  	_ =	shalt  }
0x7a: {  	_ =	shalt  }
0x7b: {  	_ =	shalt  }
0x7c: {  	_ =	shalt  }
0x7d: {  	_ =	shalt  }
0x7e: {  	_ =	shalt  }
0x7f: {  	_ =	shalt  }
0x80: {  	_ =	shalt  }
0x81: {  	_ =	shalt  }
0x82: {  	_ =	shalt  }
0x83: {  	_ =	shalt  }
0x84: {  	_ =	shalt  }
0x85: {  	_ =	shalt  }
0x86: {  	_ =	shalt  }
0x87: {  	_ =	shalt  }
.Lfunc_end0:
.L_simem_size_0:
called_computation_lowered:
.L_overlay_start_0:
0x88: {  	s2 =	sld [smem:$0x3FD9]  }
0x89: {  	s3 =	sld [smem:$0x3FFE];
	_ =	sdelay $0x1  }
0x8a: {  	s1 =	srdreg.scid  }
0x8b: {  	s0 =	sand.u32 $0x1, s1  }
0x8c: {  	s15 =	sshll.u32 s0, $0xA;
	s2 =	sadd.s32 s3, s2  }
0x8d: {  	s2 =	sadd.s32 s2, s15  }
0x8e: {  	[smem:$0x3FBD] =	sst s2  }
0x8f: {  	_ = 	snop  }
0x90: {  	s2 =	sld [smem:$0x3FD0];
	_ =	sdelay $0x2  }
0x91: {  	s4 =	simm.s32 $0xB;
	s5 =	simm.s32 $0x10;
	s16 =	sld [smem:$0x3FC9]  }
0x92: {  	[smem:s5], [sflag:s4] =	dma.local [hbm:s2], $0x1  }
0x93: {  	_ =	swait.eq [sflag:s4], $0x1  }
0x94: {  	[sflag:s4] =	ssyncset.done $0x0  }
0x95: {  	s17 =	sld [smem:$0x11];
	[sflag:s4] =	ssyncadd.s32 $0xFFFFFFFF  }
0x96: {  	s18 =	sld [smem:$0x12];
	(tm) =	ssettm $0x1  }
0x97: {  	s19 =	sld [smem:$0x3FFB];
	_ =	sdelay $0x3  }
0x98: {  	_ =	strace s19  }
0x99: {  	s5 =	sld [smem:$0x3FFC];
	_ =	sdelay $0x3  }
0x9a: {  	_ =	strace s5  }
0x9b: {  	s5 =	sld [smem:$0x3FFD];
	_ =	sdelay $0x3  }
0x9c: {  	_ =	strace s5  }
0x9d: {  	_ =	strace $0x8FFFFFFF  }
0x9e: {  	s20 =	sld [smem:$0x3FDB];
	_ =	sdelay $0x1  }
0x9f: {  	s6 =	simm.s32 $_scs_section_size  }
0xa0: {  	s7 =	simm.s32 $_size__tile_overlayer_lowered;
	s8 =	simm.s32 $_tile_overlayer_lowered  }
0xa1: {  	s23 =	simm.s32 $0x1BFF;
	s22 =	sshll.u32 s8, $0x1;
	s5 =	sadd.s32 s6, s20  }
0xa2: {  	s9 =	simm.s32 $0x0;
	s21 =	sshll.u32 s7, $0x1;
	s7 =	sadd.s32 s22, s5  }
0xa3: {  	[timem:s9], [sflag:s23] =	dma.local [hbm:s7], s21  }
0xa4: {  	_ =	swait.ge [sflag:s23], s21  }
0xa5: {  	s6 =	ssub.s32 $0x0, s21;
	[sflag:s23] =	ssyncset.done $0x0  }
0xa6: {  	[sflag:s23] =	ssyncadd.s32 s6;
	_ =	sdelay $0x1  }
0xa7: {  	s24 =	simm.s32 $0x1B8B  }
0xa8: {  	_ =	swait.ge [sflag:s24], $0x1  }
0xa9: {  	[sflag:s24] =	ssyncset.done $0x0  }
0xaa: {  	s25 =	simm.s32 $0x1B8E;
	[sflag:s24] =	ssyncadd.s32 $0xFFFFFFFF  }
0xab: {  	s26 =	simm.s32 $execute0_lowered;
	[smem:$0x3FD2] =	sst s25  }
0xac: {  	s6 =	sshll.u32 s26, $0x1;
	_ =	strace $0x80000046;
	[dreg:$0x1] =	wrdreg $0xFFFFFFFF  }
0xad: {  	s28 =	simm.s32 $_size_execute0_lowered;
	s5 =	sadd.s32 s5, s6;
	[dreg:$0x0] =	wrdreg $0x0  }
0xae: {  	s6 =	sshll.u32 s28, $0x1;
	[dreg:$0x2] =	wrdreg s5  }
0xaf: {  	[dreg:$0x3] =	wrdreg s6  }
0xb0: {  	[dreg:$0x4] =	wrdreg $0xC0  }
0xb1: {  	_ =	task [dreg:s9], $0x5FFFF  }
0xb2: {  	[dreg:$0x1] =	wrdreg $0xFFFFFFFF  }
0xb3: {  	[dreg:$0x0] =	wrdreg $0x60  }
0xb4: {  	[dreg:$0x2] =	wrdreg s16  }
0xb5: {  	[dreg:$0x3] =	wrdreg s18  }
0xb6: {  	[dreg:$0x4] =	wrdreg s17  }
0xb7: {  	[dreg:$0x5] =	wrdreg $0x9  }
0xb8: {  	_ =	task.clear_ibuf [dreg:s9], $0x6FFFF;
	_ =	strace $0x90000046  }
0xb9: {  	s29 =	simm.s32 $0x9;
	_ =	strace $0x80000048  }
0xba: {  	_ =	swait.ge [sflag:s29], $0x1  }
0xbb: {  	[sflag:s29] =	ssyncadd.s32 $0xFFFFFFFF  }
0xbc: {  	_ =	strace $0x90000048  }
0xbd: {  	_ =	sfence  }
0xbe: {  	s30 =	sld [smem:$0x0];
	_ =	sdelay $0x2  }
0xbf: {  	s31 =	sshll.u32 s1, $0xD;
	s1 =	sshrl.u32 s1, $0x2  }
0xc0: {  	s3 =	sand.u32 $0x4000, s31;
	s1 =	sadd.s32 s1, s30  }
0xc1: {  	s0 =	sor.u32 s3, s0;
	s1 =	sshll.u32 s1, $0x11  }
0xc2: {  	s0 =	sor.u32 s1, s0  }
0xc3: {  	s0 =	sadd.s32 $0x8F2B, s0  }
0xc4: {  	[sflag:s0] =	ssyncadd.remote.s32 $0x1  }
0xc5: {  	_ =	sfence.sel $0xFFFF  }
0xc6: {  	[dreg:$0x0] =	wrdreg $0xFFFFFFFF;
	(pc) =	sbr.abs _section_cstart, $3  }
0xc7: {  	[dreg:$0x1] =	wrdreg $0xFFFFFFFF  }
0xc8: {  	_ =	task.clear_ibuf [dreg:s9], $0x2FFFF;
	_ =	strace $0x9FFFFFFF  }
0xc9: {  	(tm) =	ssettm $0x7FFFFFFF  }
tec
execute0_lowered:
.L_overlay_start_1:
0x0: {  	(tag) =	ssettag $0x1  }
0x1: {  	s2 =	rddreg [dreg:$0x0]  }
0x2: {  	s3 =	rddreg [dreg:$0x1];
	s0 =	stileid.u32  }
0x3: {  	s1 =	srdreg.scid;
	s4 =	rddreg [dreg:$0x2];
	s9 =	simm.s32 $0x1  }
0x4: {  	s10 =	simm.s32 $0x3;
	s5 =	sand.u32 $0x1, s1;
	s6 =	sshll.u32 s0, $0x1  }
0x5: {  	s13 =	simm.s32 $0x0;
	s12 =	simm.s32 $0x0;
	s7 =	sor.u32 s6, s5  }
0x6: {  	s1 =	rddreg [dreg:$0x3];
	_ =	strace $0x80000047;
	s5 =	smul.u32 $0xA00, s7  }
0x7: {  	s6 =	simm.s32 $0x1;
	p0 =	slt.u32 s7, $0x9;
	s7 =	simm.s32 $0x14000  }
.Ltmp0:
0x8: {  	s7 =	simm.s32 @!p0 $0x0;
	s8 =	ssub.s32 $0x19000, s5;
	(pc) =	sbr.rel .LBB2_1-.Ltmp0, $4  }
0x9: {  	s9 =	simm.s32 @!p0 $0x0;
	p0 =	sne.s32 s8, s7;
	s8 =	simm.s32 $0x1  }
0xa: {  	[sflag:s6] =	ssyncpa.u1 $0x0;
	s7 =	simm.s32 $0x2;
	s8 =	simm.s32 @!p0 $0x0  }
0xb: {  	s11 =	smov.u32 s5;
	[sflag:s7] =	ssyncpa.u1 $0x0;
	s8 =	sadd.s32 s9, s8  }
0xc: {  	vm0 =	vmmov $0xffff;
	[sflag:s10] =	ssyncpa.u1 $0x0;
	s10 =	simm.s32 $0x0;
	s9 =	sadd.s32 $0x1, s8  }
.LBB2_4:
0xd: {  	v2 =	vnsel vm1, $0x0, v2  }
0xe: {  	vm1 =	vgt.s32 v0, $0x0;
	v2 =	vmin.u32 v2, $0x18CDF  }
0xf: {  	v0 =	vnsel vm1, $0x0, v0  }
0x10: {  	v0 =	vmin.u32 v0, $0x18CDF  }
0x11: {  	[tilespmem:s18], [sflag:$0x1] =	stream.indirect_vreg.gather [hbm4b:s2+s10], $0x1, v1, vm0, $0x4038;
	[tilespmem:$0x2800] =	vst v63  }
0x12: {  	(ifvalue) =	ssetifvalue $0x7FFFFFFF  }
0x13: {  	[tilespmem:s15], [sflag:$0x1] =	stream.indirect_vreg.gather [hbm4b:s2+s10], $0x1, v2, vm0, $0x4038;
	[tilespmem:$0x2800] =	vst v63  }
0x14: {  	s29 =	sadd.s32 $0x10, s15;
	(ifvalue) =	ssetifvalue $0x7FFFFFFF  }
0x15: {  	[tilespmem:s29], [sflag:$0x1] =	stream.indirect_vreg.gather [hbm4b:s2+s10], $0x1, v0, vm0, $0x4038;
	[tilespmem:$0x2800] =	vst v63  }
0x16: {  	_ =	swait.ge [sflag:s6], $0xA00  }
0x17: {  	s30 =	sshrl.u32 s13, $0x3;
	[sflag:s6] =	ssyncset.done $0x0  }
0x18: {  	s31 =	sand.u32 $0x7, s13;
	s15 =	sadd.s32 s4, s30;
	[sflag:s6] =	ssyncadd.s32 $0xFFFFF600  }
0x19: {  	[hbm4b:s15+s31] =	stream.linear.scatter [tilespmem:s14], [sflag:$0x3], $0xA00, $0x38;
	[tilespmem:$0x2800] =	vst v63  }
.LBB2_5:
0x1a: {  	s15 =	sadd.s32 $0x14000, s11  }
0x1b: {  	p1 =	sgt.s32 s15, $0x18FFF  }
0x1c: {  	s15 =	smov.u32 @p1 s5;
	p1 =	sne.s32 s12, s9  }
.Ltmp1:
0x1d: {  	p0 =	slt.u32 s12, $0x2;
	(pc) =	sbr.rel @!p1 .LBB2_6-.Ltmp1, $4  }
0x1e: {  	s14 =	simm.s32 @!p0 $0x3  }
0x1f: {  	_ =	swait.ge @!p0 [sflag:s14], $0xA00  }
0x20: {  	s16 =	sadd.s32 $0x1, s12;
	s13 =	smov.u32 s11;
	[sflag:s14] =	ssyncset.done @!p0 $0x0  }
0x21: {  	s12 =	smov.u32 s16;
	s11 =	smov.u32 s15;
	[sflag:s14] =	ssyncadd.s32 @!p0 $0xFFFFF600  }
.LBB2_1:
0x22: {  	p0 =	sge.u32 s12, s8  }
0x23: {  	s14 =	sxor.u32 @!p0 $0x1, s12  }
0x24: {  	s14 =	smul.u32 @!p0 $0x2800, s14  }
0x25: {  	s31 =	sadd.s32 $0xFFFFFFFF, s12;
	s15 =	sshrl.u32 @!p0 s11, $0x3  }
0x26: {  	s16 =	sand.u32 @!p0 $0x7, s11;
	s15 =	sadd.s32 @!p0 s3, s15;
	s14 =	sshra.s32 @!p0 s14, $0x2  }
0x27: {  	[tilespmem:s14], [sflag:$0x2] =	stream.linear.gather @!p0 [hbm4b:s15+s16], $0xA00, $0x38;
	[tilespmem:$0x2800] =	vst v63  }
0x28: {  	p0 =	sge.u32 s31, s8  }
.Ltmp2:
0x29: {  	_ = 	snop;
	(pc) =	sbr.rel @p0 .LBB2_5-.Ltmp2, $1  }
0x2a: {  	_ =	sdelay $0x3  }
0x2b: {  	s14 =	sand.u32 $0x1, s12  }
0x2c: {  	_ =	swait.ge [sflag:s7], $0xA00;
	p0 =	seq.s32 s14, $0x1;
	s14 =	simm.s32 $0xA00  }
0x2d: {  	[sflag:s7] =	ssyncset.done $0x0;
	s14 =	simm.s32 @!p0 $0x0  }
0x2e: {  	[sflag:s7] =	ssyncadd.s32 $0xFFFFF600;
	(ifvalue) =	ssetifvalue $0x7FFFFFFF;
	v0 =	vld.msk [tilespmem:s14+$0x0 ss:$0x1], $0xffff;
	_ =	sdelay $0x4  }
0x2f: {  	s15 =	sadd.s32 $0x10, s14;
	vm1 =	vgt.s32 v0, $0x0  }
0x30: {  	v2 =	vld.msk [tilespmem:s15+$0x0 ss:$0x1], $0xffff;
	v1 =	vnsel vm1, $0x0, v0  }
0x31: {  	v1 =	vmin.u32 v1, $0x18CDF;
	_ =	sdelay $0x2  }
0x32: {  	s17 =	simm.s32 $0x20;
	s14 =	sor.u32 $0x1400, s14;
	s16 =	sadd.s32 $0x10, s15  }
0x33: {  	s15 =	sadd.s32 $0x10, s14;
	s18 =	smov.u32 s14;
	v0 =	vld.msk [tilespmem:s16+$0x0 ss:$0x1], $0xffff;
	vm1 =	vgt.s32 v2, $0x0;
	(ifvalue) =	ssetifvalue $0x7FFFFFFF  }
.LBB2_3:
0x34: {  	[tilespmem:s18], [sflag:$0x1] =	stream.indirect_vreg.gather [hbm4b:s2+s10], $0x1, v1, vm0, $0x4038;
	[tilespmem:$0x2800] =	vst v63  }
0x35: {  	s17 =	sadd.s32 $0x10, s17  }
0x36: {  	v2 =	vnsel vm1, $0x0, v2;
	p0 =	slt.u32 s17, $0x9F0  }
.Ltmp3:
0x37: {  	s18 =	smov.u32 s15;
	v1 =	vmin.u32 v2, $0x18CDF;
	(pc) =	sbr.rel @p0 .LBB2_3-.Ltmp3, $3  }
0x38: {  	_ =	sdelay $0x1  }
0x39: {  	s16 =	sadd.s32 $0x10, s16  }
0x3a: {  	vm1 =	vgt.s32 v0, $0x0;
	s15 =	sadd.s32 $0x10, s15;
	v2 =	vmov v0;
	(ifvalue) =	ssetifvalue $0x7FFFFFFF;
	v0 =	vld.msk [tilespmem:s16+$0x0 ss:$0x1], $0xffff  }
.Ltmp4:
0x3b: {  	_ = 	snop;
	(pc) =	sbr.rel .LBB2_4-.Ltmp4, $1  }
0x3c: {  	_ =	sdelay $0x3  }
.LBB2_6:
0x3d: {  	_ =	sfence.sel $0x180000  }
0x3e: {  	s2 =	simm.s32 $0x2;
	[bflag:$0x0] =	sbarrier.arrive $0xFFFF  }
0x3f: {  	s30 =	simm.s32 $0x3;
	[sflag:s2] =	ssyncpa.u1 $0x1  }
0x40: {  	s31 =	simm.s32 $0x1;
	[sflag:s30] =	ssyncpa.u1 $0x1  }
0x41: {  	[sflag:s31] =	ssyncpa.u1 $0x1  }
0x42: {  	p0 =	sne.s32 s0, $0x0;
	_ =	strace $0x90000047  }
0x43: {  	s0 =	sadd.s32 @!p0 $0x100000, s1;
	[bflag:$0x2] =	sbarrier.arrive $0xFFFF  }
0x44: {  	[sflag:s0] =	ssyncadd.tile.s32 @!p0 $0x1;
	_ =	shalt  }
.Lfunc_end2:
_tile_overlayer_lowered:
.L_overlay_start_2:
0x45: {  	(tag) =	ssettag $0x2  }
0x46: {  	s0 =	rddreg [dreg:$0x0];
	s2 =	stileid.u32  }
0x47: {  	s1 =	rddreg [dreg:$0x1];
	p0 =	sne.s32 s2, $0x0  }
0x48: {  	s3 =	rddreg [dreg:$0x2];
	[bflag:$0x3] =	sbarrier.arrive $0xFFFF;
	s2 =	simm.s32 @!p0 $0x1C01  }
0x49: {  	[timem:s3], [sflag:s2] =	dma.local @!p0 [hbm:s0], s1  }
0x4a: {  	s0 =	simm.s32 @!p0 $0x1  }
0x4b: {  	_ =	swait.ge @!p0 [sflag:s0], s1  }
0x4c: {  	s1 =	ssub.s32 @!p0 $0x0, s1;
	[sflag:s0] =	ssyncset.done @!p0 $0x0  }
0x4d: {  	[sflag:s0] =	ssyncadd.s32 @!p0 s1  }
0x4e: {  	[bflag:$0x3] =	sbarrier.arrive $0xFFFF  }
0x4f: {  	_ =	shalt  }

// kernel: kernel.6.cloned.1.call-start
scs
__scs_entry_jumppad:
0x0: {  	(pc) =	sbr.rel $0x88, $3  }
0x1: {  	(tag) =	ssettag $0x0;
	lr =	simm.s32 $0x1  }
0x2: {  	[smem:$0x3F96] =	sst lr;
	_ =	strace $0xD0000000  }
0x3: {  	_ = 	snop  }
0x4: {  	_ = 	snop  }
0x5: {  	_ = 	snop  }
0x6: {  	_ = 	snop  }
0x7: {  	_ = 	snop  }
__scs_overlays_trampoline_lowered:
0x8: {  	[smem:$0x3FA5] =	sst s0  }
0x9: {  	[smem:$0x3FA6] =	sst s1  }
0xa: {  	[smem:$0x3FA7] =	sst s2  }
0xb: {  	[smem:$0x3FA8] =	sst s3  }
0xc: {  	[smem:$0x3FA9] =	sst s4  }
0xd: {  	[smem:$0x3FAA] =	sst s5  }
0xe: {  	[smem:$0x3FAB] =	sst s6  }
0xf: {  	[smem:$0x3FAC] =	sst s7  }
0x10: {  	[smem:$0x3FAD] =	sst s8  }
0x11: {  	[smem:$0x3FAE] =	sst s9;
	s0 =	simm.s32 @!p0 $0x0  }
0x12: {  	s1 =	sld [smem:$0x3F94];
	s0 =	simm.s32 @p0 $0x1  }
0x13: {  	[smem:$0x3FAF] =	sst s0;
	s0 =	simm.s32 @!p1 $0x0  }
0x14: {  	s2 =	sld [smem:$0x3F93];
	s0 =	simm.s32 @p1 $0x1  }
0x15: {  	[smem:$0x3FB0] =	sst s0;
	s0 =	simm.s32 @!p2 $0x0  }
0x16: {  	s3 =	sld [smem:$0x3FDB];
	s0 =	simm.s32 @p2 $0x1  }
0x17: {  	s4 =	simm.s32 $0x1BF5;
	[smem:$0x3FB2] =	sst s0  }
0x18: {  	s0 =	sld [smem:$0x3F95];
	_ =	swait.ge [sflag:s4], $0x0  }
0x19: {  	s7 =	sld [smem:$0x3F96]  }
0x1a: {  	s8 =	sadd.s32 $0xFFFFE003, lr  }
0x1b: {  	s9 =	sadd.s32 $0xFFFFFEF7, lr;
	s5 =	simm.s32 $0xFFFFFFFF;
	p2 =	slt.u32 s8, $0xFFFFF086  }
0x1c: {  	p1 =	slt.u32 s9, $0xF7A;
	s5 =	simm.s32 @!p2 $0x0  }
0x1d: {  	s5 =	simm.s32 @p1 $0x1;
	p0 =	seq.s32 s7, s2  }
0x1e: {  	s7 =	smul.u32 @!p0 $0xF7A, s2;
	p2 =	seq.s32 @!p0 s5, $0x0  }
0x1f: {  	s9 =	smul.u32 $0xF7A, s1;
	s8 =	simm.s32 @!p0 $0x1BF5;
	p2 =	por !p2, p0  }
0x20: {  	[sflag:s8] =	ssyncset.s32 @!p0 $0xFFFFF086;
	s6 =	sadd.s32 @!p0 s3, s7;
	s7 =	simm.s32 @!p0 $0x108  }
0x21: {  	s3 =	sadd.s32 s3, s9;
	s6 =	sadd.s32 @!p0 $0x88, s6;
	s7 =	simm.s32 @p2 $0x1082  }
0x22: {  	[simem:s7], [sflag:s8] =	dma.local @!p0 [hbm:s6], $0xF7A  }
0x23: {  	s9 =	sor.u32 $0xD0000000, s2;
	s6 =	simm.s32 $0x108;
	_ =	swait.ge @!p0 [sflag:s8], $0x0  }
0x24: {  	s3 =	sadd.s32 $0x88, s3;
	s6 =	simm.s32 @!p1 $0x1082;
	[sflag:s4] =	ssyncset.s32 $0xFFFFF086  }
0x25: {  	[simem:s6], [sflag:s4] =	dma.local [hbm:s3], $0xF7A  }
0x26: {  	[smem:$0x3F96] =	sst s1;
	(tag) =	ssettag s2;
	_ =	strace s9  }
0x27: {  	s1 =	sld [smem:$0x3FA6]  }
0x28: {  	s2 =	sld [smem:$0x3FA7]  }
0x29: {  	s4 =	sld [smem:$0x3FA9]  }
0x2a: {  	p0 =	seq.s32 s5, $0x0;
	s5 =	sld [smem:$0x3FAA]  }
0x2b: {  	s6 =	sld [smem:$0x3FAB]  }
0x2c: {  	s7 =	sld [smem:$0x3FAC]  }
0x2d: {  	s3 =	simm.s32 $0x108;
	s8 =	sld [smem:$0x3FAD]  }
0x2e: {  	s3 =	simm.s32 @!p0 $0x1082;
	s9 =	sld [smem:$0x3FAE]  }
0x2f: {  	lr =	sadd.s32 s0, s3;
	s0 =	sld [smem:$0x3FA5]  }
0x30: {  	s3 =	sld [smem:$0x3FA8]  }
0x31: {  	[smem:$0x3FB1] =	sst s10  }
0x32: {  	s10 =	sld [smem:$0x3FAF];
	_ =	sdelay $0x3  }
0x33: {  	p0 =	seq.s32 s10, $0x1;
	s10 =	sld [smem:$0x3FB1];
	_ =	sdelay $0x3  }
0x34: {  	[smem:$0x3FB1] =	sst s10  }
0x35: {  	s10 =	sld [smem:$0x3FB0];
	_ =	sdelay $0x3  }
0x36: {  	p1 =	seq.s32 s10, $0x1;
	s10 =	sld [smem:$0x3FB1];
	_ =	sdelay $0x3  }
0x37: {  	[smem:$0x3FB1] =	sst s10  }
0x38: {  	s10 =	sld [smem:$0x3FB2]  }
0x39: {  	_ = 	snop;
	(pc) =	sbr.ind lr, $3  }
0x3a: {  	_ = 	snop  }
0x3b: {  	_ = 	snop  }
0x3c: {  	p2 =	seq.s32 s10, $0x1;
	s10 =	sld [smem:$0x3FB1]  }
0x3d: {  	_ =	shalt  }
0x3e: {  	_ =	shalt  }
0x3f: {  	_ =	shalt  }
0x40: {  	_ =	shalt  }
0x41: {  	_ =	shalt  }
0x42: {  	_ =	shalt  }
0x43: {  	_ =	shalt  }
0x44: {  	_ =	shalt  }
0x45: {  	_ =	shalt  }
0x46: {  	_ =	shalt  }
0x47: {  	_ =	shalt  }
0x48: {  	_ =	shalt  }
0x49: {  	_ =	shalt  }
0x4a: {  	_ =	shalt  }
0x4b: {  	_ =	shalt  }
0x4c: {  	_ =	shalt  }
0x4d: {  	_ =	shalt  }
0x4e: {  	_ =	shalt  }
0x4f: {  	_ =	shalt  }
0x50: {  	_ =	shalt  }
0x51: {  	_ =	shalt  }
0x52: {  	_ =	shalt  }
0x53: {  	_ =	shalt  }
0x54: {  	_ =	shalt  }
0x55: {  	_ =	shalt  }
0x56: {  	_ =	shalt  }
0x57: {  	_ =	shalt  }
0x58: {  	_ =	shalt  }
0x59: {  	_ =	shalt  }
0x5a: {  	_ =	shalt  }
0x5b: {  	_ =	shalt  }
0x5c: {  	_ =	shalt  }
0x5d: {  	_ =	shalt  }
0x5e: {  	_ =	shalt  }
0x5f: {  	_ =	shalt  }
0x60: {  	_ =	shalt  }
0x61: {  	_ =	shalt  }
0x62: {  	_ =	shalt  }
0x63: {  	_ =	shalt  }
0x64: {  	_ =	shalt  }
0x65: {  	_ =	shalt  }
0x66: {  	_ =	shalt  }
0x67: {  	_ =	shalt  }
0x68: {  	_ =	shalt  }
0x69: {  	_ =	shalt  }
0x6a: {  	_ =	shalt  }
0x6b: {  	_ =	shalt  }
0x6c: {  	_ =	shalt  }
0x6d: {  	_ =	shalt  }
0x6e: {  	_ =	shalt  }
0x6f: {  	_ =	shalt  }
0x70: {  	_ =	shalt  }
0x71: {  	_ =	shalt  }
0x72: {  	_ =	shalt  }
0x73: {  	_ =	shalt  }
0x74: {  	_ =	shalt  }
0x75: {  	_ =	shalt  }
0x76: {  	_ =	shalt  }
0x77: {  	_ =	shalt  }
0x78: {  	_ =	shalt  }
0x79: {  	_ =	shalt  }
0x7a: {  	_ =	shalt  }
0x7b: {  	_ =	shalt  }
0x7c: {  	_ =	shalt  }
0x7d: {  	_ =	shalt  }
0x7e: {  	_ =	shalt  }
0x7f: {  	_ =	shalt  }
0x80: {  	_ =	shalt  }
0x81: {  	_ =	shalt  }
0x82: {  	_ =	shalt  }
0x83: {  	_ =	shalt  }
0x84: {  	_ =	shalt  }
0x85: {  	_ =	shalt  }
0x86: {  	_ =	shalt  }
0x87: {  	_ =	shalt  }
.Lfunc_end0:
.L_simem_size_0:
called_computation.1_lowered:
.L_overlay_start_0:
0x88: {  	s2 =	sld [smem:$0x3FD9]  }
0x89: {  	s3 =	sld [smem:$0x3FFE];
	_ =	sdelay $0x1  }
0x8a: {  	s1 =	srdreg.scid  }
0x8b: {  	s0 =	sand.u32 $0x1, s1  }
0x8c: {  	s14 =	sshll.u32 s0, $0xA;
	s2 =	sadd.s32 s3, s2  }
0x8d: {  	s2 =	sadd.s32 s2, s14  }
0x8e: {  	[smem:$0x3FBD] =	sst s2  }
0x8f: {  	_ = 	snop  }
0x90: {  	s2 =	sld [smem:$0x3FD0];
	_ =	sdelay $0x2  }
0x91: {  	s4 =	simm.s32 $0xB;
	s5 =	simm.s32 $0x10;
	s15 =	sld [smem:$0x3FC8]  }
0x92: {  	[smem:s5], [sflag:s4] =	dma.local [hbm:s2], $0x1  }
0x93: {  	_ =	swait.eq [sflag:s4], $0x1  }
0x94: {  	[sflag:s4] =	ssyncset.done $0x0  }
0x95: {  	[sflag:s4] =	ssyncadd.s32 $0xFFFFFFFF  }
0x96: {  	s16 =	sld [smem:$0x12];
	(tm) =	ssettm $0x1  }
0x97: {  	s17 =	sld [smem:$0x3FFB];
	_ =	sdelay $0x3  }
0x98: {  	_ =	strace s17  }
0x99: {  	s4 =	sld [smem:$0x3FFC];
	_ =	sdelay $0x3  }
0x9a: {  	_ =	strace s4  }
0x9b: {  	s4 =	sld [smem:$0x3FFD];
	_ =	sdelay $0x3  }
0x9c: {  	_ =	strace s4  }
0x9d: {  	_ =	strace $0x8FFFFFFF  }
0x9e: {  	s18 =	sld [smem:$0x3FDB];
	_ =	sdelay $0x1  }
0x9f: {  	s19 =	simm.s32 $_scs_section_size  }
0xa0: {  	s6 =	simm.s32 $_size__tile_overlayer_lowered;
	s7 =	simm.s32 $_tile_overlayer_lowered  }
0xa1: {  	s22 =	simm.s32 $0x1BFF;
	s21 =	sshll.u32 s7, $0x1;
	s4 =	sadd.s32 s19, s18  }
0xa2: {  	s8 =	simm.s32 $0x0;
	s20 =	sshll.u32 s6, $0x1;
	s6 =	sadd.s32 s21, s4  }
0xa3: {  	[timem:s8], [sflag:s22] =	dma.local [hbm:s6], s20  }
0xa4: {  	_ =	swait.ge [sflag:s22], s20  }
0xa5: {  	s5 =	ssub.s32 $0x0, s20;
	[sflag:s22] =	ssyncset.done $0x0  }
0xa6: {  	[sflag:s22] =	ssyncadd.s32 s5;
	_ =	sdelay $0x1  }
0xa7: {  	s23 =	simm.s32 $0x1B8B  }
0xa8: {  	_ =	swait.ge [sflag:s23], $0x1  }
0xa9: {  	[sflag:s23] =	ssyncset.done $0x0  }
0xaa: {  	s25 =	simm.s32 $0x1B8E;
	s24 =	sld [smem:$0x3FFE];
	[sflag:s23] =	ssyncadd.s32 $0xFFFFFFFF  }
0xab: {  	s26 =	simm.s32 $execute0_lowered;
	[smem:$0x3FD2] =	sst s25  }
0xac: {  	s6 =	sshll.u32 s26, $0x1;
	_ =	strace $0x80000049;
	[dreg:$0x1] =	wrdreg $0xFFFFFFFF  }
0xad: {  	s28 =	simm.s32 $_size_execute0_lowered;
	s4 =	sadd.s32 s4, s6;
	[dreg:$0x0] =	wrdreg $0x0  }
0xae: {  	s6 =	sshll.u32 s28, $0x1;
	[dreg:$0x2] =	wrdreg s4  }
0xaf: {  	[dreg:$0x3] =	wrdreg s6  }
0xb0: {  	[dreg:$0x4] =	wrdreg $0xC0  }
0xb1: {  	_ =	task [dreg:s8], $0x5FFFF  }
0xb2: {  	[dreg:$0x1] =	wrdreg $0xFFFFFFFF  }
0xb3: {  	[dreg:$0x0] =	wrdreg $0x60  }
0xb4: {  	[dreg:$0x2] =	wrdreg s15  }
0xb5: {  	[dreg:$0x3] =	wrdreg s16  }
0xb6: {  	[dreg:$0x4] =	wrdreg s24  }
0xb7: {  	[dreg:$0x5] =	wrdreg $0x9  }
0xb8: {  	_ =	task.clear_ibuf [dreg:s8], $0x6FFFF;
	_ =	strace $0x90000049  }
0xb9: {  	s29 =	simm.s32 $0x9;
	_ =	strace $0x8000004B  }
0xba: {  	_ =	swait.ge [sflag:s29], $0x1  }
0xbb: {  	[sflag:s29] =	ssyncadd.s32 $0xFFFFFFFF  }
0xbc: {  	_ =	strace $0x9000004B  }
0xbd: {  	_ =	sfence  }
0xbe: {  	s30 =	sld [smem:$0x0];
	_ =	sdelay $0x2  }
0xbf: {  	s31 =	sshll.u32 s1, $0xD;
	s1 =	sshrl.u32 s1, $0x2  }
0xc0: {  	s3 =	sand.u32 $0x4000, s31;
	s1 =	sadd.s32 s1, s30  }
0xc1: {  	s0 =	sor.u32 s3, s0;
	s1 =	sshll.u32 s1, $0x11  }
0xc2: {  	s0 =	sor.u32 s1, s0  }
0xc3: {  	s0 =	sadd.s32 $0x8F2B, s0  }
0xc4: {  	[sflag:s0] =	ssyncadd.remote.s32 $0x1  }
0xc5: {  	_ =	sfence.sel $0xFFFF  }
0xc6: {  	[dreg:$0x0] =	wrdreg $0xFFFFFFFF;
	(pc) =	sbr.abs _section_cstart, $3  }
0xc7: {  	[dreg:$0x1] =	wrdreg $0xFFFFFFFF  }
0xc8: {  	_ =	task.clear_ibuf [dreg:s8], $0x2FFFF;
	_ =	strace $0x9FFFFFFF  }
0xc9: {  	(tm) =	ssettm $0x7FFFFFFF  }
tec
execute0_lowered:
.L_overlay_start_1:
0x0: {  	(tag) =	ssettag $0x1  }
0x1: {  	s1 =	rddreg [dreg:$0x0]  }
0x2: {  	s2 =	srdreg.scid;
	s0 =	stileid.u32  }
0x3: {  	s4 =	rddreg [dreg:$0x1];
	s18 =	sand.u32 $0x1, s2;
	s30 =	sshll.u32 s0, $0x1  }
0x4: {  	s9 =	rddreg [dreg:$0x2];
	s11 =	sor.u32 s18, s30  }
0x5: {  	s3 =	simm.s32 $0x0;
	s2 =	rddreg [dreg:$0x3];
	s5 =	smul.u32 $0xC8, s11  }
0x6: {  	[smem:$0x7FF] =	sst s3  }
0x7: {  	_ =	strace $0x8000004A;
	s4 =	sadd.s32 s4, s5;
	s5 =	simm.s32 $0x3  }
0x8: {  	[tilespmem:s3], [sflag:$0x3] =	stream.linear.gather [hbm4b:s4+s3], $0x640, $0x38;
	[tilespmem:$0x14680] =	vst v63  }
0x9: {  	_ =	swait.ge [sflag:s5], $0x640  }
0xa: {  	s6 =	simm.s32 $0x140;
	[sflag:s5] =	ssyncset.done $0x0  }
0xb: {  	s7 =	simm.s32 $0x680;
	s8 =	simm.s32 $0x1;
	[sflag:s5] =	ssyncadd.s32 $0xFFFFF9C0  }
0xc: {  	[tilespmem:s7], [sflag:$0x1] =	stream.indirect.gather [hbm4b:s1+s6], $0x80, s3, s6, $0xb8;
	[tilespmem:$0x14680] =	vst v63  }
0xd: {  	_ =	swait.ge [sflag:s8], $0xA000  }
0xe: {  	s12 =	sadd.s32 $0x4200, s9;
	[sflag:s8] =	ssyncset.done $0x0  }
0xf: {  	s9 =	simm.s32 $0xA680;
	s10 =	smul.u32 $0x6400, s11;
	[sflag:s8] =	ssyncadd.s32 $0xFFFF6000  }
0x10: {  	[tilespmem:s9], [sflag:$0x1] =	stream.indirect.gather [hbm4b:s1+s6], $0x80, s6, s6, $0xb8;
	[tilespmem:$0x14680] =	vst v63  }
0x11: {  	s10 =	sadd.s32 s12, s10  }
0x12: {  	[hbm4b:s10+s3] =	stream.linear.scatter [tilespmem:s7], [sflag:$0x2], $0xA000, $0x38;
	[tilespmem:$0x14680] =	vst v63  }
0x13: {  	_ =	swait.ge [sflag:s8], $0xA000  }
0x14: {  	[sflag:s8] =	ssyncset.done $0x0  }
0x15: {  	s13 =	smul.u32 $0x32000, s11;
	s11 =	simm.s32 $0x2;
	[sflag:s8] =	ssyncadd.s32 $0xFFFF6000  }
0x16: {  	_ =	swait.ge [sflag:s11], $0xA000  }
0x17: {  	s13 =	sshrl.u32 s13, $0x3;
	[sflag:s11] =	ssyncset.done $0x0  }
0x18: {  	s19 =	sadd.s32 s12, s13;
	s12 =	simm.s32 $0x280;
	[sflag:s11] =	ssyncadd.s32 $0xFFFF6000  }
0x19: {  	[tilespmem:s7], [sflag:$0x1] =	stream.indirect.gather [hbm4b:s1+s6], $0x80, s12, s6, $0xb8;
	[tilespmem:$0x14680] =	vst v63  }
0x1a: {  	s13 =	sadd.s32 $0x1400, s19  }
0x1b: {  	[hbm4b:s13+s3] =	stream.linear.scatter [tilespmem:s9], [sflag:$0x2], $0xA000, $0x38;
	[tilespmem:$0x14680] =	vst v63  }
0x1c: {  	_ =	swait.ge [sflag:s8], $0xA000  }
0x1d: {  	[sflag:s8] =	ssyncset.done $0x0  }
0x1e: {  	[sflag:s8] =	ssyncadd.s32 $0xFFFF6000  }
0x1f: {  	_ =	swait.ge [sflag:s11], $0xA000  }
0x20: {  	[sflag:s11] =	ssyncset.done $0x0  }
0x21: {  	s14 =	simm.s32 $0x3C0;
	[sflag:s11] =	ssyncadd.s32 $0xFFFF6000  }
0x22: {  	[tilespmem:s9], [sflag:$0x1] =	stream.indirect.gather [hbm4b:s1+s6], $0x80, s14, s6, $0xb8;
	[tilespmem:$0x14680] =	vst v63  }
0x23: {  	s15 =	sadd.s32 $0x2800, s19  }
0x24: {  	[hbm4b:s15+s3] =	stream.linear.scatter [tilespmem:s7], [sflag:$0x2], $0xA000, $0x38;
	[tilespmem:$0x14680] =	vst v63  }
0x25: {  	_ =	swait.ge [sflag:s8], $0xA000  }
0x26: {  	[sflag:s8] =	ssyncset.done $0x0  }
0x27: {  	[sflag:s8] =	ssyncadd.s32 $0xFFFF6000  }
0x28: {  	_ =	swait.ge [sflag:s11], $0xA000  }
0x29: {  	[sflag:s11] =	ssyncset.done $0x0  }
0x2a: {  	s16 =	simm.s32 $0x500;
	[sflag:s11] =	ssyncadd.s32 $0xFFFF6000  }
0x2b: {  	[tilespmem:s7], [sflag:$0x1] =	stream.indirect.gather [hbm4b:s1+s6], $0x80, s16, s6, $0xb8;
	[tilespmem:$0x14680] =	vst v63  }
0x2c: {  	s18 =	ssub.s32 $0x2, s18;
	s17 =	sadd.s32 $0x3C00, s19  }
0x2d: {  	[hbm4b:s17+s3] =	stream.linear.scatter [tilespmem:s9], [sflag:$0x2], $0xA000, $0x38;
	[tilespmem:$0x14680] =	vst v63  }
0x2e: {  	s20 =	sshrl.u32 s18, $0x1;
	_ =	swait.ge [sflag:s8], $0xA000  }
0x2f: {  	s20 =	ssub.s32 s18, s20;
	[sflag:s8] =	ssyncset.done $0x0  }
0x30: {  	s31 =	smax.u32 s20, $0x1;
	[sflag:s8] =	ssyncadd.s32 $0xFFFF6000  }
0x31: {  	p0 =	sne.s32 s31, $0x1;
	_ =	swait.ge [sflag:s11], $0xA000  }
.Ltmp0:
0x32: {  	[sflag:s11] =	ssyncset.done $0x0;
	(pc) =	sbr.rel @!p0 .LBB2_2-.Ltmp0, $4  }
0x33: {  	s18 =	sadd.s32 $0x5000, s19;
	[sflag:s11] =	ssyncadd.s32 $0xFFFF6000  }
0x34: {  	[hbm4b:s18+s3] =	stream.linear.scatter [tilespmem:s7], [sflag:$0x2], $0xA000, $0x38;
	[tilespmem:$0x14680] =	vst v63  }
0x35: {  	_ =	swait.ge [sflag:s11], $0xA000  }
0x36: {  	s19 =	sadd.s32 $0xFFFFFFFF, s31;
	[sflag:s11] =	ssyncset.done $0x0  }
.LBB2_1:
0x37: {  	p0 =	sne.s32 s19, $0x1;
	s19 =	sadd.s32 $0xFFFFFFFF, s19;
	[sflag:s11] =	ssyncadd.s32 $0xFFFF6000  }
0x38: {  	[tilespmem:s3], [sflag:$0x3] =	stream.linear.gather [hbm4b:s4+s3], $0x640, $0x38;
	[tilespmem:$0x14680] =	vst v63  }
0x39: {  	_ =	swait.ge [sflag:s5], $0x640  }
0x3a: {  	[sflag:s5] =	ssyncset.done $0x0  }
0x3b: {  	[sflag:s5] =	ssyncadd.s32 $0xFFFFF9C0  }
0x3c: {  	[tilespmem:s7], [sflag:$0x1] =	stream.indirect.gather [hbm4b:s1+s6], $0x80, s3, s6, $0xb8;
	[tilespmem:$0x14680] =	vst v63  }
0x3d: {  	_ =	swait.ge [sflag:s8], $0xA000  }
0x3e: {  	[sflag:s8] =	ssyncset.done $0x0  }
0x3f: {  	[sflag:s8] =	ssyncadd.s32 $0xFFFF6000  }
0x40: {  	[tilespmem:s9], [sflag:$0x1] =	stream.indirect.gather [hbm4b:s1+s6], $0x80, s6, s6, $0xb8;
	[tilespmem:$0x14680] =	vst v63  }
0x41: {  	_ = 	snop  }
0x42: {  	[hbm4b:s10+s3] =	stream.linear.scatter [tilespmem:s7], [sflag:$0x2], $0xA000, $0x38;
	[tilespmem:$0x14680] =	vst v63  }
0x43: {  	_ =	swait.ge [sflag:s8], $0xA000  }
0x44: {  	[sflag:s8] =	ssyncset.done $0x0  }
0x45: {  	[sflag:s8] =	ssyncadd.s32 $0xFFFF6000  }
0x46: {  	_ =	swait.ge [sflag:s11], $0xA000  }
0x47: {  	[sflag:s11] =	ssyncset.done $0x0  }
0x48: {  	[sflag:s11] =	ssyncadd.s32 $0xFFFF6000  }
0x49: {  	[tilespmem:s7], [sflag:$0x1] =	stream.indirect.gather [hbm4b:s1+s6], $0x80, s12, s6, $0xb8;
	[tilespmem:$0x14680] =	vst v63  }
0x4a: {  	_ = 	snop  }
0x4b: {  	[hbm4b:s13+s3] =	stream.linear.scatter [tilespmem:s9], [sflag:$0x2], $0xA000, $0x38;
	[tilespmem:$0x14680] =	vst v63  }
0x4c: {  	_ =	swait.ge [sflag:s8], $0xA000  }
0x4d: {  	[sflag:s8] =	ssyncset.done $0x0  }
0x4e: {  	[sflag:s8] =	ssyncadd.s32 $0xFFFF6000  }
0x4f: {  	_ =	swait.ge [sflag:s11], $0xA000  }
0x50: {  	[sflag:s11] =	ssyncset.done $0x0  }
0x51: {  	[sflag:s11] =	ssyncadd.s32 $0xFFFF6000  }
0x52: {  	[tilespmem:s9], [sflag:$0x1] =	stream.indirect.gather [hbm4b:s1+s6], $0x80, s14, s6, $0xb8;
	[tilespmem:$0x14680] =	vst v63  }
0x53: {  	_ = 	snop  }
0x54: {  	[hbm4b:s15+s3] =	stream.linear.scatter [tilespmem:s7], [sflag:$0x2], $0xA000, $0x38;
	[tilespmem:$0x14680] =	vst v63  }
0x55: {  	_ =	swait.ge [sflag:s8], $0xA000  }
0x56: {  	[sflag:s8] =	ssyncset.done $0x0  }
0x57: {  	[sflag:s8] =	ssyncadd.s32 $0xFFFF6000  }
0x58: {  	_ =	swait.ge [sflag:s11], $0xA000  }
0x59: {  	[sflag:s11] =	ssyncset.done $0x0  }
0x5a: {  	[sflag:s11] =	ssyncadd.s32 $0xFFFF6000  }
0x5b: {  	[tilespmem:s7], [sflag:$0x1] =	stream.indirect.gather [hbm4b:s1+s6], $0x80, s16, s6, $0xb8;
	[tilespmem:$0x14680] =	vst v63  }
0x5c: {  	_ = 	snop  }
0x5d: {  	[hbm4b:s17+s3] =	stream.linear.scatter [tilespmem:s9], [sflag:$0x2], $0xA000, $0x38;
	[tilespmem:$0x14680] =	vst v63  }
0x5e: {  	_ =	swait.ge [sflag:s8], $0xA000  }
0x5f: {  	[sflag:s8] =	ssyncset.done $0x0  }
0x60: {  	[sflag:s8] =	ssyncadd.s32 $0xFFFF6000  }
0x61: {  	_ =	swait.ge [sflag:s11], $0xA000  }
.Ltmp1:
0x62: {  	[sflag:s11] =	ssyncset.done $0x0;
	(pc) =	sbr.rel @p0 .LBB2_1-.Ltmp1, $4  }
0x63: {  	[sflag:s11] =	ssyncadd.s32 $0xFFFF6000  }
0x64: {  	[hbm4b:s18+s3] =	stream.linear.scatter [tilespmem:s7], [sflag:$0x2], $0xA000, $0x38;
	[tilespmem:$0x14680] =	vst v63  }
0x65: {  	_ =	swait.ge [sflag:s11], $0xA000  }
0x66: {  	[sflag:s11] =	ssyncset.done $0x0  }
.LBB2_2:
0x67: {  	[sflag:s11] =	ssyncadd.s32 $0xFFFF6000  }
0x68: {  	_ =	sfence.sel $0x180000  }
0x69: {  	[bflag:$0x0] =	sbarrier.arrive $0xFFFF  }
0x6a: {  	p0 =	sne.s32 s0, $0x0;
	_ =	strace $0x9000004A  }
0x6b: {  	s0 =	sadd.s32 @!p0 $0x100000, s2;
	[bflag:$0x2] =	sbarrier.arrive $0xFFFF  }
0x6c: {  	[sflag:s0] =	ssyncadd.tile.s32 @!p0 $0x1;
	_ =	shalt  }
.Lfunc_end2:
_tile_overlayer_lowered:
.L_overlay_start_2:
0x6d: {  	(tag) =	ssettag $0x2  }
0x6e: {  	s0 =	rddreg [dreg:$0x0];
	s2 =	stileid.u32  }
0x6f: {  	s1 =	rddreg [dreg:$0x1];
	p0 =	sne.s32 s2, $0x0  }
0x70: {  	s3 =	rddreg [dreg:$0x2];
	[bflag:$0x3] =	sbarrier.arrive $0xFFFF;
	s2 =	simm.s32 @!p0 $0x1C03  }
0x71: {  	[timem:s3], [sflag:s2] =	dma.local @!p0 [hbm:s0], s1  }
0x72: {  	s0 =	simm.s32 @!p0 $0x3  }
0x73: {  	_ =	swait.ge @!p0 [sflag:s0], s1  }
0x74: {  	s1 =	ssub.s32 @!p0 $0x0, s1;
	[sflag:s0] =	ssyncset.done @!p0 $0x0  }
0x75: {  	[sflag:s0] =	ssyncadd.s32 @!p0 s1  }
0x76: {  	[bflag:$0x3] =	sbarrier.arrive $0xFFFF  }
0x77: {  	_ =	shalt  }

// kernel: kernel.9.cloned.1.call-start
scs
__scs_entry_jumppad:
0x0: {  	(pc) =	sbr.rel $0x88, $3  }
0x1: {  	(tag) =	ssettag $0x0;
	lr =	simm.s32 $0x1  }
0x2: {  	[smem:$0x3F96] =	sst lr;
	_ =	strace $0xD0000000  }
0x3: {  	_ = 	snop  }
0x4: {  	_ = 	snop  }
0x5: {  	_ = 	snop  }
0x6: {  	_ = 	snop  }
0x7: {  	_ = 	snop  }
__scs_overlays_trampoline_lowered:
0x8: {  	[smem:$0x3FA5] =	sst s0  }
0x9: {  	[smem:$0x3FA6] =	sst s1  }
0xa: {  	[smem:$0x3FA7] =	sst s2  }
0xb: {  	[smem:$0x3FA8] =	sst s3  }
0xc: {  	[smem:$0x3FA9] =	sst s4  }
0xd: {  	[smem:$0x3FAA] =	sst s5  }
0xe: {  	[smem:$0x3FAB] =	sst s6  }
0xf: {  	[smem:$0x3FAC] =	sst s7  }
0x10: {  	[smem:$0x3FAD] =	sst s8  }
0x11: {  	[smem:$0x3FAE] =	sst s9;
	s0 =	simm.s32 @!p0 $0x0  }
0x12: {  	s1 =	sld [smem:$0x3F94];
	s0 =	simm.s32 @p0 $0x1  }
0x13: {  	[smem:$0x3FAF] =	sst s0;
	s0 =	simm.s32 @!p1 $0x0  }
0x14: {  	s2 =	sld [smem:$0x3F93];
	s0 =	simm.s32 @p1 $0x1  }
0x15: {  	[smem:$0x3FB0] =	sst s0;
	s0 =	simm.s32 @!p2 $0x0  }
0x16: {  	s3 =	sld [smem:$0x3FDB];
	s0 =	simm.s32 @p2 $0x1  }
0x17: {  	s4 =	simm.s32 $0x1BF5;
	[smem:$0x3FB2] =	sst s0  }
0x18: {  	s0 =	sld [smem:$0x3F95];
	_ =	swait.ge [sflag:s4], $0x0  }
0x19: {  	s7 =	sld [smem:$0x3F96]  }
0x1a: {  	s8 =	sadd.s32 $0xFFFFE003, lr  }
0x1b: {  	s9 =	sadd.s32 $0xFFFFFEF7, lr;
	s5 =	simm.s32 $0xFFFFFFFF;
	p2 =	slt.u32 s8, $0xFFFFF086  }
0x1c: {  	p1 =	slt.u32 s9, $0xF7A;
	s5 =	simm.s32 @!p2 $0x0  }
0x1d: {  	s5 =	simm.s32 @p1 $0x1;
	p0 =	seq.s32 s7, s2  }
0x1e: {  	s7 =	smul.u32 @!p0 $0xF7A, s2;
	p2 =	seq.s32 @!p0 s5, $0x0  }
0x1f: {  	s9 =	smul.u32 $0xF7A, s1;
	s8 =	simm.s32 @!p0 $0x1BF5;
	p2 =	por !p2, p0  }
0x20: {  	[sflag:s8] =	ssyncset.s32 @!p0 $0xFFFFF086;
	s6 =	sadd.s32 @!p0 s3, s7;
	s7 =	simm.s32 @!p0 $0x108  }
0x21: {  	s3 =	sadd.s32 s3, s9;
	s6 =	sadd.s32 @!p0 $0x88, s6;
	s7 =	simm.s32 @p2 $0x1082  }
0x22: {  	[simem:s7], [sflag:s8] =	dma.local @!p0 [hbm:s6], $0xF7A  }
0x23: {  	s9 =	sor.u32 $0xD0000000, s2;
	s6 =	simm.s32 $0x108;
	_ =	swait.ge @!p0 [sflag:s8], $0x0  }
0x24: {  	s3 =	sadd.s32 $0x88, s3;
	s6 =	simm.s32 @!p1 $0x1082;
	[sflag:s4] =	ssyncset.s32 $0xFFFFF086  }
0x25: {  	[simem:s6], [sflag:s4] =	dma.local [hbm:s3], $0xF7A  }
0x26: {  	[smem:$0x3F96] =	sst s1;
	(tag) =	ssettag s2;
	_ =	strace s9  }
0x27: {  	s1 =	sld [smem:$0x3FA6]  }
0x28: {  	s2 =	sld [smem:$0x3FA7]  }
0x29: {  	s4 =	sld [smem:$0x3FA9]  }
0x2a: {  	p0 =	seq.s32 s5, $0x0;
	s5 =	sld [smem:$0x3FAA]  }
0x2b: {  	s6 =	sld [smem:$0x3FAB]  }
0x2c: {  	s7 =	sld [smem:$0x3FAC]  }
0x2d: {  	s3 =	simm.s32 $0x108;
	s8 =	sld [smem:$0x3FAD]  }
0x2e: {  	s3 =	simm.s32 @!p0 $0x1082;
	s9 =	sld [smem:$0x3FAE]  }
0x2f: {  	lr =	sadd.s32 s0, s3;
	s0 =	sld [smem:$0x3FA5]  }
0x30: {  	s3 =	sld [smem:$0x3FA8]  }
0x31: {  	[smem:$0x3FB1] =	sst s10  }
0x32: {  	s10 =	sld [smem:$0x3FAF];
	_ =	sdelay $0x3  }
0x33: {  	p0 =	seq.s32 s10, $0x1;
	s10 =	sld [smem:$0x3FB1];
	_ =	sdelay $0x3  }
0x34: {  	[smem:$0x3FB1] =	sst s10  }
0x35: {  	s10 =	sld [smem:$0x3FB0];
	_ =	sdelay $0x3  }
0x36: {  	p1 =	seq.s32 s10, $0x1;
	s10 =	sld [smem:$0x3FB1];
	_ =	sdelay $0x3  }
0x37: {  	[smem:$0x3FB1] =	sst s10  }
0x38: {  	s10 =	sld [smem:$0x3FB2]  }
0x39: {  	_ = 	snop;
	(pc) =	sbr.ind lr, $3  }
0x3a: {  	_ = 	snop  }
0x3b: {  	_ = 	snop  }
0x3c: {  	p2 =	seq.s32 s10, $0x1;
	s10 =	sld [smem:$0x3FB1]  }
0x3d: {  	_ =	shalt  }
0x3e: {  	_ =	shalt  }
0x3f: {  	_ =	shalt  }
0x40: {  	_ =	shalt  }
0x41: {  	_ =	shalt  }
0x42: {  	_ =	shalt  }
0x43: {  	_ =	shalt  }
0x44: {  	_ =	shalt  }
0x45: {  	_ =	shalt  }
0x46: {  	_ =	shalt  }
0x47: {  	_ =	shalt  }
0x48: {  	_ =	shalt  }
0x49: {  	_ =	shalt  }
0x4a: {  	_ =	shalt  }
0x4b: {  	_ =	shalt  }
0x4c: {  	_ =	shalt  }
0x4d: {  	_ =	shalt  }
0x4e: {  	_ =	shalt  }
0x4f: {  	_ =	shalt  }
0x50: {  	_ =	shalt  }
0x51: {  	_ =	shalt  }
0x52: {  	_ =	shalt  }
0x53: {  	_ =	shalt  }
0x54: {  	_ =	shalt  }
0x55: {  	_ =	shalt  }
0x56: {  	_ =	shalt  }
0x57: {  	_ =	shalt  }
0x58: {  	_ =	shalt  }
0x59: {  	_ =	shalt  }
0x5a: {  	_ =	shalt  }
0x5b: {  	_ =	shalt  }
0x5c: {  	_ =	shalt  }
0x5d: {  	_ =	shalt  }
0x5e: {  	_ =	shalt  }
0x5f: {  	_ =	shalt  }
0x60: {  	_ =	shalt  }
0x61: {  	_ =	shalt  }
0x62: {  	_ =	shalt  }
0x63: {  	_ =	shalt  }
0x64: {  	_ =	shalt  }
0x65: {  	_ =	shalt  }
0x66: {  	_ =	shalt  }
0x67: {  	_ =	shalt  }
0x68: {  	_ =	shalt  }
0x69: {  	_ =	shalt  }
0x6a: {  	_ =	shalt  }
0x6b: {  	_ =	shalt  }
0x6c: {  	_ =	shalt  }
0x6d: {  	_ =	shalt  }
0x6e: {  	_ =	shalt  }
0x6f: {  	_ =	shalt  }
0x70: {  	_ =	shalt  }
0x71: {  	_ =	shalt  }
0x72: {  	_ =	shalt  }
0x73: {  	_ =	shalt  }
0x74: {  	_ =	shalt  }
0x75: {  	_ =	shalt  }
0x76: {  	_ =	shalt  }
0x77: {  	_ =	shalt  }
0x78: {  	_ =	shalt  }
0x79: {  	_ =	shalt  }
0x7a: {  	_ =	shalt  }
0x7b: {  	_ =	shalt  }
0x7c: {  	_ =	shalt  }
0x7d: {  	_ =	shalt  }
0x7e: {  	_ =	shalt  }
0x7f: {  	_ =	shalt  }
0x80: {  	_ =	shalt  }
0x81: {  	_ =	shalt  }
0x82: {  	_ =	shalt  }
0x83: {  	_ =	shalt  }
0x84: {  	_ =	shalt  }
0x85: {  	_ =	shalt  }
0x86: {  	_ =	shalt  }
0x87: {  	_ =	shalt  }
.Lfunc_end0:
.L_simem_size_0:
called_computation.2_lowered:
.L_overlay_start_0:
0x88: {  	s2 =	sld [smem:$0x3FD9]  }
0x89: {  	s3 =	sld [smem:$0x3FFE];
	_ =	sdelay $0x1  }
0x8a: {  	s1 =	srdreg.scid  }
0x8b: {  	s0 =	sand.u32 $0x1, s1  }
0x8c: {  	s17 =	sshll.u32 s0, $0xA;
	s2 =	sadd.s32 s3, s2  }
0x8d: {  	s2 =	sadd.s32 s2, s17  }
0x8e: {  	[smem:$0x3FBD] =	sst s2  }
0x8f: {  	_ = 	snop  }
0x90: {  	s18 =	sld [smem:$0x3FC8];
	(tm) =	ssettm $0x1  }
0x91: {  	s19 =	sld [smem:$0x3FFB];
	_ =	sdelay $0x3  }
0x92: {  	_ =	strace s19  }
0x93: {  	s2 =	sld [smem:$0x3FFC];
	_ =	sdelay $0x3  }
0x94: {  	_ =	strace s2  }
0x95: {  	s2 =	sld [smem:$0x3FFD];
	_ =	sdelay $0x3  }
0x96: {  	_ =	strace s2  }
0x97: {  	_ =	strace $0x8FFFFFFF  }
0x98: {  	s20 =	sld [smem:$0x3FDB];
	_ =	sdelay $0x1  }
0x99: {  	s4 =	simm.s32 $_scs_section_size  }
0x9a: {  	s5 =	simm.s32 $_size__tile_overlayer_lowered;
	s6 =	simm.s32 $_tile_overlayer_lowered  }
0x9b: {  	s7 =	simm.s32 $0x1BFF;
	s21 =	sshll.u32 s6, $0x1;
	s4 =	sadd.s32 s4, s20  }
0x9c: {  	s22 =	simm.s32 $0x0;
	s5 =	sshll.u32 s5, $0x1;
	s6 =	sadd.s32 s21, s4  }
0x9d: {  	[timem:s22], [sflag:s7] =	dma.local [hbm:s6], s5  }
0x9e: {  	_ =	swait.ge [sflag:s7], s5  }
0x9f: {  	s5 =	ssub.s32 $0x0, s5;
	[sflag:s7] =	ssyncset.done $0x0  }
0xa0: {  	[sflag:s7] =	ssyncadd.s32 s5;
	_ =	sdelay $0x1  }
0xa1: {  	s23 =	simm.s32 $0x1B8B  }
0xa2: {  	_ =	swait.ge [sflag:s23], $0x1  }
0xa3: {  	[sflag:s23] =	ssyncset.done $0x0  }
0xa4: {  	[sflag:s23] =	ssyncadd.s32 $0xFFFFFFFF  }
0xa5: {  	s5 =	sld [smem:$0x0]  }
0xa6: {  	s6 =	sand.u32 $0xFFFFFFFE, s1  }
0xa7: {  	p0 =	sne.s32 s1, s6  }
0xa8: {  	s6 =	sshll.u32 @p0 s6, $0xE  }
0xa9: {  	s6 =	sadd.s32 @p0 $0x11B8D, s6;
	s7 =	sshll.u32 @p0 s5, $0x11  }
0xaa: {  	s6 =	sor.u32 @p0 s7, s6  }
0xab: {  	[sflag:s6] =	ssyncadd.remote.s32 @p0 $0x1;
	_ =	sdelay $0x1  }
0xac: {  	s6 =	simm.s32 @p0 $0x1B8D  }
0xad: {  	_ =	swait.eq @p0 [sflag:s6], $0x1  }
0xae: {  	[sflag:s6] =	ssyncadd.s32 @p0 $0xFFFFFFFF  }
0xaf: {  	s7 =	sshll.u32 @!p0 s1, $0xE  }
0xb0: {  	s7 =	sor.u32 @!p0 $0x4000, s7;
	s6 =	simm.s32 @!p0 $0x1B8D  }
0xb1: {  	s5 =	sshll.u32 @!p0 s5, $0x11;
	s7 =	sadd.s32 @!p0 $0x11B8D, s7;
	_ =	swait.eq @!p0 [sflag:s6], $0x1  }
0xb2: {  	s5 =	sor.u32 @!p0 s5, s7;
	[sflag:s6] =	ssyncadd.s32 @!p0 $0xFFFFFFFF  }
0xb3: {  	s25 =	simm.s32 $0x1B8E;
	s24 =	sld [smem:$0x3FFE];
	[sflag:s5] =	ssyncadd.remote.s32 @!p0 $0x1  }
0xb4: {  	s26 =	simm.s32 $execute0_lowered;
	[smem:$0x3FD2] =	sst s25  }
0xb5: {  	s6 =	sshll.u32 s26, $0x1;
	_ =	strace $0x8000004C;
	[dreg:$0x1] =	wrdreg $0xFFFFFFFF  }
0xb6: {  	s28 =	simm.s32 $_size_execute0_lowered;
	s4 =	sadd.s32 s4, s6;
	[dreg:$0x0] =	wrdreg $0x0  }
0xb7: {  	s6 =	sshll.u32 s28, $0x1;
	[dreg:$0x2] =	wrdreg s4  }
0xb8: {  	[dreg:$0x3] =	wrdreg s6  }
0xb9: {  	[dreg:$0x4] =	wrdreg $0xC0  }
0xba: {  	_ =	task [dreg:s22], $0x5FFFF  }
0xbb: {  	[dreg:$0x1] =	wrdreg $0xFFFFFFFF  }
0xbc: {  	[dreg:$0x0] =	wrdreg $0x60  }
0xbd: {  	[dreg:$0x2] =	wrdreg s18  }
0xbe: {  	[dreg:$0x3] =	wrdreg s24  }
0xbf: {  	[dreg:$0x4] =	wrdreg $0xA  }
0xc0: {  	_ =	task.clear_ibuf [dreg:s22], $0x5FFFF;
	_ =	strace $0x9000004C  }
0xc1: {  	s29 =	simm.s32 $0xA;
	_ =	strace $0x8000004E  }
0xc2: {  	_ =	swait.ge [sflag:s29], $0x1  }
0xc3: {  	[sflag:s29] =	ssyncadd.s32 $0xFFFFFFFF  }
0xc4: {  	_ =	strace $0x9000004E  }
0xc5: {  	_ =	sfence  }
0xc6: {  	s30 =	sld [smem:$0x0];
	_ =	sdelay $0x2  }
0xc7: {  	s31 =	sshll.u32 s1, $0xD;
	s1 =	sshrl.u32 s1, $0x2  }
0xc8: {  	s4 =	sand.u32 $0x4000, s31;
	s1 =	sadd.s32 s1, s30  }
0xc9: {  	s0 =	sor.u32 s4, s0;
	s1 =	sshll.u32 s1, $0x11  }
0xca: {  	s0 =	sor.u32 s1, s0  }
0xcb: {  	s0 =	sadd.s32 $0x8F2B, s0  }
0xcc: {  	[sflag:s0] =	ssyncadd.remote.s32 $0x1  }
0xcd: {  	_ =	sfence.sel $0xFFFF  }
0xce: {  	[dreg:$0x0] =	wrdreg $0xFFFFFFFF;
	(pc) =	sbr.abs _section_cstart, $3  }
0xcf: {  	[dreg:$0x1] =	wrdreg $0xFFFFFFFF  }
0xd0: {  	_ =	task.clear_ibuf [dreg:s22], $0x2FFFF;
	_ =	strace $0x9FFFFFFF  }
0xd1: {  	(tm) =	ssettm $0x7FFFFFFF  }
tec
execute0_lowered:
.L_overlay_start_1:
0x0: {  	(tag) =	ssettag $0x1  }
0x1: {  	s1 =	srdreg.scid;
	s0 =	stileid.u32  }
0x2: {  	s18 =	sand.u32 $0x1, s1;
	s30 =	sshll.u32 s0, $0x1  }
0x3: {  	s11 =	sor.u32 s18, s30  }
0x4: {  	s2 =	rddreg [dreg:$0x0];
	s4 =	smul.u32 $0xC8, s11  }
0x5: {  	s9 =	rddreg [dreg:$0x1];
	s3 =	simm.s32 $0x0  }
0x6: {  	s5 =	simm.s32 $0x3;
	[smem:$0x7FF] =	sst s3;
	s4 =	sadd.s32 s4, s9  }
0x7: {  	s1 =	rddreg [dreg:$0x2];
	_ =	strace $0x8000004D;
	s4 =	sadd.s32 $0x2800, s4  }
0x8: {  	[tilespmem:s3], [sflag:$0x3] =	stream.linear.gather [hbm4b:s4+s3], $0x640, $0x38;
	[tilespmem:$0x14680] =	vst v63  }
0x9: {  	_ =	swait.ge [sflag:s5], $0x640  }
0xa: {  	s6 =	simm.s32 $0x140;
	[sflag:s5] =	ssyncset.done $0x0  }
0xb: {  	s7 =	simm.s32 $0x680;
	s8 =	simm.s32 $0x1;
	[sflag:s5] =	ssyncadd.s32 $0xFFFFF9C0  }
0xc: {  	[tilespmem:s7], [sflag:$0x1] =	stream.indirect.gather [hbm4b:s2+s6], $0x80, s3, s6, $0xb8;
	[tilespmem:$0x14680] =	vst v63  }
0xd: {  	_ =	swait.ge [sflag:s8], $0xA000  }
0xe: {  	s12 =	sadd.s32 $0xCC200, s9;
	[sflag:s8] =	ssyncset.done $0x0  }
0xf: {  	s10 =	smul.u32 $0x6400, s11;
	s9 =	simm.s32 $0xA680;
	[sflag:s8] =	ssyncadd.s32 $0xFFFF6000  }
0x10: {  	[tilespmem:s9], [sflag:$0x1] =	stream.indirect.gather [hbm4b:s2+s6], $0x80, s6, s6, $0xb8;
	[tilespmem:$0x14680] =	vst v63  }
0x11: {  	s10 =	sadd.s32 s12, s10  }
0x12: {  	[hbm4b:s10+s3] =	stream.linear.scatter [tilespmem:s7], [sflag:$0x2], $0xA000, $0x38;
	[tilespmem:$0x14680] =	vst v63  }
0x13: {  	_ =	swait.ge [sflag:s8], $0xA000  }
0x14: {  	[sflag:s8] =	ssyncset.done $0x0  }
0x15: {  	s13 =	smul.u32 $0x32000, s11;
	s11 =	simm.s32 $0x2;
	[sflag:s8] =	ssyncadd.s32 $0xFFFF6000  }
0x16: {  	_ =	swait.ge [sflag:s11], $0xA000  }
0x17: {  	s13 =	sshrl.u32 s13, $0x3;
	[sflag:s11] =	ssyncset.done $0x0  }
0x18: {  	s19 =	sadd.s32 s12, s13;
	s12 =	simm.s32 $0x280;
	[sflag:s11] =	ssyncadd.s32 $0xFFFF6000  }
0x19: {  	[tilespmem:s7], [sflag:$0x1] =	stream.indirect.gather [hbm4b:s2+s6], $0x80, s12, s6, $0xb8;
	[tilespmem:$0x14680] =	vst v63  }
0x1a: {  	s13 =	sadd.s32 $0x1400, s19  }
0x1b: {  	[hbm4b:s13+s3] =	stream.linear.scatter [tilespmem:s9], [sflag:$0x2], $0xA000, $0x38;
	[tilespmem:$0x14680] =	vst v63  }
0x1c: {  	_ =	swait.ge [sflag:s8], $0xA000  }
0x1d: {  	[sflag:s8] =	ssyncset.done $0x0  }
0x1e: {  	[sflag:s8] =	ssyncadd.s32 $0xFFFF6000  }
0x1f: {  	_ =	swait.ge [sflag:s11], $0xA000  }
0x20: {  	[sflag:s11] =	ssyncset.done $0x0  }
0x21: {  	s14 =	simm.s32 $0x3C0;
	[sflag:s11] =	ssyncadd.s32 $0xFFFF6000  }
0x22: {  	[tilespmem:s9], [sflag:$0x1] =	stream.indirect.gather [hbm4b:s2+s6], $0x80, s14, s6, $0xb8;
	[tilespmem:$0x14680] =	vst v63  }
0x23: {  	s15 =	sadd.s32 $0x2800, s19  }
0x24: {  	[hbm4b:s15+s3] =	stream.linear.scatter [tilespmem:s7], [sflag:$0x2], $0xA000, $0x38;
	[tilespmem:$0x14680] =	vst v63  }
0x25: {  	_ =	swait.ge [sflag:s8], $0xA000  }
0x26: {  	[sflag:s8] =	ssyncset.done $0x0  }
0x27: {  	[sflag:s8] =	ssyncadd.s32 $0xFFFF6000  }
0x28: {  	_ =	swait.ge [sflag:s11], $0xA000  }
0x29: {  	[sflag:s11] =	ssyncset.done $0x0  }
0x2a: {  	s16 =	simm.s32 $0x500;
	[sflag:s11] =	ssyncadd.s32 $0xFFFF6000  }
0x2b: {  	[tilespmem:s7], [sflag:$0x1] =	stream.indirect.gather [hbm4b:s2+s6], $0x80, s16, s6, $0xb8;
	[tilespmem:$0x14680] =	vst v63  }
0x2c: {  	s18 =	ssub.s32 $0x2, s18;
	s17 =	sadd.s32 $0x3C00, s19  }
0x2d: {  	[hbm4b:s17+s3] =	stream.linear.scatter [tilespmem:s9], [sflag:$0x2], $0xA000, $0x38;
	[tilespmem:$0x14680] =	vst v63  }
0x2e: {  	s20 =	sshrl.u32 s18, $0x1;
	_ =	swait.ge [sflag:s8], $0xA000  }
0x2f: {  	s20 =	ssub.s32 s18, s20;
	[sflag:s8] =	ssyncset.done $0x0  }
0x30: {  	s31 =	smax.u32 s20, $0x1;
	[sflag:s8] =	ssyncadd.s32 $0xFFFF6000  }
0x31: {  	p0 =	sne.s32 s31, $0x1;
	_ =	swait.ge [sflag:s11], $0xA000  }
.Ltmp0:
0x32: {  	[sflag:s11] =	ssyncset.done $0x0;
	(pc) =	sbr.rel @!p0 .LBB2_2-.Ltmp0, $4  }
0x33: {  	s18 =	sadd.s32 $0x5000, s19;
	[sflag:s11] =	ssyncadd.s32 $0xFFFF6000  }
0x34: {  	[hbm4b:s18+s3] =	stream.linear.scatter [tilespmem:s7], [sflag:$0x2], $0xA000, $0x38;
	[tilespmem:$0x14680] =	vst v63  }
0x35: {  	_ =	swait.ge [sflag:s11], $0xA000  }
0x36: {  	s19 =	sadd.s32 $0xFFFFFFFF, s31;
	[sflag:s11] =	ssyncset.done $0x0  }
.LBB2_1:
0x37: {  	p0 =	sne.s32 s19, $0x1;
	s19 =	sadd.s32 $0xFFFFFFFF, s19;
	[sflag:s11] =	ssyncadd.s32 $0xFFFF6000  }
0x38: {  	[tilespmem:s3], [sflag:$0x3] =	stream.linear.gather [hbm4b:s4+s3], $0x640, $0x38;
	[tilespmem:$0x14680] =	vst v63  }
0x39: {  	_ =	swait.ge [sflag:s5], $0x640  }
0x3a: {  	[sflag:s5] =	ssyncset.done $0x0  }
0x3b: {  	[sflag:s5] =	ssyncadd.s32 $0xFFFFF9C0  }
0x3c: {  	[tilespmem:s7], [sflag:$0x1] =	stream.indirect.gather [hbm4b:s2+s6], $0x80, s3, s6, $0xb8;
	[tilespmem:$0x14680] =	vst v63  }
0x3d: {  	_ =	swait.ge [sflag:s8], $0xA000  }
0x3e: {  	[sflag:s8] =	ssyncset.done $0x0  }
0x3f: {  	[sflag:s8] =	ssyncadd.s32 $0xFFFF6000  }
0x40: {  	[tilespmem:s9], [sflag:$0x1] =	stream.indirect.gather [hbm4b:s2+s6], $0x80, s6, s6, $0xb8;
	[tilespmem:$0x14680] =	vst v63  }
0x41: {  	_ = 	snop  }
0x42: {  	[hbm4b:s10+s3] =	stream.linear.scatter [tilespmem:s7], [sflag:$0x2], $0xA000, $0x38;
	[tilespmem:$0x14680] =	vst v63  }
0x43: {  	_ =	swait.ge [sflag:s8], $0xA000  }
0x44: {  	[sflag:s8] =	ssyncset.done $0x0  }
0x45: {  	[sflag:s8] =	ssyncadd.s32 $0xFFFF6000  }
0x46: {  	_ =	swait.ge [sflag:s11], $0xA000  }
0x47: {  	[sflag:s11] =	ssyncset.done $0x0  }
0x48: {  	[sflag:s11] =	ssyncadd.s32 $0xFFFF6000  }
0x49: {  	[tilespmem:s7], [sflag:$0x1] =	stream.indirect.gather [hbm4b:s2+s6], $0x80, s12, s6, $0xb8;
	[tilespmem:$0x14680] =	vst v63  }
0x4a: {  	_ = 	snop  }
0x4b: {  	[hbm4b:s13+s3] =	stream.linear.scatter [tilespmem:s9], [sflag:$0x2], $0xA000, $0x38;
	[tilespmem:$0x14680] =	vst v63  }
0x4c: {  	_ =	swait.ge [sflag:s8], $0xA000  }
0x4d: {  	[sflag:s8] =	ssyncset.done $0x0  }
0x4e: {  	[sflag:s8] =	ssyncadd.s32 $0xFFFF6000  }
0x4f: {  	_ =	swait.ge [sflag:s11], $0xA000  }
0x50: {  	[sflag:s11] =	ssyncset.done $0x0  }
0x51: {  	[sflag:s11] =	ssyncadd.s32 $0xFFFF6000  }
0x52: {  	[tilespmem:s9], [sflag:$0x1] =	stream.indirect.gather [hbm4b:s2+s6], $0x80, s14, s6, $0xb8;
	[tilespmem:$0x14680] =	vst v63  }
0x53: {  	_ = 	snop  }
0x54: {  	[hbm4b:s15+s3] =	stream.linear.scatter [tilespmem:s7], [sflag:$0x2], $0xA000, $0x38;
	[tilespmem:$0x14680] =	vst v63  }
0x55: {  	_ =	swait.ge [sflag:s8], $0xA000  }
0x56: {  	[sflag:s8] =	ssyncset.done $0x0  }
0x57: {  	[sflag:s8] =	ssyncadd.s32 $0xFFFF6000  }
0x58: {  	_ =	swait.ge [sflag:s11], $0xA000  }
0x59: {  	[sflag:s11] =	ssyncset.done $0x0  }
0x5a: {  	[sflag:s11] =	ssyncadd.s32 $0xFFFF6000  }
0x5b: {  	[tilespmem:s7], [sflag:$0x1] =	stream.indirect.gather [hbm4b:s2+s6], $0x80, s16, s6, $0xb8;
	[tilespmem:$0x14680] =	vst v63  }
0x5c: {  	_ = 	snop  }
0x5d: {  	[hbm4b:s17+s3] =	stream.linear.scatter [tilespmem:s9], [sflag:$0x2], $0xA000, $0x38;
	[tilespmem:$0x14680] =	vst v63  }
0x5e: {  	_ =	swait.ge [sflag:s8], $0xA000  }
0x5f: {  	[sflag:s8] =	ssyncset.done $0x0  }
0x60: {  	[sflag:s8] =	ssyncadd.s32 $0xFFFF6000  }
0x61: {  	_ =	swait.ge [sflag:s11], $0xA000  }
.Ltmp1:
0x62: {  	[sflag:s11] =	ssyncset.done $0x0;
	(pc) =	sbr.rel @p0 .LBB2_1-.Ltmp1, $4  }
0x63: {  	[sflag:s11] =	ssyncadd.s32 $0xFFFF6000  }
0x64: {  	[hbm4b:s18+s3] =	stream.linear.scatter [tilespmem:s7], [sflag:$0x2], $0xA000, $0x38;
	[tilespmem:$0x14680] =	vst v63  }
0x65: {  	_ =	swait.ge [sflag:s11], $0xA000  }
0x66: {  	[sflag:s11] =	ssyncset.done $0x0  }
.LBB2_2:
0x67: {  	[sflag:s11] =	ssyncadd.s32 $0xFFFF6000  }
0x68: {  	_ =	sfence.sel $0x180000  }
0x69: {  	[bflag:$0x0] =	sbarrier.arrive $0xFFFF  }
0x6a: {  	p0 =	sne.s32 s0, $0x0;
	_ =	strace $0x9000004D  }
0x6b: {  	s0 =	sadd.s32 @!p0 $0x100000, s1;
	[bflag:$0x2] =	sbarrier.arrive $0xFFFF  }
0x6c: {  	[sflag:s0] =	ssyncadd.tile.s32 @!p0 $0x1;
	_ =	shalt  }
.Lfunc_end2:
_tile_overlayer_lowered:
.L_overlay_start_2:
0x6d: {  	(tag) =	ssettag $0x2  }
0x6e: {  	s0 =	rddreg [dreg:$0x0];
	s2 =	stileid.u32  }
0x6f: {  	s1 =	rddreg [dreg:$0x1];
	p0 =	sne.s32 s2, $0x0  }
0x70: {  	s3 =	rddreg [dreg:$0x2];
	[bflag:$0x3] =	sbarrier.arrive $0xFFFF;
	s2 =	simm.s32 @!p0 $0x1C03  }
0x71: {  	[timem:s3], [sflag:s2] =	dma.local @!p0 [hbm:s0], s1  }
0x72: {  	s0 =	simm.s32 @!p0 $0x3  }
0x73: {  	_ =	swait.ge @!p0 [sflag:s0], s1  }
0x74: {  	s1 =	ssub.s32 @!p0 $0x0, s1;
	[sflag:s0] =	ssyncset.done @!p0 $0x0  }
0x75: {  	[sflag:s0] =	ssyncadd.s32 @!p0 s1  }
0x76: {  	[bflag:$0x3] =	sbarrier.arrive $0xFFFF  }
0x77: {  	_ =	shalt  }

</sc_bundles>
